<compile_context>
chip_gen: v7x
topology: tpu7x:2x2x1
jax: 0.10.2.dev20260603
libtpu: 0.0.44.dev20260713+nightly
codegen_flags: <defaults>
</compile_context>

<pallas_src>
import functools

import jax
import jax.numpy as jnp
from jax import lax
from jax.experimental import pallas as pl
from jax.experimental.pallas import tpu as pltpu
from jax.experimental.pallas import tpu_sc as plsc

F32 = jnp.float32
_C = 80
_NW = 32


def _sc_mesh():
    return plsc.VectorSubcoreMesh(core_axis_name="c", subcore_axis_name="s")


def _wid():
    return lax.axis_index("s") * 2 + lax.axis_index("c")



@functools.lru_cache(maxsize=None)
def _sc_gather2(E, N, W, C=_C):
    nchunks = E // C
    assert nchunks * C == E
    assert W % 16 == 0

    def body(A, B, src, dst, outA,
             si0, di0, bA0, bB0, si1, di1, bA1, bB1, g0, g1):
        w = _wid()
        nk = (nchunks - w + (_NW - 1)) // _NW
        bufs = ((si0, di0, bA0, bB0, g0), (si1, di1, bA1, bB1, g1))

        def fire(k, b):
            si, di, bA, bB, g = bufs[b]
            off = (w + k * _NW) * C
            pltpu.sync_copy(src.at[pl.ds(off, C)], si)
            pltpu.sync_copy(dst.at[pl.ds(off, C)], di)
            pltpu.async_copy(A.at[si], bA, g)
            pltpu.async_copy(B.at[di], bB, g)

        def drain(k, b):
            si, di, bA, bB, g = bufs[b]
            off = (w + k * _NW) * C
            pltpu.make_async_copy(A.at[si], bA, g).wait()
            pltpu.make_async_copy(B.at[di], bB, g).wait()

            def add_row(r, carry):
                for j in range(W // 16):
                    sl = pl.ds(16 * j, 16)
                    bA[r, sl] = bA[r, sl] + bB[r, sl]
                return carry

            lax.fori_loop(0, C, add_row, 0)
            pltpu.sync_copy(bA, outA.at[pl.ds(off, C)])

        @pl.when(nk > 0)
        def _():
            fire(0, 0)

        def pair(i, carry):
            k0 = 2 * i

            @pl.when(k0 + 1 < nk)
            def _():
                fire(k0 + 1, 1)

            drain(k0, 0)

            @pl.when(k0 + 2 < nk)
            def _():
                fire(k0 + 2, 0)

            @pl.when(k0 + 1 < nk)
            def _():
                drain(k0 + 1, 1)

            return carry

        lax.fori_loop(0, (nk + 1) // 2, pair, 0)

    return pl.kernel(
        body,
        out_type=jax.ShapeDtypeStruct((E, W), F32),
        mesh=_sc_mesh(),
        scratch_types=[pltpu.VMEM((C,), jnp.int32),
                       pltpu.VMEM((C,), jnp.int32),
                       pltpu.VMEM((C, W), F32),
                       pltpu.VMEM((C, W), F32),
                       pltpu.VMEM((C,), jnp.int32),
                       pltpu.VMEM((C,), jnp.int32),
                       pltpu.VMEM((C, W), F32),
                       pltpu.VMEM((C, W), F32),
                       pltpu.SemaphoreType.DMA,
                       pltpu.SemaphoreType.DMA],
    )


@functools.lru_cache(maxsize=None)
def _sc_segsum(E, N, W, C=_C):
    nchunks = E // C
    assert nchunks * C == E
    rps = (N // 16) // 8 * 8
    tail = N - 16 * rps

    def body(rows_hbm, idx_hbm, z_hbm, out, di0, r0, di1, r1, l0, l1, acc):
        c = lax.axis_index("c")
        s = lax.axis_index("s")
        w = s * 2 + c
        nk = (nchunks - w + (_NW - 1)) // _NW
        pltpu.sync_copy(z_hbm.at[pl.ds(s * rps, rps)],
                        acc.at[pl.ds(s * rps, rps)])

        @pl.when(s == 0)
        def _():
            pltpu.sync_copy(z_hbm.at[pl.ds(16 * rps, tail)],
                            acc.at[pl.ds(16 * rps, tail)])

        plsc.subcore_barrier()
        bufs = ((di0, r0, l0), (di1, r1, l1))

        def fire(k, b):
            di, rows, l = bufs[b]
            off = (w + k * _NW) * C
            pltpu.async_copy(idx_hbm.at[pl.ds(off, C)], di, l)
            pltpu.async_copy(rows_hbm.at[pl.ds(off, C)], rows, l)

        def process(k, b):
            di, rows, l = bufs[b]
            off = (w + k * _NW) * C
            pltpu.make_async_copy(idx_hbm.at[pl.ds(off, C)], di, l).wait()
            pltpu.make_async_copy(rows_hbm.at[pl.ds(off, C)], rows, l).wait()
            pltpu.sync_copy(rows, acc.at[di], add=True)

        @pl.when(nk > 0)
        def _():
            fire(0, 0)

        def pair(i, carry):
            k0 = 2 * i

            @pl.when(k0 + 1 < nk)
            def _():
                fire(k0 + 1, 1)

            process(k0, 0)

            @pl.when(k0 + 2 < nk)
            def _():
                fire(k0 + 2, 0)

            @pl.when(k0 + 1 < nk)
            def _():
                process(k0 + 1, 1)

            return carry

        lax.fori_loop(0, (nk + 1) // 2, pair, 0)
        plsc.subcore_barrier()
        pltpu.sync_copy(acc.at[pl.ds(s * rps, rps)],
                        out.at[c].at[pl.ds(s * rps, rps)])

        @pl.when(s == 0)
        def _():
            pltpu.sync_copy(acc.at[pl.ds(16 * rps, tail)],
                            out.at[c].at[pl.ds(16 * rps, tail)])

    return pl.kernel(
        body,
        out_type=jax.ShapeDtypeStruct((2, N, W), F32),
        mesh=_sc_mesh(),
        scratch_types=[pltpu.VMEM((C,), jnp.int32),
                       pltpu.VMEM((C, W), F32),
                       pltpu.VMEM((C,), jnp.int32),
                       pltpu.VMEM((C, W), F32),
                       pltpu.SemaphoreType.DMA,
                       pltpu.SemaphoreType.DMA,
                       pltpu.VMEM_SHARED((N, W), F32)],
    )


@functools.lru_cache(maxsize=None)
def _sc_geometry(N, NC, EC, W):
    np_chunks = N // _C
    ne_chunks = EC // _C

    def body(P, cluster, cei0, cei1, z_hbm, pcg, gc0, gc1, idx, buf, sem, acc):
        c = lax.axis_index("c")
        s = lax.axis_index("s")
        w = s * 2 + c

        @pl.when(s == 0)
        def _():
            pltpu.sync_copy(z_hbm, acc)

        plsc.subcore_barrier()
        nk0 = (np_chunks - s + 15) // 16

        def sstep(k, carry):
            off = (s + k * 16) * _C
            pltpu.sync_copy(cluster.at[pl.ds(off, _C)], idx)
            pltpu.sync_copy(P.at[pl.ds(off, _C)], buf)
            pltpu.sync_copy(buf, acc.at[idx], add=True)
            return carry

        lax.fori_loop(0, nk0, sstep, 0)
        plsc.subcore_barrier()

        def gjob(src_ref, nch, out_ref):
            nk = (nch - w + (_NW - 1)) // _NW

            def gstep(k, carry):
                off = (w + k * _NW) * _C
                pltpu.sync_copy(src_ref.at[pl.ds(off, _C)], idx)
                pltpu.async_copy(acc.at[idx], buf, sem).wait()
                pltpu.sync_copy(buf, out_ref.at[pl.ds(off, _C)])
                return carry

            lax.fori_loop(0, nk, gstep, 0)

        gjob(cluster, np_chunks, pcg)
        gjob(cei0, ne_chunks, gc0)
        gjob(cei1, ne_chunks, gc1)

    return pl.kernel(
        body,
        out_type=(jax.ShapeDtypeStruct((N, W), F32),
                  jax.ShapeDtypeStruct((EC, W), F32),
                  jax.ShapeDtypeStruct((EC, W), F32)),
        mesh=_sc_mesh(),
        scratch_types=[pltpu.VMEM((_C,), jnp.int32),
                       pltpu.VMEM((_C, W), F32),
                       pltpu.SemaphoreType.DMA,
                       pltpu.VMEM_SHARED((NC, W), F32)],
    )


@functools.lru_cache(maxsize=None)
def _sc_segsum_small(N, NC, W):
    nchunks = N // _C

    def body(rows_hbm, idx_hbm, z_hbm, out, di, rows, acc):
        c = lax.axis_index("c")
        s = lax.axis_index("s")
        w = s * 2 + c

        @pl.when(s == 0)
        def _():
            pltpu.sync_copy(z_hbm, acc)

        plsc.subcore_barrier()
        nk = (nchunks - w + (_NW - 1)) // _NW

        def step(k, carry):
            off = (w + k * _NW) * _C
            pltpu.sync_copy(idx_hbm.at[pl.ds(off, _C)], di)
            pltpu.sync_copy(rows_hbm.at[pl.ds(off, _C)], rows)
            pltpu.sync_copy(rows, acc.at[di], add=True)
            return carry

        lax.fori_loop(0, nk, step, 0)
        plsc.subcore_barrier()

        @pl.when(s == 0)
        def _():
            pltpu.sync_copy(acc, out.at[c])

    return pl.kernel(
        body,
        out_type=jax.ShapeDtypeStruct((2, NC, W), F32),
        mesh=_sc_mesh(),
        scratch_types=[pltpu.VMEM((_C,), jnp.int32),
                       pltpu.VMEM((_C, W), F32),
                       pltpu.VMEM_SHARED((NC, W), F32)],
    )



def _mm(a, b):
    return jnp.dot(a, b, preferred_element_type=F32)


@functools.lru_cache(maxsize=None)
def _tc_prep(N, W, interpret=False):
    def body(v, wa, wb, a_out, b_out):
        vv = v[...]
        a_out[...] = _mm(vv, wa[...])
        b_out[...] = _mm(vv, wb[...])

    return pl.pallas_call(
        body,
        out_shape=(jax.ShapeDtypeStruct((N, W), F32),
                   jax.ShapeDtypeStruct((N, W), F32)),
        interpret=interpret,
    )


@functools.lru_cache(maxsize=None)
def _tc_edge(E, W, BE, interpret=False):
    grid = E // BE

    def body(e, g, w1, b1, w2, b2, out):
        x = e[...]
        h = jnp.maximum(_mm(x, w1[...]) + g[...] + b1[...], 0.0)
        out[...] = x + _mm(h, w2[...]) + b2[...]

    row = pl.BlockSpec((BE, W), lambda i: (i, 0))
    full = pl.BlockSpec((W, W), lambda i: (0, 0))
    bias = pl.BlockSpec((1, W), lambda i: (0, 0))
    return pl.pallas_call(
        body,
        grid=(grid,),
        in_specs=[row, row, full, bias, full, bias],
        out_specs=row,
        out_shape=jax.ShapeDtypeStruct((E, W), F32),
        interpret=interpret,
    )


@functools.lru_cache(maxsize=None)
def _tc_node(N, W, last, interpret=False):

    def body(v, p0, p1, w1a, w1b, b1, w2, b2, wx, wy, fw, b3, o_v, o1, o2):
        vv = v[...]
        agg = p0[...] + p1[...]
        h = jnp.maximum(_mm(vv, w1a[...]) + _mm(agg, w1b[...]) + b1[...], 0.0)
        vn = vv + _mm(h, w2[...]) + b2[...]
        o_v[...] = vn
        if last:
            hm = jnp.maximum(_mm(vn, wx[...]) + fw[...], 0.0)
            msg = _mm(hm, wy[...]) + b3[...]
            o1[...] = msg
            o2[...] = msg
        else:
            o1[...] = _mm(vn, wx[...])
            o2[...] = _mm(vn, wy[...])

    return pl.pallas_call(
        body,
        out_shape=(jax.ShapeDtypeStruct((N, W), F32),
                   jax.ShapeDtypeStruct((N, W), F32),
                   jax.ShapeDtypeStruct((N, W), F32)),
        interpret=interpret,
    )


@functools.lru_cache(maxsize=None)
def _tc_geo_fw(N, W, interpret=False):

    def body(pcg, p16, wrow, b1, out):
        g = pcg[...]
        cnt = jnp.maximum(g[:, 2:3], 1.0)
        rx = p16[:, 0:1] - g[:, 0:1] / cnt
        ry = p16[:, 1:2] - g[:, 1:2] / cnt
        feat = jnp.sqrt(rx * rx + ry * ry + 1e-12)
        out[...] = feat * wrow[...] + b1[...]

    return pl.pallas_call(
        body,
        out_shape=jax.ShapeDtypeStruct((N, W), F32),
        interpret=interpret,
    )


@functools.lru_cache(maxsize=None)
def _tc_geo_ec(EC, W, BE, interpret=False):
    grid = EC // BE

    def body(g0, g1, wq1, bq1, wq2, bq2, out):
        a = g0[...]
        b = g1[...]
        ca = jnp.maximum(a[:, 2:3], 1.0)
        cb = jnp.maximum(b[:, 2:3], 1.0)
        dx = a[:, 0:1] / ca - b[:, 0:1] / cb
        dy = a[:, 1:2] / ca - b[:, 1:2] / cb
        fc = jnp.sqrt(dx * dx + dy * dy + 1e-12)
        h = jnp.maximum(fc * wq1[...] + bq1[...], 0.0)
        out[...] = _mm(h, wq2[...]) + bq2[...]

    row = pl.BlockSpec((BE, W), lambda i: (i, 0))
    full = pl.BlockSpec((W, W), lambda i: (0, 0))
    bias = pl.BlockSpec((1, W), lambda i: (0, 0))
    return pl.pallas_call(
        body,
        grid=(grid,),
        in_specs=[row, row, bias, bias, full, bias],
        out_specs=pl.BlockSpec((BE, W), lambda i: (i, 0)),
        out_shape=jax.ShapeDtypeStruct((EC, W), F32),
        interpret=interpret,
    )


@functools.lru_cache(maxsize=None)
def _tc_addbias(NC, W, interpret=False):
    def body(p0, p1, b, out):
        out[...] = p0[...] + p1[...] + b[...]

    return pl.pallas_call(
        body,
        out_shape=jax.ShapeDtypeStruct((NC, W), F32),
        interpret=interpret,
    )



def kernel(v, e, pos, edge_index, cluster, coarse_edge_index,
           We1, be1, We2, be2, Wv1, bv1, Wv2, bv2,
           Wp1, bp1, Wp2, bp2, Wq1, bq1, Wq2, bq2):
    N, W = v.shape
    E = e.shape[0]
    EC = coarse_edge_index.shape[1]
    NC = 2500

    src = edge_index[0].astype(jnp.int32)
    dst = edge_index[1].astype(jnp.int32)
    cl = cluster.astype(jnp.int32)
    c0 = coarse_edge_index[0].astype(jnp.int32)
    c1 = coarse_edge_index[1].astype(jnp.int32)

    z_nw = jnp.zeros((N, W), F32)
    z_ncw = jnp.zeros((NC, W), F32)
    p128 = jnp.concatenate(
        [pos.astype(F32), jnp.ones((N, 1), F32), jnp.zeros((N, W - 3), F32)],
        axis=1)

    pcg, gc0, gc1 = _sc_geometry(N, NC, EC, W)(p128, cl, c0, c1, z_ncw)
    fw = _tc_geo_fw(N, W)(pcg, p128, Wp1[W:W + 1, :], bp1.reshape(1, W))
    e_c = _tc_geo_ec(EC, W, 8000)(gc0, gc1, Wq1, bq1.reshape(1, W),
                                  Wq2, bq2.reshape(1, W))

    a, b = _tc_prep(N, W)(v, We1[0, W:2 * W], We1[0, 2 * W:])
    for blk in range(2):
        g = _sc_gather2(E, N, W, 128)(a, b, src, dst)
        e = _tc_edge(E, W, 2560)(e, g, We1[blk, :W],
                                 be1[blk].reshape(1, W), We2[blk],
                                 be2[blk].reshape(1, W))
        part = _sc_segsum(E, N, W, 128)(e, dst, z_nw)
        last = blk == 1
        if last:
            wx, wy, fb, b3 = Wp1[:W], Wp2, fw, bp2.reshape(1, W)
        else:
            wx, wy = We1[1, W:2 * W], We1[1, 2 * W:]
            fb = jnp.zeros((1, W), F32)
            b3 = fb
        v, a, b = _tc_node(N, W, last)(
            v, part[0], part[1], Wv1[blk, :W], Wv1[blk, W:],
            bv1[blk].reshape(1, W), Wv2[blk], bv2[blk].reshape(1, W),
            wx, wy, fb, b3)

    vpart = _sc_segsum_small(N, NC, W)(a, cl, z_ncw)
    v_c = _tc_addbias(NC, W)(vpart[0], vpart[1], jnp.zeros((1, W), F32))
    return (v_c, e_c, v, e)

# --- scband reference (transcript-rebuilt; emitter-appended) ---
"""Pipeline reference for scband-down-block-62947040690361 (READ-ONLY COPY).

The authoritative reference and input builder live on the scoring server;
editing this copy changes nothing except your own understanding.
"""

import jax, jax.numpy as jnp
import numpy as np

DEPTH = 2
W = 128
N = 10000
E = 320000
NC = 2500
EC = 40000


def _fnn(x, W1, b1, W2, b2):
    h = jax.nn.relu(x @ W1 + b1)
    return h @ W2 + b2


def setup_inputs(seed: int = 0) -> dict:
    key = jax.random.key(seed)
    ks = jax.random.split(key, 24)
    s = 0.02
    inp = {}
    inp["v"] = jax.random.normal(ks[0], (N, W), dtype=jnp.float32)
    inp["e"] = jax.random.normal(ks[1], (E, W), dtype=jnp.float32)
    inp["pos"] = jax.random.uniform(ks[2], (N, 2), dtype=jnp.float32)
    inp["edge_index"] = jax.random.randint(ks[3], (2, E), 0, N)
    inp["cluster"] = jnp.sort(jax.random.randint(ks[4], (N,), 0, NC))
    inp["coarse_edge_index"] = jax.random.randint(ks[5], (2, EC), 0, NC)
    # per-block InteractionNetwork weights (edge FNN: 3W->W->W, node FNN: 2W->W->W)
    inp["We1"] = jax.random.normal(ks[6], (DEPTH, 3 * W, W), dtype=jnp.float32) * s
    inp["be1"] = jnp.zeros((DEPTH, W), dtype=jnp.float32)
    inp["We2"] = jax.random.normal(ks[7], (DEPTH, W, W), dtype=jnp.float32) * s
    inp["be2"] = jnp.zeros((DEPTH, W), dtype=jnp.float32)
    inp["Wv1"] = jax.random.normal(ks[8], (DEPTH, 2 * W, W), dtype=jnp.float32) * s
    inp["bv1"] = jnp.zeros((DEPTH, W), dtype=jnp.float32)
    inp["Wv2"] = jax.random.normal(ks[9], (DEPTH, W, W), dtype=jnp.float32) * s
    inp["bv2"] = jnp.zeros((DEPTH, W), dtype=jnp.float32)
    # MeshDownMP pooling FNN ((W+1)->W->W, scalar rel-pos appended)
    inp["Wp1"] = jax.random.normal(ks[10], (W + 1, W), dtype=jnp.float32) * s
    inp["bp1"] = jnp.zeros((W,), dtype=jnp.float32)
    inp["Wp2"] = jax.random.normal(ks[11], (W, W), dtype=jnp.float32) * s
    inp["bp2"] = jnp.zeros((W,), dtype=jnp.float32)
    # coarse-edge encoder FNN (1->W->W), used because encode_edges=True
    inp["Wq1"] = jax.random.normal(ks[12], (1, W), dtype=jnp.float32) * s
    inp["bq1"] = jnp.zeros((W,), dtype=jnp.float32)
    inp["Wq2"] = jax.random.normal(ks[13], (W, W), dtype=jnp.float32) * s
    inp["bq2"] = jnp.zeros((W,), dtype=jnp.float32)
    return inp


def reference(v, e, pos, edge_index, cluster, coarse_edge_index,
              We1, be1, We2, be2, Wv1, bv1, Wv2, bv2,
              Wp1, bp1, Wp2, bp2, Wq1, bq1, Wq2, bq2):
    src = edge_index[0]
    dst = edge_index[1]
    # depth x InteractionNetwork message-passing blocks (residual)
    for b in range(DEPTH):
        e_in = jnp.concatenate([e, v[src], v[dst]], axis=-1)
        e = e + _fnn(e_in, We1[b], be1[b], We2[b], be2[b])
        agg = jax.ops.segment_sum(e, dst, num_segments=N)
        v = v + _fnn(jnp.concatenate([v, agg], axis=-1), Wv1[b], bv1[b], Wv2[b], bv2[b])
    v_skip = v
    e_skip = e
    # MeshDownMP: pool fine nodes to coarse nodes by cluster assignment
    counts = jnp.maximum(jnp.bincount(cluster, length=NC), 1).astype(jnp.float32)
    pos_c = jax.ops.segment_sum(pos, cluster, num_segments=NC) / counts[:, None]
    rel = pos - pos_c[cluster]
    feat = jnp.sqrt(jnp.sum(rel * rel, axis=-1, keepdims=True) + 1e-12)  # scalar_rel_pos
    msg = _fnn(jnp.concatenate([v, feat], axis=-1), Wp1, bp1, Wp2, bp2)
    v_c = jax.ops.segment_sum(msg, cluster, num_segments=NC)
    # encode coarse edges from scalar relative positions (encode_edges=True)
    rel_c = pos_c[coarse_edge_index[0]] - pos_c[coarse_edge_index[1]]
    feat_c = jnp.sqrt(jnp.sum(rel_c * rel_c, axis=-1, keepdims=True) + 1e-12)
    e_c = _fnn(feat_c, Wq1, bq1, Wq2, bq2)
    return (v_c, e_c, v_skip, e_skip)

if __name__ == "__main__":
    import jax
    _d = setup_inputs()
    print(jax.jit(kernel)(*tuple(_d.values())))

</pallas_src>

<mosaic_0001>
#map = affine_map<(d0, d1) -> (0, 0)>
#map1 = affine_map<(d0, d1) -> (0)>
module attributes {stable_mosaic.version = 14 : i64} {
  func.func @body(%arg0: i32, %arg1: i32, %arg2: memref<10000x128xf32, #tpu.memory_space<hbm>>, %arg3: memref<10000x128xf32, #tpu.memory_space<hbm>>, %arg4: memref<320000xi32, #tpu.memory_space<hbm>>, %arg5: memref<320000xi32, #tpu.memory_space<hbm>>, %arg6: memref<320000x128xf32, #tpu.memory_space<hbm>>, %arg7: memref<128xi32, #tpu.memory_space<vmem>>, %arg8: memref<128xi32, #tpu.memory_space<vmem>>, %arg9: memref<128x128xf32, #tpu.memory_space<vmem>>, %arg10: memref<128x128xf32, #tpu.memory_space<vmem>>, %arg11: memref<128xi32, #tpu.memory_space<vmem>>, %arg12: memref<128xi32, #tpu.memory_space<vmem>>, %arg13: memref<128x128xf32, #tpu.memory_space<vmem>>, %arg14: memref<128x128xf32, #tpu.memory_space<vmem>>, %arg15: memref<!tpu.dma_semaphore, #tpu.memory_space<semaphore_mem>>, %arg16: memref<!tpu.dma_semaphore, #tpu.memory_space<semaphore_mem>>) attributes {dimension_semantics = [#tpu.dimension_semantics<core_parallel>, #tpu.dimension_semantics<subcore_parallel>], iteration_bounds = array<i64: 2, 16>, scalar_prefetch = 0 : i64, scratch_operands = 10 : i64, tpu.core_type = #tpu.core_type<sc_vector_subcore>, window_params = [{transform_indices = #map}, {transform_indices = #map}, {transform_indices = #map1}, {transform_indices = #map1}, {transform_indices = #map}]} {
    %mul3A = arith.constant 2 : i32
    %mul3A_0 = arith.muli %arg1, %mul3A : i32
    %add3A = arith.addi %mul3A_0, %arg0 : i32
    %sub3A = arith.constant 2500 : i32
    %sub3A_1 = arith.subi %sub3A, %add3A : i32
    %add3A_2 = arith.constant 31 : i32
    %add3A_3 = arith.addi %sub3A_1, %add3A_2 : i32
    %jit3A = arith.constant 32 : i32
    %div3A = arith.divsi %add3A_3, %jit3A : i32
    %sign3A = arith.constant 0 : i32
    %sign3A_4 = arith.cmpi sgt, %add3A_3, %sign3A : i32
    %sign3A_5 = arith.extui %sign3A_4 : i1 to i32
    %sign3A_6 = arith.constant 0 : i32
    %sign3A_7 = arith.cmpi slt, %add3A_3, %sign3A_6 : i32
    %sign3A_8 = arith.extui %sign3A_7 : i1 to i32
    %sign3A_9 = arith.subi %sign3A_5, %sign3A_8 : i32
    %sign3A_10 = arith.constant 0 : i32
    %sign3A_11 = arith.cmpi sgt, %jit3A, %sign3A_10 : i32
    %sign3A_12 = arith.extui %sign3A_11 : i1 to i32
    %sign3A_13 = arith.constant 0 : i32
    %sign3A_14 = arith.cmpi slt, %jit3A, %sign3A_13 : i32
    %sign3A_15 = arith.extui %sign3A_14 : i1 to i32
    %sign3A_16 = arith.subi %sign3A_12, %sign3A_15 : i32
    %ne3A = arith.cmpi ne, %sign3A_9, %sign3A_16 : i32
    %rem3A = arith.remsi %add3A_3, %jit3A : i32
    %ne3A_17 = arith.constant 0 : i32
    %ne3A_18 = arith.cmpi ne, %rem3A, %ne3A_17 : i32
    %and3A = arith.andi %ne3A, %ne3A_18 : i1
    %sub3A_19 = arith.constant 1 : i32
    %sub3A_20 = arith.subi %div3A, %sub3A_19 : i32
    %select_n3A = arith.select %and3A, %sub3A_20, %div3A : i32
    %gt3A = arith.constant 0 : i32
    %gt3A_21 = arith.cmpi sgt, %select_n3A, %gt3A : i32
    %convert_element_type3A = arith.extui %gt3A_21 : i1 to i32
    %cond3A = arith.constant 0 : i32
    %cond3A_22 = arith.cmpi ne, %convert_element_type3A, %cond3A : i32
    scf.if %cond3A_22 {
      %add3A_58 = arith.constant 0 : i32
      %add3A_59 = arith.addi %add3A, %add3A_58 : i32
      %mul3A_60 = arith.constant 128 : i32
      %mul3A_61 = arith.muli %add3A_59, %mul3A_60 : i32
      "tpu.region"() ({
        %run_scoped3A = tpu.sem_alloc : memref<!tpu.dma_semaphore, #tpu.memory_space<semaphore_mem>>
        %dma_start3A_67 = tpu.memref_slice %arg4[%mul3A_61] : memref<320000xi32, #tpu.memory_space<hbm>> -> memref<128xi32, #tpu.memory_space<hbm>>
        %dma_start3A_68 = tpu.memref_slice %arg4[%mul3A_61] : memref<320000xi32, #tpu.memory_space<hbm>> -> memref<128xi32, #tpu.memory_space<hbm>>
        tpu.enqueue_dma source(%dma_start3A_68 : memref<128xi32, #tpu.memory_space<hbm>>) target(%arg7 : memref<128xi32, #tpu.memory_space<vmem>>) target_semaphore(%run_scoped3A : memref<!tpu.dma_semaphore, #tpu.memory_space<semaphore_mem>>)
        %dma_wait3A = tpu.memref_slice %arg4[%mul3A_61] : memref<320000xi32, #tpu.memory_space<hbm>> -> memref<128xi32, #tpu.memory_space<hbm>>
        %dma_wait3A_69 = tpu.memref_slice %arg4[%mul3A_61] : memref<320000xi32, #tpu.memory_space<hbm>> -> memref<128xi32, #tpu.memory_space<hbm>>
        tpu.wait_dma2 semaphore(%run_scoped3A : memref<!tpu.dma_semaphore, #tpu.memory_space<semaphore_mem>>) src(%dma_wait3A_69 : memref<128xi32, #tpu.memory_space<hbm>>) dst(%arg7 : memref<128xi32, #tpu.memory_space<vmem>>)
        tpu.yield
      }) : () -> ()
      "tpu.region"() ({
        %run_scoped3A = tpu.sem_alloc : memref<!tpu.dma_semaphore, #tpu.memory_space<semaphore_mem>>
        %dma_start3A_67 = tpu.memref_slice %arg5[%mul3A_61] : memref<320000xi32, #tpu.memory_space<hbm>> -> memref<128xi32, #tpu.memory_space<hbm>>
        %dma_start3A_68 = tpu.memref_slice %arg5[%mul3A_61] : memref<320000xi32, #tpu.memory_space<hbm>> -> memref<128xi32, #tpu.memory_space<hbm>>
        tpu.enqueue_dma source(%dma_start3A_68 : memref<128xi32, #tpu.memory_space<hbm>>) target(%arg8 : memref<128xi32, #tpu.memory_space<vmem>>) target_semaphore(%run_scoped3A : memref<!tpu.dma_semaphore, #tpu.memory_space<semaphore_mem>>)
        %dma_wait3A = tpu.memref_slice %arg5[%mul3A_61] : memref<320000xi32, #tpu.memory_space<hbm>> -> memref<128xi32, #tpu.memory_space<hbm>>
        %dma_wait3A_69 = tpu.memref_slice %arg5[%mul3A_61] : memref<320000xi32, #tpu.memory_space<hbm>> -> memref<128xi32, #tpu.memory_space<hbm>>
        tpu.wait_dma2 semaphore(%run_scoped3A : memref<!tpu.dma_semaphore, #tpu.memory_space<semaphore_mem>>) src(%dma_wait3A_69 : memref<128xi32, #tpu.memory_space<hbm>>) dst(%arg8 : memref<128xi32, #tpu.memory_space<vmem>>)
        tpu.yield
      }) : () -> ()
      %dma_start3A = arith.constant 0 : i32
      %dma_start3A_62 = arith.constant 0 : i32
      %dma_start3A_63 = tpu.memref_slice %arg2[%dma_start3A, %dma_start3A_62] : memref<10000x128xf32, #tpu.memory_space<hbm>> -> memref<10000x128xf32, #tpu.memory_space<hbm>>
      tpu.enqueue_indirect_dma source(%dma_start3A_63 : memref<10000x128xf32, #tpu.memory_space<hbm>>) target(%arg9 : memref<128x128xf32, #tpu.memory_space<vmem>>) offsets(%arg7 : memref<128xi32, #tpu.memory_space<vmem>>) semaphore(%arg15 : memref<!tpu.dma_semaphore, #tpu.memory_space<semaphore_mem>>)
      %dma_start3A_64 = arith.constant 0 : i32
      %dma_start3A_65 = arith.constant 0 : i32
      %dma_start3A_66 = tpu.memref_slice %arg3[%dma_start3A_64, %dma_start3A_65] : memref<10000x128xf32, #tpu.memory_space<hbm>> -> memref<10000x128xf32, #tpu.memory_space<hbm>>
      tpu.enqueue_indirect_dma source(%dma_start3A_66 : memref<10000x128xf32, #tpu.memory_space<hbm>>) target(%arg10 : memref<128x128xf32, #tpu.memory_space<vmem>>) offsets(%arg8 : memref<128xi32, #tpu.memory_space<vmem>>) semaphore(%arg15 : memref<!tpu.dma_semaphore, #tpu.memory_space<semaphore_mem>>)
    } else {
    }
    %add3A_23 = arith.constant 1 : i32
    %add3A_24 = arith.addi %select_n3A, %add3A_23 : i32
    %jit3A_25 = arith.constant 2 : i32
    %div3A_26 = arith.divsi %add3A_24, %jit3A_25 : i32
    %sign3A_27 = arith.constant 0 : i32
    %sign3A_28 = arith.cmpi sgt, %add3A_24, %sign3A_27 : i32
    %sign3A_29 = arith.extui %sign3A_28 : i1 to i32
    %sign3A_30 = arith.constant 0 : i32
    %sign3A_31 = arith.cmpi slt, %add3A_24, %sign3A_30 : i32
    %sign3A_32 = arith.extui %sign3A_31 : i1 to i32
    %sign3A_33 = arith.subi %sign3A_29, %sign3A_32 : i32
    %sign3A_34 = arith.constant 0 : i32
    %sign3A_35 = arith.cmpi sgt, %jit3A_25, %sign3A_34 : i32
    %sign3A_36 = arith.extui %sign3A_35 : i1 to i32
    %sign3A_37 = arith.constant 0 : i32
    %sign3A_38 = arith.cmpi slt, %jit3A_25, %sign3A_37 : i32
    %sign3A_39 = arith.extui %sign3A_38 : i1 to i32
    %sign3A_40 = arith.subi %sign3A_36, %sign3A_39 : i32
    %ne3A_41 = arith.cmpi ne, %sign3A_33, %sign3A_40 : i32
    %rem3A_42 = arith.remsi %add3A_24, %jit3A_25 : i32
    %ne3A_43 = arith.constant 0 : i32
    %ne3A_44 = arith.cmpi ne, %rem3A_42, %ne3A_43 : i32
    %and3A_45 = arith.andi %ne3A_41, %ne3A_44 : i1
    %sub3A_46 = arith.constant 1 : i32
    %sub3A_47 = arith.subi %div3A_26, %sub3A_46 : i32
    %select_n3A_48 = arith.select %and3A_45, %sub3A_47, %div3A_26 : i32
    %while3A = arith.constant 0 : i32
    %while3A_49 = arith.constant 0 : i32
    %while3A_50 = arith.subi %select_n3A_48, %while3A_49 : i32
    %while3A_51 = arith.addi %while3A_49, %while3A_50 : i32
    %while3A_52 = arith.constant 1 : i32
    %while3A_53 = arith.divsi %while3A_50, %while3A_52 : i32
    %while3A_54 = arith.muli %while3A_53, %while3A_52 : i32
    %while3A_55 = arith.addi %while3A_49, %while3A_54 : i32
    %while3A_56 = arith.constant 1 : i32
    scf.for %while3A_58 = %while3A_49 to %while3A_55 step %while3A_56  : i32 {
      %mul3A_59 = arith.constant 2 : i32
      %mul3A_60 = arith.muli %mul3A_59, %while3A_58 : i32
      %add3A_61 = arith.constant 1 : i32
      %add3A_62 = arith.addi %mul3A_60, %add3A_61 : i32
      %lt3A = arith.cmpi slt, %add3A_62, %select_n3A : i32
      %convert_element_type3A_63 = arith.extui %lt3A : i1 to i32
      %cond3A_64 = arith.constant 0 : i32
      %cond3A_65 = arith.cmpi ne, %convert_element_type3A_63, %cond3A_64 : i32
      scf.if %cond3A_65 {
        %add3A_93 = arith.constant 1 : i32
        %add3A_94 = arith.addi %mul3A_60, %add3A_93 : i32
        %mul3A_95 = arith.constant 32 : i32
        %mul3A_96 = arith.muli %add3A_94, %mul3A_95 : i32
        %add3A_97 = arith.addi %add3A, %mul3A_96 : i32
        %mul3A_98 = arith.constant 128 : i32
        %mul3A_99 = arith.muli %add3A_97, %mul3A_98 : i32
        "tpu.region"() ({
          %run_scoped3A = tpu.sem_alloc : memref<!tpu.dma_semaphore, #tpu.memory_space<semaphore_mem>>
          %dma_start3A_105 = tpu.memref_slice %arg4[%mul3A_99] : memref<320000xi32, #tpu.memory_space<hbm>> -> memref<128xi32, #tpu.memory_space<hbm>>
          %dma_start3A_106 = tpu.memref_slice %arg4[%mul3A_99] : memref<320000xi32, #tpu.memory_space<hbm>> -> memref<128xi32, #tpu.memory_space<hbm>>
          tpu.enqueue_dma source(%dma_start3A_106 : memref<128xi32, #tpu.memory_space<hbm>>) target(%arg11 : memref<128xi32, #tpu.memory_space<vmem>>) target_semaphore(%run_scoped3A : memref<!tpu.dma_semaphore, #tpu.memory_space<semaphore_mem>>)
          %dma_wait3A_107 = tpu.memref_slice %arg4[%mul3A_99] : memref<320000xi32, #tpu.memory_space<hbm>> -> memref<128xi32, #tpu.memory_space<hbm>>
          %dma_wait3A_108 = tpu.memref_slice %arg4[%mul3A_99] : memref<320000xi32, #tpu.memory_space<hbm>> -> memref<128xi32, #tpu.memory_space<hbm>>
          tpu.wait_dma2 semaphore(%run_scoped3A : memref<!tpu.dma_semaphore, #tpu.memory_space<semaphore_mem>>) src(%dma_wait3A_108 : memref<128xi32, #tpu.memory_space<hbm>>) dst(%arg11 : memref<128xi32, #tpu.memory_space<vmem>>)
          tpu.yield
        }) : () -> ()
        "tpu.region"() ({
          %run_scoped3A = tpu.sem_alloc : memref<!tpu.dma_semaphore, #tpu.memory_space<semaphore_mem>>
          %dma_start3A_105 = tpu.memref_slice %arg5[%mul3A_99] : memref<320000xi32, #tpu.memory_space<hbm>> -> memref<128xi32, #tpu.memory_space<hbm>>
          %dma_start3A_106 = tpu.memref_slice %arg5[%mul3A_99] : memref<320000xi32, #tpu.memory_space<hbm>> -> memref<128xi32, #tpu.memory_space<hbm>>
          tpu.enqueue_dma source(%dma_start3A_106 : memref<128xi32, #tpu.memory_space<hbm>>) target(%arg12 : memref<128xi32, #tpu.memory_space<vmem>>) target_semaphore(%run_scoped3A : memref<!tpu.dma_semaphore, #tpu.memory_space<semaphore_mem>>)
          %dma_wait3A_107 = tpu.memref_slice %arg5[%mul3A_99] : memref<320000xi32, #tpu.memory_space<hbm>> -> memref<128xi32, #tpu.memory_space<hbm>>
          %dma_wait3A_108 = tpu.memref_slice %arg5[%mul3A_99] : memref<320000xi32, #tpu.memory_space<hbm>> -> memref<128xi32, #tpu.memory_space<hbm>>
          tpu.wait_dma2 semaphore(%run_scoped3A : memref<!tpu.dma_semaphore, #tpu.memory_space<semaphore_mem>>) src(%dma_wait3A_108 : memref<128xi32, #tpu.memory_space<hbm>>) dst(%arg12 : memref<128xi32, #tpu.memory_space<vmem>>)
          tpu.yield
        }) : () -> ()
        %dma_start3A = arith.constant 0 : i32
        %dma_start3A_100 = arith.constant 0 : i32
        %dma_start3A_101 = tpu.memref_slice %arg2[%dma_start3A, %dma_start3A_100] : memref<10000x128xf32, #tpu.memory_space<hbm>> -> memref<10000x128xf32, #tpu.memory_space<hbm>>
        tpu.enqueue_indirect_dma source(%dma_start3A_101 : memref<10000x128xf32, #tpu.memory_space<hbm>>) target(%arg13 : memref<128x128xf32, #tpu.memory_space<vmem>>) offsets(%arg11 : memref<128xi32, #tpu.memory_space<vmem>>) semaphore(%arg16 : memref<!tpu.dma_semaphore, #tpu.memory_space<semaphore_mem>>)
        %dma_start3A_102 = arith.constant 0 : i32
        %dma_start3A_103 = arith.constant 0 : i32
        %dma_start3A_104 = tpu.memref_slice %arg3[%dma_start3A_102, %dma_start3A_103] : memref<10000x128xf32, #tpu.memory_space<hbm>> -> memref<10000x128xf32, #tpu.memory_space<hbm>>
        tpu.enqueue_indirect_dma source(%dma_start3A_104 : memref<10000x128xf32, #tpu.memory_space<hbm>>) target(%arg14 : memref<128x128xf32, #tpu.memory_space<vmem>>) offsets(%arg12 : memref<128xi32, #tpu.memory_space<vmem>>) semaphore(%arg16 : memref<!tpu.dma_semaphore, #tpu.memory_space<semaphore_mem>>)
      } else {
      }
      %mul3A_66 = arith.constant 32 : i32
      %mul3A_67 = arith.muli %mul3A_60, %mul3A_66 : i32
      %add3A_68 = arith.addi %add3A, %mul3A_67 : i32
      %mul3A_69 = arith.constant 128 : i32
      %mul3A_70 = arith.muli %add3A_68, %mul3A_69 : i32
      %dma_wait3A = arith.constant 0 : i32
      %dma_wait3A_71 = arith.constant 0 : i32
      %dma_wait3A_72 = tpu.memref_slice %arg2[%dma_wait3A, %dma_wait3A_71] : memref<10000x128xf32, #tpu.memory_space<hbm>> -> memref<10000x128xf32, #tpu.memory_space<hbm>>
      tpu.wait_indirect_dma semaphore(%arg15 : memref<!tpu.dma_semaphore, #tpu.memory_space<semaphore_mem>>) src(%dma_wait3A_72 : memref<10000x128xf32, #tpu.memory_space<hbm>>) dst(%arg9 : memref<128x128xf32, #tpu.memory_space<vmem>>)
      %dma_wait3A_73 = arith.constant 0 : i32
      %dma_wait3A_74 = arith.constant 0 : i32
      %dma_wait3A_75 = tpu.memref_slice %arg3[%dma_wait3A_73, %dma_wait3A_74] : memref<10000x128xf32, #tpu.memory_space<hbm>> -> memref<10000x128xf32, #tpu.memory_space<hbm>>
      tpu.wait_indirect_dma semaphore(%arg15 : memref<!tpu.dma_semaphore, #tpu.memory_space<semaphore_mem>>) src(%dma_wait3A_75 : memref<10000x128xf32, #tpu.memory_space<hbm>>) dst(%arg10 : memref<128x128xf32, #tpu.memory_space<vmem>>)
      %scan3A = arith.constant 0 : i32
      %scan3A_76 = arith.constant 0 : i32
      %scan3A_77 = arith.constant 128 : i32
      %scan3A_78 = arith.addi %scan3A_76, %scan3A_77 : i32
      %scan3A_79 = arith.constant 1 : i32
      scf.for %scan3A_93 = %scan3A_76 to %scan3A_78 step %scan3A_79  : i32 {
        %get3A = arith.index_cast %scan3A_93 : i32 to index
        %get3A_94 = arith.constant 0 : index
        %get3A_95 = tpu.vector_load %arg9[%get3A, %get3A_94] {strides = array<i32>} : memref<128x128xf32, #tpu.memory_space<vmem>>, vector<1x16xf32>,
        %get3A_96 = vector.shape_cast %get3A_95 : vector<1x16xf32> to vector<16xf32>
        %get3A_97 = arith.index_cast %scan3A_93 : i32 to index
        %get3A_98 = arith.constant 0 : index
        %get3A_99 = tpu.vector_load %arg10[%get3A_97, %get3A_98] {strides = array<i32>} : memref<128x128xf32, #tpu.memory_space<vmem>>, vector<1x16xf32>,
        %get3A_100 = vector.shape_cast %get3A_99 : vector<1x16xf32> to vector<16xf32>
        %add3A_101 = arith.addf %get3A_96, %get3A_100 : vector<16xf32>
        %swap3A = arith.index_cast %scan3A_93 : i32 to index
        %swap3A_102 = arith.constant 0 : index
        %swap3A_103 = tpu.vector_load %arg9[%swap3A, %swap3A_102] {strides = array<i32>} : memref<128x128xf32, #tpu.memory_space<vmem>>, vector<1x16xf32>,
        %swap3A_104 = vector.shape_cast %swap3A_103 : vector<1x16xf32> to vector<16xf32>
        %swap3A_105 = vector.shape_cast %add3A_101 : vector<16xf32> to vector<1x16xf32>
        tpu.vector_store %arg9[%swap3A, %swap3A_102], %swap3A_105 {strides = array<i32>} : memref<128x128xf32, #tpu.memory_space<vmem>>, vector<1x16xf32>,
        %get3A_106 = arith.index_cast %scan3A_93 : i32 to index
        %get3A_107 = arith.constant 16 : index
        %get3A_108 = tpu.vector_load %arg9[%get3A_106, %get3A_107] {strides = array<i32>} : memref<128x128xf32, #tpu.memory_space<vmem>>, vector<1x16xf32>,
        %get3A_109 = vector.shape_cast %get3A_108 : vector<1x16xf32> to vector<16xf32>
        %get3A_110 = arith.index_cast %scan3A_93 : i32 to index
        %get3A_111 = arith.constant 16 : index
        %get3A_112 = tpu.vector_load %arg10[%get3A_110, %get3A_111] {strides = array<i32>} : memref<128x128xf32, #tpu.memory_space<vmem>>, vector<1x16xf32>,
        %get3A_113 = vector.shape_cast %get3A_112 : vector<1x16xf32> to vector<16xf32>
        %add3A_114 = arith.addf %get3A_109, %get3A_113 : vector<16xf32>
        %swap3A_115 = arith.index_cast %scan3A_93 : i32 to index
        %swap3A_116 = arith.constant 16 : index
        %swap3A_117 = tpu.vector_load %arg9[%swap3A_115, %swap3A_116] {strides = array<i32>} : memref<128x128xf32, #tpu.memory_space<vmem>>, vector<1x16xf32>,
        %swap3A_118 = vector.shape_cast %swap3A_117 : vector<1x16xf32> to vector<16xf32>
        %swap3A_119 = vector.shape_cast %add3A_114 : vector<16xf32> to vector<1x16xf32>
        tpu.vector_store %arg9[%swap3A_115, %swap3A_116], %swap3A_119 {strides = array<i32>} : memref<128x128xf32, #tpu.memory_space<vmem>>, vector<1x16xf32>,
        %get3A_120 = arith.index_cast %scan3A_93 : i32 to index
        %get3A_121 = arith.constant 32 : index
        %get3A_122 = tpu.vector_load %arg9[%get3A_120, %get3A_121] {strides = array<i32>} : memref<128x128xf32, #tpu.memory_space<vmem>>, vector<1x16xf32>,
        %get3A_123 = vector.shape_cast %get3A_122 : vector<1x16xf32> to vector<16xf32>
        %get3A_124 = arith.index_cast %scan3A_93 : i32 to index
        %get3A_125 = arith.constant 32 : index
        %get3A_126 = tpu.vector_load %arg10[%get3A_124, %get3A_125] {strides = array<i32>} : memref<128x128xf32, #tpu.memory_space<vmem>>, vector<1x16xf32>,
        %get3A_127 = vector.shape_cast %get3A_126 : vector<1x16xf32> to vector<16xf32>
        %add3A_128 = arith.addf %get3A_123, %get3A_127 : vector<16xf32>
        %swap3A_129 = arith.index_cast %scan3A_93 : i32 to index
        %swap3A_130 = arith.constant 32 : index
        %swap3A_131 = tpu.vector_load %arg9[%swap3A_129, %swap3A_130] {strides = array<i32>} : memref<128x128xf32, #tpu.memory_space<vmem>>, vector<1x16xf32>,
        %swap3A_132 = vector.shape_cast %swap3A_131 : vector<1x16xf32> to vector<16xf32>
        %swap3A_133 = vector.shape_cast %add3A_128 : vector<16xf32> to vector<1x16xf32>
        tpu.vector_store %arg9[%swap3A_129, %swap3A_130], %swap3A_133 {strides = array<i32>} : memref<128x128xf32, #tpu.memory_space<vmem>>, vector<1x16xf32>,
        %get3A_134 = arith.index_cast %scan3A_93 : i32 to index
        %get3A_135 = arith.constant 48 : index
        %get3A_136 = tpu.vector_load %arg9[%get3A_134, %get3A_135] {strides = array<i32>} : memref<128x128xf32, #tpu.memory_space<vmem>>, vector<1x16xf32>,
        %get3A_137 = vector.shape_cast %get3A_136 : vector<1x16xf32> to vector<16xf32>
        %get3A_138 = arith.index_cast %scan3A_93 : i32 to index
        %get3A_139 = arith.constant 48 : index
        %get3A_140 = tpu.vector_load %arg10[%get3A_138, %get3A_139] {strides = array<i32>} : memref<128x128xf32, #tpu.memory_space<vmem>>, vector<1x16xf32>,
        %get3A_141 = vector.shape_cast %get3A_140 : vector<1x16xf32> to vector<16xf32>
        %add3A_142 = arith.addf %get3A_137, %get3A_141 : vector<16xf32>
        %swap3A_143 = arith.index_cast %scan3A_93 : i32 to index
        %swap3A_144 = arith.constant 48 : index
        %swap3A_145 = tpu.vector_load %arg9[%swap3A_143, %swap3A_144] {strides = array<i32>} : memref<128x128xf32, #tpu.memory_space<vmem>>, vector<1x16xf32>,
        %swap3A_146 = vector.shape_cast %swap3A_145 : vector<1x16xf32> to vector<16xf32>
        %swap3A_147 = vector.shape_cast %add3A_142 : vector<16xf32> to vector<1x16xf32>
        tpu.vector_store %arg9[%swap3A_143, %swap3A_144], %swap3A_147 {strides = array<i32>} : memref<128x128xf32, #tpu.memory_space<vmem>>, vector<1x16xf32>,
        %get3A_148 = arith.index_cast %scan3A_93 : i32 to index
        %get3A_149 = arith.constant 64 : index
        %get3A_150 = tpu.vector_load %arg9[%get3A_148, %get3A_149] {strides = array<i32>} : memref<128x128xf32, #tpu.memory_space<vmem>>, vector<1x16xf32>,
        %get3A_151 = vector.shape_cast %get3A_150 : vector<1x16xf32> to vector<16xf32>
        %get3A_152 = arith.index_cast %scan3A_93 : i32 to index
        %get3A_153 = arith.constant 64 : index
        %get3A_154 = tpu.vector_load %arg10[%get3A_152, %get3A_153] {strides = array<i32>} : memref<128x128xf32, #tpu.memory_space<vmem>>, vector<1x16xf32>,
        %get3A_155 = vector.shape_cast %get3A_154 : vector<1x16xf32> to vector<16xf32>
        %add3A_156 = arith.addf %get3A_151, %get3A_155 : vector<16xf32>
        %swap3A_157 = arith.index_cast %scan3A_93 : i32 to index
        %swap3A_158 = arith.constant 64 : index
        %swap3A_159 = tpu.vector_load %arg9[%swap3A_157, %swap3A_158] {strides = array<i32>} : memref<128x128xf32, #tpu.memory_space<vmem>>, vector<1x16xf32>,
        %swap3A_160 = vector.shape_cast %swap3A_159 : vector<1x16xf32> to vector<16xf32>
        %swap3A_161 = vector.shape_cast %add3A_156 : vector<16xf32> to vector<1x16xf32>
        tpu.vector_store %arg9[%swap3A_157, %swap3A_158], %swap3A_161 {strides = array<i32>} : memref<128x128xf32, #tpu.memory_space<vmem>>, vector<1x16xf32>,
        %get3A_162 = arith.index_cast %scan3A_93 : i32 to index
        %get3A_163 = arith.constant 80 : index
        %get3A_164 = tpu.vector_load %arg9[%get3A_162, %get3A_163] {strides = array<i32>} : memref<128x128xf32, #tpu.memory_space<vmem>>, vector<1x16xf32>,
        %get3A_165 = vector.shape_cast %get3A_164 : vector<1x16xf32> to vector<16xf32>
        %get3A_166 = arith.index_cast %scan3A_93 : i32 to index
        %get3A_167 = arith.constant 80 : index
        %get3A_168 = tpu.vector_load %arg10[%get3A_166, %get3A_167] {strides = array<i32>} : memref<128x128xf32, #tpu.memory_space<vmem>>, vector<1x16xf32>,
        %get3A_169 = vector.shape_cast %get3A_168 : vector<1x16xf32> to vector<16xf32>
        %add3A_170 = arith.addf %get3A_165, %get3A_169 : vector<16xf32>
        %swap3A_171 = arith.index_cast %scan3A_93 : i32 to index
        %swap3A_172 = arith.constant 80 : index
        %swap3A_173 = tpu.vector_load %arg9[%swap3A_171, %swap3A_172] {strides = array<i32>} : memref<128x128xf32, #tpu.memory_space<vmem>>, vector<1x16xf32>,
        %swap3A_174 = vector.shape_cast %swap3A_173 : vector<1x16xf32> to vector<16xf32>
        %swap3A_175 = vector.shape_cast %add3A_170 : vector<16xf32> to vector<1x16xf32>
        tpu.vector_store %arg9[%swap3A_171, %swap3A_172], %swap3A_175 {strides = array<i32>} : memref<128x128xf32, #tpu.memory_space<vmem>>, vector<1x16xf32>,
        %get3A_176 = arith.index_cast %scan3A_93 : i32 to index
        %get3A_177 = arith.constant 96 : index
        %get3A_178 = tpu.vector_load %arg9[%get3A_176, %get3A_177] {strides = array<i32>} : memref<128x128xf32, #tpu.memory_space<vmem>>, vector<1x16xf32>,
        %get3A_179 = vector.shape_cast %get3A_178 : vector<1x16xf32> to vector<16xf32>
        %get3A_180 = arith.index_cast %scan3A_93 : i32 to index
        %get3A_181 = arith.constant 96 : index
        %get3A_182 = tpu.vector_load %arg10[%get3A_180, %get3A_181] {strides = array<i32>} : memref<128x128xf32, #tpu.memory_space<vmem>>, vector<1x16xf32>,
        %get3A_183 = vector.shape_cast %get3A_182 : vector<1x16xf32> to vector<16xf32>
        %add3A_184 = arith.addf %get3A_179, %get3A_183 : vector<16xf32>
        %swap3A_185 = arith.index_cast %scan3A_93 : i32 to index
        %swap3A_186 = arith.constant 96 : index
        %swap3A_187 = tpu.vector_load %arg9[%swap3A_185, %swap3A_186] {strides = array<i32>} : memref<128x128xf32, #tpu.memory_space<vmem>>, vector<1x16xf32>,
        %swap3A_188 = vector.shape_cast %swap3A_187 : vector<1x16xf32> to vector<16xf32>
        %swap3A_189 = vector.shape_cast %add3A_184 : vector<16xf32> to vector<1x16xf32>
        tpu.vector_store %arg9[%swap3A_185, %swap3A_186], %swap3A_189 {strides = array<i32>} : memref<128x128xf32, #tpu.memory_space<vmem>>, vector<1x16xf32>,
        %get3A_190 = arith.index_cast %scan3A_93 : i32 to index
        %get3A_191 = arith.constant 112 : index
        %get3A_192 = tpu.vector_load %arg9[%get3A_190, %get3A_191] {strides = array<i32>} : memref<128x128xf32, #tpu.memory_space<vmem>>, vector<1x16xf32>,
        %get3A_193 = vector.shape_cast %get3A_192 : vector<1x16xf32> to vector<16xf32>
        %get3A_194 = arith.index_cast %scan3A_93 : i32 to index
        %get3A_195 = arith.constant 112 : index
        %get3A_196 = tpu.vector_load %arg10[%get3A_194, %get3A_195] {strides = array<i32>} : memref<128x128xf32, #tpu.memory_space<vmem>>, vector<1x16xf32>,
        %get3A_197 = vector.shape_cast %get3A_196 : vector<1x16xf32> to vector<16xf32>
        %add3A_198 = arith.addf %get3A_193, %get3A_197 : vector<16xf32>
        %swap3A_199 = arith.index_cast %scan3A_93 : i32 to index
        %swap3A_200 = arith.constant 112 : index
        %swap3A_201 = tpu.vector_load %arg9[%swap3A_199, %swap3A_200] {strides = array<i32>} : memref<128x128xf32, #tpu.memory_space<vmem>>, vector<1x16xf32>,
        %swap3A_202 = vector.shape_cast %swap3A_201 : vector<1x16xf32> to vector<16xf32>
        %swap3A_203 = vector.shape_cast %add3A_198 : vector<16xf32> to vector<1x16xf32>
        tpu.vector_store %arg9[%swap3A_199, %swap3A_200], %swap3A_203 {strides = array<i32>} : memref<128x128xf32, #tpu.memory_space<vmem>>, vector<1x16xf32>,
      }
      %scan3A_80 = arith.constant 128 : i32
      "tpu.region"() ({
        %run_scoped3A = tpu.sem_alloc : memref<!tpu.dma_semaphore, #tpu.memory_space<semaphore_mem>>
        %dma_start3A = arith.constant 0 : i32
        %dma_start3A_93 = tpu.memref_slice %arg6[%mul3A_70, %dma_start3A] : memref<320000x128xf32, #tpu.memory_space<hbm>> -> memref<128x128xf32, #tpu.memory_space<hbm>>
        %dma_start3A_94 = arith.constant 0 : i32
        %dma_start3A_95 = tpu.memref_slice %arg6[%mul3A_70, %dma_start3A_94] : memref<320000x128xf32, #tpu.memory_space<hbm>> -> memref<128x128xf32, #tpu.memory_space<hbm>>
        tpu.enqueue_dma source(%arg9 : memref<128x128xf32, #tpu.memory_space<vmem>>) target(%dma_start3A_95 : memref<128x128xf32, #tpu.memory_space<hbm>>) target_semaphore(%run_scoped3A : memref<!tpu.dma_semaphore, #tpu.memory_space<semaphore_mem>>)
        %dma_wait3A_96 = arith.constant 0 : i32
        %dma_wait3A_97 = tpu.memref_slice %arg6[%mul3A_70, %dma_wait3A_96] : memref<320000x128xf32, #tpu.memory_space<hbm>> -> memref<128x128xf32, #tpu.memory_space<hbm>>
        %dma_wait3A_98 = arith.constant 0 : i32
        %dma_wait3A_99 = tpu.memref_slice %arg6[%mul3A_70, %dma_wait3A_98] : memref<320000x128xf32, #tpu.memory_space<hbm>> -> memref<128x128xf32, #tpu.memory_space<hbm>>
        tpu.wait_dma2 semaphore(%run_scoped3A : memref<!tpu.dma_semaphore, #tpu.memory_space<semaphore_mem>>) src(%arg9 : memref<128x128xf32, #tpu.memory_space<vmem>>) dst(%dma_wait3A_99 : memref<128x128xf32, #tpu.memory_space<hbm>>)
        tpu.yield
      }) : () -> ()
      %add3A_81 = arith.constant 2 : i32
      %add3A_82 = arith.addi %mul3A_60, %add3A_81 : i32
      %lt3A_83 = arith.cmpi slt, %add3A_82, %select_n3A : i32
      %convert_element_type3A_84 = arith.extui %lt3A_83 : i1 to i32
      %cond3A_85 = arith.constant 0 : i32
      %cond3A_86 = arith.cmpi ne, %convert_element_type3A_84, %cond3A_85 : i32
      scf.if %cond3A_86 {
        %add3A_93 = arith.constant 2 : i32
        %add3A_94 = arith.addi %mul3A_60, %add3A_93 : i32
        %mul3A_95 = arith.constant 32 : i32
        %mul3A_96 = arith.muli %add3A_94, %mul3A_95 : i32
        %add3A_97 = arith.addi %add3A, %mul3A_96 : i32
        %mul3A_98 = arith.constant 128 : i32
        %mul3A_99 = arith.muli %add3A_97, %mul3A_98 : i32
        "tpu.region"() ({
          %run_scoped3A = tpu.sem_alloc : memref<!tpu.dma_semaphore, #tpu.memory_space<semaphore_mem>>
          %dma_start3A_105 = tpu.memref_slice %arg4[%mul3A_99] : memref<320000xi32, #tpu.memory_space<hbm>> -> memref<128xi32, #tpu.memory_space<hbm>>
          %dma_start3A_106 = tpu.memref_slice %arg4[%mul3A_99] : memref<320000xi32, #tpu.memory_space<hbm>> -> memref<128xi32, #tpu.memory_space<hbm>>
          tpu.enqueue_dma source(%dma_start3A_106 : memref<128xi32, #tpu.memory_space<hbm>>) target(%arg7 : memref<128xi32, #tpu.memory_space<vmem>>) target_semaphore(%run_scoped3A : memref<!tpu.dma_semaphore, #tpu.memory_space<semaphore_mem>>)
          %dma_wait3A_107 = tpu.memref_slice %arg4[%mul3A_99] : memref<320000xi32, #tpu.memory_space<hbm>> -> memref<128xi32, #tpu.memory_space<hbm>>
          %dma_wait3A_108 = tpu.memref_slice %arg4[%mul3A_99] : memref<320000xi32, #tpu.memory_space<hbm>> -> memref<128xi32, #tpu.memory_space<hbm>>
          tpu.wait_dma2 semaphore(%run_scoped3A : memref<!tpu.dma_semaphore, #tpu.memory_space<semaphore_mem>>) src(%dma_wait3A_108 : memref<128xi32, #tpu.memory_space<hbm>>) dst(%arg7 : memref<128xi32, #tpu.memory_space<vmem>>)
          tpu.yield
        }) : () -> ()
        "tpu.region"() ({
          %run_scoped3A = tpu.sem_alloc : memref<!tpu.dma_semaphore, #tpu.memory_space<semaphore_mem>>
          %dma_start3A_105 = tpu.memref_slice %arg5[%mul3A_99] : memref<320000xi32, #tpu.memory_space<hbm>> -> memref<128xi32, #tpu.memory_space<hbm>>
          %dma_start3A_106 = tpu.memref_slice %arg5[%mul3A_99] : memref<320000xi32, #tpu.memory_space<hbm>> -> memref<128xi32, #tpu.memory_space<hbm>>
          tpu.enqueue_dma source(%dma_start3A_106 : memref<128xi32, #tpu.memory_space<hbm>>) target(%arg8 : memref<128xi32, #tpu.memory_space<vmem>>) target_semaphore(%run_scoped3A : memref<!tpu.dma_semaphore, #tpu.memory_space<semaphore_mem>>)
          %dma_wait3A_107 = tpu.memref_slice %arg5[%mul3A_99] : memref<320000xi32, #tpu.memory_space<hbm>> -> memref<128xi32, #tpu.memory_space<hbm>>
          %dma_wait3A_108 = tpu.memref_slice %arg5[%mul3A_99] : memref<320000xi32, #tpu.memory_space<hbm>> -> memref<128xi32, #tpu.memory_space<hbm>>
          tpu.wait_dma2 semaphore(%run_scoped3A : memref<!tpu.dma_semaphore, #tpu.memory_space<semaphore_mem>>) src(%dma_wait3A_108 : memref<128xi32, #tpu.memory_space<hbm>>) dst(%arg8 : memref<128xi32, #tpu.memory_space<vmem>>)
          tpu.yield
        }) : () -> ()
        %dma_start3A = arith.constant 0 : i32
        %dma_start3A_100 = arith.constant 0 : i32
        %dma_start3A_101 = tpu.memref_slice %arg2[%dma_start3A, %dma_start3A_100] : memref<10000x128xf32, #tpu.memory_space<hbm>> -> memref<10000x128xf32, #tpu.memory_space<hbm>>
        tpu.enqueue_indirect_dma source(%dma_start3A_101 : memref<10000x128xf32, #tpu.memory_space<hbm>>) target(%arg9 : memref<128x128xf32, #tpu.memory_space<vmem>>) offsets(%arg7 : memref<128xi32, #tpu.memory_space<vmem>>) semaphore(%arg15 : memref<!tpu.dma_semaphore, #tpu.memory_space<semaphore_mem>>)
        %dma_start3A_102 = arith.constant 0 : i32
        %dma_start3A_103 = arith.constant 0 : i32
        %dma_start3A_104 = tpu.memref_slice %arg3[%dma_start3A_102, %dma_start3A_103] : memref<10000x128xf32, #tpu.memory_space<hbm>> -> memref<10000x128xf32, #tpu.memory_space<hbm>>
        tpu.enqueue_indirect_dma source(%dma_start3A_104 : memref<10000x128xf32, #tpu.memory_space<hbm>>) target(%arg10 : memref<128x128xf32, #tpu.memory_space<vmem>>) offsets(%arg8 : memref<128xi32, #tpu.memory_space<vmem>>) semaphore(%arg15 : memref<!tpu.dma_semaphore, #tpu.memory_space<semaphore_mem>>)
      } else {
      }
      %add3A_87 = arith.constant 1 : i32
      %add3A_88 = arith.addi %mul3A_60, %add3A_87 : i32
      %lt3A_89 = arith.cmpi slt, %add3A_88, %select_n3A : i32
      %convert_element_type3A_90 = arith.extui %lt3A_89 : i1 to i32
      %cond3A_91 = arith.constant 0 : i32
      %cond3A_92 = arith.cmpi ne, %convert_element_type3A_90, %cond3A_91 : i32
      scf.if %cond3A_92 {
        %add3A_93 = arith.constant 1 : i32
        %add3A_94 = arith.addi %mul3A_60, %add3A_93 : i32
        %mul3A_95 = arith.constant 32 : i32
        %mul3A_96 = arith.muli %add3A_94, %mul3A_95 : i32
        %add3A_97 = arith.addi %add3A, %mul3A_96 : i32
        %mul3A_98 = arith.constant 128 : i32
        %mul3A_99 = arith.muli %add3A_97, %mul3A_98 : i32
        %dma_wait3A_100 = arith.constant 0 : i32
        %dma_wait3A_101 = arith.constant 0 : i32
        %dma_wait3A_102 = tpu.memref_slice %arg2[%dma_wait3A_100, %dma_wait3A_101] : memref<10000x128xf32, #tpu.memory_space<hbm>> -> memref<10000x128xf32, #tpu.memory_space<hbm>>
        tpu.wait_indirect_dma semaphore(%arg16 : memref<!tpu.dma_semaphore, #tpu.memory_space<semaphore_mem>>) src(%dma_wait3A_102 : memref<10000x128xf32, #tpu.memory_space<hbm>>) dst(%arg13 : memref<128x128xf32, #tpu.memory_space<vmem>>)
        %dma_wait3A_103 = arith.constant 0 : i32
        %dma_wait3A_104 = arith.constant 0 : i32
        %dma_wait3A_105 = tpu.memref_slice %arg3[%dma_wait3A_103, %dma_wait3A_104] : memref<10000x128xf32, #tpu.memory_space<hbm>> -> memref<10000x128xf32, #tpu.memory_space<hbm>>
        tpu.wait_indirect_dma semaphore(%arg16 : memref<!tpu.dma_semaphore, #tpu.memory_space<semaphore_mem>>) src(%dma_wait3A_105 : memref<10000x128xf32, #tpu.memory_space<hbm>>) dst(%arg14 : memref<128x128xf32, #tpu.memory_space<vmem>>)
        %scan3A_106 = arith.constant 0 : i32
        %scan3A_107 = arith.constant 0 : i32
        %scan3A_108 = arith.constant 128 : i32
        %scan3A_109 = arith.addi %scan3A_107, %scan3A_108 : i32
        %scan3A_110 = arith.constant 1 : i32
        scf.for %scan3A_112 = %scan3A_107 to %scan3A_109 step %scan3A_110  : i32 {
          %get3A = arith.index_cast %scan3A_112 : i32 to index
          %get3A_113 = arith.constant 0 : index
          %get3A_114 = tpu.vector_load %arg13[%get3A, %get3A_113] {strides = array<i32>} : memref<128x128xf32, #tpu.memory_space<vmem>>, vector<1x16xf32>,
          %get3A_115 = vector.shape_cast %get3A_114 : vector<1x16xf32> to vector<16xf32>
          %get3A_116 = arith.index_cast %scan3A_112 : i32 to index
          %get3A_117 = arith.constant 0 : index
          %get3A_118 = tpu.vector_load %arg14[%get3A_116, %get3A_117] {strides = array<i32>} : memref<128x128xf32, #tpu.memory_space<vmem>>, vector<1x16xf32>,
          %get3A_119 = vector.shape_cast %get3A_118 : vector<1x16xf32> to vector<16xf32>
          %add3A_120 = arith.addf %get3A_115, %get3A_119 : vector<16xf32>
          %swap3A = arith.index_cast %scan3A_112 : i32 to index
          %swap3A_121 = arith.constant 0 : index
          %swap3A_122 = tpu.vector_load %arg13[%swap3A, %swap3A_121] {strides = array<i32>} : memref<128x128xf32, #tpu.memory_space<vmem>>, vector<1x16xf32>,
          %swap3A_123 = vector.shape_cast %swap3A_122 : vector<1x16xf32> to vector<16xf32>
          %swap3A_124 = vector.shape_cast %add3A_120 : vector<16xf32> to vector<1x16xf32>
          tpu.vector_store %arg13[%swap3A, %swap3A_121], %swap3A_124 {strides = array<i32>} : memref<128x128xf32, #tpu.memory_space<vmem>>, vector<1x16xf32>,
          %get3A_125 = arith.index_cast %scan3A_112 : i32 to index
          %get3A_126 = arith.constant 16 : index
          %get3A_127 = tpu.vector_load %arg13[%get3A_125, %get3A_126] {strides = array<i32>} : memref<128x128xf32, #tpu.memory_space<vmem>>, vector<1x16xf32>,
          %get3A_128 = vector.shape_cast %get3A_127 : vector<1x16xf32> to vector<16xf32>
          %get3A_129 = arith.index_cast %scan3A_112 : i32 to index
          %get3A_130 = arith.constant 16 : index
          %get3A_131 = tpu.vector_load %arg14[%get3A_129, %get3A_130] {strides = array<i32>} : memref<128x128xf32, #tpu.memory_space<vmem>>, vector<1x16xf32>,
          %get3A_132 = vector.shape_cast %get3A_131 : vector<1x16xf32> to vector<16xf32>
          %add3A_133 = arith.addf %get3A_128, %get3A_132 : vector<16xf32>
          %swap3A_134 = arith.index_cast %scan3A_112 : i32 to index
          %swap3A_135 = arith.constant 16 : index
          %swap3A_136 = tpu.vector_load %arg13[%swap3A_134, %swap3A_135] {strides = array<i32>} : memref<128x128xf32, #tpu.memory_space<vmem>>, vector<1x16xf32>,
          %swap3A_137 = vector.shape_cast %swap3A_136 : vector<1x16xf32> to vector<16xf32>
          %swap3A_138 = vector.shape_cast %add3A_133 : vector<16xf32> to vector<1x16xf32>
          tpu.vector_store %arg13[%swap3A_134, %swap3A_135], %swap3A_138 {strides = array<i32>} : memref<128x128xf32, #tpu.memory_space<vmem>>, vector<1x16xf32>,
          %get3A_139 = arith.index_cast %scan3A_112 : i32 to index
          %get3A_140 = arith.constant 32 : index
          %get3A_141 = tpu.vector_load %arg13[%get3A_139, %get3A_140] {strides = array<i32>} : memref<128x128xf32, #tpu.memory_space<vmem>>, vector<1x16xf32>,
          %get3A_142 = vector.shape_cast %get3A_141 : vector<1x16xf32> to vector<16xf32>
          %get3A_143 = arith.index_cast %scan3A_112 : i32 to index
          %get3A_144 = arith.constant 32 : index
          %get3A_145 = tpu.vector_load %arg14[%get3A_143, %get3A_144] {strides = array<i32>} : memref<128x128xf32, #tpu.memory_space<vmem>>, vector<1x16xf32>,
          %get3A_146 = vector.shape_cast %get3A_145 : vector<1x16xf32> to vector<16xf32>
          %add3A_147 = arith.addf %get3A_142, %get3A_146 : vector<16xf32>
          %swap3A_148 = arith.index_cast %scan3A_112 : i32 to index
          %swap3A_149 = arith.constant 32 : index
          %swap3A_150 = tpu.vector_load %arg13[%swap3A_148, %swap3A_149] {strides = array<i32>} : memref<128x128xf32, #tpu.memory_space<vmem>>, vector<1x16xf32>,
          %swap3A_151 = vector.shape_cast %swap3A_150 : vector<1x16xf32> to vector<16xf32>
          %swap3A_152 = vector.shape_cast %add3A_147 : vector<16xf32> to vector<1x16xf32>
          tpu.vector_store %arg13[%swap3A_148, %swap3A_149], %swap3A_152 {strides = array<i32>} : memref<128x128xf32, #tpu.memory_space<vmem>>, vector<1x16xf32>,
          %get3A_153 = arith.index_cast %scan3A_112 : i32 to index
          %get3A_154 = arith.constant 48 : index
          %get3A_155 = tpu.vector_load %arg13[%get3A_153, %get3A_154] {strides = array<i32>} : memref<128x128xf32, #tpu.memory_space<vmem>>, vector<1x16xf32>,
          %get3A_156 = vector.shape_cast %get3A_155 : vector<1x16xf32> to vector<16xf32>
          %get3A_157 = arith.index_cast %scan3A_112 : i32 to index
          %get3A_158 = arith.constant 48 : index
          %get3A_159 = tpu.vector_load %arg14[%get3A_157, %get3A_158] {strides = array<i32>} : memref<128x128xf32, #tpu.memory_space<vmem>>, vector<1x16xf32>,
          %get3A_160 = vector.shape_cast %get3A_159 : vector<1x16xf32> to vector<16xf32>
          %add3A_161 = arith.addf %get3A_156, %get3A_160 : vector<16xf32>
          %swap3A_162 = arith.index_cast %scan3A_112 : i32 to index
          %swap3A_163 = arith.constant 48 : index
          %swap3A_164 = tpu.vector_load %arg13[%swap3A_162, %swap3A_163] {strides = array<i32>} : memref<128x128xf32, #tpu.memory_space<vmem>>, vector<1x16xf32>,
          %swap3A_165 = vector.shape_cast %swap3A_164 : vector<1x16xf32> to vector<16xf32>
          %swap3A_166 = vector.shape_cast %add3A_161 : vector<16xf32> to vector<1x16xf32>
          tpu.vector_store %arg13[%swap3A_162, %swap3A_163], %swap3A_166 {strides = array<i32>} : memref<128x128xf32, #tpu.memory_space<vmem>>, vector<1x16xf32>,
          %get3A_167 = arith.index_cast %scan3A_112 : i32 to index
          %get3A_168 = arith.constant 64 : index
          %get3A_169 = tpu.vector_load %arg13[%get3A_167, %get3A_168] {strides = array<i32>} : memref<128x128xf32, #tpu.memory_space<vmem>>, vector<1x16xf32>,
          %get3A_170 = vector.shape_cast %get3A_169 : vector<1x16xf32> to vector<16xf32>
          %get3A_171 = arith.index_cast %scan3A_112 : i32 to index
          %get3A_172 = arith.constant 64 : index
          %get3A_173 = tpu.vector_load %arg14[%get3A_171, %get3A_172] {strides = array<i32>} : memref<128x128xf32, #tpu.memory_space<vmem>>, vector<1x16xf32>,
          %get3A_174 = vector.shape_cast %get3A_173 : vector<1x16xf32> to vector<16xf32>
          %add3A_175 = arith.addf %get3A_170, %get3A_174 : vector<16xf32>
          %swap3A_176 = arith.index_cast %scan3A_112 : i32 to index
          %swap3A_177 = arith.constant 64 : index
          %swap3A_178 = tpu.vector_load %arg13[%swap3A_176, %swap3A_177] {strides = array<i32>} : memref<128x128xf32, #tpu.memory_space<vmem>>, vector<1x16xf32>,
          %swap3A_179 = vector.shape_cast %swap3A_178 : vector<1x16xf32> to vector<16xf32>
          %swap3A_180 = vector.shape_cast %add3A_175 : vector<16xf32> to vector<1x16xf32>
          tpu.vector_store %arg13[%swap3A_176, %swap3A_177], %swap3A_180 {strides = array<i32>} : memref<128x128xf32, #tpu.memory_space<vmem>>, vector<1x16xf32>,
          %get3A_181 = arith.index_cast %scan3A_112 : i32 to index
          %get3A_182 = arith.constant 80 : index
          %get3A_183 = tpu.vector_load %arg13[%get3A_181, %get3A_182] {strides = array<i32>} : memref<128x128xf32, #tpu.memory_space<vmem>>, vector<1x16xf32>,
          %get3A_184 = vector.shape_cast %get3A_183 : vector<1x16xf32> to vector<16xf32>
          %get3A_185 = arith.index_cast %scan3A_112 : i32 to index
          %get3A_186 = arith.constant 80 : index
          %get3A_187 = tpu.vector_load %arg14[%get3A_185, %get3A_186] {strides = array<i32>} : memref<128x128xf32, #tpu.memory_space<vmem>>, vector<1x16xf32>,
          %get3A_188 = vector.shape_cast %get3A_187 : vector<1x16xf32> to vector<16xf32>
          %add3A_189 = arith.addf %get3A_184, %get3A_188 : vector<16xf32>
          %swap3A_190 = arith.index_cast %scan3A_112 : i32 to index
          %swap3A_191 = arith.constant 80 : index
          %swap3A_192 = tpu.vector_load %arg13[%swap3A_190, %swap3A_191] {strides = array<i32>} : memref<128x128xf32, #tpu.memory_space<vmem>>, vector<1x16xf32>,
          %swap3A_193 = vector.shape_cast %swap3A_192 : vector<1x16xf32> to vector<16xf32>
          %swap3A_194 = vector.shape_cast %add3A_189 : vector<16xf32> to vector<1x16xf32>
          tpu.vector_store %arg13[%swap3A_190, %swap3A_191], %swap3A_194 {strides = array<i32>} : memref<128x128xf32, #tpu.memory_space<vmem>>, vector<1x16xf32>,
          %get3A_195 = arith.index_cast %scan3A_112 : i32 to index
          %get3A_196 = arith.constant 96 : index
          %get3A_197 = tpu.vector_load %arg13[%get3A_195, %get3A_196] {strides = array<i32>} : memref<128x128xf32, #tpu.memory_space<vmem>>, vector<1x16xf32>,
          %get3A_198 = vector.shape_cast %get3A_197 : vector<1x16xf32> to vector<16xf32>
          %get3A_199 = arith.index_cast %scan3A_112 : i32 to index
          %get3A_200 = arith.constant 96 : index
          %get3A_201 = tpu.vector_load %arg14[%get3A_199, %get3A_200] {strides = array<i32>} : memref<128x128xf32, #tpu.memory_space<vmem>>, vector<1x16xf32>,
          %get3A_202 = vector.shape_cast %get3A_201 : vector<1x16xf32> to vector<16xf32>
          %add3A_203 = arith.addf %get3A_198, %get3A_202 : vector<16xf32>
          %swap3A_204 = arith.index_cast %scan3A_112 : i32 to index
          %swap3A_205 = arith.constant 96 : index
          %swap3A_206 = tpu.vector_load %arg13[%swap3A_204, %swap3A_205] {strides = array<i32>} : memref<128x128xf32, #tpu.memory_space<vmem>>, vector<1x16xf32>,
          %swap3A_207 = vector.shape_cast %swap3A_206 : vector<1x16xf32> to vector<16xf32>
          %swap3A_208 = vector.shape_cast %add3A_203 : vector<16xf32> to vector<1x16xf32>
          tpu.vector_store %arg13[%swap3A_204, %swap3A_205], %swap3A_208 {strides = array<i32>} : memref<128x128xf32, #tpu.memory_space<vmem>>, vector<1x16xf32>,
          %get3A_209 = arith.index_cast %scan3A_112 : i32 to index
          %get3A_210 = arith.constant 112 : index
          %get3A_211 = tpu.vector_load %arg13[%get3A_209, %get3A_210] {strides = array<i32>} : memref<128x128xf32, #tpu.memory_space<vmem>>, vector<1x16xf32>,
          %get3A_212 = vector.shape_cast %get3A_211 : vector<1x16xf32> to vector<16xf32>
          %get3A_213 = arith.index_cast %scan3A_112 : i32 to index
          %get3A_214 = arith.constant 112 : index
          %get3A_215 = tpu.vector_load %arg14[%get3A_213, %get3A_214] {strides = array<i32>} : memref<128x128xf32, #tpu.memory_space<vmem>>, vector<1x16xf32>,
          %get3A_216 = vector.shape_cast %get3A_215 : vector<1x16xf32> to vector<16xf32>
          %add3A_217 = arith.addf %get3A_212, %get3A_216 : vector<16xf32>
          %swap3A_218 = arith.index_cast %scan3A_112 : i32 to index
          %swap3A_219 = arith.constant 112 : index
          %swap3A_220 = tpu.vector_load %arg13[%swap3A_218, %swap3A_219] {strides = array<i32>} : memref<128x128xf32, #tpu.memory_space<vmem>>, vector<1x16xf32>,
          %swap3A_221 = vector.shape_cast %swap3A_220 : vector<1x16xf32> to vector<16xf32>
          %swap3A_222 = vector.shape_cast %add3A_217 : vector<16xf32> to vector<1x16xf32>
          tpu.vector_store %arg13[%swap3A_218, %swap3A_219], %swap3A_222 {strides = array<i32>} : memref<128x128xf32, #tpu.memory_space<vmem>>, vector<1x16xf32>,
        }
        %scan3A_111 = arith.constant 128 : i32
        "tpu.region"() ({
          %run_scoped3A = tpu.sem_alloc : memref<!tpu.dma_semaphore, #tpu.memory_space<semaphore_mem>>
          %dma_start3A = arith.constant 0 : i32
          %dma_start3A_112 = tpu.memref_slice %arg6[%mul3A_99, %dma_start3A] : memref<320000x128xf32, #tpu.memory_space<hbm>> -> memref<128x128xf32, #tpu.memory_space<hbm>>
          %dma_start3A_113 = arith.constant 0 : i32
          %dma_start3A_114 = tpu.memref_slice %arg6[%mul3A_99, %dma_start3A_113] : memref<320000x128xf32, #tpu.memory_space<hbm>> -> memref<128x128xf32, #tpu.memory_space<hbm>>
          tpu.enqueue_dma source(%arg13 : memref<128x128xf32, #tpu.memory_space<vmem>>) target(%dma_start3A_114 : memref<128x128xf32, #tpu.memory_space<hbm>>) target_semaphore(%run_scoped3A : memref<!tpu.dma_semaphore, #tpu.memory_space<semaphore_mem>>)
          %dma_wait3A_115 = arith.constant 0 : i32
          %dma_wait3A_116 = tpu.memref_slice %arg6[%mul3A_99, %dma_wait3A_115] : memref<320000x128xf32, #tpu.memory_space<hbm>> -> memref<128x128xf32, #tpu.memory_space<hbm>>
          %dma_wait3A_117 = arith.constant 0 : i32
          %dma_wait3A_118 = tpu.memref_slice %arg6[%mul3A_99, %dma_wait3A_117] : memref<320000x128xf32, #tpu.memory_space<hbm>> -> memref<128x128xf32, #tpu.memory_space<hbm>>
          tpu.wait_dma2 semaphore(%run_scoped3A : memref<!tpu.dma_semaphore, #tpu.memory_space<semaphore_mem>>) src(%arg13 : memref<128x128xf32, #tpu.memory_space<vmem>>) dst(%dma_wait3A_118 : memref<128x128xf32, #tpu.memory_space<hbm>>)
          tpu.yield
        }) : () -> ()
      } else {
      }
    }
    %while3A_57 = arith.constant 1 : i32
    scf.for %while3A_58 = %while3A_55 to %while3A_51 step %while3A_57  : i32 {
      %mul3A_59 = arith.constant 2 : i32
      %mul3A_60 = arith.muli %mul3A_59, %while3A_58 : i32
      %add3A_61 = arith.constant 1 : i32
      %add3A_62 = arith.addi %mul3A_60, %add3A_61 : i32
      %lt3A = arith.cmpi slt, %add3A_62, %select_n3A : i32
      %convert_element_type3A_63 = arith.extui %lt3A : i1 to i32
      %cond3A_64 = arith.constant 0 : i32
      %cond3A_65 = arith.cmpi ne, %convert_element_type3A_63, %cond3A_64 : i32
      scf.if %cond3A_65 {
        %add3A_93 = arith.constant 1 : i32
        %add3A_94 = arith.addi %mul3A_60, %add3A_93 : i32
        %mul3A_95 = arith.constant 32 : i32
        %mul3A_96 = arith.muli %add3A_94, %mul3A_95 : i32
        %add3A_97 = arith.addi %add3A, %mul3A_96 : i32
        %mul3A_98 = arith.constant 128 : i32
        %mul3A_99 = arith.muli %add3A_97, %mul3A_98 : i32
        "tpu.region"() ({
          %run_scoped3A = tpu.sem_alloc : memref<!tpu.dma_semaphore, #tpu.memory_space<semaphore_mem>>
          %dma_start3A_105 = tpu.memref_slice %arg4[%mul3A_99] : memref<320000xi32, #tpu.memory_space<hbm>> -> memref<128xi32, #tpu.memory_space<hbm>>
          %dma_start3A_106 = tpu.memref_slice %arg4[%mul3A_99] : memref<320000xi32, #tpu.memory_space<hbm>> -> memref<128xi32, #tpu.memory_space<hbm>>
          tpu.enqueue_dma source(%dma_start3A_106 : memref<128xi32, #tpu.memory_space<hbm>>) target(%arg11 : memref<128xi32, #tpu.memory_space<vmem>>) target_semaphore(%run_scoped3A : memref<!tpu.dma_semaphore, #tpu.memory_space<semaphore_mem>>)
          %dma_wait3A_107 = tpu.memref_slice %arg4[%mul3A_99] : memref<320000xi32, #tpu.memory_space<hbm>> -> memref<128xi32, #tpu.memory_space<hbm>>
          %dma_wait3A_108 = tpu.memref_slice %arg4[%mul3A_99] : memref<320000xi32, #tpu.memory_space<hbm>> -> memref<128xi32, #tpu.memory_space<hbm>>
          tpu.wait_dma2 semaphore(%run_scoped3A : memref<!tpu.dma_semaphore, #tpu.memory_space<semaphore_mem>>) src(%dma_wait3A_108 : memref<128xi32, #tpu.memory_space<hbm>>) dst(%arg11 : memref<128xi32, #tpu.memory_space<vmem>>)
          tpu.yield
        }) : () -> ()
        "tpu.region"() ({
          %run_scoped3A = tpu.sem_alloc : memref<!tpu.dma_semaphore, #tpu.memory_space<semaphore_mem>>
          %dma_start3A_105 = tpu.memref_slice %arg5[%mul3A_99] : memref<320000xi32, #tpu.memory_space<hbm>> -> memref<128xi32, #tpu.memory_space<hbm>>
          %dma_start3A_106 = tpu.memref_slice %arg5[%mul3A_99] : memref<320000xi32, #tpu.memory_space<hbm>> -> memref<128xi32, #tpu.memory_space<hbm>>
          tpu.enqueue_dma source(%dma_start3A_106 : memref<128xi32, #tpu.memory_space<hbm>>) target(%arg12 : memref<128xi32, #tpu.memory_space<vmem>>) target_semaphore(%run_scoped3A : memref<!tpu.dma_semaphore, #tpu.memory_space<semaphore_mem>>)
          %dma_wait3A_107 = tpu.memref_slice %arg5[%mul3A_99] : memref<320000xi32, #tpu.memory_space<hbm>> -> memref<128xi32, #tpu.memory_space<hbm>>
          %dma_wait3A_108 = tpu.memref_slice %arg5[%mul3A_99] : memref<320000xi32, #tpu.memory_space<hbm>> -> memref<128xi32, #tpu.memory_space<hbm>>
          tpu.wait_dma2 semaphore(%run_scoped3A : memref<!tpu.dma_semaphore, #tpu.memory_space<semaphore_mem>>) src(%dma_wait3A_108 : memref<128xi32, #tpu.memory_space<hbm>>) dst(%arg12 : memref<128xi32, #tpu.memory_space<vmem>>)
          tpu.yield
        }) : () -> ()
        %dma_start3A = arith.constant 0 : i32
        %dma_start3A_100 = arith.constant 0 : i32
        %dma_start3A_101 = tpu.memref_slice %arg2[%dma_start3A, %dma_start3A_100] : memref<10000x128xf32, #tpu.memory_space<hbm>> -> memref<10000x128xf32, #tpu.memory_space<hbm>>
        tpu.enqueue_indirect_dma source(%dma_start3A_101 : memref<10000x128xf32, #tpu.memory_space<hbm>>) target(%arg13 : memref<128x128xf32, #tpu.memory_space<vmem>>) offsets(%arg11 : memref<128xi32, #tpu.memory_space<vmem>>) semaphore(%arg16 : memref<!tpu.dma_semaphore, #tpu.memory_space<semaphore_mem>>)
        %dma_start3A_102 = arith.constant 0 : i32
        %dma_start3A_103 = arith.constant 0 : i32
        %dma_start3A_104 = tpu.memref_slice %arg3[%dma_start3A_102, %dma_start3A_103] : memref<10000x128xf32, #tpu.memory_space<hbm>> -> memref<10000x128xf32, #tpu.memory_space<hbm>>
        tpu.enqueue_indirect_dma source(%dma_start3A_104 : memref<10000x128xf32, #tpu.memory_space<hbm>>) target(%arg14 : memref<128x128xf32, #tpu.memory_space<vmem>>) offsets(%arg12 : memref<128xi32, #tpu.memory_space<vmem>>) semaphore(%arg16 : memref<!tpu.dma_semaphore, #tpu.memory_space<semaphore_mem>>)
      } else {
      }
      %mul3A_66 = arith.constant 32 : i32
      %mul3A_67 = arith.muli %mul3A_60, %mul3A_66 : i32
      %add3A_68 = arith.addi %add3A, %mul3A_67 : i32
      %mul3A_69 = arith.constant 128 : i32
      %mul3A_70 = arith.muli %add3A_68, %mul3A_69 : i32
      %dma_wait3A = arith.constant 0 : i32
      %dma_wait3A_71 = arith.constant 0 : i32
      %dma_wait3A_72 = tpu.memref_slice %arg2[%dma_wait3A, %dma_wait3A_71] : memref<10000x128xf32, #tpu.memory_space<hbm>> -> memref<10000x128xf32, #tpu.memory_space<hbm>>
      tpu.wait_indirect_dma semaphore(%arg15 : memref<!tpu.dma_semaphore, #tpu.memory_space<semaphore_mem>>) src(%dma_wait3A_72 : memref<10000x128xf32, #tpu.memory_space<hbm>>) dst(%arg9 : memref<128x128xf32, #tpu.memory_space<vmem>>)
      %dma_wait3A_73 = arith.constant 0 : i32
      %dma_wait3A_74 = arith.constant 0 : i32
      %dma_wait3A_75 = tpu.memref_slice %arg3[%dma_wait3A_73, %dma_wait3A_74] : memref<10000x128xf32, #tpu.memory_space<hbm>> -> memref<10000x128xf32, #tpu.memory_space<hbm>>
      tpu.wait_indirect_dma semaphore(%arg15 : memref<!tpu.dma_semaphore, #tpu.memory_space<semaphore_mem>>) src(%dma_wait3A_75 : memref<10000x128xf32, #tpu.memory_space<hbm>>) dst(%arg10 : memref<128x128xf32, #tpu.memory_space<vmem>>)
      %scan3A = arith.constant 0 : i32
      %scan3A_76 = arith.constant 0 : i32
      %scan3A_77 = arith.constant 128 : i32
      %scan3A_78 = arith.addi %scan3A_76, %scan3A_77 : i32
      %scan3A_79 = arith.constant 1 : i32
      scf.for %scan3A_93 = %scan3A_76 to %scan3A_78 step %scan3A_79  : i32 {
        %get3A = arith.index_cast %scan3A_93 : i32 to index
        %get3A_94 = arith.constant 0 : index
        %get3A_95 = tpu.vector_load %arg9[%get3A, %get3A_94] {strides = array<i32>} : memref<128x128xf32, #tpu.memory_space<vmem>>, vector<1x16xf32>,
        %get3A_96 = vector.shape_cast %get3A_95 : vector<1x16xf32> to vector<16xf32>
        %get3A_97 = arith.index_cast %scan3A_93 : i32 to index
        %get3A_98 = arith.constant 0 : index
        %get3A_99 = tpu.vector_load %arg10[%get3A_97, %get3A_98] {strides = array<i32>} : memref<128x128xf32, #tpu.memory_space<vmem>>, vector<1x16xf32>,
        %get3A_100 = vector.shape_cast %get3A_99 : vector<1x16xf32> to vector<16xf32>
        %add3A_101 = arith.addf %get3A_96, %get3A_100 : vector<16xf32>
        %swap3A = arith.index_cast %scan3A_93 : i32 to index
        %swap3A_102 = arith.constant 0 : index
        %swap3A_103 = tpu.vector_load %arg9[%swap3A, %swap3A_102] {strides = array<i32>} : memref<128x128xf32, #tpu.memory_space<vmem>>, vector<1x16xf32>,
        %swap3A_104 = vector.shape_cast %swap3A_103 : vector<1x16xf32> to vector<16xf32>
        %swap3A_105 = vector.shape_cast %add3A_101 : vector<16xf32> to vector<1x16xf32>
        tpu.vector_store %arg9[%swap3A, %swap3A_102], %swap3A_105 {strides = array<i32>} : memref<128x128xf32, #tpu.memory_space<vmem>>, vector<1x16xf32>,
        %get3A_106 = arith.index_cast %scan3A_93 : i32 to index
        %get3A_107 = arith.constant 16 : index
        %get3A_108 = tpu.vector_load %arg9[%get3A_106, %get3A_107] {strides = array<i32>} : memref<128x128xf32, #tpu.memory_space<vmem>>, vector<1x16xf32>,
        %get3A_109 = vector.shape_cast %get3A_108 : vector<1x16xf32> to vector<16xf32>
        %get3A_110 = arith.index_cast %scan3A_93 : i32 to index
        %get3A_111 = arith.constant 16 : index
        %get3A_112 = tpu.vector_load %arg10[%get3A_110, %get3A_111] {strides = array<i32>} : memref<128x128xf32, #tpu.memory_space<vmem>>, vector<1x16xf32>,
        %get3A_113 = vector.shape_cast %get3A_112 : vector<1x16xf32> to vector<16xf32>
        %add3A_114 = arith.addf %get3A_109, %get3A_113 : vector<16xf32>
        %swap3A_115 = arith.index_cast %scan3A_93 : i32 to index
        %swap3A_116 = arith.constant 16 : index
        %swap3A_117 = tpu.vector_load %arg9[%swap3A_115, %swap3A_116] {strides = array<i32>} : memref<128x128xf32, #tpu.memory_space<vmem>>, vector<1x16xf32>,
        %swap3A_118 = vector.shape_cast %swap3A_117 : vector<1x16xf32> to vector<16xf32>
        %swap3A_119 = vector.shape_cast %add3A_114 : vector<16xf32> to vector<1x16xf32>
        tpu.vector_store %arg9[%swap3A_115, %swap3A_116], %swap3A_119 {strides = array<i32>} : memref<128x128xf32, #tpu.memory_space<vmem>>, vector<1x16xf32>,
        %get3A_120 = arith.index_cast %scan3A_93 : i32 to index
        %get3A_121 = arith.constant 32 : index
        %get3A_122 = tpu.vector_load %arg9[%get3A_120, %get3A_121] {strides = array<i32>} : memref<128x128xf32, #tpu.memory_space<vmem>>, vector<1x16xf32>,
        %get3A_123 = vector.shape_cast %get3A_122 : vector<1x16xf32> to vector<16xf32>
        %get3A_124 = arith.index_cast %scan3A_93 : i32 to index
        %get3A_125 = arith.constant 32 : index
        %get3A_126 = tpu.vector_load %arg10[%get3A_124, %get3A_125] {strides = array<i32>} : memref<128x128xf32, #tpu.memory_space<vmem>>, vector<1x16xf32>,
        %get3A_127 = vector.shape_cast %get3A_126 : vector<1x16xf32> to vector<16xf32>
        %add3A_128 = arith.addf %get3A_123, %get3A_127 : vector<16xf32>
        %swap3A_129 = arith.index_cast %scan3A_93 : i32 to index
        %swap3A_130 = arith.constant 32 : index
        %swap3A_131 = tpu.vector_load %arg9[%swap3A_129, %swap3A_130] {strides = array<i32>} : memref<128x128xf32, #tpu.memory_space<vmem>>, vector<1x16xf32>,
        %swap3A_132 = vector.shape_cast %swap3A_131 : vector<1x16xf32> to vector<16xf32>
        %swap3A_133 = vector.shape_cast %add3A_128 : vector<16xf32> to vector<1x16xf32>
        tpu.vector_store %arg9[%swap3A_129, %swap3A_130], %swap3A_133 {strides = array<i32>} : memref<128x128xf32, #tpu.memory_space<vmem>>, vector<1x16xf32>,
        %get3A_134 = arith.index_cast %scan3A_93 : i32 to index
        %get3A_135 = arith.constant 48 : index
        %get3A_136 = tpu.vector_load %arg9[%get3A_134, %get3A_135] {strides = array<i32>} : memref<128x128xf32, #tpu.memory_space<vmem>>, vector<1x16xf32>,
        %get3A_137 = vector.shape_cast %get3A_136 : vector<1x16xf32> to vector<16xf32>
        %get3A_138 = arith.index_cast %scan3A_93 : i32 to index
        %get3A_139 = arith.constant 48 : index
        %get3A_140 = tpu.vector_load %arg10[%get3A_138, %get3A_139] {strides = array<i32>} : memref<128x128xf32, #tpu.memory_space<vmem>>, vector<1x16xf32>,
        %get3A_141 = vector.shape_cast %get3A_140 : vector<1x16xf32> to vector<16xf32>
        %add3A_142 = arith.addf %get3A_137, %get3A_141 : vector<16xf32>
        %swap3A_143 = arith.index_cast %scan3A_93 : i32 to index
        %swap3A_144 = arith.constant 48 : index
        %swap3A_145 = tpu.vector_load %arg9[%swap3A_143, %swap3A_144] {strides = array<i32>} : memref<128x128xf32, #tpu.memory_space<vmem>>, vector<1x16xf32>,
        %swap3A_146 = vector.shape_cast %swap3A_145 : vector<1x16xf32> to vector<16xf32>
        %swap3A_147 = vector.shape_cast %add3A_142 : vector<16xf32> to vector<1x16xf32>
        tpu.vector_store %arg9[%swap3A_143, %swap3A_144], %swap3A_147 {strides = array<i32>} : memref<128x128xf32, #tpu.memory_space<vmem>>, vector<1x16xf32>,
        %get3A_148 = arith.index_cast %scan3A_93 : i32 to index
        %get3A_149 = arith.constant 64 : index
        %get3A_150 = tpu.vector_load %arg9[%get3A_148, %get3A_149] {strides = array<i32>} : memref<128x128xf32, #tpu.memory_space<vmem>>, vector<1x16xf32>,
        %get3A_151 = vector.shape_cast %get3A_150 : vector<1x16xf32> to vector<16xf32>
        %get3A_152 = arith.index_cast %scan3A_93 : i32 to index
        %get3A_153 = arith.constant 64 : index
        %get3A_154 = tpu.vector_load %arg10[%get3A_152, %get3A_153] {strides = array<i32>} : memref<128x128xf32, #tpu.memory_space<vmem>>, vector<1x16xf32>,
        %get3A_155 = vector.shape_cast %get3A_154 : vector<1x16xf32> to vector<16xf32>
        %add3A_156 = arith.addf %get3A_151, %get3A_155 : vector<16xf32>
        %swap3A_157 = arith.index_cast %scan3A_93 : i32 to index
        %swap3A_158 = arith.constant 64 : index
        %swap3A_159 = tpu.vector_load %arg9[%swap3A_157, %swap3A_158] {strides = array<i32>} : memref<128x128xf32, #tpu.memory_space<vmem>>, vector<1x16xf32>,
        %swap3A_160 = vector.shape_cast %swap3A_159 : vector<1x16xf32> to vector<16xf32>
        %swap3A_161 = vector.shape_cast %add3A_156 : vector<16xf32> to vector<1x16xf32>
        tpu.vector_store %arg9[%swap3A_157, %swap3A_158], %swap3A_161 {strides = array<i32>} : memref<128x128xf32, #tpu.memory_space<vmem>>, vector<1x16xf32>,
        %get3A_162 = arith.index_cast %scan3A_93 : i32 to index
        %get3A_163 = arith.constant 80 : index
        %get3A_164 = tpu.vector_load %arg9[%get3A_162, %get3A_163] {strides = array<i32>} : memref<128x128xf32, #tpu.memory_space<vmem>>, vector<1x16xf32>,
        %get3A_165 = vector.shape_cast %get3A_164 : vector<1x16xf32> to vector<16xf32>
        %get3A_166 = arith.index_cast %scan3A_93 : i32 to index
        %get3A_167 = arith.constant 80 : index
        %get3A_168 = tpu.vector_load %arg10[%get3A_166, %get3A_167] {strides = array<i32>} : memref<128x128xf32, #tpu.memory_space<vmem>>, vector<1x16xf32>,
        %get3A_169 = vector.shape_cast %get3A_168 : vector<1x16xf32> to vector<16xf32>
        %add3A_170 = arith.addf %get3A_165, %get3A_169 : vector<16xf32>
        %swap3A_171 = arith.index_cast %scan3A_93 : i32 to index
        %swap3A_172 = arith.constant 80 : index
        %swap3A_173 = tpu.vector_load %arg9[%swap3A_171, %swap3A_172] {strides = array<i32>} : memref<128x128xf32, #tpu.memory_space<vmem>>, vector<1x16xf32>,
        %swap3A_174 = vector.shape_cast %swap3A_173 : vector<1x16xf32> to vector<16xf32>
        %swap3A_175 = vector.shape_cast %add3A_170 : vector<16xf32> to vector<1x16xf32>
        tpu.vector_store %arg9[%swap3A_171, %swap3A_172], %swap3A_175 {strides = array<i32>} : memref<128x128xf32, #tpu.memory_space<vmem>>, vector<1x16xf32>,
        %get3A_176 = arith.index_cast %scan3A_93 : i32 to index
        %get3A_177 = arith.constant 96 : index
        %get3A_178 = tpu.vector_load %arg9[%get3A_176, %get3A_177] {strides = array<i32>} : memref<128x128xf32, #tpu.memory_space<vmem>>, vector<1x16xf32>,
        %get3A_179 = vector.shape_cast %get3A_178 : vector<1x16xf32> to vector<16xf32>
        %get3A_180 = arith.index_cast %scan3A_93 : i32 to index
        %get3A_181 = arith.constant 96 : index
        %get3A_182 = tpu.vector_load %arg10[%get3A_180, %get3A_181] {strides = array<i32>} : memref<128x128xf32, #tpu.memory_space<vmem>>, vector<1x16xf32>,
        %get3A_183 = vector.shape_cast %get3A_182 : vector<1x16xf32> to vector<16xf32>
        %add3A_184 = arith.addf %get3A_179, %get3A_183 : vector<16xf32>
        %swap3A_185 = arith.index_cast %scan3A_93 : i32 to index
        %swap3A_186 = arith.constant 96 : index
        %swap3A_187 = tpu.vector_load %arg9[%swap3A_185, %swap3A_186] {strides = array<i32>} : memref<128x128xf32, #tpu.memory_space<vmem>>, vector<1x16xf32>,
        %swap3A_188 = vector.shape_cast %swap3A_187 : vector<1x16xf32> to vector<16xf32>
        %swap3A_189 = vector.shape_cast %add3A_184 : vector<16xf32> to vector<1x16xf32>
        tpu.vector_store %arg9[%swap3A_185, %swap3A_186], %swap3A_189 {strides = array<i32>} : memref<128x128xf32, #tpu.memory_space<vmem>>, vector<1x16xf32>,
        %get3A_190 = arith.index_cast %scan3A_93 : i32 to index
        %get3A_191 = arith.constant 112 : index
        %get3A_192 = tpu.vector_load %arg9[%get3A_190, %get3A_191] {strides = array<i32>} : memref<128x128xf32, #tpu.memory_space<vmem>>, vector<1x16xf32>,
        %get3A_193 = vector.shape_cast %get3A_192 : vector<1x16xf32> to vector<16xf32>
        %get3A_194 = arith.index_cast %scan3A_93 : i32 to index
        %get3A_195 = arith.constant 112 : index
        %get3A_196 = tpu.vector_load %arg10[%get3A_194, %get3A_195] {strides = array<i32>} : memref<128x128xf32, #tpu.memory_space<vmem>>, vector<1x16xf32>,
        %get3A_197 = vector.shape_cast %get3A_196 : vector<1x16xf32> to vector<16xf32>
        %add3A_198 = arith.addf %get3A_193, %get3A_197 : vector<16xf32>
        %swap3A_199 = arith.index_cast %scan3A_93 : i32 to index
        %swap3A_200 = arith.constant 112 : index
        %swap3A_201 = tpu.vector_load %arg9[%swap3A_199, %swap3A_200] {strides = array<i32>} : memref<128x128xf32, #tpu.memory_space<vmem>>, vector<1x16xf32>,
        %swap3A_202 = vector.shape_cast %swap3A_201 : vector<1x16xf32> to vector<16xf32>
        %swap3A_203 = vector.shape_cast %add3A_198 : vector<16xf32> to vector<1x16xf32>
        tpu.vector_store %arg9[%swap3A_199, %swap3A_200], %swap3A_203 {strides = array<i32>} : memref<128x128xf32, #tpu.memory_space<vmem>>, vector<1x16xf32>,
      }
      %scan3A_80 = arith.constant 128 : i32
      "tpu.region"() ({
        %run_scoped3A = tpu.sem_alloc : memref<!tpu.dma_semaphore, #tpu.memory_space<semaphore_mem>>
        %dma_start3A = arith.constant 0 : i32
        %dma_start3A_93 = tpu.memref_slice %arg6[%mul3A_70, %dma_start3A] : memref<320000x128xf32, #tpu.memory_space<hbm>> -> memref<128x128xf32, #tpu.memory_space<hbm>>
        %dma_start3A_94 = arith.constant 0 : i32
        %dma_start3A_95 = tpu.memref_slice %arg6[%mul3A_70, %dma_start3A_94] : memref<320000x128xf32, #tpu.memory_space<hbm>> -> memref<128x128xf32, #tpu.memory_space<hbm>>
        tpu.enqueue_dma source(%arg9 : memref<128x128xf32, #tpu.memory_space<vmem>>) target(%dma_start3A_95 : memref<128x128xf32, #tpu.memory_space<hbm>>) target_semaphore(%run_scoped3A : memref<!tpu.dma_semaphore, #tpu.memory_space<semaphore_mem>>)
        %dma_wait3A_96 = arith.constant 0 : i32
        %dma_wait3A_97 = tpu.memref_slice %arg6[%mul3A_70, %dma_wait3A_96] : memref<320000x128xf32, #tpu.memory_space<hbm>> -> memref<128x128xf32, #tpu.memory_space<hbm>>
        %dma_wait3A_98 = arith.constant 0 : i32
        %dma_wait3A_99 = tpu.memref_slice %arg6[%mul3A_70, %dma_wait3A_98] : memref<320000x128xf32, #tpu.memory_space<hbm>> -> memref<128x128xf32, #tpu.memory_space<hbm>>
        tpu.wait_dma2 semaphore(%run_scoped3A : memref<!tpu.dma_semaphore, #tpu.memory_space<semaphore_mem>>) src(%arg9 : memref<128x128xf32, #tpu.memory_space<vmem>>) dst(%dma_wait3A_99 : memref<128x128xf32, #tpu.memory_space<hbm>>)
        tpu.yield
      }) : () -> ()
      %add3A_81 = arith.constant 2 : i32
      %add3A_82 = arith.addi %mul3A_60, %add3A_81 : i32
      %lt3A_83 = arith.cmpi slt, %add3A_82, %select_n3A : i32
      %convert_element_type3A_84 = arith.extui %lt3A_83 : i1 to i32
      %cond3A_85 = arith.constant 0 : i32
      %cond3A_86 = arith.cmpi ne, %convert_element_type3A_84, %cond3A_85 : i32
      scf.if %cond3A_86 {
        %add3A_93 = arith.constant 2 : i32
        %add3A_94 = arith.addi %mul3A_60, %add3A_93 : i32
        %mul3A_95 = arith.constant 32 : i32
        %mul3A_96 = arith.muli %add3A_94, %mul3A_95 : i32
        %add3A_97 = arith.addi %add3A, %mul3A_96 : i32
        %mul3A_98 = arith.constant 128 : i32
        %mul3A_99 = arith.muli %add3A_97, %mul3A_98 : i32
        "tpu.region"() ({
          %run_scoped3A = tpu.sem_alloc : memref<!tpu.dma_semaphore, #tpu.memory_space<semaphore_mem>>
          %dma_start3A_105 = tpu.memref_slice %arg4[%mul3A_99] : memref<320000xi32, #tpu.memory_space<hbm>> -> memref<128xi32, #tpu.memory_space<hbm>>
          %dma_start3A_106 = tpu.memref_slice %arg4[%mul3A_99] : memref<320000xi32, #tpu.memory_space<hbm>> -> memref<128xi32, #tpu.memory_space<hbm>>
          tpu.enqueue_dma source(%dma_start3A_106 : memref<128xi32, #tpu.memory_space<hbm>>) target(%arg7 : memref<128xi32, #tpu.memory_space<vmem>>) target_semaphore(%run_scoped3A : memref<!tpu.dma_semaphore, #tpu.memory_space<semaphore_mem>>)
          %dma_wait3A_107 = tpu.memref_slice %arg4[%mul3A_99] : memref<320000xi32, #tpu.memory_space<hbm>> -> memref<128xi32, #tpu.memory_space<hbm>>
          %dma_wait3A_108 = tpu.memref_slice %arg4[%mul3A_99] : memref<320000xi32, #tpu.memory_space<hbm>> -> memref<128xi32, #tpu.memory_space<hbm>>
          tpu.wait_dma2 semaphore(%run_scoped3A : memref<!tpu.dma_semaphore, #tpu.memory_space<semaphore_mem>>) src(%dma_wait3A_108 : memref<128xi32, #tpu.memory_space<hbm>>) dst(%arg7 : memref<128xi32, #tpu.memory_space<vmem>>)
          tpu.yield
        }) : () -> ()
        "tpu.region"() ({
          %run_scoped3A = tpu.sem_alloc : memref<!tpu.dma_semaphore, #tpu.memory_space<semaphore_mem>>
          %dma_start3A_105 = tpu.memref_slice %arg5[%mul3A_99] : memref<320000xi32, #tpu.memory_space<hbm>> -> memref<128xi32, #tpu.memory_space<hbm>>
          %dma_start3A_106 = tpu.memref_slice %arg5[%mul3A_99] : memref<320000xi32, #tpu.memory_space<hbm>> -> memref<128xi32, #tpu.memory_space<hbm>>
          tpu.enqueue_dma source(%dma_start3A_106 : memref<128xi32, #tpu.memory_space<hbm>>) target(%arg8 : memref<128xi32, #tpu.memory_space<vmem>>) target_semaphore(%run_scoped3A : memref<!tpu.dma_semaphore, #tpu.memory_space<semaphore_mem>>)
          %dma_wait3A_107 = tpu.memref_slice %arg5[%mul3A_99] : memref<320000xi32, #tpu.memory_space<hbm>> -> memref<128xi32, #tpu.memory_space<hbm>>
          %dma_wait3A_108 = tpu.memref_slice %arg5[%mul3A_99] : memref<320000xi32, #tpu.memory_space<hbm>> -> memref<128xi32, #tpu.memory_space<hbm>>
          tpu.wait_dma2 semaphore(%run_scoped3A : memref<!tpu.dma_semaphore, #tpu.memory_space<semaphore_mem>>) src(%dma_wait3A_108 : memref<128xi32, #tpu.memory_space<hbm>>) dst(%arg8 : memref<128xi32, #tpu.memory_space<vmem>>)
          tpu.yield
        }) : () -> ()
        %dma_start3A = arith.constant 0 : i32
        %dma_start3A_100 = arith.constant 0 : i32
        %dma_start3A_101 = tpu.memref_slice %arg2[%dma_start3A, %dma_start3A_100] : memref<10000x128xf32, #tpu.memory_space<hbm>> -> memref<10000x128xf32, #tpu.memory_space<hbm>>
        tpu.enqueue_indirect_dma source(%dma_start3A_101 : memref<10000x128xf32, #tpu.memory_space<hbm>>) target(%arg9 : memref<128x128xf32, #tpu.memory_space<vmem>>) offsets(%arg7 : memref<128xi32, #tpu.memory_space<vmem>>) semaphore(%arg15 : memref<!tpu.dma_semaphore, #tpu.memory_space<semaphore_mem>>)
        %dma_start3A_102 = arith.constant 0 : i32
        %dma_start3A_103 = arith.constant 0 : i32
        %dma_start3A_104 = tpu.memref_slice %arg3[%dma_start3A_102, %dma_start3A_103] : memref<10000x128xf32, #tpu.memory_space<hbm>> -> memref<10000x128xf32, #tpu.memory_space<hbm>>
        tpu.enqueue_indirect_dma source(%dma_start3A_104 : memref<10000x128xf32, #tpu.memory_space<hbm>>) target(%arg10 : memref<128x128xf32, #tpu.memory_space<vmem>>) offsets(%arg8 : memref<128xi32, #tpu.memory_space<vmem>>) semaphore(%arg15 : memref<!tpu.dma_semaphore, #tpu.memory_space<semaphore_mem>>)
      } else {
      }
      %add3A_87 = arith.constant 1 : i32
      %add3A_88 = arith.addi %mul3A_60, %add3A_87 : i32
      %lt3A_89 = arith.cmpi slt, %add3A_88, %select_n3A : i32
      %convert_element_type3A_90 = arith.extui %lt3A_89 : i1 to i32
      %cond3A_91 = arith.constant 0 : i32
      %cond3A_92 = arith.cmpi ne, %convert_element_type3A_90, %cond3A_91 : i32
      scf.if %cond3A_92 {
        %add3A_93 = arith.constant 1 : i32
        %add3A_94 = arith.addi %mul3A_60, %add3A_93 : i32
        %mul3A_95 = arith.constant 32 : i32
        %mul3A_96 = arith.muli %add3A_94, %mul3A_95 : i32
        %add3A_97 = arith.addi %add3A, %mul3A_96 : i32
        %mul3A_98 = arith.constant 128 : i32
        %mul3A_99 = arith.muli %add3A_97, %mul3A_98 : i32
        %dma_wait3A_100 = arith.constant 0 : i32
        %dma_wait3A_101 = arith.constant 0 : i32
        %dma_wait3A_102 = tpu.memref_slice %arg2[%dma_wait3A_100, %dma_wait3A_101] : memref<10000x128xf32, #tpu.memory_space<hbm>> -> memref<10000x128xf32, #tpu.memory_space<hbm>>
        tpu.wait_indirect_dma semaphore(%arg16 : memref<!tpu.dma_semaphore, #tpu.memory_space<semaphore_mem>>) src(%dma_wait3A_102 : memref<10000x128xf32, #tpu.memory_space<hbm>>) dst(%arg13 : memref<128x128xf32, #tpu.memory_space<vmem>>)
        %dma_wait3A_103 = arith.constant 0 : i32
        %dma_wait3A_104 = arith.constant 0 : i32
        %dma_wait3A_105 = tpu.memref_slice %arg3[%dma_wait3A_103, %dma_wait3A_104] : memref<10000x128xf32, #tpu.memory_space<hbm>> -> memref<10000x128xf32, #tpu.memory_space<hbm>>
        tpu.wait_indirect_dma semaphore(%arg16 : memref<!tpu.dma_semaphore, #tpu.memory_space<semaphore_mem>>) src(%dma_wait3A_105 : memref<10000x128xf32, #tpu.memory_space<hbm>>) dst(%arg14 : memref<128x128xf32, #tpu.memory_space<vmem>>)
        %scan3A_106 = arith.constant 0 : i32
        %scan3A_107 = arith.constant 0 : i32
        %scan3A_108 = arith.constant 128 : i32
        %scan3A_109 = arith.addi %scan3A_107, %scan3A_108 : i32
        %scan3A_110 = arith.constant 1 : i32
        scf.for %scan3A_112 = %scan3A_107 to %scan3A_109 step %scan3A_110  : i32 {
          %get3A = arith.index_cast %scan3A_112 : i32 to index
          %get3A_113 = arith.constant 0 : index
          %get3A_114 = tpu.vector_load %arg13[%get3A, %get3A_113] {strides = array<i32>} : memref<128x128xf32, #tpu.memory_space<vmem>>, vector<1x16xf32>,
          %get3A_115 = vector.shape_cast %get3A_114 : vector<1x16xf32> to vector<16xf32>
          %get3A_116 = arith.index_cast %scan3A_112 : i32 to index
          %get3A_117 = arith.constant 0 : index
          %get3A_118 = tpu.vector_load %arg14[%get3A_116, %get3A_117] {strides = array<i32>} : memref<128x128xf32, #tpu.memory_space<vmem>>, vector<1x16xf32>,
          %get3A_119 = vector.shape_cast %get3A_118 : vector<1x16xf32> to vector<16xf32>
          %add3A_120 = arith.addf %get3A_115, %get3A_119 : vector<16xf32>
          %swap3A = arith.index_cast %scan3A_112 : i32 to index
          %swap3A_121 = arith.constant 0 : index
          %swap3A_122 = tpu.vector_load %arg13[%swap3A, %swap3A_121] {strides = array<i32>} : memref<128x128xf32, #tpu.memory_space<vmem>>, vector<1x16xf32>,
          %swap3A_123 = vector.shape_cast %swap3A_122 : vector<1x16xf32> to vector<16xf32>
          %swap3A_124 = vector.shape_cast %add3A_120 : vector<16xf32> to vector<1x16xf32>
          tpu.vector_store %arg13[%swap3A, %swap3A_121], %swap3A_124 {strides = array<i32>} : memref<128x128xf32, #tpu.memory_space<vmem>>, vector<1x16xf32>,
          %get3A_125 = arith.index_cast %scan3A_112 : i32 to index
          %get3A_126 = arith.constant 16 : index
          %get3A_127 = tpu.vector_load %arg13[%get3A_125, %get3A_126] {strides = array<i32>} : memref<128x128xf32, #tpu.memory_space<vmem>>, vector<1x16xf32>,
          %get3A_128 = vector.shape_cast %get3A_127 : vector<1x16xf32> to vector<16xf32>
          %get3A_129 = arith.index_cast %scan3A_112 : i32 to index
          %get3A_130 = arith.constant 16 : index
          %get3A_131 = tpu.vector_load %arg14[%get3A_129, %get3A_130] {strides = array<i32>} : memref<128x128xf32, #tpu.memory_space<vmem>>, vector<1x16xf32>,
          %get3A_132 = vector.shape_cast %get3A_131 : vector<1x16xf32> to vector<16xf32>
          %add3A_133 = arith.addf %get3A_128, %get3A_132 : vector<16xf32>
          %swap3A_134 = arith.index_cast %scan3A_112 : i32 to index
          %swap3A_135 = arith.constant 16 : index
          %swap3A_136 = tpu.vector_load %arg13[%swap3A_134, %swap3A_135] {strides = array<i32>} : memref<128x128xf32, #tpu.memory_space<vmem>>, vector<1x16xf32>,
          %swap3A_137 = vector.shape_cast %swap3A_136 : vector<1x16xf32> to vector<16xf32>
          %swap3A_138 = vector.shape_cast %add3A_133 : vector<16xf32> to vector<1x16xf32>
          tpu.vector_store %arg13[%swap3A_134, %swap3A_135], %swap3A_138 {strides = array<i32>} : memref<128x128xf32, #tpu.memory_space<vmem>>, vector<1x16xf32>,
          %get3A_139 = arith.index_cast %scan3A_112 : i32 to index
          %get3A_140 = arith.constant 32 : index
          %get3A_141 = tpu.vector_load %arg13[%get3A_139, %get3A_140] {strides = array<i32>} : memref<128x128xf32, #tpu.memory_space<vmem>>, vector<1x16xf32>,
          %get3A_142 = vector.shape_cast %get3A_141 : vector<1x16xf32> to vector<16xf32>
          %get3A_143 = arith.index_cast %scan3A_112 : i32 to index
          %get3A_144 = arith.constant 32 : index
          %get3A_145 = tpu.vector_load %arg14[%get3A_143, %get3A_144] {strides = array<i32>} : memref<128x128xf32, #tpu.memory_space<vmem>>, vector<1x16xf32>,
          %get3A_146 = vector.shape_cast %get3A_145 : vector<1x16xf32> to vector<16xf32>
          %add3A_147 = arith.addf %get3A_142, %get3A_146 : vector<16xf32>
          %swap3A_148 = arith.index_cast %scan3A_112 : i32 to index
          %swap3A_149 = arith.constant 32 : index
          %swap3A_150 = tpu.vector_load %arg13[%swap3A_148, %swap3A_149] {strides = array<i32>} : memref<128x128xf32, #tpu.memory_space<vmem>>, vector<1x16xf32>,
          %swap3A_151 = vector.shape_cast %swap3A_150 : vector<1x16xf32> to vector<16xf32>
          %swap3A_152 = vector.shape_cast %add3A_147 : vector<16xf32> to vector<1x16xf32>
          tpu.vector_store %arg13[%swap3A_148, %swap3A_149], %swap3A_152 {strides = array<i32>} : memref<128x128xf32, #tpu.memory_space<vmem>>, vector<1x16xf32>,
          %get3A_153 = arith.index_cast %scan3A_112 : i32 to index
          %get3A_154 = arith.constant 48 : index
          %get3A_155 = tpu.vector_load %arg13[%get3A_153, %get3A_154] {strides = array<i32>} : memref<128x128xf32, #tpu.memory_space<vmem>>, vector<1x16xf32>,
          %get3A_156 = vector.shape_cast %get3A_155 : vector<1x16xf32> to vector<16xf32>
          %get3A_157 = arith.index_cast %scan3A_112 : i32 to index
          %get3A_158 = arith.constant 48 : index
          %get3A_159 = tpu.vector_load %arg14[%get3A_157, %get3A_158] {strides = array<i32>} : memref<128x128xf32, #tpu.memory_space<vmem>>, vector<1x16xf32>,
          %get3A_160 = vector.shape_cast %get3A_159 : vector<1x16xf32> to vector<16xf32>
          %add3A_161 = arith.addf %get3A_156, %get3A_160 : vector<16xf32>
          %swap3A_162 = arith.index_cast %scan3A_112 : i32 to index
          %swap3A_163 = arith.constant 48 : index
          %swap3A_164 = tpu.vector_load %arg13[%swap3A_162, %swap3A_163] {strides = array<i32>} : memref<128x128xf32, #tpu.memory_space<vmem>>, vector<1x16xf32>,
          %swap3A_165 = vector.shape_cast %swap3A_164 : vector<1x16xf32> to vector<16xf32>
          %swap3A_166 = vector.shape_cast %add3A_161 : vector<16xf32> to vector<1x16xf32>
          tpu.vector_store %arg13[%swap3A_162, %swap3A_163], %swap3A_166 {strides = array<i32>} : memref<128x128xf32, #tpu.memory_space<vmem>>, vector<1x16xf32>,
          %get3A_167 = arith.index_cast %scan3A_112 : i32 to index
          %get3A_168 = arith.constant 64 : index
          %get3A_169 = tpu.vector_load %arg13[%get3A_167, %get3A_168] {strides = array<i32>} : memref<128x128xf32, #tpu.memory_space<vmem>>, vector<1x16xf32>,
          %get3A_170 = vector.shape_cast %get3A_169 : vector<1x16xf32> to vector<16xf32>
          %get3A_171 = arith.index_cast %scan3A_112 : i32 to index
          %get3A_172 = arith.constant 64 : index
          %get3A_173 = tpu.vector_load %arg14[%get3A_171, %get3A_172] {strides = array<i32>} : memref<128x128xf32, #tpu.memory_space<vmem>>, vector<1x16xf32>,
          %get3A_174 = vector.shape_cast %get3A_173 : vector<1x16xf32> to vector<16xf32>
          %add3A_175 = arith.addf %get3A_170, %get3A_174 : vector<16xf32>
          %swap3A_176 = arith.index_cast %scan3A_112 : i32 to index
          %swap3A_177 = arith.constant 64 : index
          %swap3A_178 = tpu.vector_load %arg13[%swap3A_176, %swap3A_177] {strides = array<i32>} : memref<128x128xf32, #tpu.memory_space<vmem>>, vector<1x16xf32>,
          %swap3A_179 = vector.shape_cast %swap3A_178 : vector<1x16xf32> to vector<16xf32>
          %swap3A_180 = vector.shape_cast %add3A_175 : vector<16xf32> to vector<1x16xf32>
          tpu.vector_store %arg13[%swap3A_176, %swap3A_177], %swap3A_180 {strides = array<i32>} : memref<128x128xf32, #tpu.memory_space<vmem>>, vector<1x16xf32>,
          %get3A_181 = arith.index_cast %scan3A_112 : i32 to index
          %get3A_182 = arith.constant 80 : index
          %get3A_183 = tpu.vector_load %arg13[%get3A_181, %get3A_182] {strides = array<i32>} : memref<128x128xf32, #tpu.memory_space<vmem>>, vector<1x16xf32>,
          %get3A_184 = vector.shape_cast %get3A_183 : vector<1x16xf32> to vector<16xf32>
          %get3A_185 = arith.index_cast %scan3A_112 : i32 to index
          %get3A_186 = arith.constant 80 : index
          %get3A_187 = tpu.vector_load %arg14[%get3A_185, %get3A_186] {strides = array<i32>} : memref<128x128xf32, #tpu.memory_space<vmem>>, vector<1x16xf32>,
          %get3A_188 = vector.shape_cast %get3A_187 : vector<1x16xf32> to vector<16xf32>
          %add3A_189 = arith.addf %get3A_184, %get3A_188 : vector<16xf32>
          %swap3A_190 = arith.index_cast %scan3A_112 : i32 to index
          %swap3A_191 = arith.constant 80 : index
          %swap3A_192 = tpu.vector_load %arg13[%swap3A_190, %swap3A_191] {strides = array<i32>} : memref<128x128xf32, #tpu.memory_space<vmem>>, vector<1x16xf32>,
          %swap3A_193 = vector.shape_cast %swap3A_192 : vector<1x16xf32> to vector<16xf32>
          %swap3A_194 = vector.shape_cast %add3A_189 : vector<16xf32> to vector<1x16xf32>
          tpu.vector_store %arg13[%swap3A_190, %swap3A_191], %swap3A_194 {strides = array<i32>} : memref<128x128xf32, #tpu.memory_space<vmem>>, vector<1x16xf32>,
          %get3A_195 = arith.index_cast %scan3A_112 : i32 to index
          %get3A_196 = arith.constant 96 : index
          %get3A_197 = tpu.vector_load %arg13[%get3A_195, %get3A_196] {strides = array<i32>} : memref<128x128xf32, #tpu.memory_space<vmem>>, vector<1x16xf32>,
          %get3A_198 = vector.shape_cast %get3A_197 : vector<1x16xf32> to vector<16xf32>
          %get3A_199 = arith.index_cast %scan3A_112 : i32 to index
          %get3A_200 = arith.constant 96 : index
          %get3A_201 = tpu.vector_load %arg14[%get3A_199, %get3A_200] {strides = array<i32>} : memref<128x128xf32, #tpu.memory_space<vmem>>, vector<1x16xf32>,
          %get3A_202 = vector.shape_cast %get3A_201 : vector<1x16xf32> to vector<16xf32>
          %add3A_203 = arith.addf %get3A_198, %get3A_202 : vector<16xf32>
          %swap3A_204 = arith.index_cast %scan3A_112 : i32 to index
          %swap3A_205 = arith.constant 96 : index
          %swap3A_206 = tpu.vector_load %arg13[%swap3A_204, %swap3A_205] {strides = array<i32>} : memref<128x128xf32, #tpu.memory_space<vmem>>, vector<1x16xf32>,
          %swap3A_207 = vector.shape_cast %swap3A_206 : vector<1x16xf32> to vector<16xf32>
          %swap3A_208 = vector.shape_cast %add3A_203 : vector<16xf32> to vector<1x16xf32>
          tpu.vector_store %arg13[%swap3A_204, %swap3A_205], %swap3A_208 {strides = array<i32>} : memref<128x128xf32, #tpu.memory_space<vmem>>, vector<1x16xf32>,
          %get3A_209 = arith.index_cast %scan3A_112 : i32 to index
          %get3A_210 = arith.constant 112 : index
          %get3A_211 = tpu.vector_load %arg13[%get3A_209, %get3A_210] {strides = array<i32>} : memref<128x128xf32, #tpu.memory_space<vmem>>, vector<1x16xf32>,
          %get3A_212 = vector.shape_cast %get3A_211 : vector<1x16xf32> to vector<16xf32>
          %get3A_213 = arith.index_cast %scan3A_112 : i32 to index
          %get3A_214 = arith.constant 112 : index
          %get3A_215 = tpu.vector_load %arg14[%get3A_213, %get3A_214] {strides = array<i32>} : memref<128x128xf32, #tpu.memory_space<vmem>>, vector<1x16xf32>,
          %get3A_216 = vector.shape_cast %get3A_215 : vector<1x16xf32> to vector<16xf32>
          %add3A_217 = arith.addf %get3A_212, %get3A_216 : vector<16xf32>
          %swap3A_218 = arith.index_cast %scan3A_112 : i32 to index
          %swap3A_219 = arith.constant 112 : index
          %swap3A_220 = tpu.vector_load %arg13[%swap3A_218, %swap3A_219] {strides = array<i32>} : memref<128x128xf32, #tpu.memory_space<vmem>>, vector<1x16xf32>,
          %swap3A_221 = vector.shape_cast %swap3A_220 : vector<1x16xf32> to vector<16xf32>
          %swap3A_222 = vector.shape_cast %add3A_217 : vector<16xf32> to vector<1x16xf32>
          tpu.vector_store %arg13[%swap3A_218, %swap3A_219], %swap3A_222 {strides = array<i32>} : memref<128x128xf32, #tpu.memory_space<vmem>>, vector<1x16xf32>,
        }
        %scan3A_111 = arith.constant 128 : i32
        "tpu.region"() ({
          %run_scoped3A = tpu.sem_alloc : memref<!tpu.dma_semaphore, #tpu.memory_space<semaphore_mem>>
          %dma_start3A = arith.constant 0 : i32
          %dma_start3A_112 = tpu.memref_slice %arg6[%mul3A_99, %dma_start3A] : memref<320000x128xf32, #tpu.memory_space<hbm>> -> memref<128x128xf32, #tpu.memory_space<hbm>>
          %dma_start3A_113 = arith.constant 0 : i32
          %dma_start3A_114 = tpu.memref_slice %arg6[%mul3A_99, %dma_start3A_113] : memref<320000x128xf32, #tpu.memory_space<hbm>> -> memref<128x128xf32, #tpu.memory_space<hbm>>
          tpu.enqueue_dma source(%arg13 : memref<128x128xf32, #tpu.memory_space<vmem>>) target(%dma_start3A_114 : memref<128x128xf32, #tpu.memory_space<hbm>>) target_semaphore(%run_scoped3A : memref<!tpu.dma_semaphore, #tpu.memory_space<semaphore_mem>>)
          %dma_wait3A_115 = arith.constant 0 : i32
          %dma_wait3A_116 = tpu.memref_slice %arg6[%mul3A_99, %dma_wait3A_115] : memref<320000x128xf32, #tpu.memory_space<hbm>> -> memref<128x128xf32, #tpu.memory_space<hbm>>
          %dma_wait3A_117 = arith.constant 0 : i32
          %dma_wait3A_118 = tpu.memref_slice %arg6[%mul3A_99, %dma_wait3A_117] : memref<320000x128xf32, #tpu.memory_space<hbm>> -> memref<128x128xf32, #tpu.memory_space<hbm>>
          tpu.wait_dma2 semaphore(%run_scoped3A : memref<!tpu.dma_semaphore, #tpu.memory_space<semaphore_mem>>) src(%arg13 : memref<128x128xf32, #tpu.memory_space<vmem>>) dst(%dma_wait3A_118 : memref<128x128xf32, #tpu.memory_space<hbm>>)
          tpu.yield
        }) : () -> ()
      } else {
      }
    }
    return
  }
}

#map = affine_map<(d0, d1) -> (0, 0)>
#map1 = affine_map<(d0, d1) -> (0)>
#map2 = affine_map<(d0, d1) -> (0, 0, 0)>
module attributes {stable_mosaic.version = 14 : i64} {
  func.func @body(%arg0: i32, %arg1: i32, %arg2: memref<320000x128xf32, #tpu.memory_space<hbm>>, %arg3: memref<320000xi32, #tpu.memory_space<hbm>>, %arg4: memref<10000x128xf32, #tpu.memory_space<hbm>>, %arg5: memref<2x10000x128xf32, #tpu.memory_space<hbm>>, %arg6: memref<128xi32, #tpu.memory_space<vmem>>, %arg7: memref<128x128xf32, #tpu.memory_space<vmem>>, %arg8: memref<128xi32, #tpu.memory_space<vmem>>, %arg9: memref<128x128xf32, #tpu.memory_space<vmem>>, %arg10: memref<!tpu.dma_semaphore, #tpu.memory_space<semaphore_mem>>, %arg11: memref<!tpu.dma_semaphore, #tpu.memory_space<semaphore_mem>>, %arg12: memref<10000x128xf32, #tpu.memory_space<vmem_shared>>) attributes {dimension_semantics = [#tpu.dimension_semantics<core_parallel>, #tpu.dimension_semantics<subcore_parallel>], iteration_bounds = array<i64: 2, 16>, scalar_prefetch = 0 : i64, scratch_operands = 7 : i64, tpu.core_type = #tpu.core_type<sc_vector_subcore>, window_params = [{transform_indices = #map}, {transform_indices = #map1}, {transform_indices = #map}, {transform_indices = #map2}]} {
    %mul3A = arith.constant 2 : i32
    %mul3A_0 = arith.muli %arg1, %mul3A : i32
    %add3A = arith.addi %mul3A_0, %arg0 : i32
    %sub3A = arith.constant 2500 : i32
    %sub3A_1 = arith.subi %sub3A, %add3A : i32
    %add3A_2 = arith.constant 31 : i32
    %add3A_3 = arith.addi %sub3A_1, %add3A_2 : i32
    %jit3A = arith.constant 32 : i32
    %div3A = arith.divsi %add3A_3, %jit3A : i32
    %sign3A = arith.constant 0 : i32
    %sign3A_4 = arith.cmpi sgt, %add3A_3, %sign3A : i32
    %sign3A_5 = arith.extui %sign3A_4 : i1 to i32
    %sign3A_6 = arith.constant 0 : i32
    %sign3A_7 = arith.cmpi slt, %add3A_3, %sign3A_6 : i32
    %sign3A_8 = arith.extui %sign3A_7 : i1 to i32
    %sign3A_9 = arith.subi %sign3A_5, %sign3A_8 : i32
    %sign3A_10 = arith.constant 0 : i32
    %sign3A_11 = arith.cmpi sgt, %jit3A, %sign3A_10 : i32
    %sign3A_12 = arith.extui %sign3A_11 : i1 to i32
    %sign3A_13 = arith.constant 0 : i32
    %sign3A_14 = arith.cmpi slt, %jit3A, %sign3A_13 : i32
    %sign3A_15 = arith.extui %sign3A_14 : i1 to i32
    %sign3A_16 = arith.subi %sign3A_12, %sign3A_15 : i32
    %ne3A = arith.cmpi ne, %sign3A_9, %sign3A_16 : i32
    %rem3A = arith.remsi %add3A_3, %jit3A : i32
    %ne3A_17 = arith.constant 0 : i32
    %ne3A_18 = arith.cmpi ne, %rem3A, %ne3A_17 : i32
    %and3A = arith.andi %ne3A, %ne3A_18 : i1
    %sub3A_19 = arith.constant 1 : i32
    %sub3A_20 = arith.subi %div3A, %sub3A_19 : i32
    %select_n3A = arith.select %and3A, %sub3A_20, %div3A : i32
    %mul3A_21 = arith.constant 624 : i32
    %mul3A_22 = arith.muli %arg1, %mul3A_21 : i32
    %mul3A_23 = arith.constant 624 : i32
    %mul3A_24 = arith.muli %arg1, %mul3A_23 : i32
    "tpu.region"() ({
      %run_scoped3A = tpu.sem_alloc : memref<!tpu.dma_semaphore, #tpu.memory_space<semaphore_mem>>
      %dma_start3A = arith.constant 0 : i32
      %dma_start3A_76 = tpu.memref_slice %arg12[%mul3A_24, %dma_start3A] : memref<10000x128xf32, #tpu.memory_space<vmem_shared>> -> memref<624x128xf32, #tpu.memory_space<vmem_shared>>
      %dma_start3A_77 = arith.constant 0 : i32
      %dma_start3A_78 = tpu.memref_slice %arg4[%mul3A_22, %dma_start3A_77] : memref<10000x128xf32, #tpu.memory_space<hbm>> -> memref<624x128xf32, #tpu.memory_space<hbm>>
      tpu.enqueue_dma source(%dma_start3A_78 : memref<624x128xf32, #tpu.memory_space<hbm>>) target(%dma_start3A_76 : memref<624x128xf32, #tpu.memory_space<vmem_shared>>) target_semaphore(%run_scoped3A : memref<!tpu.dma_semaphore, #tpu.memory_space<semaphore_mem>>)
      %dma_wait3A = arith.constant 0 : i32
      %dma_wait3A_79 = tpu.memref_slice %arg12[%mul3A_24, %dma_wait3A] : memref<10000x128xf32, #tpu.memory_space<vmem_shared>> -> memref<624x128xf32, #tpu.memory_space<vmem_shared>>
      %dma_wait3A_80 = arith.constant 0 : i32
      %dma_wait3A_81 = tpu.memref_slice %arg4[%mul3A_22, %dma_wait3A_80] : memref<10000x128xf32, #tpu.memory_space<hbm>> -> memref<624x128xf32, #tpu.memory_space<hbm>>
      tpu.wait_dma2 semaphore(%run_scoped3A : memref<!tpu.dma_semaphore, #tpu.memory_space<semaphore_mem>>) src(%dma_wait3A_81 : memref<624x128xf32, #tpu.memory_space<hbm>>) dst(%dma_wait3A_79 : memref<624x128xf32, #tpu.memory_space<vmem_shared>>)
      tpu.yield
    }) : () -> ()
    %eq3A = arith.constant 0 : i32
    %eq3A_25 = arith.cmpi eq, %arg1, %eq3A : i32
    %convert_element_type3A = arith.extui %eq3A_25 : i1 to i32
    %cond3A = arith.constant 0 : i32
    %cond3A_26 = arith.cmpi ne, %convert_element_type3A, %cond3A : i32
    scf.if %cond3A_26 {
      "tpu.region"() ({
        %run_scoped3A = tpu.sem_alloc : memref<!tpu.dma_semaphore, #tpu.memory_space<semaphore_mem>>
        %dma_start3A = arith.constant 9984 : i32
        %dma_start3A_76 = arith.constant 0 : i32
        %dma_start3A_77 = tpu.memref_slice %arg12[%dma_start3A, %dma_start3A_76] : memref<10000x128xf32, #tpu.memory_space<vmem_shared>> -> memref<16x128xf32, #tpu.memory_space<vmem_shared>>
        %dma_start3A_78 = arith.constant 9984 : i32
        %dma_start3A_79 = arith.constant 0 : i32
        %dma_start3A_80 = tpu.memref_slice %arg4[%dma_start3A_78, %dma_start3A_79] : memref<10000x128xf32, #tpu.memory_space<hbm>> -> memref<16x128xf32, #tpu.memory_space<hbm>>
        tpu.enqueue_dma source(%dma_start3A_80 : memref<16x128xf32, #tpu.memory_space<hbm>>) target(%dma_start3A_77 : memref<16x128xf32, #tpu.memory_space<vmem_shared>>) target_semaphore(%run_scoped3A : memref<!tpu.dma_semaphore, #tpu.memory_space<semaphore_mem>>)
        %dma_wait3A = arith.constant 9984 : i32
        %dma_wait3A_81 = arith.constant 0 : i32
        %dma_wait3A_82 = tpu.memref_slice %arg12[%dma_wait3A, %dma_wait3A_81] : memref<10000x128xf32, #tpu.memory_space<vmem_shared>> -> memref<16x128xf32, #tpu.memory_space<vmem_shared>>
        %dma_wait3A_83 = arith.constant 9984 : i32
        %dma_wait3A_84 = arith.constant 0 : i32
        %dma_wait3A_85 = tpu.memref_slice %arg4[%dma_wait3A_83, %dma_wait3A_84] : memref<10000x128xf32, #tpu.memory_space<hbm>> -> memref<16x128xf32, #tpu.memory_space<hbm>>
        tpu.wait_dma2 semaphore(%run_scoped3A : memref<!tpu.dma_semaphore, #tpu.memory_space<semaphore_mem>>) src(%dma_wait3A_85 : memref<16x128xf32, #tpu.memory_space<hbm>>) dst(%dma_wait3A_82 : memref<16x128xf32, #tpu.memory_space<vmem_shared>>)
        tpu.yield
      }) : () -> ()
    } else {
    }
    %barrier3A = arith.constant 0 : index
    tpu.barrier barrier_id(%barrier3A)
    %gt3A = arith.constant 0 : i32
    %gt3A_27 = arith.cmpi sgt, %select_n3A, %gt3A : i32
    %convert_element_type3A_28 = arith.extui %gt3A_27 : i1 to i32
    %cond3A_29 = arith.constant 0 : i32
    %cond3A_30 = arith.cmpi ne, %convert_element_type3A_28, %cond3A_29 : i32
    scf.if %cond3A_30 {
      %add3A_76 = arith.constant 0 : i32
      %add3A_77 = arith.addi %add3A, %add3A_76 : i32
      %mul3A_78 = arith.constant 128 : i32
      %mul3A_79 = arith.muli %add3A_77, %mul3A_78 : i32
      %dma_start3A = tpu.memref_slice %arg3[%mul3A_79] : memref<320000xi32, #tpu.memory_space<hbm>> -> memref<128xi32, #tpu.memory_space<hbm>>
      %dma_start3A_80 = tpu.memref_slice %arg3[%mul3A_79] : memref<320000xi32, #tpu.memory_space<hbm>> -> memref<128xi32, #tpu.memory_space<hbm>>
      tpu.enqueue_dma source(%dma_start3A_80 : memref<128xi32, #tpu.memory_space<hbm>>) target(%arg6 : memref<128xi32, #tpu.memory_space<vmem>>) target_semaphore(%arg10 : memref<!tpu.dma_semaphore, #tpu.memory_space<semaphore_mem>>)
      %dma_start3A_81 = arith.constant 0 : i32
      %dma_start3A_82 = tpu.memref_slice %arg2[%mul3A_79, %dma_start3A_81] : memref<320000x128xf32, #tpu.memory_space<hbm>> -> memref<128x128xf32, #tpu.memory_space<hbm>>
      %dma_start3A_83 = arith.constant 0 : i32
      %dma_start3A_84 = tpu.memref_slice %arg2[%mul3A_79, %dma_start3A_83] : memref<320000x128xf32, #tpu.memory_space<hbm>> -> memref<128x128xf32, #tpu.memory_space<hbm>>
      tpu.enqueue_dma source(%dma_start3A_84 : memref<128x128xf32, #tpu.memory_space<hbm>>) target(%arg7 : memref<128x128xf32, #tpu.memory_space<vmem>>) target_semaphore(%arg10 : memref<!tpu.dma_semaphore, #tpu.memory_space<semaphore_mem>>)
    } else {
    }
    %add3A_31 = arith.constant 1 : i32
    %add3A_32 = arith.addi %select_n3A, %add3A_31 : i32
    %jit3A_33 = arith.constant 2 : i32
    %div3A_34 = arith.divsi %add3A_32, %jit3A_33 : i32
    %sign3A_35 = arith.constant 0 : i32
    %sign3A_36 = arith.cmpi sgt, %add3A_32, %sign3A_35 : i32
    %sign3A_37 = arith.extui %sign3A_36 : i1 to i32
    %sign3A_38 = arith.constant 0 : i32
    %sign3A_39 = arith.cmpi slt, %add3A_32, %sign3A_38 : i32
    %sign3A_40 = arith.extui %sign3A_39 : i1 to i32
    %sign3A_41 = arith.subi %sign3A_37, %sign3A_40 : i32
    %sign3A_42 = arith.constant 0 : i32
    %sign3A_43 = arith.cmpi sgt, %jit3A_33, %sign3A_42 : i32
    %sign3A_44 = arith.extui %sign3A_43 : i1 to i32
    %sign3A_45 = arith.constant 0 : i32
    %sign3A_46 = arith.cmpi slt, %jit3A_33, %sign3A_45 : i32
    %sign3A_47 = arith.extui %sign3A_46 : i1 to i32
    %sign3A_48 = arith.subi %sign3A_44, %sign3A_47 : i32
    %ne3A_49 = arith.cmpi ne, %sign3A_41, %sign3A_48 : i32
    %rem3A_50 = arith.remsi %add3A_32, %jit3A_33 : i32
    %ne3A_51 = arith.constant 0 : i32
    %ne3A_52 = arith.cmpi ne, %rem3A_50, %ne3A_51 : i32
    %and3A_53 = arith.andi %ne3A_49, %ne3A_52 : i1
    %sub3A_54 = arith.constant 1 : i32
    %sub3A_55 = arith.subi %div3A_34, %sub3A_54 : i32
    %select_n3A_56 = arith.select %and3A_53, %sub3A_55, %div3A_34 : i32
    %while3A = arith.constant 0 : i32
    %while3A_57 = arith.constant 0 : i32
    %while3A_58 = arith.subi %select_n3A_56, %while3A_57 : i32
    %while3A_59 = arith.addi %while3A_57, %while3A_58 : i32
    %while3A_60 = arith.constant 1 : i32
    %while3A_61 = arith.divsi %while3A_58, %while3A_60 : i32
    %while3A_62 = arith.muli %while3A_61, %while3A_60 : i32
    %while3A_63 = arith.addi %while3A_57, %while3A_62 : i32
    %while3A_64 = arith.constant 1 : i32
    scf.for %while3A_76 = %while3A_57 to %while3A_63 step %while3A_64  : i32 {
      %mul3A_77 = arith.constant 2 : i32
      %mul3A_78 = arith.muli %mul3A_77, %while3A_76 : i32
      %add3A_79 = arith.constant 1 : i32
      %add3A_80 = arith.addi %mul3A_78, %add3A_79 : i32
      %lt3A = arith.cmpi slt, %add3A_80, %select_n3A : i32
      %convert_element_type3A_81 = arith.extui %lt3A : i1 to i32
      %cond3A_82 = arith.constant 0 : i32
      %cond3A_83 = arith.cmpi ne, %convert_element_type3A_81, %cond3A_82 : i32
      scf.if %cond3A_83 {
        %add3A_106 = arith.constant 1 : i32
        %add3A_107 = arith.addi %mul3A_78, %add3A_106 : i32
        %mul3A_108 = arith.constant 32 : i32
        %mul3A_109 = arith.muli %add3A_107, %mul3A_108 : i32
        %add3A_110 = arith.addi %add3A, %mul3A_109 : i32
        %mul3A_111 = arith.constant 128 : i32
        %mul3A_112 = arith.muli %add3A_110, %mul3A_111 : i32
        %dma_start3A = tpu.memref_slice %arg3[%mul3A_112] : memref<320000xi32, #tpu.memory_space<hbm>> -> memref<128xi32, #tpu.memory_space<hbm>>
        %dma_start3A_113 = tpu.memref_slice %arg3[%mul3A_112] : memref<320000xi32, #tpu.memory_space<hbm>> -> memref<128xi32, #tpu.memory_space<hbm>>
        tpu.enqueue_dma source(%dma_start3A_113 : memref<128xi32, #tpu.memory_space<hbm>>) target(%arg8 : memref<128xi32, #tpu.memory_space<vmem>>) target_semaphore(%arg11 : memref<!tpu.dma_semaphore, #tpu.memory_space<semaphore_mem>>)
        %dma_start3A_114 = arith.constant 0 : i32
        %dma_start3A_115 = tpu.memref_slice %arg2[%mul3A_112, %dma_start3A_114] : memref<320000x128xf32, #tpu.memory_space<hbm>> -> memref<128x128xf32, #tpu.memory_space<hbm>>
        %dma_start3A_116 = arith.constant 0 : i32
        %dma_start3A_117 = tpu.memref_slice %arg2[%mul3A_112, %dma_start3A_116] : memref<320000x128xf32, #tpu.memory_space<hbm>> -> memref<128x128xf32, #tpu.memory_space<hbm>>
        tpu.enqueue_dma source(%dma_start3A_117 : memref<128x128xf32, #tpu.memory_space<hbm>>) target(%arg9 : memref<128x128xf32, #tpu.memory_space<vmem>>) target_semaphore(%arg11 : memref<!tpu.dma_semaphore, #tpu.memory_space<semaphore_mem>>)
      } else {
      }
      %mul3A_84 = arith.constant 32 : i32
      %mul3A_85 = arith.muli %mul3A_78, %mul3A_84 : i32
      %add3A_86 = arith.addi %add3A, %mul3A_85 : i32
      %mul3A_87 = arith.constant 128 : i32
      %mul3A_88 = arith.muli %add3A_86, %mul3A_87 : i32
      %dma_wait3A = tpu.memref_slice %arg3[%mul3A_88] : memref<320000xi32, #tpu.memory_space<hbm>> -> memref<128xi32, #tpu.memory_space<hbm>>
      %dma_wait3A_89 = tpu.memref_slice %arg3[%mul3A_88] : memref<320000xi32, #tpu.memory_space<hbm>> -> memref<128xi32, #tpu.memory_space<hbm>>
      tpu.wait_dma2 semaphore(%arg10 : memref<!tpu.dma_semaphore, #tpu.memory_space<semaphore_mem>>) src(%dma_wait3A_89 : memref<128xi32, #tpu.memory_space<hbm>>) dst(%arg6 : memref<128xi32, #tpu.memory_space<vmem>>)
      %dma_wait3A_90 = arith.constant 0 : i32
      %dma_wait3A_91 = tpu.memref_slice %arg2[%mul3A_88, %dma_wait3A_90] : memref<320000x128xf32, #tpu.memory_space<hbm>> -> memref<128x128xf32, #tpu.memory_space<hbm>>
      %dma_wait3A_92 = arith.constant 0 : i32
      %dma_wait3A_93 = tpu.memref_slice %arg2[%mul3A_88, %dma_wait3A_92] : memref<320000x128xf32, #tpu.memory_space<hbm>> -> memref<128x128xf32, #tpu.memory_space<hbm>>
      tpu.wait_dma2 semaphore(%arg10 : memref<!tpu.dma_semaphore, #tpu.memory_space<semaphore_mem>>) src(%dma_wait3A_93 : memref<128x128xf32, #tpu.memory_space<hbm>>) dst(%arg7 : memref<128x128xf32, #tpu.memory_space<vmem>>)
      "tpu.region"() ({
        %run_scoped3A = tpu.sem_alloc : memref<!tpu.dma_semaphore, #tpu.memory_space<semaphore_mem>>
        %dma_start3A = arith.constant 0 : i32
        %dma_start3A_106 = arith.constant 0 : i32
        %dma_start3A_107 = tpu.memref_slice %arg12[%dma_start3A, %dma_start3A_106] : memref<10000x128xf32, #tpu.memory_space<vmem_shared>> -> memref<10000x128xf32, #tpu.memory_space<vmem_shared>>
        tpu.enqueue_indirect_dma source(%arg7 : memref<128x128xf32, #tpu.memory_space<vmem>>) target(%dma_start3A_107 : memref<10000x128xf32, #tpu.memory_space<vmem_shared>>) offsets(%arg6 : memref<128xi32, #tpu.memory_space<vmem>>) semaphore(%run_scoped3A : memref<!tpu.dma_semaphore, #tpu.memory_space<semaphore_mem>>) {add = true}
        %dma_wait3A_108 = arith.constant 0 : i32
        %dma_wait3A_109 = arith.constant 0 : i32
        %dma_wait3A_110 = tpu.memref_slice %arg12[%dma_wait3A_108, %dma_wait3A_109] : memref<10000x128xf32, #tpu.memory_space<vmem_shared>> -> memref<10000x128xf32, #tpu.memory_space<vmem_shared>>
        tpu.wait_indirect_dma semaphore(%run_scoped3A : memref<!tpu.dma_semaphore, #tpu.memory_space<semaphore_mem>>) src(%arg7 : memref<128x128xf32, #tpu.memory_space<vmem>>) dst(%dma_wait3A_110 : memref<10000x128xf32, #tpu.memory_space<vmem_shared>>)
        tpu.yield
      }) : () -> ()
      %add3A_94 = arith.constant 2 : i32
      %add3A_95 = arith.addi %mul3A_78, %add3A_94 : i32
      %lt3A_96 = arith.cmpi slt, %add3A_95, %select_n3A : i32
      %convert_element_type3A_97 = arith.extui %lt3A_96 : i1 to i32
      %cond3A_98 = arith.constant 0 : i32
      %cond3A_99 = arith.cmpi ne, %convert_element_type3A_97, %cond3A_98 : i32
      scf.if %cond3A_99 {
        %add3A_106 = arith.constant 2 : i32
        %add3A_107 = arith.addi %mul3A_78, %add3A_106 : i32
        %mul3A_108 = arith.constant 32 : i32
        %mul3A_109 = arith.muli %add3A_107, %mul3A_108 : i32
        %add3A_110 = arith.addi %add3A, %mul3A_109 : i32
        %mul3A_111 = arith.constant 128 : i32
        %mul3A_112 = arith.muli %add3A_110, %mul3A_111 : i32
        %dma_start3A = tpu.memref_slice %arg3[%mul3A_112] : memref<320000xi32, #tpu.memory_space<hbm>> -> memref<128xi32, #tpu.memory_space<hbm>>
        %dma_start3A_113 = tpu.memref_slice %arg3[%mul3A_112] : memref<320000xi32, #tpu.memory_space<hbm>> -> memref<128xi32, #tpu.memory_space<hbm>>
        tpu.enqueue_dma source(%dma_start3A_113 : memref<128xi32, #tpu.memory_space<hbm>>) target(%arg6 : memref<128xi32, #tpu.memory_space<vmem>>) target_semaphore(%arg10 : memref<!tpu.dma_semaphore, #tpu.memory_space<semaphore_mem>>)
        %dma_start3A_114 = arith.constant 0 : i32
        %dma_start3A_115 = tpu.memref_slice %arg2[%mul3A_112, %dma_start3A_114] : memref<320000x128xf32, #tpu.memory_space<hbm>> -> memref<128x128xf32, #tpu.memory_space<hbm>>
        %dma_start3A_116 = arith.constant 0 : i32
        %dma_start3A_117 = tpu.memref_slice %arg2[%mul3A_112, %dma_start3A_116] : memref<320000x128xf32, #tpu.memory_space<hbm>> -> memref<128x128xf32, #tpu.memory_space<hbm>>
        tpu.enqueue_dma source(%dma_start3A_117 : memref<128x128xf32, #tpu.memory_space<hbm>>) target(%arg7 : memref<128x128xf32, #tpu.memory_space<vmem>>) target_semaphore(%arg10 : memref<!tpu.dma_semaphore, #tpu.memory_space<semaphore_mem>>)
      } else {
      }
      %add3A_100 = arith.constant 1 : i32
      %add3A_101 = arith.addi %mul3A_78, %add3A_100 : i32
      %lt3A_102 = arith.cmpi slt, %add3A_101, %select_n3A : i32
      %convert_element_type3A_103 = arith.extui %lt3A_102 : i1 to i32
      %cond3A_104 = arith.constant 0 : i32
      %cond3A_105 = arith.cmpi ne, %convert_element_type3A_103, %cond3A_104 : i32
      scf.if %cond3A_105 {
        %add3A_106 = arith.constant 1 : i32
        %add3A_107 = arith.addi %mul3A_78, %add3A_106 : i32
        %mul3A_108 = arith.constant 32 : i32
        %mul3A_109 = arith.muli %add3A_107, %mul3A_108 : i32
        %add3A_110 = arith.addi %add3A, %mul3A_109 : i32
        %mul3A_111 = arith.constant 128 : i32
        %mul3A_112 = arith.muli %add3A_110, %mul3A_111 : i32
        %dma_wait3A_113 = tpu.memref_slice %arg3[%mul3A_112] : memref<320000xi32, #tpu.memory_space<hbm>> -> memref<128xi32, #tpu.memory_space<hbm>>
        %dma_wait3A_114 = tpu.memref_slice %arg3[%mul3A_112] : memref<320000xi32, #tpu.memory_space<hbm>> -> memref<128xi32, #tpu.memory_space<hbm>>
        tpu.wait_dma2 semaphore(%arg11 : memref<!tpu.dma_semaphore, #tpu.memory_space<semaphore_mem>>) src(%dma_wait3A_114 : memref<128xi32, #tpu.memory_space<hbm>>) dst(%arg8 : memref<128xi32, #tpu.memory_space<vmem>>)
        %dma_wait3A_115 = arith.constant 0 : i32
        %dma_wait3A_116 = tpu.memref_slice %arg2[%mul3A_112, %dma_wait3A_115] : memref<320000x128xf32, #tpu.memory_space<hbm>> -> memref<128x128xf32, #tpu.memory_space<hbm>>
        %dma_wait3A_117 = arith.constant 0 : i32
        %dma_wait3A_118 = tpu.memref_slice %arg2[%mul3A_112, %dma_wait3A_117] : memref<320000x128xf32, #tpu.memory_space<hbm>> -> memref<128x128xf32, #tpu.memory_space<hbm>>
        tpu.wait_dma2 semaphore(%arg11 : memref<!tpu.dma_semaphore, #tpu.memory_space<semaphore_mem>>) src(%dma_wait3A_118 : memref<128x128xf32, #tpu.memory_space<hbm>>) dst(%arg9 : memref<128x128xf32, #tpu.memory_space<vmem>>)
        "tpu.region"() ({
          %run_scoped3A = tpu.sem_alloc : memref<!tpu.dma_semaphore, #tpu.memory_space<semaphore_mem>>
          %dma_start3A = arith.constant 0 : i32
          %dma_start3A_119 = arith.constant 0 : i32
          %dma_start3A_120 = tpu.memref_slice %arg12[%dma_start3A, %dma_start3A_119] : memref<10000x128xf32, #tpu.memory_space<vmem_shared>> -> memref<10000x128xf32, #tpu.memory_space<vmem_shared>>
          tpu.enqueue_indirect_dma source(%arg9 : memref<128x128xf32, #tpu.memory_space<vmem>>) target(%dma_start3A_120 : memref<10000x128xf32, #tpu.memory_space<vmem_shared>>) offsets(%arg8 : memref<128xi32, #tpu.memory_space<vmem>>) semaphore(%run_scoped3A : memref<!tpu.dma_semaphore, #tpu.memory_space<semaphore_mem>>) {add = true}
          %dma_wait3A_121 = arith.constant 0 : i32
          %dma_wait3A_122 = arith.constant 0 : i32
          %dma_wait3A_123 = tpu.memref_slice %arg12[%dma_wait3A_121, %dma_wait3A_122] : memref<10000x128xf32, #tpu.memory_space<vmem_shared>> -> memref<10000x128xf32, #tpu.memory_space<vmem_shared>>
          tpu.wait_indirect_dma semaphore(%run_scoped3A : memref<!tpu.dma_semaphore, #tpu.memory_space<semaphore_mem>>) src(%arg9 : memref<128x128xf32, #tpu.memory_space<vmem>>) dst(%dma_wait3A_123 : memref<10000x128xf32, #tpu.memory_space<vmem_shared>>)
          tpu.yield
        }) : () -> ()
      } else {
      }
    }
    %while3A_65 = arith.constant 1 : i32
    scf.for %while3A_76 = %while3A_63 to %while3A_59 step %while3A_65  : i32 {
      %mul3A_77 = arith.constant 2 : i32
      %mul3A_78 = arith.muli %mul3A_77, %while3A_76 : i32
      %add3A_79 = arith.constant 1 : i32
      %add3A_80 = arith.addi %mul3A_78, %add3A_79 : i32
      %lt3A = arith.cmpi slt, %add3A_80, %select_n3A : i32
      %convert_element_type3A_81 = arith.extui %lt3A : i1 to i32
      %cond3A_82 = arith.constant 0 : i32
      %cond3A_83 = arith.cmpi ne, %convert_element_type3A_81, %cond3A_82 : i32
      scf.if %cond3A_83 {
        %add3A_106 = arith.constant 1 : i32
        %add3A_107 = arith.addi %mul3A_78, %add3A_106 : i32
        %mul3A_108 = arith.constant 32 : i32
        %mul3A_109 = arith.muli %add3A_107, %mul3A_108 : i32
        %add3A_110 = arith.addi %add3A, %mul3A_109 : i32
        %mul3A_111 = arith.constant 128 : i32
        %mul3A_112 = arith.muli %add3A_110, %mul3A_111 : i32
        %dma_start3A = tpu.memref_slice %arg3[%mul3A_112] : memref<320000xi32, #tpu.memory_space<hbm>> -> memref<128xi32, #tpu.memory_space<hbm>>
        %dma_start3A_113 = tpu.memref_slice %arg3[%mul3A_112] : memref<320000xi32, #tpu.memory_space<hbm>> -> memref<128xi32, #tpu.memory_space<hbm>>
        tpu.enqueue_dma source(%dma_start3A_113 : memref<128xi32, #tpu.memory_space<hbm>>) target(%arg8 : memref<128xi32, #tpu.memory_space<vmem>>) target_semaphore(%arg11 : memref<!tpu.dma_semaphore, #tpu.memory_space<semaphore_mem>>)
        %dma_start3A_114 = arith.constant 0 : i32
        %dma_start3A_115 = tpu.memref_slice %arg2[%mul3A_112, %dma_start3A_114] : memref<320000x128xf32, #tpu.memory_space<hbm>> -> memref<128x128xf32, #tpu.memory_space<hbm>>
        %dma_start3A_116 = arith.constant 0 : i32
        %dma_start3A_117 = tpu.memref_slice %arg2[%mul3A_112, %dma_start3A_116] : memref<320000x128xf32, #tpu.memory_space<hbm>> -> memref<128x128xf32, #tpu.memory_space<hbm>>
        tpu.enqueue_dma source(%dma_start3A_117 : memref<128x128xf32, #tpu.memory_space<hbm>>) target(%arg9 : memref<128x128xf32, #tpu.memory_space<vmem>>) target_semaphore(%arg11 : memref<!tpu.dma_semaphore, #tpu.memory_space<semaphore_mem>>)
      } else {
      }
      %mul3A_84 = arith.constant 32 : i32
      %mul3A_85 = arith.muli %mul3A_78, %mul3A_84 : i32
      %add3A_86 = arith.addi %add3A, %mul3A_85 : i32
      %mul3A_87 = arith.constant 128 : i32
      %mul3A_88 = arith.muli %add3A_86, %mul3A_87 : i32
      %dma_wait3A = tpu.memref_slice %arg3[%mul3A_88] : memref<320000xi32, #tpu.memory_space<hbm>> -> memref<128xi32, #tpu.memory_space<hbm>>
      %dma_wait3A_89 = tpu.memref_slice %arg3[%mul3A_88] : memref<320000xi32, #tpu.memory_space<hbm>> -> memref<128xi32, #tpu.memory_space<hbm>>
      tpu.wait_dma2 semaphore(%arg10 : memref<!tpu.dma_semaphore, #tpu.memory_space<semaphore_mem>>) src(%dma_wait3A_89 : memref<128xi32, #tpu.memory_space<hbm>>) dst(%arg6 : memref<128xi32, #tpu.memory_space<vmem>>)
      %dma_wait3A_90 = arith.constant 0 : i32
      %dma_wait3A_91 = tpu.memref_slice %arg2[%mul3A_88, %dma_wait3A_90] : memref<320000x128xf32, #tpu.memory_space<hbm>> -> memref<128x128xf32, #tpu.memory_space<hbm>>
      %dma_wait3A_92 = arith.constant 0 : i32
      %dma_wait3A_93 = tpu.memref_slice %arg2[%mul3A_88, %dma_wait3A_92] : memref<320000x128xf32, #tpu.memory_space<hbm>> -> memref<128x128xf32, #tpu.memory_space<hbm>>
      tpu.wait_dma2 semaphore(%arg10 : memref<!tpu.dma_semaphore, #tpu.memory_space<semaphore_mem>>) src(%dma_wait3A_93 : memref<128x128xf32, #tpu.memory_space<hbm>>) dst(%arg7 : memref<128x128xf32, #tpu.memory_space<vmem>>)
      "tpu.region"() ({
        %run_scoped3A = tpu.sem_alloc : memref<!tpu.dma_semaphore, #tpu.memory_space<semaphore_mem>>
        %dma_start3A = arith.constant 0 : i32
        %dma_start3A_106 = arith.constant 0 : i32
        %dma_start3A_107 = tpu.memref_slice %arg12[%dma_start3A, %dma_start3A_106] : memref<10000x128xf32, #tpu.memory_space<vmem_shared>> -> memref<10000x128xf32, #tpu.memory_space<vmem_shared>>
        tpu.enqueue_indirect_dma source(%arg7 : memref<128x128xf32, #tpu.memory_space<vmem>>) target(%dma_start3A_107 : memref<10000x128xf32, #tpu.memory_space<vmem_shared>>) offsets(%arg6 : memref<128xi32, #tpu.memory_space<vmem>>) semaphore(%run_scoped3A : memref<!tpu.dma_semaphore, #tpu.memory_space<semaphore_mem>>) {add = true}
        %dma_wait3A_108 = arith.constant 0 : i32
        %dma_wait3A_109 = arith.constant 0 : i32
        %dma_wait3A_110 = tpu.memref_slice %arg12[%dma_wait3A_108, %dma_wait3A_109] : memref<10000x128xf32, #tpu.memory_space<vmem_shared>> -> memref<10000x128xf32, #tpu.memory_space<vmem_shared>>
        tpu.wait_indirect_dma semaphore(%run_scoped3A : memref<!tpu.dma_semaphore, #tpu.memory_space<semaphore_mem>>) src(%arg7 : memref<128x128xf32, #tpu.memory_space<vmem>>) dst(%dma_wait3A_110 : memref<10000x128xf32, #tpu.memory_space<vmem_shared>>)
        tpu.yield
      }) : () -> ()
      %add3A_94 = arith.constant 2 : i32
      %add3A_95 = arith.addi %mul3A_78, %add3A_94 : i32
      %lt3A_96 = arith.cmpi slt, %add3A_95, %select_n3A : i32
      %convert_element_type3A_97 = arith.extui %lt3A_96 : i1 to i32
      %cond3A_98 = arith.constant 0 : i32
      %cond3A_99 = arith.cmpi ne, %convert_element_type3A_97, %cond3A_98 : i32
      scf.if %cond3A_99 {
        %add3A_106 = arith.constant 2 : i32
        %add3A_107 = arith.addi %mul3A_78, %add3A_106 : i32
        %mul3A_108 = arith.constant 32 : i32
        %mul3A_109 = arith.muli %add3A_107, %mul3A_108 : i32
        %add3A_110 = arith.addi %add3A, %mul3A_109 : i32
        %mul3A_111 = arith.constant 128 : i32
        %mul3A_112 = arith.muli %add3A_110, %mul3A_111 : i32
        %dma_start3A = tpu.memref_slice %arg3[%mul3A_112] : memref<320000xi32, #tpu.memory_space<hbm>> -> memref<128xi32, #tpu.memory_space<hbm>>
        %dma_start3A_113 = tpu.memref_slice %arg3[%mul3A_112] : memref<320000xi32, #tpu.memory_space<hbm>> -> memref<128xi32, #tpu.memory_space<hbm>>
        tpu.enqueue_dma source(%dma_start3A_113 : memref<128xi32, #tpu.memory_space<hbm>>) target(%arg6 : memref<128xi32, #tpu.memory_space<vmem>>) target_semaphore(%arg10 : memref<!tpu.dma_semaphore, #tpu.memory_space<semaphore_mem>>)
        %dma_start3A_114 = arith.constant 0 : i32
        %dma_start3A_115 = tpu.memref_slice %arg2[%mul3A_112, %dma_start3A_114] : memref<320000x128xf32, #tpu.memory_space<hbm>> -> memref<128x128xf32, #tpu.memory_space<hbm>>
        %dma_start3A_116 = arith.constant 0 : i32
        %dma_start3A_117 = tpu.memref_slice %arg2[%mul3A_112, %dma_start3A_116] : memref<320000x128xf32, #tpu.memory_space<hbm>> -> memref<128x128xf32, #tpu.memory_space<hbm>>
        tpu.enqueue_dma source(%dma_start3A_117 : memref<128x128xf32, #tpu.memory_space<hbm>>) target(%arg7 : memref<128x128xf32, #tpu.memory_space<vmem>>) target_semaphore(%arg10 : memref<!tpu.dma_semaphore, #tpu.memory_space<semaphore_mem>>)
      } else {
      }
      %add3A_100 = arith.constant 1 : i32
      %add3A_101 = arith.addi %mul3A_78, %add3A_100 : i32
      %lt3A_102 = arith.cmpi slt, %add3A_101, %select_n3A : i32
      %convert_element_type3A_103 = arith.extui %lt3A_102 : i1 to i32
      %cond3A_104 = arith.constant 0 : i32
      %cond3A_105 = arith.cmpi ne, %convert_element_type3A_103, %cond3A_104 : i32
      scf.if %cond3A_105 {
        %add3A_106 = arith.constant 1 : i32
        %add3A_107 = arith.addi %mul3A_78, %add3A_106 : i32
        %mul3A_108 = arith.constant 32 : i32
        %mul3A_109 = arith.muli %add3A_107, %mul3A_108 : i32
        %add3A_110 = arith.addi %add3A, %mul3A_109 : i32
        %mul3A_111 = arith.constant 128 : i32
        %mul3A_112 = arith.muli %add3A_110, %mul3A_111 : i32
        %dma_wait3A_113 = tpu.memref_slice %arg3[%mul3A_112] : memref<320000xi32, #tpu.memory_space<hbm>> -> memref<128xi32, #tpu.memory_space<hbm>>
        %dma_wait3A_114 = tpu.memref_slice %arg3[%mul3A_112] : memref<320000xi32, #tpu.memory_space<hbm>> -> memref<128xi32, #tpu.memory_space<hbm>>
        tpu.wait_dma2 semaphore(%arg11 : memref<!tpu.dma_semaphore, #tpu.memory_space<semaphore_mem>>) src(%dma_wait3A_114 : memref<128xi32, #tpu.memory_space<hbm>>) dst(%arg8 : memref<128xi32, #tpu.memory_space<vmem>>)
        %dma_wait3A_115 = arith.constant 0 : i32
        %dma_wait3A_116 = tpu.memref_slice %arg2[%mul3A_112, %dma_wait3A_115] : memref<320000x128xf32, #tpu.memory_space<hbm>> -> memref<128x128xf32, #tpu.memory_space<hbm>>
        %dma_wait3A_117 = arith.constant 0 : i32
        %dma_wait3A_118 = tpu.memref_slice %arg2[%mul3A_112, %dma_wait3A_117] : memref<320000x128xf32, #tpu.memory_space<hbm>> -> memref<128x128xf32, #tpu.memory_space<hbm>>
        tpu.wait_dma2 semaphore(%arg11 : memref<!tpu.dma_semaphore, #tpu.memory_space<semaphore_mem>>) src(%dma_wait3A_118 : memref<128x128xf32, #tpu.memory_space<hbm>>) dst(%arg9 : memref<128x128xf32, #tpu.memory_space<vmem>>)
        "tpu.region"() ({
          %run_scoped3A = tpu.sem_alloc : memref<!tpu.dma_semaphore, #tpu.memory_space<semaphore_mem>>
          %dma_start3A = arith.constant 0 : i32
          %dma_start3A_119 = arith.constant 0 : i32
          %dma_start3A_120 = tpu.memref_slice %arg12[%dma_start3A, %dma_start3A_119] : memref<10000x128xf32, #tpu.memory_space<vmem_shared>> -> memref<10000x128xf32, #tpu.memory_space<vmem_shared>>
          tpu.enqueue_indirect_dma source(%arg9 : memref<128x128xf32, #tpu.memory_space<vmem>>) target(%dma_start3A_120 : memref<10000x128xf32, #tpu.memory_space<vmem_shared>>) offsets(%arg8 : memref<128xi32, #tpu.memory_space<vmem>>) semaphore(%run_scoped3A : memref<!tpu.dma_semaphore, #tpu.memory_space<semaphore_mem>>) {add = true}
          %dma_wait3A_121 = arith.constant 0 : i32
          %dma_wait3A_122 = arith.constant 0 : i32
          %dma_wait3A_123 = tpu.memref_slice %arg12[%dma_wait3A_121, %dma_wait3A_122] : memref<10000x128xf32, #tpu.memory_space<vmem_shared>> -> memref<10000x128xf32, #tpu.memory_space<vmem_shared>>
          tpu.wait_indirect_dma semaphore(%run_scoped3A : memref<!tpu.dma_semaphore, #tpu.memory_space<semaphore_mem>>) src(%arg9 : memref<128x128xf32, #tpu.memory_space<vmem>>) dst(%dma_wait3A_123 : memref<10000x128xf32, #tpu.memory_space<vmem_shared>>)
          tpu.yield
        }) : () -> ()
      } else {
      }
    }
    %barrier3A_66 = arith.constant 0 : index
    tpu.barrier barrier_id(%barrier3A_66)
    %mul3A_67 = arith.constant 624 : i32
    %mul3A_68 = arith.muli %arg1, %mul3A_67 : i32
    %mul3A_69 = arith.constant 624 : i32
    %mul3A_70 = arith.muli %arg1, %mul3A_69 : i32
    "tpu.region"() ({
      %run_scoped3A = tpu.sem_alloc : memref<!tpu.dma_semaphore, #tpu.memory_space<semaphore_mem>>
      %dma_start3A = arith.constant 0 : i32
      %dma_start3A_76 = arith.constant 0 : i32
      %dma_start3A_77 = tpu.memref_slice %arg5[%arg0, %dma_start3A, %dma_start3A_76] : memref<2x10000x128xf32, #tpu.memory_space<hbm>> -> memref<1x10000x128xf32, #tpu.memory_space<hbm>>
      %dma_start3A_78 = tpu.memref_squeeze %dma_start3A_77 : memref<1x10000x128xf32, #tpu.memory_space<hbm>> -> memref<10000x128xf32, #tpu.memory_space<hbm>>
      %dma_start3A_79 = arith.constant 0 : i32
      %dma_start3A_80 = tpu.memref_slice %dma_start3A_78[%mul3A_70, %dma_start3A_79] : memref<10000x128xf32, #tpu.memory_space<hbm>> -> memref<624x128xf32, #tpu.memory_space<hbm>>
      %dma_start3A_81 = arith.constant 0 : i32
      %dma_start3A_82 = tpu.memref_slice %arg12[%mul3A_68, %dma_start3A_81] : memref<10000x128xf32, #tpu.memory_space<vmem_shared>> -> memref<624x128xf32, #tpu.memory_space<vmem_shared>>
      tpu.enqueue_dma source(%dma_start3A_82 : memref<624x128xf32, #tpu.memory_space<vmem_shared>>) target(%dma_start3A_80 : memref<624x128xf32, #tpu.memory_space<hbm>>) target_semaphore(%run_scoped3A : memref<!tpu.dma_semaphore, #tpu.memory_space<semaphore_mem>>)
      %dma_wait3A = arith.constant 0 : i32
      %dma_wait3A_83 = arith.constant 0 : i32
      %dma_wait3A_84 = tpu.memref_slice %arg5[%arg0, %dma_wait3A, %dma_wait3A_83] : memref<2x10000x128xf32, #tpu.memory_space<hbm>> -> memref<1x10000x128xf32, #tpu.memory_space<hbm>>
      %dma_wait3A_85 = tpu.memref_squeeze %dma_wait3A_84 : memref<1x10000x128xf32, #tpu.memory_space<hbm>> -> memref<10000x128xf32, #tpu.memory_space<hbm>>
      %dma_wait3A_86 = arith.constant 0 : i32
      %dma_wait3A_87 = tpu.memref_slice %dma_wait3A_85[%mul3A_70, %dma_wait3A_86] : memref<10000x128xf32, #tpu.memory_space<hbm>> -> memref<624x128xf32, #tpu.memory_space<hbm>>
      %dma_wait3A_88 = arith.constant 0 : i32
      %dma_wait3A_89 = tpu.memref_slice %arg12[%mul3A_68, %dma_wait3A_88] : memref<10000x128xf32, #tpu.memory_space<vmem_shared>> -> memref<624x128xf32, #tpu.memory_space<vmem_shared>>
      tpu.wait_dma2 semaphore(%run_scoped3A : memref<!tpu.dma_semaphore, #tpu.memory_space<semaphore_mem>>) src(%dma_wait3A_89 : memref<624x128xf32, #tpu.memory_space<vmem_shared>>) dst(%dma_wait3A_87 : memref<624x128xf32, #tpu.memory_space<hbm>>)
      tpu.yield
    }) : () -> ()
    %eq3A_71 = arith.constant 0 : i32
    %eq3A_72 = arith.cmpi eq, %arg1, %eq3A_71 : i32
    %convert_element_type3A_73 = arith.extui %eq3A_72 : i1 to i32
    %cond3A_74 = arith.constant 0 : i32
    %cond3A_75 = arith.cmpi ne, %convert_element_type3A_73, %cond3A_74 : i32
    scf.if %cond3A_75 {
      "tpu.region"() ({
        %run_scoped3A = tpu.sem_alloc : memref<!tpu.dma_semaphore, #tpu.memory_space<semaphore_mem>>
        %dma_start3A = arith.constant 0 : i32
        %dma_start3A_76 = arith.constant 0 : i32
        %dma_start3A_77 = tpu.memref_slice %arg5[%arg0, %dma_start3A, %dma_start3A_76] : memref<2x10000x128xf32, #tpu.memory_space<hbm>> -> memref<1x10000x128xf32, #tpu.memory_space<hbm>>
        %dma_start3A_78 = tpu.memref_squeeze %dma_start3A_77 : memref<1x10000x128xf32, #tpu.memory_space<hbm>> -> memref<10000x128xf32, #tpu.memory_space<hbm>>
        %dma_start3A_79 = arith.constant 9984 : i32
        %dma_start3A_80 = arith.constant 0 : i32
        %dma_start3A_81 = tpu.memref_slice %dma_start3A_78[%dma_start3A_79, %dma_start3A_80] : memref<10000x128xf32, #tpu.memory_space<hbm>> -> memref<16x128xf32, #tpu.memory_space<hbm>>
        %dma_start3A_82 = arith.constant 9984 : i32
        %dma_start3A_83 = arith.constant 0 : i32
        %dma_start3A_84 = tpu.memref_slice %arg12[%dma_start3A_82, %dma_start3A_83] : memref<10000x128xf32, #tpu.memory_space<vmem_shared>> -> memref<16x128xf32, #tpu.memory_space<vmem_shared>>
        tpu.enqueue_dma source(%dma_start3A_84 : memref<16x128xf32, #tpu.memory_space<vmem_shared>>) target(%dma_start3A_81 : memref<16x128xf32, #tpu.memory_space<hbm>>) target_semaphore(%run_scoped3A : memref<!tpu.dma_semaphore, #tpu.memory_space<semaphore_mem>>)
        %dma_wait3A = arith.constant 0 : i32
        %dma_wait3A_85 = arith.constant 0 : i32
        %dma_wait3A_86 = tpu.memref_slice %arg5[%arg0, %dma_wait3A, %dma_wait3A_85] : memref<2x10000x128xf32, #tpu.memory_space<hbm>> -> memref<1x10000x128xf32, #tpu.memory_space<hbm>>
        %dma_wait3A_87 = tpu.memref_squeeze %dma_wait3A_86 : memref<1x10000x128xf32, #tpu.memory_space<hbm>> -> memref<10000x128xf32, #tpu.memory_space<hbm>>
        %dma_wait3A_88 = arith.constant 9984 : i32
        %dma_wait3A_89 = arith.constant 0 : i32
        %dma_wait3A_90 = tpu.memref_slice %dma_wait3A_87[%dma_wait3A_88, %dma_wait3A_89] : memref<10000x128xf32, #tpu.memory_space<hbm>> -> memref<16x128xf32, #tpu.memory_space<hbm>>
        %dma_wait3A_91 = arith.constant 9984 : i32
        %dma_wait3A_92 = arith.constant 0 : i32
        %dma_wait3A_93 = tpu.memref_slice %arg12[%dma_wait3A_91, %dma_wait3A_92] : memref<10000x128xf32, #tpu.memory_space<vmem_shared>> -> memref<16x128xf32, #tpu.memory_space<vmem_shared>>
        tpu.wait_dma2 semaphore(%run_scoped3A : memref<!tpu.dma_semaphore, #tpu.memory_space<semaphore_mem>>) src(%dma_wait3A_93 : memref<16x128xf32, #tpu.memory_space<vmem_shared>>) dst(%dma_wait3A_90 : memref<16x128xf32, #tpu.memory_space<hbm>>)
        tpu.yield
      }) : () -> ()
    } else {
    }
    return
  }
}

#map = affine_map<(d0, d1) -> (0, 0)>
#map1 = affine_map<(d0, d1) -> (0)>
module attributes {stable_mosaic.version = 14 : i64} {
  func.func @body(%arg0: i32, %arg1: i32, %arg2: memref<10000x128xf32, #tpu.memory_space<hbm>>, %arg3: memref<10000xi32, #tpu.memory_space<hbm>>, %arg4: memref<40000xi32, #tpu.memory_space<hbm>>, %arg5: memref<40000xi32, #tpu.memory_space<hbm>>, %arg6: memref<2500x128xf32, #tpu.memory_space<hbm>>, %arg7: memref<10000x128xf32, #tpu.memory_space<hbm>>, %arg8: memref<40000x128xf32, #tpu.memory_space<hbm>>, %arg9: memref<40000x128xf32, #tpu.memory_space<hbm>>, %arg10: memref<80xi32, #tpu.memory_space<vmem>>, %arg11: memref<80x128xf32, #tpu.memory_space<vmem>>, %arg12: memref<!tpu.dma_semaphore, #tpu.memory_space<semaphore_mem>>, %arg13: memref<2500x128xf32, #tpu.memory_space<vmem_shared>>) attributes {dimension_semantics = [#tpu.dimension_semantics<core_parallel>, #tpu.dimension_semantics<subcore_parallel>], iteration_bounds = array<i64: 2, 16>, scalar_prefetch = 0 : i64, scratch_operands = 4 : i64, tpu.core_type = #tpu.core_type<sc_vector_subcore>, window_params = [{transform_indices = #map}, {transform_indices = #map1}, {transform_indices = #map1}, {transform_indices = #map1}, {transform_indices = #map}, {transform_indices = #map}, {transform_indices = #map}, {transform_indices = #map}]} {
    %mul3A = arith.constant 2 : i32
    %mul3A_0 = arith.muli %arg1, %mul3A : i32
    %add3A = arith.addi %mul3A_0, %arg0 : i32
    %eq3A = arith.constant 0 : i32
    %eq3A_1 = arith.cmpi eq, %arg1, %eq3A : i32
    %convert_element_type3A = arith.extui %eq3A_1 : i1 to i32
    %cond3A = arith.constant 0 : i32
    %cond3A_2 = arith.cmpi ne, %convert_element_type3A, %cond3A : i32
    scf.if %cond3A_2 {
      "tpu.region"() ({
        %run_scoped3A = tpu.sem_alloc : memref<!tpu.dma_semaphore, #tpu.memory_space<semaphore_mem>>
        tpu.enqueue_dma source(%arg6 : memref<2500x128xf32, #tpu.memory_space<hbm>>) target(%arg13 : memref<2500x128xf32, #tpu.memory_space<vmem_shared>>) target_semaphore(%run_scoped3A : memref<!tpu.dma_semaphore, #tpu.memory_space<semaphore_mem>>)
        tpu.wait_dma2 semaphore(%run_scoped3A : memref<!tpu.dma_semaphore, #tpu.memory_space<semaphore_mem>>) src(%arg6 : memref<2500x128xf32, #tpu.memory_space<hbm>>) dst(%arg13 : memref<2500x128xf32, #tpu.memory_space<vmem_shared>>)
        tpu.yield
      }) : () -> ()
    } else {
    }
    %barrier3A = arith.constant 0 : index
    tpu.barrier barrier_id(%barrier3A)
    %sub3A = arith.constant 125 : i32
    %sub3A_3 = arith.subi %sub3A, %arg1 : i32
    %add3A_4 = arith.constant 15 : i32
    %add3A_5 = arith.addi %sub3A_3, %add3A_4 : i32
    %jit3A = arith.constant 16 : i32
    %div3A = arith.divsi %add3A_5, %jit3A : i32
    %sign3A = arith.constant 0 : i32
    %sign3A_6 = arith.cmpi sgt, %add3A_5, %sign3A : i32
    %sign3A_7 = arith.extui %sign3A_6 : i1 to i32
    %sign3A_8 = arith.constant 0 : i32
    %sign3A_9 = arith.cmpi slt, %add3A_5, %sign3A_8 : i32
    %sign3A_10 = arith.extui %sign3A_9 : i1 to i32
    %sign3A_11 = arith.subi %sign3A_7, %sign3A_10 : i32
    %sign3A_12 = arith.constant 0 : i32
    %sign3A_13 = arith.cmpi sgt, %jit3A, %sign3A_12 : i32
    %sign3A_14 = arith.extui %sign3A_13 : i1 to i32
    %sign3A_15 = arith.constant 0 : i32
    %sign3A_16 = arith.cmpi slt, %jit3A, %sign3A_15 : i32
    %sign3A_17 = arith.extui %sign3A_16 : i1 to i32
    %sign3A_18 = arith.subi %sign3A_14, %sign3A_17 : i32
    %ne3A = arith.cmpi ne, %sign3A_11, %sign3A_18 : i32
    %rem3A = arith.remsi %add3A_5, %jit3A : i32
    %ne3A_19 = arith.constant 0 : i32
    %ne3A_20 = arith.cmpi ne, %rem3A, %ne3A_19 : i32
    %and3A = arith.andi %ne3A, %ne3A_20 : i1
    %sub3A_21 = arith.constant 1 : i32
    %sub3A_22 = arith.subi %div3A, %sub3A_21 : i32
    %select_n3A = arith.select %and3A, %sub3A_22, %div3A : i32
    %while3A = arith.constant 0 : i32
    %while3A_23 = arith.constant 0 : i32
    %while3A_24 = arith.subi %select_n3A, %while3A_23 : i32
    %while3A_25 = arith.addi %while3A_23, %while3A_24 : i32
    %while3A_26 = arith.constant 1 : i32
    %while3A_27 = arith.divsi %while3A_24, %while3A_26 : i32
    %while3A_28 = arith.muli %while3A_27, %while3A_26 : i32
    %while3A_29 = arith.addi %while3A_23, %while3A_28 : i32
    %while3A_30 = arith.constant 1 : i32
    scf.for %while3A_147 = %while3A_23 to %while3A_29 step %while3A_30  : i32 {
      %mul3A_148 = arith.constant 16 : i32
      %mul3A_149 = arith.muli %while3A_147, %mul3A_148 : i32
      %add3A_150 = arith.addi %arg1, %mul3A_149 : i32
      %mul3A_151 = arith.constant 80 : i32
      %mul3A_152 = arith.muli %add3A_150, %mul3A_151 : i32
      "tpu.region"() ({
        %run_scoped3A = tpu.sem_alloc : memref<!tpu.dma_semaphore, #tpu.memory_space<semaphore_mem>>
        %dma_start3A = tpu.memref_slice %arg3[%mul3A_152] : memref<10000xi32, #tpu.memory_space<hbm>> -> memref<80xi32, #tpu.memory_space<hbm>>
        %dma_start3A_153 = tpu.memref_slice %arg3[%mul3A_152] : memref<10000xi32, #tpu.memory_space<hbm>> -> memref<80xi32, #tpu.memory_space<hbm>>
        tpu.enqueue_dma source(%dma_start3A_153 : memref<80xi32, #tpu.memory_space<hbm>>) target(%arg10 : memref<80xi32, #tpu.memory_space<vmem>>) target_semaphore(%run_scoped3A : memref<!tpu.dma_semaphore, #tpu.memory_space<semaphore_mem>>)
        %dma_wait3A = tpu.memref_slice %arg3[%mul3A_152] : memref<10000xi32, #tpu.memory_space<hbm>> -> memref<80xi32, #tpu.memory_space<hbm>>
        %dma_wait3A_154 = tpu.memref_slice %arg3[%mul3A_152] : memref<10000xi32, #tpu.memory_space<hbm>> -> memref<80xi32, #tpu.memory_space<hbm>>
        tpu.wait_dma2 semaphore(%run_scoped3A : memref<!tpu.dma_semaphore, #tpu.memory_space<semaphore_mem>>) src(%dma_wait3A_154 : memref<80xi32, #tpu.memory_space<hbm>>) dst(%arg10 : memref<80xi32, #tpu.memory_space<vmem>>)
        tpu.yield
      }) : () -> ()
      "tpu.region"() ({
        %run_scoped3A = tpu.sem_alloc : memref<!tpu.dma_semaphore, #tpu.memory_space<semaphore_mem>>
        %dma_start3A = arith.constant 0 : i32
        %dma_start3A_153 = tpu.memref_slice %arg2[%mul3A_152, %dma_start3A] : memref<10000x128xf32, #tpu.memory_space<hbm>> -> memref<80x128xf32, #tpu.memory_space<hbm>>
        %dma_start3A_154 = arith.constant 0 : i32
        %dma_start3A_155 = tpu.memref_slice %arg2[%mul3A_152, %dma_start3A_154] : memref<10000x128xf32, #tpu.memory_space<hbm>> -> memref<80x128xf32, #tpu.memory_space<hbm>>
        tpu.enqueue_dma source(%dma_start3A_155 : memref<80x128xf32, #tpu.memory_space<hbm>>) target(%arg11 : memref<80x128xf32, #tpu.memory_space<vmem>>) target_semaphore(%run_scoped3A : memref<!tpu.dma_semaphore, #tpu.memory_space<semaphore_mem>>)
        %dma_wait3A = arith.constant 0 : i32
        %dma_wait3A_156 = tpu.memref_slice %arg2[%mul3A_152, %dma_wait3A] : memref<10000x128xf32, #tpu.memory_space<hbm>> -> memref<80x128xf32, #tpu.memory_space<hbm>>
        %dma_wait3A_157 = arith.constant 0 : i32
        %dma_wait3A_158 = tpu.memref_slice %arg2[%mul3A_152, %dma_wait3A_157] : memref<10000x128xf32, #tpu.memory_space<hbm>> -> memref<80x128xf32, #tpu.memory_space<hbm>>
        tpu.wait_dma2 semaphore(%run_scoped3A : memref<!tpu.dma_semaphore, #tpu.memory_space<semaphore_mem>>) src(%dma_wait3A_158 : memref<80x128xf32, #tpu.memory_space<hbm>>) dst(%arg11 : memref<80x128xf32, #tpu.memory_space<vmem>>)
        tpu.yield
      }) : () -> ()
      "tpu.region"() ({
        %run_scoped3A = tpu.sem_alloc : memref<!tpu.dma_semaphore, #tpu.memory_space<semaphore_mem>>
        %dma_start3A = arith.constant 0 : i32
        %dma_start3A_153 = arith.constant 0 : i32
        %dma_start3A_154 = tpu.memref_slice %arg13[%dma_start3A, %dma_start3A_153] : memref<2500x128xf32, #tpu.memory_space<vmem_shared>> -> memref<2500x128xf32, #tpu.memory_space<vmem_shared>>
        tpu.enqueue_indirect_dma source(%arg11 : memref<80x128xf32, #tpu.memory_space<vmem>>) target(%dma_start3A_154 : memref<2500x128xf32, #tpu.memory_space<vmem_shared>>) offsets(%arg10 : memref<80xi32, #tpu.memory_space<vmem>>) semaphore(%run_scoped3A : memref<!tpu.dma_semaphore, #tpu.memory_space<semaphore_mem>>) {add = true}
        %dma_wait3A = arith.constant 0 : i32
        %dma_wait3A_155 = arith.constant 0 : i32
        %dma_wait3A_156 = tpu.memref_slice %arg13[%dma_wait3A, %dma_wait3A_155] : memref<2500x128xf32, #tpu.memory_space<vmem_shared>> -> memref<2500x128xf32, #tpu.memory_space<vmem_shared>>
        tpu.wait_indirect_dma semaphore(%run_scoped3A : memref<!tpu.dma_semaphore, #tpu.memory_space<semaphore_mem>>) src(%arg11 : memref<80x128xf32, #tpu.memory_space<vmem>>) dst(%dma_wait3A_156 : memref<2500x128xf32, #tpu.memory_space<vmem_shared>>)
        tpu.yield
      }) : () -> ()
    }
    %while3A_31 = arith.constant 1 : i32
    scf.for %while3A_147 = %while3A_29 to %while3A_25 step %while3A_31  : i32 {
      %mul3A_148 = arith.constant 16 : i32
      %mul3A_149 = arith.muli %while3A_147, %mul3A_148 : i32
      %add3A_150 = arith.addi %arg1, %mul3A_149 : i32
      %mul3A_151 = arith.constant 80 : i32
      %mul3A_152 = arith.muli %add3A_150, %mul3A_151 : i32
      "tpu.region"() ({
        %run_scoped3A = tpu.sem_alloc : memref<!tpu.dma_semaphore, #tpu.memory_space<semaphore_mem>>
        %dma_start3A = tpu.memref_slice %arg3[%mul3A_152] : memref<10000xi32, #tpu.memory_space<hbm>> -> memref<80xi32, #tpu.memory_space<hbm>>
        %dma_start3A_153 = tpu.memref_slice %arg3[%mul3A_152] : memref<10000xi32, #tpu.memory_space<hbm>> -> memref<80xi32, #tpu.memory_space<hbm>>
        tpu.enqueue_dma source(%dma_start3A_153 : memref<80xi32, #tpu.memory_space<hbm>>) target(%arg10 : memref<80xi32, #tpu.memory_space<vmem>>) target_semaphore(%run_scoped3A : memref<!tpu.dma_semaphore, #tpu.memory_space<semaphore_mem>>)
        %dma_wait3A = tpu.memref_slice %arg3[%mul3A_152] : memref<10000xi32, #tpu.memory_space<hbm>> -> memref<80xi32, #tpu.memory_space<hbm>>
        %dma_wait3A_154 = tpu.memref_slice %arg3[%mul3A_152] : memref<10000xi32, #tpu.memory_space<hbm>> -> memref<80xi32, #tpu.memory_space<hbm>>
        tpu.wait_dma2 semaphore(%run_scoped3A : memref<!tpu.dma_semaphore, #tpu.memory_space<semaphore_mem>>) src(%dma_wait3A_154 : memref<80xi32, #tpu.memory_space<hbm>>) dst(%arg10 : memref<80xi32, #tpu.memory_space<vmem>>)
        tpu.yield
      }) : () -> ()
      "tpu.region"() ({
        %run_scoped3A = tpu.sem_alloc : memref<!tpu.dma_semaphore, #tpu.memory_space<semaphore_mem>>
        %dma_start3A = arith.constant 0 : i32
        %dma_start3A_153 = tpu.memref_slice %arg2[%mul3A_152, %dma_start3A] : memref<10000x128xf32, #tpu.memory_space<hbm>> -> memref<80x128xf32, #tpu.memory_space<hbm>>
        %dma_start3A_154 = arith.constant 0 : i32
        %dma_start3A_155 = tpu.memref_slice %arg2[%mul3A_152, %dma_start3A_154] : memref<10000x128xf32, #tpu.memory_space<hbm>> -> memref<80x128xf32, #tpu.memory_space<hbm>>
        tpu.enqueue_dma source(%dma_start3A_155 : memref<80x128xf32, #tpu.memory_space<hbm>>) target(%arg11 : memref<80x128xf32, #tpu.memory_space<vmem>>) target_semaphore(%run_scoped3A : memref<!tpu.dma_semaphore, #tpu.memory_space<semaphore_mem>>)
        %dma_wait3A = arith.constant 0 : i32
        %dma_wait3A_156 = tpu.memref_slice %arg2[%mul3A_152, %dma_wait3A] : memref<10000x128xf32, #tpu.memory_space<hbm>> -> memref<80x128xf32, #tpu.memory_space<hbm>>
        %dma_wait3A_157 = arith.constant 0 : i32
        %dma_wait3A_158 = tpu.memref_slice %arg2[%mul3A_152, %dma_wait3A_157] : memref<10000x128xf32, #tpu.memory_space<hbm>> -> memref<80x128xf32, #tpu.memory_space<hbm>>
        tpu.wait_dma2 semaphore(%run_scoped3A : memref<!tpu.dma_semaphore, #tpu.memory_space<semaphore_mem>>) src(%dma_wait3A_158 : memref<80x128xf32, #tpu.memory_space<hbm>>) dst(%arg11 : memref<80x128xf32, #tpu.memory_space<vmem>>)
        tpu.yield
      }) : () -> ()
      "tpu.region"() ({
        %run_scoped3A = tpu.sem_alloc : memref<!tpu.dma_semaphore, #tpu.memory_space<semaphore_mem>>
        %dma_start3A = arith.constant 0 : i32
        %dma_start3A_153 = arith.constant 0 : i32
        %dma_start3A_154 = tpu.memref_slice %arg13[%dma_start3A, %dma_start3A_153] : memref<2500x128xf32, #tpu.memory_space<vmem_shared>> -> memref<2500x128xf32, #tpu.memory_space<vmem_shared>>
        tpu.enqueue_indirect_dma source(%arg11 : memref<80x128xf32, #tpu.memory_space<vmem>>) target(%dma_start3A_154 : memref<2500x128xf32, #tpu.memory_space<vmem_shared>>) offsets(%arg10 : memref<80xi32, #tpu.memory_space<vmem>>) semaphore(%run_scoped3A : memref<!tpu.dma_semaphore, #tpu.memory_space<semaphore_mem>>) {add = true}
        %dma_wait3A = arith.constant 0 : i32
        %dma_wait3A_155 = arith.constant 0 : i32
        %dma_wait3A_156 = tpu.memref_slice %arg13[%dma_wait3A, %dma_wait3A_155] : memref<2500x128xf32, #tpu.memory_space<vmem_shared>> -> memref<2500x128xf32, #tpu.memory_space<vmem_shared>>
        tpu.wait_indirect_dma semaphore(%run_scoped3A : memref<!tpu.dma_semaphore, #tpu.memory_space<semaphore_mem>>) src(%arg11 : memref<80x128xf32, #tpu.memory_space<vmem>>) dst(%dma_wait3A_156 : memref<2500x128xf32, #tpu.memory_space<vmem_shared>>)
        tpu.yield
      }) : () -> ()
    }
    %barrier3A_32 = arith.constant 0 : index
    tpu.barrier barrier_id(%barrier3A_32)
    %sub3A_33 = arith.constant 125 : i32
    %sub3A_34 = arith.subi %sub3A_33, %add3A : i32
    %add3A_35 = arith.constant 31 : i32
    %add3A_36 = arith.addi %sub3A_34, %add3A_35 : i32
    %jit3A_37 = arith.constant 32 : i32
    %div3A_38 = arith.divsi %add3A_36, %jit3A_37 : i32
    %sign3A_39 = arith.constant 0 : i32
    %sign3A_40 = arith.cmpi sgt, %add3A_36, %sign3A_39 : i32
    %sign3A_41 = arith.extui %sign3A_40 : i1 to i32
    %sign3A_42 = arith.constant 0 : i32
    %sign3A_43 = arith.cmpi slt, %add3A_36, %sign3A_42 : i32
    %sign3A_44 = arith.extui %sign3A_43 : i1 to i32
    %sign3A_45 = arith.subi %sign3A_41, %sign3A_44 : i32
    %sign3A_46 = arith.constant 0 : i32
    %sign3A_47 = arith.cmpi sgt, %jit3A_37, %sign3A_46 : i32
    %sign3A_48 = arith.extui %sign3A_47 : i1 to i32
    %sign3A_49 = arith.constant 0 : i32
    %sign3A_50 = arith.cmpi slt, %jit3A_37, %sign3A_49 : i32
    %sign3A_51 = arith.extui %sign3A_50 : i1 to i32
    %sign3A_52 = arith.subi %sign3A_48, %sign3A_51 : i32
    %ne3A_53 = arith.cmpi ne, %sign3A_45, %sign3A_52 : i32
    %rem3A_54 = arith.remsi %add3A_36, %jit3A_37 : i32
    %ne3A_55 = arith.constant 0 : i32
    %ne3A_56 = arith.cmpi ne, %rem3A_54, %ne3A_55 : i32
    %and3A_57 = arith.andi %ne3A_53, %ne3A_56 : i1
    %sub3A_58 = arith.constant 1 : i32
    %sub3A_59 = arith.subi %div3A_38, %sub3A_58 : i32
    %select_n3A_60 = arith.select %and3A_57, %sub3A_59, %div3A_38 : i32
    %while3A_61 = arith.constant 0 : i32
    %while3A_62 = arith.constant 0 : i32
    %while3A_63 = arith.subi %select_n3A_60, %while3A_62 : i32
    %while3A_64 = arith.addi %while3A_62, %while3A_63 : i32
    %while3A_65 = arith.constant 1 : i32
    %while3A_66 = arith.divsi %while3A_63, %while3A_65 : i32
    %while3A_67 = arith.muli %while3A_66, %while3A_65 : i32
    %while3A_68 = arith.addi %while3A_62, %while3A_67 : i32
    %while3A_69 = arith.constant 1 : i32
    scf.for %while3A_147 = %while3A_62 to %while3A_68 step %while3A_69  : i32 {
      %mul3A_148 = arith.constant 32 : i32
      %mul3A_149 = arith.muli %while3A_147, %mul3A_148 : i32
      %add3A_150 = arith.addi %add3A, %mul3A_149 : i32
      %mul3A_151 = arith.constant 80 : i32
      %mul3A_152 = arith.muli %add3A_150, %mul3A_151 : i32
      "tpu.region"() ({
        %run_scoped3A = tpu.sem_alloc : memref<!tpu.dma_semaphore, #tpu.memory_space<semaphore_mem>>
        %dma_start3A_157 = tpu.memref_slice %arg3[%mul3A_152] : memref<10000xi32, #tpu.memory_space<hbm>> -> memref<80xi32, #tpu.memory_space<hbm>>
        %dma_start3A_158 = tpu.memref_slice %arg3[%mul3A_152] : memref<10000xi32, #tpu.memory_space<hbm>> -> memref<80xi32, #tpu.memory_space<hbm>>
        tpu.enqueue_dma source(%dma_start3A_158 : memref<80xi32, #tpu.memory_space<hbm>>) target(%arg10 : memref<80xi32, #tpu.memory_space<vmem>>) target_semaphore(%run_scoped3A : memref<!tpu.dma_semaphore, #tpu.memory_space<semaphore_mem>>)
        %dma_wait3A_159 = tpu.memref_slice %arg3[%mul3A_152] : memref<10000xi32, #tpu.memory_space<hbm>> -> memref<80xi32, #tpu.memory_space<hbm>>
        %dma_wait3A_160 = tpu.memref_slice %arg3[%mul3A_152] : memref<10000xi32, #tpu.memory_space<hbm>> -> memref<80xi32, #tpu.memory_space<hbm>>
        tpu.wait_dma2 semaphore(%run_scoped3A : memref<!tpu.dma_semaphore, #tpu.memory_space<semaphore_mem>>) src(%dma_wait3A_160 : memref<80xi32, #tpu.memory_space<hbm>>) dst(%arg10 : memref<80xi32, #tpu.memory_space<vmem>>)
        tpu.yield
      }) : () -> ()
      %dma_start3A = arith.constant 0 : i32
      %dma_start3A_153 = arith.constant 0 : i32
      %dma_start3A_154 = tpu.memref_slice %arg13[%dma_start3A, %dma_start3A_153] : memref<2500x128xf32, #tpu.memory_space<vmem_shared>> -> memref<2500x128xf32, #tpu.memory_space<vmem_shared>>
      tpu.enqueue_indirect_dma source(%dma_start3A_154 : memref<2500x128xf32, #tpu.memory_space<vmem_shared>>) target(%arg11 : memref<80x128xf32, #tpu.memory_space<vmem>>) offsets(%arg10 : memref<80xi32, #tpu.memory_space<vmem>>) semaphore(%arg12 : memref<!tpu.dma_semaphore, #tpu.memory_space<semaphore_mem>>)
      %dma_wait3A = arith.constant 0 : i32
      %dma_wait3A_155 = arith.constant 0 : i32
      %dma_wait3A_156 = tpu.memref_slice %arg13[%dma_wait3A, %dma_wait3A_155] : memref<2500x128xf32, #tpu.memory_space<vmem_shared>> -> memref<2500x128xf32, #tpu.memory_space<vmem_shared>>
      tpu.wait_indirect_dma semaphore(%arg12 : memref<!tpu.dma_semaphore, #tpu.memory_space<semaphore_mem>>) src(%dma_wait3A_156 : memref<2500x128xf32, #tpu.memory_space<vmem_shared>>) dst(%arg11 : memref<80x128xf32, #tpu.memory_space<vmem>>)
      "tpu.region"() ({
        %run_scoped3A = tpu.sem_alloc : memref<!tpu.dma_semaphore, #tpu.memory_space<semaphore_mem>>
        %dma_start3A_157 = arith.constant 0 : i32
        %dma_start3A_158 = tpu.memref_slice %arg7[%mul3A_152, %dma_start3A_157] : memref<10000x128xf32, #tpu.memory_space<hbm>> -> memref<80x128xf32, #tpu.memory_space<hbm>>
        %dma_start3A_159 = arith.constant 0 : i32
        %dma_start3A_160 = tpu.memref_slice %arg7[%mul3A_152, %dma_start3A_159] : memref<10000x128xf32, #tpu.memory_space<hbm>> -> memref<80x128xf32, #tpu.memory_space<hbm>>
        tpu.enqueue_dma source(%arg11 : memref<80x128xf32, #tpu.memory_space<vmem>>) target(%dma_start3A_160 : memref<80x128xf32, #tpu.memory_space<hbm>>) target_semaphore(%run_scoped3A : memref<!tpu.dma_semaphore, #tpu.memory_space<semaphore_mem>>)
        %dma_wait3A_161 = arith.constant 0 : i32
        %dma_wait3A_162 = tpu.memref_slice %arg7[%mul3A_152, %dma_wait3A_161] : memref<10000x128xf32, #tpu.memory_space<hbm>> -> memref<80x128xf32, #tpu.memory_space<hbm>>
        %dma_wait3A_163 = arith.constant 0 : i32
        %dma_wait3A_164 = tpu.memref_slice %arg7[%mul3A_152, %dma_wait3A_163] : memref<10000x128xf32, #tpu.memory_space<hbm>> -> memref<80x128xf32, #tpu.memory_space<hbm>>
        tpu.wait_dma2 semaphore(%run_scoped3A : memref<!tpu.dma_semaphore, #tpu.memory_space<semaphore_mem>>) src(%arg11 : memref<80x128xf32, #tpu.memory_space<vmem>>) dst(%dma_wait3A_164 : memref<80x128xf32, #tpu.memory_space<hbm>>)
        tpu.yield
      }) : () -> ()
    }
    %while3A_70 = arith.constant 1 : i32
    scf.for %while3A_147 = %while3A_68 to %while3A_64 step %while3A_70  : i32 {
      %mul3A_148 = arith.constant 32 : i32
      %mul3A_149 = arith.muli %while3A_147, %mul3A_148 : i32
      %add3A_150 = arith.addi %add3A, %mul3A_149 : i32
      %mul3A_151 = arith.constant 80 : i32
      %mul3A_152 = arith.muli %add3A_150, %mul3A_151 : i32
      "tpu.region"() ({
        %run_scoped3A = tpu.sem_alloc : memref<!tpu.dma_semaphore, #tpu.memory_space<semaphore_mem>>
        %dma_start3A_157 = tpu.memref_slice %arg3[%mul3A_152] : memref<10000xi32, #tpu.memory_space<hbm>> -> memref<80xi32, #tpu.memory_space<hbm>>
        %dma_start3A_158 = tpu.memref_slice %arg3[%mul3A_152] : memref<10000xi32, #tpu.memory_space<hbm>> -> memref<80xi32, #tpu.memory_space<hbm>>
        tpu.enqueue_dma source(%dma_start3A_158 : memref<80xi32, #tpu.memory_space<hbm>>) target(%arg10 : memref<80xi32, #tpu.memory_space<vmem>>) target_semaphore(%run_scoped3A : memref<!tpu.dma_semaphore, #tpu.memory_space<semaphore_mem>>)
        %dma_wait3A_159 = tpu.memref_slice %arg3[%mul3A_152] : memref<10000xi32, #tpu.memory_space<hbm>> -> memref<80xi32, #tpu.memory_space<hbm>>
        %dma_wait3A_160 = tpu.memref_slice %arg3[%mul3A_152] : memref<10000xi32, #tpu.memory_space<hbm>> -> memref<80xi32, #tpu.memory_space<hbm>>
        tpu.wait_dma2 semaphore(%run_scoped3A : memref<!tpu.dma_semaphore, #tpu.memory_space<semaphore_mem>>) src(%dma_wait3A_160 : memref<80xi32, #tpu.memory_space<hbm>>) dst(%arg10 : memref<80xi32, #tpu.memory_space<vmem>>)
        tpu.yield
      }) : () -> ()
      %dma_start3A = arith.constant 0 : i32
      %dma_start3A_153 = arith.constant 0 : i32
      %dma_start3A_154 = tpu.memref_slice %arg13[%dma_start3A, %dma_start3A_153] : memref<2500x128xf32, #tpu.memory_space<vmem_shared>> -> memref<2500x128xf32, #tpu.memory_space<vmem_shared>>
      tpu.enqueue_indirect_dma source(%dma_start3A_154 : memref<2500x128xf32, #tpu.memory_space<vmem_shared>>) target(%arg11 : memref<80x128xf32, #tpu.memory_space<vmem>>) offsets(%arg10 : memref<80xi32, #tpu.memory_space<vmem>>) semaphore(%arg12 : memref<!tpu.dma_semaphore, #tpu.memory_space<semaphore_mem>>)
      %dma_wait3A = arith.constant 0 : i32
      %dma_wait3A_155 = arith.constant 0 : i32
      %dma_wait3A_156 = tpu.memref_slice %arg13[%dma_wait3A, %dma_wait3A_155] : memref<2500x128xf32, #tpu.memory_space<vmem_shared>> -> memref<2500x128xf32, #tpu.memory_space<vmem_shared>>
      tpu.wait_indirect_dma semaphore(%arg12 : memref<!tpu.dma_semaphore, #tpu.memory_space<semaphore_mem>>) src(%dma_wait3A_156 : memref<2500x128xf32, #tpu.memory_space<vmem_shared>>) dst(%arg11 : memref<80x128xf32, #tpu.memory_space<vmem>>)
      "tpu.region"() ({
        %run_scoped3A = tpu.sem_alloc : memref<!tpu.dma_semaphore, #tpu.memory_space<semaphore_mem>>
        %dma_start3A_157 = arith.constant 0 : i32
        %dma_start3A_158 = tpu.memref_slice %arg7[%mul3A_152, %dma_start3A_157] : memref<10000x128xf32, #tpu.memory_space<hbm>> -> memref<80x128xf32, #tpu.memory_space<hbm>>
        %dma_start3A_159 = arith.constant 0 : i32
        %dma_start3A_160 = tpu.memref_slice %arg7[%mul3A_152, %dma_start3A_159] : memref<10000x128xf32, #tpu.memory_space<hbm>> -> memref<80x128xf32, #tpu.memory_space<hbm>>
        tpu.enqueue_dma source(%arg11 : memref<80x128xf32, #tpu.memory_space<vmem>>) target(%dma_start3A_160 : memref<80x128xf32, #tpu.memory_space<hbm>>) target_semaphore(%run_scoped3A : memref<!tpu.dma_semaphore, #tpu.memory_space<semaphore_mem>>)
        %dma_wait3A_161 = arith.constant 0 : i32
        %dma_wait3A_162 = tpu.memref_slice %arg7[%mul3A_152, %dma_wait3A_161] : memref<10000x128xf32, #tpu.memory_space<hbm>> -> memref<80x128xf32, #tpu.memory_space<hbm>>
        %dma_wait3A_163 = arith.constant 0 : i32
        %dma_wait3A_164 = tpu.memref_slice %arg7[%mul3A_152, %dma_wait3A_163] : memref<10000x128xf32, #tpu.memory_space<hbm>> -> memref<80x128xf32, #tpu.memory_space<hbm>>
        tpu.wait_dma2 semaphore(%run_scoped3A : memref<!tpu.dma_semaphore, #tpu.memory_space<semaphore_mem>>) src(%arg11 : memref<80x128xf32, #tpu.memory_space<vmem>>) dst(%dma_wait3A_164 : memref<80x128xf32, #tpu.memory_space<hbm>>)
        tpu.yield
      }) : () -> ()
    }
    %sub3A_71 = arith.constant 500 : i32
    %sub3A_72 = arith.subi %sub3A_71, %add3A : i32
    %add3A_73 = arith.constant 31 : i32
    %add3A_74 = arith.addi %sub3A_72, %add3A_73 : i32
    %jit3A_75 = arith.constant 32 : i32
    %div3A_76 = arith.divsi %add3A_74, %jit3A_75 : i32
    %sign3A_77 = arith.constant 0 : i32
    %sign3A_78 = arith.cmpi sgt, %add3A_74, %sign3A_77 : i32
    %sign3A_79 = arith.extui %sign3A_78 : i1 to i32
    %sign3A_80 = arith.constant 0 : i32
    %sign3A_81 = arith.cmpi slt, %add3A_74, %sign3A_80 : i32
    %sign3A_82 = arith.extui %sign3A_81 : i1 to i32
    %sign3A_83 = arith.subi %sign3A_79, %sign3A_82 : i32
    %sign3A_84 = arith.constant 0 : i32
    %sign3A_85 = arith.cmpi sgt, %jit3A_75, %sign3A_84 : i32
    %sign3A_86 = arith.extui %sign3A_85 : i1 to i32
    %sign3A_87 = arith.constant 0 : i32
    %sign3A_88 = arith.cmpi slt, %jit3A_75, %sign3A_87 : i32
    %sign3A_89 = arith.extui %sign3A_88 : i1 to i32
    %sign3A_90 = arith.subi %sign3A_86, %sign3A_89 : i32
    %ne3A_91 = arith.cmpi ne, %sign3A_83, %sign3A_90 : i32
    %rem3A_92 = arith.remsi %add3A_74, %jit3A_75 : i32
    %ne3A_93 = arith.constant 0 : i32
    %ne3A_94 = arith.cmpi ne, %rem3A_92, %ne3A_93 : i32
    %and3A_95 = arith.andi %ne3A_91, %ne3A_94 : i1
    %sub3A_96 = arith.constant 1 : i32
    %sub3A_97 = arith.subi %div3A_76, %sub3A_96 : i32
    %select_n3A_98 = arith.select %and3A_95, %sub3A_97, %div3A_76 : i32
    %while3A_99 = arith.constant 0 : i32
    %while3A_100 = arith.constant 0 : i32
    %while3A_101 = arith.subi %select_n3A_98, %while3A_100 : i32
    %while3A_102 = arith.addi %while3A_100, %while3A_101 : i32
    %while3A_103 = arith.constant 1 : i32
    %while3A_104 = arith.divsi %while3A_101, %while3A_103 : i32
    %while3A_105 = arith.muli %while3A_104, %while3A_103 : i32
    %while3A_106 = arith.addi %while3A_100, %while3A_105 : i32
    %while3A_107 = arith.constant 1 : i32
    scf.for %while3A_147 = %while3A_100 to %while3A_106 step %while3A_107  : i32 {
      %mul3A_148 = arith.constant 32 : i32
      %mul3A_149 = arith.muli %while3A_147, %mul3A_148 : i32
      %add3A_150 = arith.addi %add3A, %mul3A_149 : i32
      %mul3A_151 = arith.constant 80 : i32
      %mul3A_152 = arith.muli %add3A_150, %mul3A_151 : i32
      "tpu.region"() ({
        %run_scoped3A = tpu.sem_alloc : memref<!tpu.dma_semaphore, #tpu.memory_space<semaphore_mem>>
        %dma_start3A_157 = tpu.memref_slice %arg4[%mul3A_152] : memref<40000xi32, #tpu.memory_space<hbm>> -> memref<80xi32, #tpu.memory_space<hbm>>
        %dma_start3A_158 = tpu.memref_slice %arg4[%mul3A_152] : memref<40000xi32, #tpu.memory_space<hbm>> -> memref<80xi32, #tpu.memory_space<hbm>>
        tpu.enqueue_dma source(%dma_start3A_158 : memref<80xi32, #tpu.memory_space<hbm>>) target(%arg10 : memref<80xi32, #tpu.memory_space<vmem>>) target_semaphore(%run_scoped3A : memref<!tpu.dma_semaphore, #tpu.memory_space<semaphore_mem>>)
        %dma_wait3A_159 = tpu.memref_slice %arg4[%mul3A_152] : memref<40000xi32, #tpu.memory_space<hbm>> -> memref<80xi32, #tpu.memory_space<hbm>>
        %dma_wait3A_160 = tpu.memref_slice %arg4[%mul3A_152] : memref<40000xi32, #tpu.memory_space<hbm>> -> memref<80xi32, #tpu.memory_space<hbm>>
        tpu.wait_dma2 semaphore(%run_scoped3A : memref<!tpu.dma_semaphore, #tpu.memory_space<semaphore_mem>>) src(%dma_wait3A_160 : memref<80xi32, #tpu.memory_space<hbm>>) dst(%arg10 : memref<80xi32, #tpu.memory_space<vmem>>)
        tpu.yield
      }) : () -> ()
      %dma_start3A = arith.constant 0 : i32
      %dma_start3A_153 = arith.constant 0 : i32
      %dma_start3A_154 = tpu.memref_slice %arg13[%dma_start3A, %dma_start3A_153] : memref<2500x128xf32, #tpu.memory_space<vmem_shared>> -> memref<2500x128xf32, #tpu.memory_space<vmem_shared>>
      tpu.enqueue_indirect_dma source(%dma_start3A_154 : memref<2500x128xf32, #tpu.memory_space<vmem_shared>>) target(%arg11 : memref<80x128xf32, #tpu.memory_space<vmem>>) offsets(%arg10 : memref<80xi32, #tpu.memory_space<vmem>>) semaphore(%arg12 : memref<!tpu.dma_semaphore, #tpu.memory_space<semaphore_mem>>)
      %dma_wait3A = arith.constant 0 : i32
      %dma_wait3A_155 = arith.constant 0 : i32
      %dma_wait3A_156 = tpu.memref_slice %arg13[%dma_wait3A, %dma_wait3A_155] : memref<2500x128xf32, #tpu.memory_space<vmem_shared>> -> memref<2500x128xf32, #tpu.memory_space<vmem_shared>>
      tpu.wait_indirect_dma semaphore(%arg12 : memref<!tpu.dma_semaphore, #tpu.memory_space<semaphore_mem>>) src(%dma_wait3A_156 : memref<2500x128xf32, #tpu.memory_space<vmem_shared>>) dst(%arg11 : memref<80x128xf32, #tpu.memory_space<vmem>>)
      "tpu.region"() ({
        %run_scoped3A = tpu.sem_alloc : memref<!tpu.dma_semaphore, #tpu.memory_space<semaphore_mem>>
        %dma_start3A_157 = arith.constant 0 : i32
        %dma_start3A_158 = tpu.memref_slice %arg8[%mul3A_152, %dma_start3A_157] : memref<40000x128xf32, #tpu.memory_space<hbm>> -> memref<80x128xf32, #tpu.memory_space<hbm>>
        %dma_start3A_159 = arith.constant 0 : i32
        %dma_start3A_160 = tpu.memref_slice %arg8[%mul3A_152, %dma_start3A_159] : memref<40000x128xf32, #tpu.memory_space<hbm>> -> memref<80x128xf32, #tpu.memory_space<hbm>>
        tpu.enqueue_dma source(%arg11 : memref<80x128xf32, #tpu.memory_space<vmem>>) target(%dma_start3A_160 : memref<80x128xf32, #tpu.memory_space<hbm>>) target_semaphore(%run_scoped3A : memref<!tpu.dma_semaphore, #tpu.memory_space<semaphore_mem>>)
        %dma_wait3A_161 = arith.constant 0 : i32
        %dma_wait3A_162 = tpu.memref_slice %arg8[%mul3A_152, %dma_wait3A_161] : memref<40000x128xf32, #tpu.memory_space<hbm>> -> memref<80x128xf32, #tpu.memory_space<hbm>>
        %dma_wait3A_163 = arith.constant 0 : i32
        %dma_wait3A_164 = tpu.memref_slice %arg8[%mul3A_152, %dma_wait3A_163] : memref<40000x128xf32, #tpu.memory_space<hbm>> -> memref<80x128xf32, #tpu.memory_space<hbm>>
        tpu.wait_dma2 semaphore(%run_scoped3A : memref<!tpu.dma_semaphore, #tpu.memory_space<semaphore_mem>>) src(%arg11 : memref<80x128xf32, #tpu.memory_space<vmem>>) dst(%dma_wait3A_164 : memref<80x128xf32, #tpu.memory_space<hbm>>)
        tpu.yield
      }) : () -> ()
    }
    %while3A_108 = arith.constant 1 : i32
    scf.for %while3A_147 = %while3A_106 to %while3A_102 step %while3A_108  : i32 {
      %mul3A_148 = arith.constant 32 : i32
      %mul3A_149 = arith.muli %while3A_147, %mul3A_148 : i32
      %add3A_150 = arith.addi %add3A, %mul3A_149 : i32
      %mul3A_151 = arith.constant 80 : i32
      %mul3A_152 = arith.muli %add3A_150, %mul3A_151 : i32
      "tpu.region"() ({
        %run_scoped3A = tpu.sem_alloc : memref<!tpu.dma_semaphore, #tpu.memory_space<semaphore_mem>>
        %dma_start3A_157 = tpu.memref_slice %arg4[%mul3A_152] : memref<40000xi32, #tpu.memory_space<hbm>> -> memref<80xi32, #tpu.memory_space<hbm>>
        %dma_start3A_158 = tpu.memref_slice %arg4[%mul3A_152] : memref<40000xi32, #tpu.memory_space<hbm>> -> memref<80xi32, #tpu.memory_space<hbm>>
        tpu.enqueue_dma source(%dma_start3A_158 : memref<80xi32, #tpu.memory_space<hbm>>) target(%arg10 : memref<80xi32, #tpu.memory_space<vmem>>) target_semaphore(%run_scoped3A : memref<!tpu.dma_semaphore, #tpu.memory_space<semaphore_mem>>)
        %dma_wait3A_159 = tpu.memref_slice %arg4[%mul3A_152] : memref<40000xi32, #tpu.memory_space<hbm>> -> memref<80xi32, #tpu.memory_space<hbm>>
        %dma_wait3A_160 = tpu.memref_slice %arg4[%mul3A_152] : memref<40000xi32, #tpu.memory_space<hbm>> -> memref<80xi32, #tpu.memory_space<hbm>>
        tpu.wait_dma2 semaphore(%run_scoped3A : memref<!tpu.dma_semaphore, #tpu.memory_space<semaphore_mem>>) src(%dma_wait3A_160 : memref<80xi32, #tpu.memory_space<hbm>>) dst(%arg10 : memref<80xi32, #tpu.memory_space<vmem>>)
        tpu.yield
      }) : () -> ()
      %dma_start3A = arith.constant 0 : i32
      %dma_start3A_153 = arith.constant 0 : i32
      %dma_start3A_154 = tpu.memref_slice %arg13[%dma_start3A, %dma_start3A_153] : memref<2500x128xf32, #tpu.memory_space<vmem_shared>> -> memref<2500x128xf32, #tpu.memory_space<vmem_shared>>
      tpu.enqueue_indirect_dma source(%dma_start3A_154 : memref<2500x128xf32, #tpu.memory_space<vmem_shared>>) target(%arg11 : memref<80x128xf32, #tpu.memory_space<vmem>>) offsets(%arg10 : memref<80xi32, #tpu.memory_space<vmem>>) semaphore(%arg12 : memref<!tpu.dma_semaphore, #tpu.memory_space<semaphore_mem>>)
      %dma_wait3A = arith.constant 0 : i32
      %dma_wait3A_155 = arith.constant 0 : i32
      %dma_wait3A_156 = tpu.memref_slice %arg13[%dma_wait3A, %dma_wait3A_155] : memref<2500x128xf32, #tpu.memory_space<vmem_shared>> -> memref<2500x128xf32, #tpu.memory_space<vmem_shared>>
      tpu.wait_indirect_dma semaphore(%arg12 : memref<!tpu.dma_semaphore, #tpu.memory_space<semaphore_mem>>) src(%dma_wait3A_156 : memref<2500x128xf32, #tpu.memory_space<vmem_shared>>) dst(%arg11 : memref<80x128xf32, #tpu.memory_space<vmem>>)
      "tpu.region"() ({
        %run_scoped3A = tpu.sem_alloc : memref<!tpu.dma_semaphore, #tpu.memory_space<semaphore_mem>>
        %dma_start3A_157 = arith.constant 0 : i32
        %dma_start3A_158 = tpu.memref_slice %arg8[%mul3A_152, %dma_start3A_157] : memref<40000x128xf32, #tpu.memory_space<hbm>> -> memref<80x128xf32, #tpu.memory_space<hbm>>
        %dma_start3A_159 = arith.constant 0 : i32
        %dma_start3A_160 = tpu.memref_slice %arg8[%mul3A_152, %dma_start3A_159] : memref<40000x128xf32, #tpu.memory_space<hbm>> -> memref<80x128xf32, #tpu.memory_space<hbm>>
        tpu.enqueue_dma source(%arg11 : memref<80x128xf32, #tpu.memory_space<vmem>>) target(%dma_start3A_160 : memref<80x128xf32, #tpu.memory_space<hbm>>) target_semaphore(%run_scoped3A : memref<!tpu.dma_semaphore, #tpu.memory_space<semaphore_mem>>)
        %dma_wait3A_161 = arith.constant 0 : i32
        %dma_wait3A_162 = tpu.memref_slice %arg8[%mul3A_152, %dma_wait3A_161] : memref<40000x128xf32, #tpu.memory_space<hbm>> -> memref<80x128xf32, #tpu.memory_space<hbm>>
        %dma_wait3A_163 = arith.constant 0 : i32
        %dma_wait3A_164 = tpu.memref_slice %arg8[%mul3A_152, %dma_wait3A_163] : memref<40000x128xf32, #tpu.memory_space<hbm>> -> memref<80x128xf32, #tpu.memory_space<hbm>>
        tpu.wait_dma2 semaphore(%run_scoped3A : memref<!tpu.dma_semaphore, #tpu.memory_space<semaphore_mem>>) src(%arg11 : memref<80x128xf32, #tpu.memory_space<vmem>>) dst(%dma_wait3A_164 : memref<80x128xf32, #tpu.memory_space<hbm>>)
        tpu.yield
      }) : () -> ()
    }
    %sub3A_109 = arith.constant 500 : i32
    %sub3A_110 = arith.subi %sub3A_109, %add3A : i32
    %add3A_111 = arith.constant 31 : i32
    %add3A_112 = arith.addi %sub3A_110, %add3A_111 : i32
    %jit3A_113 = arith.constant 32 : i32
    %div3A_114 = arith.divsi %add3A_112, %jit3A_113 : i32
    %sign3A_115 = arith.constant 0 : i32
    %sign3A_116 = arith.cmpi sgt, %add3A_112, %sign3A_115 : i32
    %sign3A_117 = arith.extui %sign3A_116 : i1 to i32
    %sign3A_118 = arith.constant 0 : i32
    %sign3A_119 = arith.cmpi slt, %add3A_112, %sign3A_118 : i32
    %sign3A_120 = arith.extui %sign3A_119 : i1 to i32
    %sign3A_121 = arith.subi %sign3A_117, %sign3A_120 : i32
    %sign3A_122 = arith.constant 0 : i32
    %sign3A_123 = arith.cmpi sgt, %jit3A_113, %sign3A_122 : i32
    %sign3A_124 = arith.extui %sign3A_123 : i1 to i32
    %sign3A_125 = arith.constant 0 : i32
    %sign3A_126 = arith.cmpi slt, %jit3A_113, %sign3A_125 : i32
    %sign3A_127 = arith.extui %sign3A_126 : i1 to i32
    %sign3A_128 = arith.subi %sign3A_124, %sign3A_127 : i32
    %ne3A_129 = arith.cmpi ne, %sign3A_121, %sign3A_128 : i32
    %rem3A_130 = arith.remsi %add3A_112, %jit3A_113 : i32
    %ne3A_131 = arith.constant 0 : i32
    %ne3A_132 = arith.cmpi ne, %rem3A_130, %ne3A_131 : i32
    %and3A_133 = arith.andi %ne3A_129, %ne3A_132 : i1
    %sub3A_134 = arith.constant 1 : i32
    %sub3A_135 = arith.subi %div3A_114, %sub3A_134 : i32
    %select_n3A_136 = arith.select %and3A_133, %sub3A_135, %div3A_114 : i32
    %while3A_137 = arith.constant 0 : i32
    %while3A_138 = arith.constant 0 : i32
    %while3A_139 = arith.subi %select_n3A_136, %while3A_138 : i32
    %while3A_140 = arith.addi %while3A_138, %while3A_139 : i32
    %while3A_141 = arith.constant 1 : i32
    %while3A_142 = arith.divsi %while3A_139, %while3A_141 : i32
    %while3A_143 = arith.muli %while3A_142, %while3A_141 : i32
    %while3A_144 = arith.addi %while3A_138, %while3A_143 : i32
    %while3A_145 = arith.constant 1 : i32
    scf.for %while3A_147 = %while3A_138 to %while3A_144 step %while3A_145  : i32 {
      %mul3A_148 = arith.constant 32 : i32
      %mul3A_149 = arith.muli %while3A_147, %mul3A_148 : i32
      %add3A_150 = arith.addi %add3A, %mul3A_149 : i32
      %mul3A_151 = arith.constant 80 : i32
      %mul3A_152 = arith.muli %add3A_150, %mul3A_151 : i32
      "tpu.region"() ({
        %run_scoped3A = tpu.sem_alloc : memref<!tpu.dma_semaphore, #tpu.memory_space<semaphore_mem>>
        %dma_start3A_157 = tpu.memref_slice %arg5[%mul3A_152] : memref<40000xi32, #tpu.memory_space<hbm>> -> memref<80xi32, #tpu.memory_space<hbm>>
        %dma_start3A_158 = tpu.memref_slice %arg5[%mul3A_152] : memref<40000xi32, #tpu.memory_space<hbm>> -> memref<80xi32, #tpu.memory_space<hbm>>
        tpu.enqueue_dma source(%dma_start3A_158 : memref<80xi32, #tpu.memory_space<hbm>>) target(%arg10 : memref<80xi32, #tpu.memory_space<vmem>>) target_semaphore(%run_scoped3A : memref<!tpu.dma_semaphore, #tpu.memory_space<semaphore_mem>>)
        %dma_wait3A_159 = tpu.memref_slice %arg5[%mul3A_152] : memref<40000xi32, #tpu.memory_space<hbm>> -> memref<80xi32, #tpu.memory_space<hbm>>
        %dma_wait3A_160 = tpu.memref_slice %arg5[%mul3A_152] : memref<40000xi32, #tpu.memory_space<hbm>> -> memref<80xi32, #tpu.memory_space<hbm>>
        tpu.wait_dma2 semaphore(%run_scoped3A : memref<!tpu.dma_semaphore, #tpu.memory_space<semaphore_mem>>) src(%dma_wait3A_160 : memref<80xi32, #tpu.memory_space<hbm>>) dst(%arg10 : memref<80xi32, #tpu.memory_space<vmem>>)
        tpu.yield
      }) : () -> ()
      %dma_start3A = arith.constant 0 : i32
      %dma_start3A_153 = arith.constant 0 : i32
      %dma_start3A_154 = tpu.memref_slice %arg13[%dma_start3A, %dma_start3A_153] : memref<2500x128xf32, #tpu.memory_space<vmem_shared>> -> memref<2500x128xf32, #tpu.memory_space<vmem_shared>>
      tpu.enqueue_indirect_dma source(%dma_start3A_154 : memref<2500x128xf32, #tpu.memory_space<vmem_shared>>) target(%arg11 : memref<80x128xf32, #tpu.memory_space<vmem>>) offsets(%arg10 : memref<80xi32, #tpu.memory_space<vmem>>) semaphore(%arg12 : memref<!tpu.dma_semaphore, #tpu.memory_space<semaphore_mem>>)
      %dma_wait3A = arith.constant 0 : i32
      %dma_wait3A_155 = arith.constant 0 : i32
      %dma_wait3A_156 = tpu.memref_slice %arg13[%dma_wait3A, %dma_wait3A_155] : memref<2500x128xf32, #tpu.memory_space<vmem_shared>> -> memref<2500x128xf32, #tpu.memory_space<vmem_shared>>
      tpu.wait_indirect_dma semaphore(%arg12 : memref<!tpu.dma_semaphore, #tpu.memory_space<semaphore_mem>>) src(%dma_wait3A_156 : memref<2500x128xf32, #tpu.memory_space<vmem_shared>>) dst(%arg11 : memref<80x128xf32, #tpu.memory_space<vmem>>)
      "tpu.region"() ({
        %run_scoped3A = tpu.sem_alloc : memref<!tpu.dma_semaphore, #tpu.memory_space<semaphore_mem>>
        %dma_start3A_157 = arith.constant 0 : i32
        %dma_start3A_158 = tpu.memref_slice %arg9[%mul3A_152, %dma_start3A_157] : memref<40000x128xf32, #tpu.memory_space<hbm>> -> memref<80x128xf32, #tpu.memory_space<hbm>>
        %dma_start3A_159 = arith.constant 0 : i32
        %dma_start3A_160 = tpu.memref_slice %arg9[%mul3A_152, %dma_start3A_159] : memref<40000x128xf32, #tpu.memory_space<hbm>> -> memref<80x128xf32, #tpu.memory_space<hbm>>
        tpu.enqueue_dma source(%arg11 : memref<80x128xf32, #tpu.memory_space<vmem>>) target(%dma_start3A_160 : memref<80x128xf32, #tpu.memory_space<hbm>>) target_semaphore(%run_scoped3A : memref<!tpu.dma_semaphore, #tpu.memory_space<semaphore_mem>>)
        %dma_wait3A_161 = arith.constant 0 : i32
        %dma_wait3A_162 = tpu.memref_slice %arg9[%mul3A_152, %dma_wait3A_161] : memref<40000x128xf32, #tpu.memory_space<hbm>> -> memref<80x128xf32, #tpu.memory_space<hbm>>
        %dma_wait3A_163 = arith.constant 0 : i32
        %dma_wait3A_164 = tpu.memref_slice %arg9[%mul3A_152, %dma_wait3A_163] : memref<40000x128xf32, #tpu.memory_space<hbm>> -> memref<80x128xf32, #tpu.memory_space<hbm>>
        tpu.wait_dma2 semaphore(%run_scoped3A : memref<!tpu.dma_semaphore, #tpu.memory_space<semaphore_mem>>) src(%arg11 : memref<80x128xf32, #tpu.memory_space<vmem>>) dst(%dma_wait3A_164 : memref<80x128xf32, #tpu.memory_space<hbm>>)
        tpu.yield
      }) : () -> ()
    }
    %while3A_146 = arith.constant 1 : i32
    scf.for %while3A_147 = %while3A_144 to %while3A_140 step %while3A_146  : i32 {
      %mul3A_148 = arith.constant 32 : i32
      %mul3A_149 = arith.muli %while3A_147, %mul3A_148 : i32
      %add3A_150 = arith.addi %add3A, %mul3A_149 : i32
      %mul3A_151 = arith.constant 80 : i32
      %mul3A_152 = arith.muli %add3A_150, %mul3A_151 : i32
      "tpu.region"() ({
        %run_scoped3A = tpu.sem_alloc : memref<!tpu.dma_semaphore, #tpu.memory_space<semaphore_mem>>
        %dma_start3A_157 = tpu.memref_slice %arg5[%mul3A_152] : memref<40000xi32, #tpu.memory_space<hbm>> -> memref<80xi32, #tpu.memory_space<hbm>>
        %dma_start3A_158 = tpu.memref_slice %arg5[%mul3A_152] : memref<40000xi32, #tpu.memory_space<hbm>> -> memref<80xi32, #tpu.memory_space<hbm>>
        tpu.enqueue_dma source(%dma_start3A_158 : memref<80xi32, #tpu.memory_space<hbm>>) target(%arg10 : memref<80xi32, #tpu.memory_space<vmem>>) target_semaphore(%run_scoped3A : memref<!tpu.dma_semaphore, #tpu.memory_space<semaphore_mem>>)
        %dma_wait3A_159 = tpu.memref_slice %arg5[%mul3A_152] : memref<40000xi32, #tpu.memory_space<hbm>> -> memref<80xi32, #tpu.memory_space<hbm>>
        %dma_wait3A_160 = tpu.memref_slice %arg5[%mul3A_152] : memref<40000xi32, #tpu.memory_space<hbm>> -> memref<80xi32, #tpu.memory_space<hbm>>
        tpu.wait_dma2 semaphore(%run_scoped3A : memref<!tpu.dma_semaphore, #tpu.memory_space<semaphore_mem>>) src(%dma_wait3A_160 : memref<80xi32, #tpu.memory_space<hbm>>) dst(%arg10 : memref<80xi32, #tpu.memory_space<vmem>>)
        tpu.yield
      }) : () -> ()
      %dma_start3A = arith.constant 0 : i32
      %dma_start3A_153 = arith.constant 0 : i32
      %dma_start3A_154 = tpu.memref_slice %arg13[%dma_start3A, %dma_start3A_153] : memref<2500x128xf32, #tpu.memory_space<vmem_shared>> -> memref<2500x128xf32, #tpu.memory_space<vmem_shared>>
      tpu.enqueue_indirect_dma source(%dma_start3A_154 : memref<2500x128xf32, #tpu.memory_space<vmem_shared>>) target(%arg11 : memref<80x128xf32, #tpu.memory_space<vmem>>) offsets(%arg10 : memref<80xi32, #tpu.memory_space<vmem>>) semaphore(%arg12 : memref<!tpu.dma_semaphore, #tpu.memory_space<semaphore_mem>>)
      %dma_wait3A = arith.constant 0 : i32
      %dma_wait3A_155 = arith.constant 0 : i32
      %dma_wait3A_156 = tpu.memref_slice %arg13[%dma_wait3A, %dma_wait3A_155] : memref<2500x128xf32, #tpu.memory_space<vmem_shared>> -> memref<2500x128xf32, #tpu.memory_space<vmem_shared>>
      tpu.wait_indirect_dma semaphore(%arg12 : memref<!tpu.dma_semaphore, #tpu.memory_space<semaphore_mem>>) src(%dma_wait3A_156 : memref<2500x128xf32, #tpu.memory_space<vmem_shared>>) dst(%arg11 : memref<80x128xf32, #tpu.memory_space<vmem>>)
      "tpu.region"() ({
        %run_scoped3A = tpu.sem_alloc : memref<!tpu.dma_semaphore, #tpu.memory_space<semaphore_mem>>
        %dma_start3A_157 = arith.constant 0 : i32
        %dma_start3A_158 = tpu.memref_slice %arg9[%mul3A_152, %dma_start3A_157] : memref<40000x128xf32, #tpu.memory_space<hbm>> -> memref<80x128xf32, #tpu.memory_space<hbm>>
        %dma_start3A_159 = arith.constant 0 : i32
        %dma_start3A_160 = tpu.memref_slice %arg9[%mul3A_152, %dma_start3A_159] : memref<40000x128xf32, #tpu.memory_space<hbm>> -> memref<80x128xf32, #tpu.memory_space<hbm>>
        tpu.enqueue_dma source(%arg11 : memref<80x128xf32, #tpu.memory_space<vmem>>) target(%dma_start3A_160 : memref<80x128xf32, #tpu.memory_space<hbm>>) target_semaphore(%run_scoped3A : memref<!tpu.dma_semaphore, #tpu.memory_space<semaphore_mem>>)
        %dma_wait3A_161 = arith.constant 0 : i32
        %dma_wait3A_162 = tpu.memref_slice %arg9[%mul3A_152, %dma_wait3A_161] : memref<40000x128xf32, #tpu.memory_space<hbm>> -> memref<80x128xf32, #tpu.memory_space<hbm>>
        %dma_wait3A_163 = arith.constant 0 : i32
        %dma_wait3A_164 = tpu.memref_slice %arg9[%mul3A_152, %dma_wait3A_163] : memref<40000x128xf32, #tpu.memory_space<hbm>> -> memref<80x128xf32, #tpu.memory_space<hbm>>
        tpu.wait_dma2 semaphore(%run_scoped3A : memref<!tpu.dma_semaphore, #tpu.memory_space<semaphore_mem>>) src(%arg11 : memref<80x128xf32, #tpu.memory_space<vmem>>) dst(%dma_wait3A_164 : memref<80x128xf32, #tpu.memory_space<hbm>>)
        tpu.yield
      }) : () -> ()
    }
    return
  }
}

#map = affine_map<(d0, d1) -> (0, 0)>
#map1 = affine_map<(d0, d1) -> (0)>
module attributes {stable_mosaic.version = 14 : i64} {
  func.func @body(%arg0: i32, %arg1: i32, %arg2: memref<10000x128xf32, #tpu.memory_space<hbm>>, %arg3: memref<10000x128xf32, #tpu.memory_space<hbm>>, %arg4: memref<320000xi32, #tpu.memory_space<hbm>>, %arg5: memref<320000xi32, #tpu.memory_space<hbm>>, %arg6: memref<320000x128xf32, #tpu.memory_space<hbm>>, %arg7: memref<128xi32, #tpu.memory_space<vmem>>, %arg8: memref<128xi32, #tpu.memory_space<vmem>>, %arg9: memref<128x128xf32, #tpu.memory_space<vmem>>, %arg10: memref<128x128xf32, #tpu.memory_space<vmem>>, %arg11: memref<128xi32, #tpu.memory_space<vmem>>, %arg12: memref<128xi32, #tpu.memory_space<vmem>>, %arg13: memref<128x128xf32, #tpu.memory_space<vmem>>, %arg14: memref<128x128xf32, #tpu.memory_space<vmem>>, %arg15: memref<!tpu.dma_semaphore, #tpu.memory_space<semaphore_mem>>, %arg16: memref<!tpu.dma_semaphore, #tpu.memory_space<semaphore_mem>>) attributes {dimension_semantics = [#tpu.dimension_semantics<core_parallel>, #tpu.dimension_semantics<subcore_parallel>], iteration_bounds = array<i64: 2, 16>, scalar_prefetch = 0 : i64, scratch_operands = 10 : i64, tpu.core_type = #tpu.core_type<sc_vector_subcore>, window_params = [{transform_indices = #map}, {transform_indices = #map}, {transform_indices = #map1}, {transform_indices = #map1}, {transform_indices = #map}]} {
    %mul3A = arith.constant 2 : i32
    %mul3A_0 = arith.muli %arg1, %mul3A : i32
    %add3A = arith.addi %mul3A_0, %arg0 : i32
    %sub3A = arith.constant 2500 : i32
    %sub3A_1 = arith.subi %sub3A, %add3A : i32
    %add3A_2 = arith.constant 31 : i32
    %add3A_3 = arith.addi %sub3A_1, %add3A_2 : i32
    %jit3A = arith.constant 32 : i32
    %div3A = arith.divsi %add3A_3, %jit3A : i32
    %sign3A = arith.constant 0 : i32
    %sign3A_4 = arith.cmpi sgt, %add3A_3, %sign3A : i32
    %sign3A_5 = arith.extui %sign3A_4 : i1 to i32
    %sign3A_6 = arith.constant 0 : i32
    %sign3A_7 = arith.cmpi slt, %add3A_3, %sign3A_6 : i32
    %sign3A_8 = arith.extui %sign3A_7 : i1 to i32
    %sign3A_9 = arith.subi %sign3A_5, %sign3A_8 : i32
    %sign3A_10 = arith.constant 0 : i32
    %sign3A_11 = arith.cmpi sgt, %jit3A, %sign3A_10 : i32
    %sign3A_12 = arith.extui %sign3A_11 : i1 to i32
    %sign3A_13 = arith.constant 0 : i32
    %sign3A_14 = arith.cmpi slt, %jit3A, %sign3A_13 : i32
    %sign3A_15 = arith.extui %sign3A_14 : i1 to i32
    %sign3A_16 = arith.subi %sign3A_12, %sign3A_15 : i32
    %ne3A = arith.cmpi ne, %sign3A_9, %sign3A_16 : i32
    %rem3A = arith.remsi %add3A_3, %jit3A : i32
    %ne3A_17 = arith.constant 0 : i32
    %ne3A_18 = arith.cmpi ne, %rem3A, %ne3A_17 : i32
    %and3A = arith.andi %ne3A, %ne3A_18 : i1
    %sub3A_19 = arith.constant 1 : i32
    %sub3A_20 = arith.subi %div3A, %sub3A_19 : i32
    %select_n3A = arith.select %and3A, %sub3A_20, %div3A : i32
    %gt3A = arith.constant 0 : i32
    %gt3A_21 = arith.cmpi sgt, %select_n3A, %gt3A : i32
    %convert_element_type3A = arith.extui %gt3A_21 : i1 to i32
    %cond3A = arith.constant 0 : i32
    %cond3A_22 = arith.cmpi ne, %convert_element_type3A, %cond3A : i32
    scf.if %cond3A_22 {
      %add3A_58 = arith.constant 0 : i32
      %add3A_59 = arith.addi %add3A, %add3A_58 : i32
      %mul3A_60 = arith.constant 128 : i32
      %mul3A_61 = arith.muli %add3A_59, %mul3A_60 : i32
      "tpu.region"() ({
        %run_scoped3A = tpu.sem_alloc : memref<!tpu.dma_semaphore, #tpu.memory_space<semaphore_mem>>
        %dma_start3A_67 = tpu.memref_slice %arg4[%mul3A_61] : memref<320000xi32, #tpu.memory_space<hbm>> -> memref<128xi32, #tpu.memory_space<hbm>>
        %dma_start3A_68 = tpu.memref_slice %arg4[%mul3A_61] : memref<320000xi32, #tpu.memory_space<hbm>> -> memref<128xi32, #tpu.memory_space<hbm>>
        tpu.enqueue_dma source(%dma_start3A_68 : memref<128xi32, #tpu.memory_space<hbm>>) target(%arg7 : memref<128xi32, #tpu.memory_space<vmem>>) target_semaphore(%run_scoped3A : memref<!tpu.dma_semaphore, #tpu.memory_space<semaphore_mem>>)
        %dma_wait3A = tpu.memref_slice %arg4[%mul3A_61] : memref<320000xi32, #tpu.memory_space<hbm>> -> memref<128xi32, #tpu.memory_space<hbm>>
        %dma_wait3A_69 = tpu.memref_slice %arg4[%mul3A_61] : memref<320000xi32, #tpu.memory_space<hbm>> -> memref<128xi32, #tpu.memory_space<hbm>>
        tpu.wait_dma2 semaphore(%run_scoped3A : memref<!tpu.dma_semaphore, #tpu.memory_space<semaphore_mem>>) src(%dma_wait3A_69 : memref<128xi32, #tpu.memory_space<hbm>>) dst(%arg7 : memref<128xi32, #tpu.memory_space<vmem>>)
        tpu.yield
      }) : () -> ()
      "tpu.region"() ({
        %run_scoped3A = tpu.sem_alloc : memref<!tpu.dma_semaphore, #tpu.memory_space<semaphore_mem>>
        %dma_start3A_67 = tpu.memref_slice %arg5[%mul3A_61] : memref<320000xi32, #tpu.memory_space<hbm>> -> memref<128xi32, #tpu.memory_space<hbm>>
        %dma_start3A_68 = tpu.memref_slice %arg5[%mul3A_61] : memref<320000xi32, #tpu.memory_space<hbm>> -> memref<128xi32, #tpu.memory_space<hbm>>
        tpu.enqueue_dma source(%dma_start3A_68 : memref<128xi32, #tpu.memory_space<hbm>>) target(%arg8 : memref<128xi32, #tpu.memory_space<vmem>>) target_semaphore(%run_scoped3A : memref<!tpu.dma_semaphore, #tpu.memory_space<semaphore_mem>>)
        %dma_wait3A = tpu.memref_slice %arg5[%mul3A_61] : memref<320000xi32, #tpu.memory_space<hbm>> -> memref<128xi32, #tpu.memory_space<hbm>>
        %dma_wait3A_69 = tpu.memref_slice %arg5[%mul3A_61] : memref<320000xi32, #tpu.memory_space<hbm>> -> memref<128xi32, #tpu.memory_space<hbm>>
        tpu.wait_dma2 semaphore(%run_scoped3A : memref<!tpu.dma_semaphore, #tpu.memory_space<semaphore_mem>>) src(%dma_wait3A_69 : memref<128xi32, #tpu.memory_space<hbm>>) dst(%arg8 : memref<128xi32, #tpu.memory_space<vmem>>)
        tpu.yield
      }) : () -> ()
      %dma_start3A = arith.constant 0 : i32
      %dma_start3A_62 = arith.constant 0 : i32
      %dma_start3A_63 = tpu.memref_slice %arg2[%dma_start3A, %dma_start3A_62] : memref<10000x128xf32, #tpu.memory_space<hbm>> -> memref<10000x128xf32, #tpu.memory_space<hbm>>
      tpu.enqueue_indirect_dma source(%dma_start3A_63 : memref<10000x128xf32, #tpu.memory_space<hbm>>) target(%arg9 : memref<128x128xf32, #tpu.memory_space<vmem>>) offsets(%arg7 : memref<128xi32, #tpu.memory_space<vmem>>) semaphore(%arg15 : memref<!tpu.dma_semaphore, #tpu.memory_space<semaphore_mem>>)
      %dma_start3A_64 = arith.constant 0 : i32
      %dma_start3A_65 = arith.constant 0 : i32
      %dma_start3A_66 = tpu.memref_slice %arg3[%dma_start3A_64, %dma_start3A_65] : memref<10000x128xf32, #tpu.memory_space<hbm>> -> memref<10000x128xf32, #tpu.memory_space<hbm>>
      tpu.enqueue_indirect_dma source(%dma_start3A_66 : memref<10000x128xf32, #tpu.memory_space<hbm>>) target(%arg10 : memref<128x128xf32, #tpu.memory_space<vmem>>) offsets(%arg8 : memref<128xi32, #tpu.memory_space<vmem>>) semaphore(%arg15 : memref<!tpu.dma_semaphore, #tpu.memory_space<semaphore_mem>>)
    } else {
    }
    %add3A_23 = arith.constant 1 : i32
    %add3A_24 = arith.addi %select_n3A, %add3A_23 : i32
    %jit3A_25 = arith.constant 2 : i32
    %div3A_26 = arith.divsi %add3A_24, %jit3A_25 : i32
    %sign3A_27 = arith.constant 0 : i32
    %sign3A_28 = arith.cmpi sgt, %add3A_24, %sign3A_27 : i32
    %sign3A_29 = arith.extui %sign3A_28 : i1 to i32
    %sign3A_30 = arith.constant 0 : i32
    %sign3A_31 = arith.cmpi slt, %add3A_24, %sign3A_30 : i32
    %sign3A_32 = arith.extui %sign3A_31 : i1 to i32
    %sign3A_33 = arith.subi %sign3A_29, %sign3A_32 : i32
    %sign3A_34 = arith.constant 0 : i32
    %sign3A_35 = arith.cmpi sgt, %jit3A_25, %sign3A_34 : i32
    %sign3A_36 = arith.extui %sign3A_35 : i1 to i32
    %sign3A_37 = arith.constant 0 : i32
    %sign3A_38 = arith.cmpi slt, %jit3A_25, %sign3A_37 : i32
    %sign3A_39 = arith.extui %sign3A_38 : i1 to i32
    %sign3A_40 = arith.subi %sign3A_36, %sign3A_39 : i32
    %ne3A_41 = arith.cmpi ne, %sign3A_33, %sign3A_40 : i32
    %rem3A_42 = arith.remsi %add3A_24, %jit3A_25 : i32
    %ne3A_43 = arith.constant 0 : i32
    %ne3A_44 = arith.cmpi ne, %rem3A_42, %ne3A_43 : i32
    %and3A_45 = arith.andi %ne3A_41, %ne3A_44 : i1
    %sub3A_46 = arith.constant 1 : i32
    %sub3A_47 = arith.subi %div3A_26, %sub3A_46 : i32
    %select_n3A_48 = arith.select %and3A_45, %sub3A_47, %div3A_26 : i32
    %while3A = arith.constant 0 : i32
    %while3A_49 = arith.constant 0 : i32
    %while3A_50 = arith.subi %select_n3A_48, %while3A_49 : i32
    %while3A_51 = arith.addi %while3A_49, %while3A_50 : i32
    %while3A_52 = arith.constant 1 : i32
    %while3A_53 = arith.divsi %while3A_50, %while3A_52 : i32
    %while3A_54 = arith.muli %while3A_53, %while3A_52 : i32
    %while3A_55 = arith.addi %while3A_49, %while3A_54 : i32
    %while3A_56 = arith.constant 1 : i32
    scf.for %while3A_58 = %while3A_49 to %while3A_55 step %while3A_56  : i32 {
      %mul3A_59 = arith.constant 2 : i32
      %mul3A_60 = arith.muli %mul3A_59, %while3A_58 : i32
      %add3A_61 = arith.constant 1 : i32
      %add3A_62 = arith.addi %mul3A_60, %add3A_61 : i32
      %lt3A = arith.cmpi slt, %add3A_62, %select_n3A : i32
      %convert_element_type3A_63 = arith.extui %lt3A : i1 to i32
      %cond3A_64 = arith.constant 0 : i32
      %cond3A_65 = arith.cmpi ne, %convert_element_type3A_63, %cond3A_64 : i32
      scf.if %cond3A_65 {
        %add3A_93 = arith.constant 1 : i32
        %add3A_94 = arith.addi %mul3A_60, %add3A_93 : i32
        %mul3A_95 = arith.constant 32 : i32
        %mul3A_96 = arith.muli %add3A_94, %mul3A_95 : i32
        %add3A_97 = arith.addi %add3A, %mul3A_96 : i32
        %mul3A_98 = arith.constant 128 : i32
        %mul3A_99 = arith.muli %add3A_97, %mul3A_98 : i32
        "tpu.region"() ({
          %run_scoped3A = tpu.sem_alloc : memref<!tpu.dma_semaphore, #tpu.memory_space<semaphore_mem>>
          %dma_start3A_105 = tpu.memref_slice %arg4[%mul3A_99] : memref<320000xi32, #tpu.memory_space<hbm>> -> memref<128xi32, #tpu.memory_space<hbm>>
          %dma_start3A_106 = tpu.memref_slice %arg4[%mul3A_99] : memref<320000xi32, #tpu.memory_space<hbm>> -> memref<128xi32, #tpu.memory_space<hbm>>
          tpu.enqueue_dma source(%dma_start3A_106 : memref<128xi32, #tpu.memory_space<hbm>>) target(%arg11 : memref<128xi32, #tpu.memory_space<vmem>>) target_semaphore(%run_scoped3A : memref<!tpu.dma_semaphore, #tpu.memory_space<semaphore_mem>>)
          %dma_wait3A_107 = tpu.memref_slice %arg4[%mul3A_99] : memref<320000xi32, #tpu.memory_space<hbm>> -> memref<128xi32, #tpu.memory_space<hbm>>
          %dma_wait3A_108 = tpu.memref_slice %arg4[%mul3A_99] : memref<320000xi32, #tpu.memory_space<hbm>> -> memref<128xi32, #tpu.memory_space<hbm>>
          tpu.wait_dma2 semaphore(%run_scoped3A : memref<!tpu.dma_semaphore, #tpu.memory_space<semaphore_mem>>) src(%dma_wait3A_108 : memref<128xi32, #tpu.memory_space<hbm>>) dst(%arg11 : memref<128xi32, #tpu.memory_space<vmem>>)
          tpu.yield
        }) : () -> ()
        "tpu.region"() ({
          %run_scoped3A = tpu.sem_alloc : memref<!tpu.dma_semaphore, #tpu.memory_space<semaphore_mem>>
          %dma_start3A_105 = tpu.memref_slice %arg5[%mul3A_99] : memref<320000xi32, #tpu.memory_space<hbm>> -> memref<128xi32, #tpu.memory_space<hbm>>
          %dma_start3A_106 = tpu.memref_slice %arg5[%mul3A_99] : memref<320000xi32, #tpu.memory_space<hbm>> -> memref<128xi32, #tpu.memory_space<hbm>>
          tpu.enqueue_dma source(%dma_start3A_106 : memref<128xi32, #tpu.memory_space<hbm>>) target(%arg12 : memref<128xi32, #tpu.memory_space<vmem>>) target_semaphore(%run_scoped3A : memref<!tpu.dma_semaphore, #tpu.memory_space<semaphore_mem>>)
          %dma_wait3A_107 = tpu.memref_slice %arg5[%mul3A_99] : memref<320000xi32, #tpu.memory_space<hbm>> -> memref<128xi32, #tpu.memory_space<hbm>>
          %dma_wait3A_108 = tpu.memref_slice %arg5[%mul3A_99] : memref<320000xi32, #tpu.memory_space<hbm>> -> memref<128xi32, #tpu.memory_space<hbm>>
          tpu.wait_dma2 semaphore(%run_scoped3A : memref<!tpu.dma_semaphore, #tpu.memory_space<semaphore_mem>>) src(%dma_wait3A_108 : memref<128xi32, #tpu.memory_space<hbm>>) dst(%arg12 : memref<128xi32, #tpu.memory_space<vmem>>)
          tpu.yield
        }) : () -> ()
        %dma_start3A = arith.constant 0 : i32
        %dma_start3A_100 = arith.constant 0 : i32
        %dma_start3A_101 = tpu.memref_slice %arg2[%dma_start3A, %dma_start3A_100] : memref<10000x128xf32, #tpu.memory_space<hbm>> -> memref<10000x128xf32, #tpu.memory_space<hbm>>
        tpu.enqueue_indirect_dma source(%dma_start3A_101 : memref<10000x128xf32, #tpu.memory_space<hbm>>) target(%arg13 : memref<128x128xf32, #tpu.memory_space<vmem>>) offsets(%arg11 : memref<128xi32, #tpu.memory_space<vmem>>) semaphore(%arg16 : memref<!tpu.dma_semaphore, #tpu.memory_space<semaphore_mem>>)
        %dma_start3A_102 = arith.constant 0 : i32
        %dma_start3A_103 = arith.constant 0 : i32
        %dma_start3A_104 = tpu.memref_slice %arg3[%dma_start3A_102, %dma_start3A_103] : memref<10000x128xf32, #tpu.memory_space<hbm>> -> memref<10000x128xf32, #tpu.memory_space<hbm>>
        tpu.enqueue_indirect_dma source(%dma_start3A_104 : memref<10000x128xf32, #tpu.memory_space<hbm>>) target(%arg14 : memref<128x128xf32, #tpu.memory_space<vmem>>) offsets(%arg12 : memref<128xi32, #tpu.memory_space<vmem>>) semaphore(%arg16 : memref<!tpu.dma_semaphore, #tpu.memory_space<semaphore_mem>>)
      } else {
      }
      %mul3A_66 = arith.constant 32 : i32
      %mul3A_67 = arith.muli %mul3A_60, %mul3A_66 : i32
      %add3A_68 = arith.addi %add3A, %mul3A_67 : i32
      %mul3A_69 = arith.constant 128 : i32
      %mul3A_70 = arith.muli %add3A_68, %mul3A_69 : i32
      %dma_wait3A = arith.constant 0 : i32
      %dma_wait3A_71 = arith.constant 0 : i32
      %dma_wait3A_72 = tpu.memref_slice %arg2[%dma_wait3A, %dma_wait3A_71] : memref<10000x128xf32, #tpu.memory_space<hbm>> -> memref<10000x128xf32, #tpu.memory_space<hbm>>
      tpu.wait_indirect_dma semaphore(%arg15 : memref<!tpu.dma_semaphore, #tpu.memory_space<semaphore_mem>>) src(%dma_wait3A_72 : memref<10000x128xf32, #tpu.memory_space<hbm>>) dst(%arg9 : memref<128x128xf32, #tpu.memory_space<vmem>>)
      %dma_wait3A_73 = arith.constant 0 : i32
      %dma_wait3A_74 = arith.constant 0 : i32
      %dma_wait3A_75 = tpu.memref_slice %arg3[%dma_wait3A_73, %dma_wait3A_74] : memref<10000x128xf32, #tpu.memory_space<hbm>> -> memref<10000x128xf32, #tpu.memory_space<hbm>>
      tpu.wait_indirect_dma semaphore(%arg15 : memref<!tpu.dma_semaphore, #tpu.memory_space<semaphore_mem>>) src(%dma_wait3A_75 : memref<10000x128xf32, #tpu.memory_space<hbm>>) dst(%arg10 : memref<128x128xf32, #tpu.memory_space<vmem>>)
      %scan3A = arith.constant 0 : i32
      %scan3A_76 = arith.constant 0 : i32
      %scan3A_77 = arith.constant 128 : i32
      %scan3A_78 = arith.addi %scan3A_76, %scan3A_77 : i32
      %scan3A_79 = arith.constant 1 : i32
      scf.for %scan3A_93 = %scan3A_76 to %scan3A_78 step %scan3A_79  : i32 {
        %get3A = arith.index_cast %scan3A_93 : i32 to index
        %get3A_94 = arith.constant 0 : index
        %get3A_95 = tpu.vector_load %arg9[%get3A, %get3A_94] {strides = array<i32>} : memref<128x128xf32, #tpu.memory_space<vmem>>, vector<1x16xf32>,
        %get3A_96 = vector.shape_cast %get3A_95 : vector<1x16xf32> to vector<16xf32>
        %get3A_97 = arith.index_cast %scan3A_93 : i32 to index
        %get3A_98 = arith.constant 0 : index
        %get3A_99 = tpu.vector_load %arg10[%get3A_97, %get3A_98] {strides = array<i32>} : memref<128x128xf32, #tpu.memory_space<vmem>>, vector<1x16xf32>,
        %get3A_100 = vector.shape_cast %get3A_99 : vector<1x16xf32> to vector<16xf32>
        %add3A_101 = arith.addf %get3A_96, %get3A_100 : vector<16xf32>
        %swap3A = arith.index_cast %scan3A_93 : i32 to index
        %swap3A_102 = arith.constant 0 : index
        %swap3A_103 = tpu.vector_load %arg9[%swap3A, %swap3A_102] {strides = array<i32>} : memref<128x128xf32, #tpu.memory_space<vmem>>, vector<1x16xf32>,
        %swap3A_104 = vector.shape_cast %swap3A_103 : vector<1x16xf32> to vector<16xf32>
        %swap3A_105 = vector.shape_cast %add3A_101 : vector<16xf32> to vector<1x16xf32>
        tpu.vector_store %arg9[%swap3A, %swap3A_102], %swap3A_105 {strides = array<i32>} : memref<128x128xf32, #tpu.memory_space<vmem>>, vector<1x16xf32>,
        %get3A_106 = arith.index_cast %scan3A_93 : i32 to index
        %get3A_107 = arith.constant 16 : index
        %get3A_108 = tpu.vector_load %arg9[%get3A_106, %get3A_107] {strides = array<i32>} : memref<128x128xf32, #tpu.memory_space<vmem>>, vector<1x16xf32>,
        %get3A_109 = vector.shape_cast %get3A_108 : vector<1x16xf32> to vector<16xf32>
        %get3A_110 = arith.index_cast %scan3A_93 : i32 to index
        %get3A_111 = arith.constant 16 : index
        %get3A_112 = tpu.vector_load %arg10[%get3A_110, %get3A_111] {strides = array<i32>} : memref<128x128xf32, #tpu.memory_space<vmem>>, vector<1x16xf32>,
        %get3A_113 = vector.shape_cast %get3A_112 : vector<1x16xf32> to vector<16xf32>
        %add3A_114 = arith.addf %get3A_109, %get3A_113 : vector<16xf32>
        %swap3A_115 = arith.index_cast %scan3A_93 : i32 to index
        %swap3A_116 = arith.constant 16 : index
        %swap3A_117 = tpu.vector_load %arg9[%swap3A_115, %swap3A_116] {strides = array<i32>} : memref<128x128xf32, #tpu.memory_space<vmem>>, vector<1x16xf32>,
        %swap3A_118 = vector.shape_cast %swap3A_117 : vector<1x16xf32> to vector<16xf32>
        %swap3A_119 = vector.shape_cast %add3A_114 : vector<16xf32> to vector<1x16xf32>
        tpu.vector_store %arg9[%swap3A_115, %swap3A_116], %swap3A_119 {strides = array<i32>} : memref<128x128xf32, #tpu.memory_space<vmem>>, vector<1x16xf32>,
        %get3A_120 = arith.index_cast %scan3A_93 : i32 to index
        %get3A_121 = arith.constant 32 : index
        %get3A_122 = tpu.vector_load %arg9[%get3A_120, %get3A_121] {strides = array<i32>} : memref<128x128xf32, #tpu.memory_space<vmem>>, vector<1x16xf32>,
        %get3A_123 = vector.shape_cast %get3A_122 : vector<1x16xf32> to vector<16xf32>
        %get3A_124 = arith.index_cast %scan3A_93 : i32 to index
        %get3A_125 = arith.constant 32 : index
        %get3A_126 = tpu.vector_load %arg10[%get3A_124, %get3A_125] {strides = array<i32>} : memref<128x128xf32, #tpu.memory_space<vmem>>, vector<1x16xf32>,
        %get3A_127 = vector.shape_cast %get3A_126 : vector<1x16xf32> to vector<16xf32>
        %add3A_128 = arith.addf %get3A_123, %get3A_127 : vector<16xf32>
        %swap3A_129 = arith.index_cast %scan3A_93 : i32 to index
        %swap3A_130 = arith.constant 32 : index
        %swap3A_131 = tpu.vector_load %arg9[%swap3A_129, %swap3A_130] {strides = array<i32>} : memref<128x128xf32, #tpu.memory_space<vmem>>, vector<1x16xf32>,
        %swap3A_132 = vector.shape_cast %swap3A_131 : vector<1x16xf32> to vector<16xf32>
        %swap3A_133 = vector.shape_cast %add3A_128 : vector<16xf32> to vector<1x16xf32>
        tpu.vector_store %arg9[%swap3A_129, %swap3A_130], %swap3A_133 {strides = array<i32>} : memref<128x128xf32, #tpu.memory_space<vmem>>, vector<1x16xf32>,
        %get3A_134 = arith.index_cast %scan3A_93 : i32 to index
        %get3A_135 = arith.constant 48 : index
        %get3A_136 = tpu.vector_load %arg9[%get3A_134, %get3A_135] {strides = array<i32>} : memref<128x128xf32, #tpu.memory_space<vmem>>, vector<1x16xf32>,
        %get3A_137 = vector.shape_cast %get3A_136 : vector<1x16xf32> to vector<16xf32>
        %get3A_138 = arith.index_cast %scan3A_93 : i32 to index
        %get3A_139 = arith.constant 48 : index
        %get3A_140 = tpu.vector_load %arg10[%get3A_138, %get3A_139] {strides = array<i32>} : memref<128x128xf32, #tpu.memory_space<vmem>>, vector<1x16xf32>,
        %get3A_141 = vector.shape_cast %get3A_140 : vector<1x16xf32> to vector<16xf32>
        %add3A_142 = arith.addf %get3A_137, %get3A_141 : vector<16xf32>
        %swap3A_143 = arith.index_cast %scan3A_93 : i32 to index
        %swap3A_144 = arith.constant 48 : index
        %swap3A_145 = tpu.vector_load %arg9[%swap3A_143, %swap3A_144] {strides = array<i32>} : memref<128x128xf32, #tpu.memory_space<vmem>>, vector<1x16xf32>,
        %swap3A_146 = vector.shape_cast %swap3A_145 : vector<1x16xf32> to vector<16xf32>
        %swap3A_147 = vector.shape_cast %add3A_142 : vector<16xf32> to vector<1x16xf32>
        tpu.vector_store %arg9[%swap3A_143, %swap3A_144], %swap3A_147 {strides = array<i32>} : memref<128x128xf32, #tpu.memory_space<vmem>>, vector<1x16xf32>,
        %get3A_148 = arith.index_cast %scan3A_93 : i32 to index
        %get3A_149 = arith.constant 64 : index
        %get3A_150 = tpu.vector_load %arg9[%get3A_148, %get3A_149] {strides = array<i32>} : memref<128x128xf32, #tpu.memory_space<vmem>>, vector<1x16xf32>,
        %get3A_151 = vector.shape_cast %get3A_150 : vector<1x16xf32> to vector<16xf32>
        %get3A_152 = arith.index_cast %scan3A_93 : i32 to index
        %get3A_153 = arith.constant 64 : index
        %get3A_154 = tpu.vector_load %arg10[%get3A_152, %get3A_153] {strides = array<i32>} : memref<128x128xf32, #tpu.memory_space<vmem>>, vector<1x16xf32>,
        %get3A_155 = vector.shape_cast %get3A_154 : vector<1x16xf32> to vector<16xf32>
        %add3A_156 = arith.addf %get3A_151, %get3A_155 : vector<16xf32>
        %swap3A_157 = arith.index_cast %scan3A_93 : i32 to index
        %swap3A_158 = arith.constant 64 : index
        %swap3A_159 = tpu.vector_load %arg9[%swap3A_157, %swap3A_158] {strides = array<i32>} : memref<128x128xf32, #tpu.memory_space<vmem>>, vector<1x16xf32>,
        %swap3A_160 = vector.shape_cast %swap3A_159 : vector<1x16xf32> to vector<16xf32>
        %swap3A_161 = vector.shape_cast %add3A_156 : vector<16xf32> to vector<1x16xf32>
        tpu.vector_store %arg9[%swap3A_157, %swap3A_158], %swap3A_161 {strides = array<i32>} : memref<128x128xf32, #tpu.memory_space<vmem>>, vector<1x16xf32>,
        %get3A_162 = arith.index_cast %scan3A_93 : i32 to index
        %get3A_163 = arith.constant 80 : index
        %get3A_164 = tpu.vector_load %arg9[%get3A_162, %get3A_163] {strides = array<i32>} : memref<128x128xf32, #tpu.memory_space<vmem>>, vector<1x16xf32>,
        %get3A_165 = vector.shape_cast %get3A_164 : vector<1x16xf32> to vector<16xf32>
        %get3A_166 = arith.index_cast %scan3A_93 : i32 to index
        %get3A_167 = arith.constant 80 : index
        %get3A_168 = tpu.vector_load %arg10[%get3A_166, %get3A_167] {strides = array<i32>} : memref<128x128xf32, #tpu.memory_space<vmem>>, vector<1x16xf32>,
        %get3A_169 = vector.shape_cast %get3A_168 : vector<1x16xf32> to vector<16xf32>
        %add3A_170 = arith.addf %get3A_165, %get3A_169 : vector<16xf32>
        %swap3A_171 = arith.index_cast %scan3A_93 : i32 to index
        %swap3A_172 = arith.constant 80 : index
        %swap3A_173 = tpu.vector_load %arg9[%swap3A_171, %swap3A_172] {strides = array<i32>} : memref<128x128xf32, #tpu.memory_space<vmem>>, vector<1x16xf32>,
        %swap3A_174 = vector.shape_cast %swap3A_173 : vector<1x16xf32> to vector<16xf32>
        %swap3A_175 = vector.shape_cast %add3A_170 : vector<16xf32> to vector<1x16xf32>
        tpu.vector_store %arg9[%swap3A_171, %swap3A_172], %swap3A_175 {strides = array<i32>} : memref<128x128xf32, #tpu.memory_space<vmem>>, vector<1x16xf32>,
        %get3A_176 = arith.index_cast %scan3A_93 : i32 to index
        %get3A_177 = arith.constant 96 : index
        %get3A_178 = tpu.vector_load %arg9[%get3A_176, %get3A_177] {strides = array<i32>} : memref<128x128xf32, #tpu.memory_space<vmem>>, vector<1x16xf32>,
        %get3A_179 = vector.shape_cast %get3A_178 : vector<1x16xf32> to vector<16xf32>
        %get3A_180 = arith.index_cast %scan3A_93 : i32 to index
        %get3A_181 = arith.constant 96 : index
        %get3A_182 = tpu.vector_load %arg10[%get3A_180, %get3A_181] {strides = array<i32>} : memref<128x128xf32, #tpu.memory_space<vmem>>, vector<1x16xf32>,
        %get3A_183 = vector.shape_cast %get3A_182 : vector<1x16xf32> to vector<16xf32>
        %add3A_184 = arith.addf %get3A_179, %get3A_183 : vector<16xf32>
        %swap3A_185 = arith.index_cast %scan3A_93 : i32 to index
        %swap3A_186 = arith.constant 96 : index
        %swap3A_187 = tpu.vector_load %arg9[%swap3A_185, %swap3A_186] {strides = array<i32>} : memref<128x128xf32, #tpu.memory_space<vmem>>, vector<1x16xf32>,
        %swap3A_188 = vector.shape_cast %swap3A_187 : vector<1x16xf32> to vector<16xf32>
        %swap3A_189 = vector.shape_cast %add3A_184 : vector<16xf32> to vector<1x16xf32>
        tpu.vector_store %arg9[%swap3A_185, %swap3A_186], %swap3A_189 {strides = array<i32>} : memref<128x128xf32, #tpu.memory_space<vmem>>, vector<1x16xf32>,
        %get3A_190 = arith.index_cast %scan3A_93 : i32 to index
        %get3A_191 = arith.constant 112 : index
        %get3A_192 = tpu.vector_load %arg9[%get3A_190, %get3A_191] {strides = array<i32>} : memref<128x128xf32, #tpu.memory_space<vmem>>, vector<1x16xf32>,
        %get3A_193 = vector.shape_cast %get3A_192 : vector<1x16xf32> to vector<16xf32>
        %get3A_194 = arith.index_cast %scan3A_93 : i32 to index
        %get3A_195 = arith.constant 112 : index
        %get3A_196 = tpu.vector_load %arg10[%get3A_194, %get3A_195] {strides = array<i32>} : memref<128x128xf32, #tpu.memory_space<vmem>>, vector<1x16xf32>,
        %get3A_197 = vector.shape_cast %get3A_196 : vector<1x16xf32> to vector<16xf32>
        %add3A_198 = arith.addf %get3A_193, %get3A_197 : vector<16xf32>
        %swap3A_199 = arith.index_cast %scan3A_93 : i32 to index
        %swap3A_200 = arith.constant 112 : index
        %swap3A_201 = tpu.vector_load %arg9[%swap3A_199, %swap3A_200] {strides = array<i32>} : memref<128x128xf32, #tpu.memory_space<vmem>>, vector<1x16xf32>,
        %swap3A_202 = vector.shape_cast %swap3A_201 : vector<1x16xf32> to vector<16xf32>
        %swap3A_203 = vector.shape_cast %add3A_198 : vector<16xf32> to vector<1x16xf32>
        tpu.vector_store %arg9[%swap3A_199, %swap3A_200], %swap3A_203 {strides = array<i32>} : memref<128x128xf32, #tpu.memory_space<vmem>>, vector<1x16xf32>,
      }
      %scan3A_80 = arith.constant 128 : i32
      "tpu.region"() ({
        %run_scoped3A = tpu.sem_alloc : memref<!tpu.dma_semaphore, #tpu.memory_space<semaphore_mem>>
        %dma_start3A = arith.constant 0 : i32
        %dma_start3A_93 = tpu.memref_slice %arg6[%mul3A_70, %dma_start3A] : memref<320000x128xf32, #tpu.memory_space<hbm>> -> memref<128x128xf32, #tpu.memory_space<hbm>>
        %dma_start3A_94 = arith.constant 0 : i32
        %dma_start3A_95 = tpu.memref_slice %arg6[%mul3A_70, %dma_start3A_94] : memref<320000x128xf32, #tpu.memory_space<hbm>> -> memref<128x128xf32, #tpu.memory_space<hbm>>
        tpu.enqueue_dma source(%arg9 : memref<128x128xf32, #tpu.memory_space<vmem>>) target(%dma_start3A_95 : memref<128x128xf32, #tpu.memory_space<hbm>>) target_semaphore(%run_scoped3A : memref<!tpu.dma_semaphore, #tpu.memory_space<semaphore_mem>>)
        %dma_wait3A_96 = arith.constant 0 : i32
        %dma_wait3A_97 = tpu.memref_slice %arg6[%mul3A_70, %dma_wait3A_96] : memref<320000x128xf32, #tpu.memory_space<hbm>> -> memref<128x128xf32, #tpu.memory_space<hbm>>
        %dma_wait3A_98 = arith.constant 0 : i32
        %dma_wait3A_99 = tpu.memref_slice %arg6[%mul3A_70, %dma_wait3A_98] : memref<320000x128xf32, #tpu.memory_space<hbm>> -> memref<128x128xf32, #tpu.memory_space<hbm>>
        tpu.wait_dma2 semaphore(%run_scoped3A : memref<!tpu.dma_semaphore, #tpu.memory_space<semaphore_mem>>) src(%arg9 : memref<128x128xf32, #tpu.memory_space<vmem>>) dst(%dma_wait3A_99 : memref<128x128xf32, #tpu.memory_space<hbm>>)
        tpu.yield
      }) : () -> ()
      %add3A_81 = arith.constant 2 : i32
      %add3A_82 = arith.addi %mul3A_60, %add3A_81 : i32
      %lt3A_83 = arith.cmpi slt, %add3A_82, %select_n3A : i32
      %convert_element_type3A_84 = arith.extui %lt3A_83 : i1 to i32
      %cond3A_85 = arith.constant 0 : i32
      %cond3A_86 = arith.cmpi ne, %convert_element_type3A_84, %cond3A_85 : i32
      scf.if %cond3A_86 {
        %add3A_93 = arith.constant 2 : i32
        %add3A_94 = arith.addi %mul3A_60, %add3A_93 : i32
        %mul3A_95 = arith.constant 32 : i32
        %mul3A_96 = arith.muli %add3A_94, %mul3A_95 : i32
        %add3A_97 = arith.addi %add3A, %mul3A_96 : i32
        %mul3A_98 = arith.constant 128 : i32
        %mul3A_99 = arith.muli %add3A_97, %mul3A_98 : i32
        "tpu.region"() ({
          %run_scoped3A = tpu.sem_alloc : memref<!tpu.dma_semaphore, #tpu.memory_space<semaphore_mem>>
          %dma_start3A_105 = tpu.memref_slice %arg4[%mul3A_99] : memref<320000xi32, #tpu.memory_space<hbm>> -> memref<128xi32, #tpu.memory_space<hbm>>
          %dma_start3A_106 = tpu.memref_slice %arg4[%mul3A_99] : memref<320000xi32, #tpu.memory_space<hbm>> -> memref<128xi32, #tpu.memory_space<hbm>>
          tpu.enqueue_dma source(%dma_start3A_106 : memref<128xi32, #tpu.memory_space<hbm>>) target(%arg7 : memref<128xi32, #tpu.memory_space<vmem>>) target_semaphore(%run_scoped3A : memref<!tpu.dma_semaphore, #tpu.memory_space<semaphore_mem>>)
          %dma_wait3A_107 = tpu.memref_slice %arg4[%mul3A_99] : memref<320000xi32, #tpu.memory_space<hbm>> -> memref<128xi32, #tpu.memory_space<hbm>>
          %dma_wait3A_108 = tpu.memref_slice %arg4[%mul3A_99] : memref<320000xi32, #tpu.memory_space<hbm>> -> memref<128xi32, #tpu.memory_space<hbm>>
          tpu.wait_dma2 semaphore(%run_scoped3A : memref<!tpu.dma_semaphore, #tpu.memory_space<semaphore_mem>>) src(%dma_wait3A_108 : memref<128xi32, #tpu.memory_space<hbm>>) dst(%arg7 : memref<128xi32, #tpu.memory_space<vmem>>)
          tpu.yield
        }) : () -> ()
        "tpu.region"() ({
          %run_scoped3A = tpu.sem_alloc : memref<!tpu.dma_semaphore, #tpu.memory_space<semaphore_mem>>
          %dma_start3A_105 = tpu.memref_slice %arg5[%mul3A_99] : memref<320000xi32, #tpu.memory_space<hbm>> -> memref<128xi32, #tpu.memory_space<hbm>>
          %dma_start3A_106 = tpu.memref_slice %arg5[%mul3A_99] : memref<320000xi32, #tpu.memory_space<hbm>> -> memref<128xi32, #tpu.memory_space<hbm>>
          tpu.enqueue_dma source(%dma_start3A_106 : memref<128xi32, #tpu.memory_space<hbm>>) target(%arg8 : memref<128xi32, #tpu.memory_space<vmem>>) target_semaphore(%run_scoped3A : memref<!tpu.dma_semaphore, #tpu.memory_space<semaphore_mem>>)
          %dma_wait3A_107 = tpu.memref_slice %arg5[%mul3A_99] : memref<320000xi32, #tpu.memory_space<hbm>> -> memref<128xi32, #tpu.memory_space<hbm>>
          %dma_wait3A_108 = tpu.memref_slice %arg5[%mul3A_99] : memref<320000xi32, #tpu.memory_space<hbm>> -> memref<128xi32, #tpu.memory_space<hbm>>
          tpu.wait_dma2 semaphore(%run_scoped3A : memref<!tpu.dma_semaphore, #tpu.memory_space<semaphore_mem>>) src(%dma_wait3A_108 : memref<128xi32, #tpu.memory_space<hbm>>) dst(%arg8 : memref<128xi32, #tpu.memory_space<vmem>>)
          tpu.yield
        }) : () -> ()
        %dma_start3A = arith.constant 0 : i32
        %dma_start3A_100 = arith.constant 0 : i32
        %dma_start3A_101 = tpu.memref_slice %arg2[%dma_start3A, %dma_start3A_100] : memref<10000x128xf32, #tpu.memory_space<hbm>> -> memref<10000x128xf32, #tpu.memory_space<hbm>>
        tpu.enqueue_indirect_dma source(%dma_start3A_101 : memref<10000x128xf32, #tpu.memory_space<hbm>>) target(%arg9 : memref<128x128xf32, #tpu.memory_space<vmem>>) offsets(%arg7 : memref<128xi32, #tpu.memory_space<vmem>>) semaphore(%arg15 : memref<!tpu.dma_semaphore, #tpu.memory_space<semaphore_mem>>)
        %dma_start3A_102 = arith.constant 0 : i32
        %dma_start3A_103 = arith.constant 0 : i32
        %dma_start3A_104 = tpu.memref_slice %arg3[%dma_start3A_102, %dma_start3A_103] : memref<10000x128xf32, #tpu.memory_space<hbm>> -> memref<10000x128xf32, #tpu.memory_space<hbm>>
        tpu.enqueue_indirect_dma source(%dma_start3A_104 : memref<10000x128xf32, #tpu.memory_space<hbm>>) target(%arg10 : memref<128x128xf32, #tpu.memory_space<vmem>>) offsets(%arg8 : memref<128xi32, #tpu.memory_space<vmem>>) semaphore(%arg15 : memref<!tpu.dma_semaphore, #tpu.memory_space<semaphore_mem>>)
      } else {
      }
      %add3A_87 = arith.constant 1 : i32
      %add3A_88 = arith.addi %mul3A_60, %add3A_87 : i32
      %lt3A_89 = arith.cmpi slt, %add3A_88, %select_n3A : i32
      %convert_element_type3A_90 = arith.extui %lt3A_89 : i1 to i32
      %cond3A_91 = arith.constant 0 : i32
      %cond3A_92 = arith.cmpi ne, %convert_element_type3A_90, %cond3A_91 : i32
      scf.if %cond3A_92 {
        %add3A_93 = arith.constant 1 : i32
        %add3A_94 = arith.addi %mul3A_60, %add3A_93 : i32
        %mul3A_95 = arith.constant 32 : i32
        %mul3A_96 = arith.muli %add3A_94, %mul3A_95 : i32
        %add3A_97 = arith.addi %add3A, %mul3A_96 : i32
        %mul3A_98 = arith.constant 128 : i32
        %mul3A_99 = arith.muli %add3A_97, %mul3A_98 : i32
        %dma_wait3A_100 = arith.constant 0 : i32
        %dma_wait3A_101 = arith.constant 0 : i32
        %dma_wait3A_102 = tpu.memref_slice %arg2[%dma_wait3A_100, %dma_wait3A_101] : memref<10000x128xf32, #tpu.memory_space<hbm>> -> memref<10000x128xf32, #tpu.memory_space<hbm>>
        tpu.wait_indirect_dma semaphore(%arg16 : memref<!tpu.dma_semaphore, #tpu.memory_space<semaphore_mem>>) src(%dma_wait3A_102 : memref<10000x128xf32, #tpu.memory_space<hbm>>) dst(%arg13 : memref<128x128xf32, #tpu.memory_space<vmem>>)
        %dma_wait3A_103 = arith.constant 0 : i32
        %dma_wait3A_104 = arith.constant 0 : i32
        %dma_wait3A_105 = tpu.memref_slice %arg3[%dma_wait3A_103, %dma_wait3A_104] : memref<10000x128xf32, #tpu.memory_space<hbm>> -> memref<10000x128xf32, #tpu.memory_space<hbm>>
        tpu.wait_indirect_dma semaphore(%arg16 : memref<!tpu.dma_semaphore, #tpu.memory_space<semaphore_mem>>) src(%dma_wait3A_105 : memref<10000x128xf32, #tpu.memory_space<hbm>>) dst(%arg14 : memref<128x128xf32, #tpu.memory_space<vmem>>)
        %scan3A_106 = arith.constant 0 : i32
        %scan3A_107 = arith.constant 0 : i32
        %scan3A_108 = arith.constant 128 : i32
        %scan3A_109 = arith.addi %scan3A_107, %scan3A_108 : i32
        %scan3A_110 = arith.constant 1 : i32
        scf.for %scan3A_112 = %scan3A_107 to %scan3A_109 step %scan3A_110  : i32 {
          %get3A = arith.index_cast %scan3A_112 : i32 to index
          %get3A_113 = arith.constant 0 : index
          %get3A_114 = tpu.vector_load %arg13[%get3A, %get3A_113] {strides = array<i32>} : memref<128x128xf32, #tpu.memory_space<vmem>>, vector<1x16xf32>,
          %get3A_115 = vector.shape_cast %get3A_114 : vector<1x16xf32> to vector<16xf32>
          %get3A_116 = arith.index_cast %scan3A_112 : i32 to index
          %get3A_117 = arith.constant 0 : index
          %get3A_118 = tpu.vector_load %arg14[%get3A_116, %get3A_117] {strides = array<i32>} : memref<128x128xf32, #tpu.memory_space<vmem>>, vector<1x16xf32>,
          %get3A_119 = vector.shape_cast %get3A_118 : vector<1x16xf32> to vector<16xf32>
          %add3A_120 = arith.addf %get3A_115, %get3A_119 : vector<16xf32>
          %swap3A = arith.index_cast %scan3A_112 : i32 to index
          %swap3A_121 = arith.constant 0 : index
          %swap3A_122 = tpu.vector_load %arg13[%swap3A, %swap3A_121] {strides = array<i32>} : memref<128x128xf32, #tpu.memory_space<vmem>>, vector<1x16xf32>,
          %swap3A_123 = vector.shape_cast %swap3A_122 : vector<1x16xf32> to vector<16xf32>
          %swap3A_124 = vector.shape_cast %add3A_120 : vector<16xf32> to vector<1x16xf32>
          tpu.vector_store %arg13[%swap3A, %swap3A_121], %swap3A_124 {strides = array<i32>} : memref<128x128xf32, #tpu.memory_space<vmem>>, vector<1x16xf32>,
          %get3A_125 = arith.index_cast %scan3A_112 : i32 to index
          %get3A_126 = arith.constant 16 : index
          %get3A_127 = tpu.vector_load %arg13[%get3A_125, %get3A_126] {strides = array<i32>} : memref<128x128xf32, #tpu.memory_space<vmem>>, vector<1x16xf32>,
          %get3A_128 = vector.shape_cast %get3A_127 : vector<1x16xf32> to vector<16xf32>
          %get3A_129 = arith.index_cast %scan3A_112 : i32 to index
          %get3A_130 = arith.constant 16 : index
          %get3A_131 = tpu.vector_load %arg14[%get3A_129, %get3A_130] {strides = array<i32>} : memref<128x128xf32, #tpu.memory_space<vmem>>, vector<1x16xf32>,
          %get3A_132 = vector.shape_cast %get3A_131 : vector<1x16xf32> to vector<16xf32>
          %add3A_133 = arith.addf %get3A_128, %get3A_132 : vector<16xf32>
          %swap3A_134 = arith.index_cast %scan3A_112 : i32 to index
          %swap3A_135 = arith.constant 16 : index
          %swap3A_136 = tpu.vector_load %arg13[%swap3A_134, %swap3A_135] {strides = array<i32>} : memref<128x128xf32, #tpu.memory_space<vmem>>, vector<1x16xf32>,
          %swap3A_137 = vector.shape_cast %swap3A_136 : vector<1x16xf32> to vector<16xf32>
          %swap3A_138 = vector.shape_cast %add3A_133 : vector<16xf32> to vector<1x16xf32>
          tpu.vector_store %arg13[%swap3A_134, %swap3A_135], %swap3A_138 {strides = array<i32>} : memref<128x128xf32, #tpu.memory_space<vmem>>, vector<1x16xf32>,
          %get3A_139 = arith.index_cast %scan3A_112 : i32 to index
          %get3A_140 = arith.constant 32 : index
          %get3A_141 = tpu.vector_load %arg13[%get3A_139, %get3A_140] {strides = array<i32>} : memref<128x128xf32, #tpu.memory_space<vmem>>, vector<1x16xf32>,
          %get3A_142 = vector.shape_cast %get3A_141 : vector<1x16xf32> to vector<16xf32>
          %get3A_143 = arith.index_cast %scan3A_112 : i32 to index
          %get3A_144 = arith.constant 32 : index
          %get3A_145 = tpu.vector_load %arg14[%get3A_143, %get3A_144] {strides = array<i32>} : memref<128x128xf32, #tpu.memory_space<vmem>>, vector<1x16xf32>,
          %get3A_146 = vector.shape_cast %get3A_145 : vector<1x16xf32> to vector<16xf32>
          %add3A_147 = arith.addf %get3A_142, %get3A_146 : vector<16xf32>
          %swap3A_148 = arith.index_cast %scan3A_112 : i32 to index
          %swap3A_149 = arith.constant 32 : index
          %swap3A_150 = tpu.vector_load %arg13[%swap3A_148, %swap3A_149] {strides = array<i32>} : memref<128x128xf32, #tpu.memory_space<vmem>>, vector<1x16xf32>,
          %swap3A_151 = vector.shape_cast %swap3A_150 : vector<1x16xf32> to vector<16xf32>
          %swap3A_152 = vector.shape_cast %add3A_147 : vector<16xf32> to vector<1x16xf32>
          tpu.vector_store %arg13[%swap3A_148, %swap3A_149], %swap3A_152 {strides = array<i32>} : memref<128x128xf32, #tpu.memory_space<vmem>>, vector<1x16xf32>,
          %get3A_153 = arith.index_cast %scan3A_112 : i32 to index
          %get3A_154 = arith.constant 48 : index
          %get3A_155 = tpu.vector_load %arg13[%get3A_153, %get3A_154] {strides = array<i32>} : memref<128x128xf32, #tpu.memory_space<vmem>>, vector<1x16xf32>,
          %get3A_156 = vector.shape_cast %get3A_155 : vector<1x16xf32> to vector<16xf32>
          %get3A_157 = arith.index_cast %scan3A_112 : i32 to index
          %get3A_158 = arith.constant 48 : index
          %get3A_159 = tpu.vector_load %arg14[%get3A_157, %get3A_158] {strides = array<i32>} : memref<128x128xf32, #tpu.memory_space<vmem>>, vector<1x16xf32>,
          %get3A_160 = vector.shape_cast %get3A_159 : vector<1x16xf32> to vector<16xf32>
          %add3A_161 = arith.addf %get3A_156, %get3A_160 : vector<16xf32>
          %swap3A_162 = arith.index_cast %scan3A_112 : i32 to index
          %swap3A_163 = arith.constant 48 : index
          %swap3A_164 = tpu.vector_load %arg13[%swap3A_162, %swap3A_163] {strides = array<i32>} : memref<128x128xf32, #tpu.memory_space<vmem>>, vector<1x16xf32>,
          %swap3A_165 = vector.shape_cast %swap3A_164 : vector<1x16xf32> to vector<16xf32>
          %swap3A_166 = vector.shape_cast %add3A_161 : vector<16xf32> to vector<1x16xf32>
          tpu.vector_store %arg13[%swap3A_162, %swap3A_163], %swap3A_166 {strides = array<i32>} : memref<128x128xf32, #tpu.memory_space<vmem>>, vector<1x16xf32>,
          %get3A_167 = arith.index_cast %scan3A_112 : i32 to index
          %get3A_168 = arith.constant 64 : index
          %get3A_169 = tpu.vector_load %arg13[%get3A_167, %get3A_168] {strides = array<i32>} : memref<128x128xf32, #tpu.memory_space<vmem>>, vector<1x16xf32>,
          %get3A_170 = vector.shape_cast %get3A_169 : vector<1x16xf32> to vector<16xf32>
          %get3A_171 = arith.index_cast %scan3A_112 : i32 to index
          %get3A_172 = arith.constant 64 : index
          %get3A_173 = tpu.vector_load %arg14[%get3A_171, %get3A_172] {strides = array<i32>} : memref<128x128xf32, #tpu.memory_space<vmem>>, vector<1x16xf32>,
          %get3A_174 = vector.shape_cast %get3A_173 : vector<1x16xf32> to vector<16xf32>
          %add3A_175 = arith.addf %get3A_170, %get3A_174 : vector<16xf32>
          %swap3A_176 = arith.index_cast %scan3A_112 : i32 to index
          %swap3A_177 = arith.constant 64 : index
          %swap3A_178 = tpu.vector_load %arg13[%swap3A_176, %swap3A_177] {strides = array<i32>} : memref<128x128xf32, #tpu.memory_space<vmem>>, vector<1x16xf32>,
          %swap3A_179 = vector.shape_cast %swap3A_178 : vector<1x16xf32> to vector<16xf32>
          %swap3A_180 = vector.shape_cast %add3A_175 : vector<16xf32> to vector<1x16xf32>
          tpu.vector_store %arg13[%swap3A_176, %swap3A_177], %swap3A_180 {strides = array<i32>} : memref<128x128xf32, #tpu.memory_space<vmem>>, vector<1x16xf32>,
          %get3A_181 = arith.index_cast %scan3A_112 : i32 to index
          %get3A_182 = arith.constant 80 : index
          %get3A_183 = tpu.vector_load %arg13[%get3A_181, %get3A_182] {strides = array<i32>} : memref<128x128xf32, #tpu.memory_space<vmem>>, vector<1x16xf32>,
          %get3A_184 = vector.shape_cast %get3A_183 : vector<1x16xf32> to vector<16xf32>
          %get3A_185 = arith.index_cast %scan3A_112 : i32 to index
          %get3A_186 = arith.constant 80 : index
          %get3A_187 = tpu.vector_load %arg14[%get3A_185, %get3A_186] {strides = array<i32>} : memref<128x128xf32, #tpu.memory_space<vmem>>, vector<1x16xf32>,
          %get3A_188 = vector.shape_cast %get3A_187 : vector<1x16xf32> to vector<16xf32>
          %add3A_189 = arith.addf %get3A_184, %get3A_188 : vector<16xf32>
          %swap3A_190 = arith.index_cast %scan3A_112 : i32 to index
          %swap3A_191 = arith.constant 80 : index
          %swap3A_192 = tpu.vector_load %arg13[%swap3A_190, %swap3A_191] {strides = array<i32>} : memref<128x128xf32, #tpu.memory_space<vmem>>, vector<1x16xf32>,
          %swap3A_193 = vector.shape_cast %swap3A_192 : vector<1x16xf32> to vector<16xf32>
          %swap3A_194 = vector.shape_cast %add3A_189 : vector<16xf32> to vector<1x16xf32>
          tpu.vector_store %arg13[%swap3A_190, %swap3A_191], %swap3A_194 {strides = array<i32>} : memref<128x128xf32, #tpu.memory_space<vmem>>, vector<1x16xf32>,
          %get3A_195 = arith.index_cast %scan3A_112 : i32 to index
          %get3A_196 = arith.constant 96 : index
          %get3A_197 = tpu.vector_load %arg13[%get3A_195, %get3A_196] {strides = array<i32>} : memref<128x128xf32, #tpu.memory_space<vmem>>, vector<1x16xf32>,
          %get3A_198 = vector.shape_cast %get3A_197 : vector<1x16xf32> to vector<16xf32>
          %get3A_199 = arith.index_cast %scan3A_112 : i32 to index
          %get3A_200 = arith.constant 96 : index
          %get3A_201 = tpu.vector_load %arg14[%get3A_199, %get3A_200] {strides = array<i32>} : memref<128x128xf32, #tpu.memory_space<vmem>>, vector<1x16xf32>,
          %get3A_202 = vector.shape_cast %get3A_201 : vector<1x16xf32> to vector<16xf32>
          %add3A_203 = arith.addf %get3A_198, %get3A_202 : vector<16xf32>
          %swap3A_204 = arith.index_cast %scan3A_112 : i32 to index
          %swap3A_205 = arith.constant 96 : index
          %swap3A_206 = tpu.vector_load %arg13[%swap3A_204, %swap3A_205] {strides = array<i32>} : memref<128x128xf32, #tpu.memory_space<vmem>>, vector<1x16xf32>,
          %swap3A_207 = vector.shape_cast %swap3A_206 : vector<1x16xf32> to vector<16xf32>
          %swap3A_208 = vector.shape_cast %add3A_203 : vector<16xf32> to vector<1x16xf32>
          tpu.vector_store %arg13[%swap3A_204, %swap3A_205], %swap3A_208 {strides = array<i32>} : memref<128x128xf32, #tpu.memory_space<vmem>>, vector<1x16xf32>,
          %get3A_209 = arith.index_cast %scan3A_112 : i32 to index
          %get3A_210 = arith.constant 112 : index
          %get3A_211 = tpu.vector_load %arg13[%get3A_209, %get3A_210] {strides = array<i32>} : memref<128x128xf32, #tpu.memory_space<vmem>>, vector<1x16xf32>,
          %get3A_212 = vector.shape_cast %get3A_211 : vector<1x16xf32> to vector<16xf32>
          %get3A_213 = arith.index_cast %scan3A_112 : i32 to index
          %get3A_214 = arith.constant 112 : index
          %get3A_215 = tpu.vector_load %arg14[%get3A_213, %get3A_214] {strides = array<i32>} : memref<128x128xf32, #tpu.memory_space<vmem>>, vector<1x16xf32>,
          %get3A_216 = vector.shape_cast %get3A_215 : vector<1x16xf32> to vector<16xf32>
          %add3A_217 = arith.addf %get3A_212, %get3A_216 : vector<16xf32>
          %swap3A_218 = arith.index_cast %scan3A_112 : i32 to index
          %swap3A_219 = arith.constant 112 : index
          %swap3A_220 = tpu.vector_load %arg13[%swap3A_218, %swap3A_219] {strides = array<i32>} : memref<128x128xf32, #tpu.memory_space<vmem>>, vector<1x16xf32>,
          %swap3A_221 = vector.shape_cast %swap3A_220 : vector<1x16xf32> to vector<16xf32>
          %swap3A_222 = vector.shape_cast %add3A_217 : vector<16xf32> to vector<1x16xf32>
          tpu.vector_store %arg13[%swap3A_218, %swap3A_219], %swap3A_222 {strides = array<i32>} : memref<128x128xf32, #tpu.memory_space<vmem>>, vector<1x16xf32>,
        }
        %scan3A_111 = arith.constant 128 : i32
        "tpu.region"() ({
          %run_scoped3A = tpu.sem_alloc : memref<!tpu.dma_semaphore, #tpu.memory_space<semaphore_mem>>
          %dma_start3A = arith.constant 0 : i32
          %dma_start3A_112 = tpu.memref_slice %arg6[%mul3A_99, %dma_start3A] : memref<320000x128xf32, #tpu.memory_space<hbm>> -> memref<128x128xf32, #tpu.memory_space<hbm>>
          %dma_start3A_113 = arith.constant 0 : i32
          %dma_start3A_114 = tpu.memref_slice %arg6[%mul3A_99, %dma_start3A_113] : memref<320000x128xf32, #tpu.memory_space<hbm>> -> memref<128x128xf32, #tpu.memory_space<hbm>>
          tpu.enqueue_dma source(%arg13 : memref<128x128xf32, #tpu.memory_space<vmem>>) target(%dma_start3A_114 : memref<128x128xf32, #tpu.memory_space<hbm>>) target_semaphore(%run_scoped3A : memref<!tpu.dma_semaphore, #tpu.memory_space<semaphore_mem>>)
          %dma_wait3A_115 = arith.constant 0 : i32
          %dma_wait3A_116 = tpu.memref_slice %arg6[%mul3A_99, %dma_wait3A_115] : memref<320000x128xf32, #tpu.memory_space<hbm>> -> memref<128x128xf32, #tpu.memory_space<hbm>>
          %dma_wait3A_117 = arith.constant 0 : i32
          %dma_wait3A_118 = tpu.memref_slice %arg6[%mul3A_99, %dma_wait3A_117] : memref<320000x128xf32, #tpu.memory_space<hbm>> -> memref<128x128xf32, #tpu.memory_space<hbm>>
          tpu.wait_dma2 semaphore(%run_scoped3A : memref<!tpu.dma_semaphore, #tpu.memory_space<semaphore_mem>>) src(%arg13 : memref<128x128xf32, #tpu.memory_space<vmem>>) dst(%dma_wait3A_118 : memref<128x128xf32, #tpu.memory_space<hbm>>)
          tpu.yield
        }) : () -> ()
      } else {
      }
    }
    %while3A_57 = arith.constant 1 : i32
    scf.for %while3A_58 = %while3A_55 to %while3A_51 step %while3A_57  : i32 {
      %mul3A_59 = arith.constant 2 : i32
      %mul3A_60 = arith.muli %mul3A_59, %while3A_58 : i32
      %add3A_61 = arith.constant 1 : i32
      %add3A_62 = arith.addi %mul3A_60, %add3A_61 : i32
      %lt3A = arith.cmpi slt, %add3A_62, %select_n3A : i32
      %convert_element_type3A_63 = arith.extui %lt3A : i1 to i32
      %cond3A_64 = arith.constant 0 : i32
      %cond3A_65 = arith.cmpi ne, %convert_element_type3A_63, %cond3A_64 : i32
      scf.if %cond3A_65 {
        %add3A_93 = arith.constant 1 : i32
        %add3A_94 = arith.addi %mul3A_60, %add3A_93 : i32
        %mul3A_95 = arith.constant 32 : i32
        %mul3A_96 = arith.muli %add3A_94, %mul3A_95 : i32
        %add3A_97 = arith.addi %add3A, %mul3A_96 : i32
        %mul3A_98 = arith.constant 128 : i32
        %mul3A_99 = arith.muli %add3A_97, %mul3A_98 : i32
        "tpu.region"() ({
          %run_scoped3A = tpu.sem_alloc : memref<!tpu.dma_semaphore, #tpu.memory_space<semaphore_mem>>
          %dma_start3A_105 = tpu.memref_slice %arg4[%mul3A_99] : memref<320000xi32, #tpu.memory_space<hbm>> -> memref<128xi32, #tpu.memory_space<hbm>>
          %dma_start3A_106 = tpu.memref_slice %arg4[%mul3A_99] : memref<320000xi32, #tpu.memory_space<hbm>> -> memref<128xi32, #tpu.memory_space<hbm>>
          tpu.enqueue_dma source(%dma_start3A_106 : memref<128xi32, #tpu.memory_space<hbm>>) target(%arg11 : memref<128xi32, #tpu.memory_space<vmem>>) target_semaphore(%run_scoped3A : memref<!tpu.dma_semaphore, #tpu.memory_space<semaphore_mem>>)
          %dma_wait3A_107 = tpu.memref_slice %arg4[%mul3A_99] : memref<320000xi32, #tpu.memory_space<hbm>> -> memref<128xi32, #tpu.memory_space<hbm>>
          %dma_wait3A_108 = tpu.memref_slice %arg4[%mul3A_99] : memref<320000xi32, #tpu.memory_space<hbm>> -> memref<128xi32, #tpu.memory_space<hbm>>
          tpu.wait_dma2 semaphore(%run_scoped3A : memref<!tpu.dma_semaphore, #tpu.memory_space<semaphore_mem>>) src(%dma_wait3A_108 : memref<128xi32, #tpu.memory_space<hbm>>) dst(%arg11 : memref<128xi32, #tpu.memory_space<vmem>>)
          tpu.yield
        }) : () -> ()
        "tpu.region"() ({
          %run_scoped3A = tpu.sem_alloc : memref<!tpu.dma_semaphore, #tpu.memory_space<semaphore_mem>>
          %dma_start3A_105 = tpu.memref_slice %arg5[%mul3A_99] : memref<320000xi32, #tpu.memory_space<hbm>> -> memref<128xi32, #tpu.memory_space<hbm>>
          %dma_start3A_106 = tpu.memref_slice %arg5[%mul3A_99] : memref<320000xi32, #tpu.memory_space<hbm>> -> memref<128xi32, #tpu.memory_space<hbm>>
          tpu.enqueue_dma source(%dma_start3A_106 : memref<128xi32, #tpu.memory_space<hbm>>) target(%arg12 : memref<128xi32, #tpu.memory_space<vmem>>) target_semaphore(%run_scoped3A : memref<!tpu.dma_semaphore, #tpu.memory_space<semaphore_mem>>)
          %dma_wait3A_107 = tpu.memref_slice %arg5[%mul3A_99] : memref<320000xi32, #tpu.memory_space<hbm>> -> memref<128xi32, #tpu.memory_space<hbm>>
          %dma_wait3A_108 = tpu.memref_slice %arg5[%mul3A_99] : memref<320000xi32, #tpu.memory_space<hbm>> -> memref<128xi32, #tpu.memory_space<hbm>>
          tpu.wait_dma2 semaphore(%run_scoped3A : memref<!tpu.dma_semaphore, #tpu.memory_space<semaphore_mem>>) src(%dma_wait3A_108 : memref<128xi32, #tpu.memory_space<hbm>>) dst(%arg12 : memref<128xi32, #tpu.memory_space<vmem>>)
          tpu.yield
        }) : () -> ()
        %dma_start3A = arith.constant 0 : i32
        %dma_start3A_100 = arith.constant 0 : i32
        %dma_start3A_101 = tpu.memref_slice %arg2[%dma_start3A, %dma_start3A_100] : memref<10000x128xf32, #tpu.memory_space<hbm>> -> memref<10000x128xf32, #tpu.memory_space<hbm>>
        tpu.enqueue_indirect_dma source(%dma_start3A_101 : memref<10000x128xf32, #tpu.memory_space<hbm>>) target(%arg13 : memref<128x128xf32, #tpu.memory_space<vmem>>) offsets(%arg11 : memref<128xi32, #tpu.memory_space<vmem>>) semaphore(%arg16 : memref<!tpu.dma_semaphore, #tpu.memory_space<semaphore_mem>>)
        %dma_start3A_102 = arith.constant 0 : i32
        %dma_start3A_103 = arith.constant 0 : i32
        %dma_start3A_104 = tpu.memref_slice %arg3[%dma_start3A_102, %dma_start3A_103] : memref<10000x128xf32, #tpu.memory_space<hbm>> -> memref<10000x128xf32, #tpu.memory_space<hbm>>
        tpu.enqueue_indirect_dma source(%dma_start3A_104 : memref<10000x128xf32, #tpu.memory_space<hbm>>) target(%arg14 : memref<128x128xf32, #tpu.memory_space<vmem>>) offsets(%arg12 : memref<128xi32, #tpu.memory_space<vmem>>) semaphore(%arg16 : memref<!tpu.dma_semaphore, #tpu.memory_space<semaphore_mem>>)
      } else {
      }
      %mul3A_66 = arith.constant 32 : i32
      %mul3A_67 = arith.muli %mul3A_60, %mul3A_66 : i32
      %add3A_68 = arith.addi %add3A, %mul3A_67 : i32
      %mul3A_69 = arith.constant 128 : i32
      %mul3A_70 = arith.muli %add3A_68, %mul3A_69 : i32
      %dma_wait3A = arith.constant 0 : i32
      %dma_wait3A_71 = arith.constant 0 : i32
      %dma_wait3A_72 = tpu.memref_slice %arg2[%dma_wait3A, %dma_wait3A_71] : memref<10000x128xf32, #tpu.memory_space<hbm>> -> memref<10000x128xf32, #tpu.memory_space<hbm>>
      tpu.wait_indirect_dma semaphore(%arg15 : memref<!tpu.dma_semaphore, #tpu.memory_space<semaphore_mem>>) src(%dma_wait3A_72 : memref<10000x128xf32, #tpu.memory_space<hbm>>) dst(%arg9 : memref<128x128xf32, #tpu.memory_space<vmem>>)
      %dma_wait3A_73 = arith.constant 0 : i32
      %dma_wait3A_74 = arith.constant 0 : i32
      %dma_wait3A_75 = tpu.memref_slice %arg3[%dma_wait3A_73, %dma_wait3A_74] : memref<10000x128xf32, #tpu.memory_space<hbm>> -> memref<10000x128xf32, #tpu.memory_space<hbm>>
      tpu.wait_indirect_dma semaphore(%arg15 : memref<!tpu.dma_semaphore, #tpu.memory_space<semaphore_mem>>) src(%dma_wait3A_75 : memref<10000x128xf32, #tpu.memory_space<hbm>>) dst(%arg10 : memref<128x128xf32, #tpu.memory_space<vmem>>)
      %scan3A = arith.constant 0 : i32
      %scan3A_76 = arith.constant 0 : i32
      %scan3A_77 = arith.constant 128 : i32
      %scan3A_78 = arith.addi %scan3A_76, %scan3A_77 : i32
      %scan3A_79 = arith.constant 1 : i32
      scf.for %scan3A_93 = %scan3A_76 to %scan3A_78 step %scan3A_79  : i32 {
        %get3A = arith.index_cast %scan3A_93 : i32 to index
        %get3A_94 = arith.constant 0 : index
        %get3A_95 = tpu.vector_load %arg9[%get3A, %get3A_94] {strides = array<i32>} : memref<128x128xf32, #tpu.memory_space<vmem>>, vector<1x16xf32>,
        %get3A_96 = vector.shape_cast %get3A_95 : vector<1x16xf32> to vector<16xf32>
        %get3A_97 = arith.index_cast %scan3A_93 : i32 to index
        %get3A_98 = arith.constant 0 : index
        %get3A_99 = tpu.vector_load %arg10[%get3A_97, %get3A_98] {strides = array<i32>} : memref<128x128xf32, #tpu.memory_space<vmem>>, vector<1x16xf32>,
        %get3A_100 = vector.shape_cast %get3A_99 : vector<1x16xf32> to vector<16xf32>
        %add3A_101 = arith.addf %get3A_96, %get3A_100 : vector<16xf32>
        %swap3A = arith.index_cast %scan3A_93 : i32 to index
        %swap3A_102 = arith.constant 0 : index
        %swap3A_103 = tpu.vector_load %arg9[%swap3A, %swap3A_102] {strides = array<i32>} : memref<128x128xf32, #tpu.memory_space<vmem>>, vector<1x16xf32>,
        %swap3A_104 = vector.shape_cast %swap3A_103 : vector<1x16xf32> to vector<16xf32>
        %swap3A_105 = vector.shape_cast %add3A_101 : vector<16xf32> to vector<1x16xf32>
        tpu.vector_store %arg9[%swap3A, %swap3A_102], %swap3A_105 {strides = array<i32>} : memref<128x128xf32, #tpu.memory_space<vmem>>, vector<1x16xf32>,
        %get3A_106 = arith.index_cast %scan3A_93 : i32 to index
        %get3A_107 = arith.constant 16 : index
        %get3A_108 = tpu.vector_load %arg9[%get3A_106, %get3A_107] {strides = array<i32>} : memref<128x128xf32, #tpu.memory_space<vmem>>, vector<1x16xf32>,
        %get3A_109 = vector.shape_cast %get3A_108 : vector<1x16xf32> to vector<16xf32>
        %get3A_110 = arith.index_cast %scan3A_93 : i32 to index
        %get3A_111 = arith.constant 16 : index
        %get3A_112 = tpu.vector_load %arg10[%get3A_110, %get3A_111] {strides = array<i32>} : memref<128x128xf32, #tpu.memory_space<vmem>>, vector<1x16xf32>,
        %get3A_113 = vector.shape_cast %get3A_112 : vector<1x16xf32> to vector<16xf32>
        %add3A_114 = arith.addf %get3A_109, %get3A_113 : vector<16xf32>
        %swap3A_115 = arith.index_cast %scan3A_93 : i32 to index
        %swap3A_116 = arith.constant 16 : index
        %swap3A_117 = tpu.vector_load %arg9[%swap3A_115, %swap3A_116] {strides = array<i32>} : memref<128x128xf32, #tpu.memory_space<vmem>>, vector<1x16xf32>,
        %swap3A_118 = vector.shape_cast %swap3A_117 : vector<1x16xf32> to vector<16xf32>
        %swap3A_119 = vector.shape_cast %add3A_114 : vector<16xf32> to vector<1x16xf32>
        tpu.vector_store %arg9[%swap3A_115, %swap3A_116], %swap3A_119 {strides = array<i32>} : memref<128x128xf32, #tpu.memory_space<vmem>>, vector<1x16xf32>,
        %get3A_120 = arith.index_cast %scan3A_93 : i32 to index
        %get3A_121 = arith.constant 32 : index
        %get3A_122 = tpu.vector_load %arg9[%get3A_120, %get3A_121] {strides = array<i32>} : memref<128x128xf32, #tpu.memory_space<vmem>>, vector<1x16xf32>,
        %get3A_123 = vector.shape_cast %get3A_122 : vector<1x16xf32> to vector<16xf32>
        %get3A_124 = arith.index_cast %scan3A_93 : i32 to index
        %get3A_125 = arith.constant 32 : index
        %get3A_126 = tpu.vector_load %arg10[%get3A_124, %get3A_125] {strides = array<i32>} : memref<128x128xf32, #tpu.memory_space<vmem>>, vector<1x16xf32>,
        %get3A_127 = vector.shape_cast %get3A_126 : vector<1x16xf32> to vector<16xf32>
        %add3A_128 = arith.addf %get3A_123, %get3A_127 : vector<16xf32>
        %swap3A_129 = arith.index_cast %scan3A_93 : i32 to index
        %swap3A_130 = arith.constant 32 : index
        %swap3A_131 = tpu.vector_load %arg9[%swap3A_129, %swap3A_130] {strides = array<i32>} : memref<128x128xf32, #tpu.memory_space<vmem>>, vector<1x16xf32>,
        %swap3A_132 = vector.shape_cast %swap3A_131 : vector<1x16xf32> to vector<16xf32>
        %swap3A_133 = vector.shape_cast %add3A_128 : vector<16xf32> to vector<1x16xf32>
        tpu.vector_store %arg9[%swap3A_129, %swap3A_130], %swap3A_133 {strides = array<i32>} : memref<128x128xf32, #tpu.memory_space<vmem>>, vector<1x16xf32>,
        %get3A_134 = arith.index_cast %scan3A_93 : i32 to index
        %get3A_135 = arith.constant 48 : index
        %get3A_136 = tpu.vector_load %arg9[%get3A_134, %get3A_135] {strides = array<i32>} : memref<128x128xf32, #tpu.memory_space<vmem>>, vector<1x16xf32>,
        %get3A_137 = vector.shape_cast %get3A_136 : vector<1x16xf32> to vector<16xf32>
        %get3A_138 = arith.index_cast %scan3A_93 : i32 to index
        %get3A_139 = arith.constant 48 : index
        %get3A_140 = tpu.vector_load %arg10[%get3A_138, %get3A_139] {strides = array<i32>} : memref<128x128xf32, #tpu.memory_space<vmem>>, vector<1x16xf32>,
        %get3A_141 = vector.shape_cast %get3A_140 : vector<1x16xf32> to vector<16xf32>
        %add3A_142 = arith.addf %get3A_137, %get3A_141 : vector<16xf32>
        %swap3A_143 = arith.index_cast %scan3A_93 : i32 to index
        %swap3A_144 = arith.constant 48 : index
        %swap3A_145 = tpu.vector_load %arg9[%swap3A_143, %swap3A_144] {strides = array<i32>} : memref<128x128xf32, #tpu.memory_space<vmem>>, vector<1x16xf32>,
        %swap3A_146 = vector.shape_cast %swap3A_145 : vector<1x16xf32> to vector<16xf32>
        %swap3A_147 = vector.shape_cast %add3A_142 : vector<16xf32> to vector<1x16xf32>
        tpu.vector_store %arg9[%swap3A_143, %swap3A_144], %swap3A_147 {strides = array<i32>} : memref<128x128xf32, #tpu.memory_space<vmem>>, vector<1x16xf32>,
        %get3A_148 = arith.index_cast %scan3A_93 : i32 to index
        %get3A_149 = arith.constant 64 : index
        %get3A_150 = tpu.vector_load %arg9[%get3A_148, %get3A_149] {strides = array<i32>} : memref<128x128xf32, #tpu.memory_space<vmem>>, vector<1x16xf32>,
        %get3A_151 = vector.shape_cast %get3A_150 : vector<1x16xf32> to vector<16xf32>
        %get3A_152 = arith.index_cast %scan3A_93 : i32 to index
        %get3A_153 = arith.constant 64 : index
        %get3A_154 = tpu.vector_load %arg10[%get3A_152, %get3A_153] {strides = array<i32>} : memref<128x128xf32, #tpu.memory_space<vmem>>, vector<1x16xf32>,
        %get3A_155 = vector.shape_cast %get3A_154 : vector<1x16xf32> to vector<16xf32>
        %add3A_156 = arith.addf %get3A_151, %get3A_155 : vector<16xf32>
        %swap3A_157 = arith.index_cast %scan3A_93 : i32 to index
        %swap3A_158 = arith.constant 64 : index
        %swap3A_159 = tpu.vector_load %arg9[%swap3A_157, %swap3A_158] {strides = array<i32>} : memref<128x128xf32, #tpu.memory_space<vmem>>, vector<1x16xf32>,
        %swap3A_160 = vector.shape_cast %swap3A_159 : vector<1x16xf32> to vector<16xf32>
        %swap3A_161 = vector.shape_cast %add3A_156 : vector<16xf32> to vector<1x16xf32>
        tpu.vector_store %arg9[%swap3A_157, %swap3A_158], %swap3A_161 {strides = array<i32>} : memref<128x128xf32, #tpu.memory_space<vmem>>, vector<1x16xf32>,
        %get3A_162 = arith.index_cast %scan3A_93 : i32 to index
        %get3A_163 = arith.constant 80 : index
        %get3A_164 = tpu.vector_load %arg9[%get3A_162, %get3A_163] {strides = array<i32>} : memref<128x128xf32, #tpu.memory_space<vmem>>, vector<1x16xf32>,
        %get3A_165 = vector.shape_cast %get3A_164 : vector<1x16xf32> to vector<16xf32>
        %get3A_166 = arith.index_cast %scan3A_93 : i32 to index
        %get3A_167 = arith.constant 80 : index
        %get3A_168 = tpu.vector_load %arg10[%get3A_166, %get3A_167] {strides = array<i32>} : memref<128x128xf32, #tpu.memory_space<vmem>>, vector<1x16xf32>,
        %get3A_169 = vector.shape_cast %get3A_168 : vector<1x16xf32> to vector<16xf32>
        %add3A_170 = arith.addf %get3A_165, %get3A_169 : vector<16xf32>
        %swap3A_171 = arith.index_cast %scan3A_93 : i32 to index
        %swap3A_172 = arith.constant 80 : index
        %swap3A_173 = tpu.vector_load %arg9[%swap3A_171, %swap3A_172] {strides = array<i32>} : memref<128x128xf32, #tpu.memory_space<vmem>>, vector<1x16xf32>,
        %swap3A_174 = vector.shape_cast %swap3A_173 : vector<1x16xf32> to vector<16xf32>
        %swap3A_175 = vector.shape_cast %add3A_170 : vector<16xf32> to vector<1x16xf32>
        tpu.vector_store %arg9[%swap3A_171, %swap3A_172], %swap3A_175 {strides = array<i32>} : memref<128x128xf32, #tpu.memory_space<vmem>>, vector<1x16xf32>,
        %get3A_176 = arith.index_cast %scan3A_93 : i32 to index
        %get3A_177 = arith.constant 96 : index
        %get3A_178 = tpu.vector_load %arg9[%get3A_176, %get3A_177] {strides = array<i32>} : memref<128x128xf32, #tpu.memory_space<vmem>>, vector<1x16xf32>,
        %get3A_179 = vector.shape_cast %get3A_178 : vector<1x16xf32> to vector<16xf32>
        %get3A_180 = arith.index_cast %scan3A_93 : i32 to index
        %get3A_181 = arith.constant 96 : index
        %get3A_182 = tpu.vector_load %arg10[%get3A_180, %get3A_181] {strides = array<i32>} : memref<128x128xf32, #tpu.memory_space<vmem>>, vector<1x16xf32>,
        %get3A_183 = vector.shape_cast %get3A_182 : vector<1x16xf32> to vector<16xf32>
        %add3A_184 = arith.addf %get3A_179, %get3A_183 : vector<16xf32>
        %swap3A_185 = arith.index_cast %scan3A_93 : i32 to index
        %swap3A_186 = arith.constant 96 : index
        %swap3A_187 = tpu.vector_load %arg9[%swap3A_185, %swap3A_186] {strides = array<i32>} : memref<128x128xf32, #tpu.memory_space<vmem>>, vector<1x16xf32>,
        %swap3A_188 = vector.shape_cast %swap3A_187 : vector<1x16xf32> to vector<16xf32>
        %swap3A_189 = vector.shape_cast %add3A_184 : vector<16xf32> to vector<1x16xf32>
        tpu.vector_store %arg9[%swap3A_185, %swap3A_186], %swap3A_189 {strides = array<i32>} : memref<128x128xf32, #tpu.memory_space<vmem>>, vector<1x16xf32>,
        %get3A_190 = arith.index_cast %scan3A_93 : i32 to index
        %get3A_191 = arith.constant 112 : index
        %get3A_192 = tpu.vector_load %arg9[%get3A_190, %get3A_191] {strides = array<i32>} : memref<128x128xf32, #tpu.memory_space<vmem>>, vector<1x16xf32>,
        %get3A_193 = vector.shape_cast %get3A_192 : vector<1x16xf32> to vector<16xf32>
        %get3A_194 = arith.index_cast %scan3A_93 : i32 to index
        %get3A_195 = arith.constant 112 : index
        %get3A_196 = tpu.vector_load %arg10[%get3A_194, %get3A_195] {strides = array<i32>} : memref<128x128xf32, #tpu.memory_space<vmem>>, vector<1x16xf32>,
        %get3A_197 = vector.shape_cast %get3A_196 : vector<1x16xf32> to vector<16xf32>
        %add3A_198 = arith.addf %get3A_193, %get3A_197 : vector<16xf32>
        %swap3A_199 = arith.index_cast %scan3A_93 : i32 to index
        %swap3A_200 = arith.constant 112 : index
        %swap3A_201 = tpu.vector_load %arg9[%swap3A_199, %swap3A_200] {strides = array<i32>} : memref<128x128xf32, #tpu.memory_space<vmem>>, vector<1x16xf32>,
        %swap3A_202 = vector.shape_cast %swap3A_201 : vector<1x16xf32> to vector<16xf32>
        %swap3A_203 = vector.shape_cast %add3A_198 : vector<16xf32> to vector<1x16xf32>
        tpu.vector_store %arg9[%swap3A_199, %swap3A_200], %swap3A_203 {strides = array<i32>} : memref<128x128xf32, #tpu.memory_space<vmem>>, vector<1x16xf32>,
      }
      %scan3A_80 = arith.constant 128 : i32
      "tpu.region"() ({
        %run_scoped3A = tpu.sem_alloc : memref<!tpu.dma_semaphore, #tpu.memory_space<semaphore_mem>>
        %dma_start3A = arith.constant 0 : i32
        %dma_start3A_93 = tpu.memref_slice %arg6[%mul3A_70, %dma_start3A] : memref<320000x128xf32, #tpu.memory_space<hbm>> -> memref<128x128xf32, #tpu.memory_space<hbm>>
        %dma_start3A_94 = arith.constant 0 : i32
        %dma_start3A_95 = tpu.memref_slice %arg6[%mul3A_70, %dma_start3A_94] : memref<320000x128xf32, #tpu.memory_space<hbm>> -> memref<128x128xf32, #tpu.memory_space<hbm>>
        tpu.enqueue_dma source(%arg9 : memref<128x128xf32, #tpu.memory_space<vmem>>) target(%dma_start3A_95 : memref<128x128xf32, #tpu.memory_space<hbm>>) target_semaphore(%run_scoped3A : memref<!tpu.dma_semaphore, #tpu.memory_space<semaphore_mem>>)
        %dma_wait3A_96 = arith.constant 0 : i32
        %dma_wait3A_97 = tpu.memref_slice %arg6[%mul3A_70, %dma_wait3A_96] : memref<320000x128xf32, #tpu.memory_space<hbm>> -> memref<128x128xf32, #tpu.memory_space<hbm>>
        %dma_wait3A_98 = arith.constant 0 : i32
        %dma_wait3A_99 = tpu.memref_slice %arg6[%mul3A_70, %dma_wait3A_98] : memref<320000x128xf32, #tpu.memory_space<hbm>> -> memref<128x128xf32, #tpu.memory_space<hbm>>
        tpu.wait_dma2 semaphore(%run_scoped3A : memref<!tpu.dma_semaphore, #tpu.memory_space<semaphore_mem>>) src(%arg9 : memref<128x128xf32, #tpu.memory_space<vmem>>) dst(%dma_wait3A_99 : memref<128x128xf32, #tpu.memory_space<hbm>>)
        tpu.yield
      }) : () -> ()
      %add3A_81 = arith.constant 2 : i32
      %add3A_82 = arith.addi %mul3A_60, %add3A_81 : i32
      %lt3A_83 = arith.cmpi slt, %add3A_82, %select_n3A : i32
      %convert_element_type3A_84 = arith.extui %lt3A_83 : i1 to i32
      %cond3A_85 = arith.constant 0 : i32
      %cond3A_86 = arith.cmpi ne, %convert_element_type3A_84, %cond3A_85 : i32
      scf.if %cond3A_86 {
        %add3A_93 = arith.constant 2 : i32
        %add3A_94 = arith.addi %mul3A_60, %add3A_93 : i32
        %mul3A_95 = arith.constant 32 : i32
        %mul3A_96 = arith.muli %add3A_94, %mul3A_95 : i32
        %add3A_97 = arith.addi %add3A, %mul3A_96 : i32
        %mul3A_98 = arith.constant 128 : i32
        %mul3A_99 = arith.muli %add3A_97, %mul3A_98 : i32
        "tpu.region"() ({
          %run_scoped3A = tpu.sem_alloc : memref<!tpu.dma_semaphore, #tpu.memory_space<semaphore_mem>>
          %dma_start3A_105 = tpu.memref_slice %arg4[%mul3A_99] : memref<320000xi32, #tpu.memory_space<hbm>> -> memref<128xi32, #tpu.memory_space<hbm>>
          %dma_start3A_106 = tpu.memref_slice %arg4[%mul3A_99] : memref<320000xi32, #tpu.memory_space<hbm>> -> memref<128xi32, #tpu.memory_space<hbm>>
          tpu.enqueue_dma source(%dma_start3A_106 : memref<128xi32, #tpu.memory_space<hbm>>) target(%arg7 : memref<128xi32, #tpu.memory_space<vmem>>) target_semaphore(%run_scoped3A : memref<!tpu.dma_semaphore, #tpu.memory_space<semaphore_mem>>)
          %dma_wait3A_107 = tpu.memref_slice %arg4[%mul3A_99] : memref<320000xi32, #tpu.memory_space<hbm>> -> memref<128xi32, #tpu.memory_space<hbm>>
          %dma_wait3A_108 = tpu.memref_slice %arg4[%mul3A_99] : memref<320000xi32, #tpu.memory_space<hbm>> -> memref<128xi32, #tpu.memory_space<hbm>>
          tpu.wait_dma2 semaphore(%run_scoped3A : memref<!tpu.dma_semaphore, #tpu.memory_space<semaphore_mem>>) src(%dma_wait3A_108 : memref<128xi32, #tpu.memory_space<hbm>>) dst(%arg7 : memref<128xi32, #tpu.memory_space<vmem>>)
          tpu.yield
        }) : () -> ()
        "tpu.region"() ({
          %run_scoped3A = tpu.sem_alloc : memref<!tpu.dma_semaphore, #tpu.memory_space<semaphore_mem>>
          %dma_start3A_105 = tpu.memref_slice %arg5[%mul3A_99] : memref<320000xi32, #tpu.memory_space<hbm>> -> memref<128xi32, #tpu.memory_space<hbm>>
          %dma_start3A_106 = tpu.memref_slice %arg5[%mul3A_99] : memref<320000xi32, #tpu.memory_space<hbm>> -> memref<128xi32, #tpu.memory_space<hbm>>
          tpu.enqueue_dma source(%dma_start3A_106 : memref<128xi32, #tpu.memory_space<hbm>>) target(%arg8 : memref<128xi32, #tpu.memory_space<vmem>>) target_semaphore(%run_scoped3A : memref<!tpu.dma_semaphore, #tpu.memory_space<semaphore_mem>>)
          %dma_wait3A_107 = tpu.memref_slice %arg5[%mul3A_99] : memref<320000xi32, #tpu.memory_space<hbm>> -> memref<128xi32, #tpu.memory_space<hbm>>
          %dma_wait3A_108 = tpu.memref_slice %arg5[%mul3A_99] : memref<320000xi32, #tpu.memory_space<hbm>> -> memref<128xi32, #tpu.memory_space<hbm>>
          tpu.wait_dma2 semaphore(%run_scoped3A : memref<!tpu.dma_semaphore, #tpu.memory_space<semaphore_mem>>) src(%dma_wait3A_108 : memref<128xi32, #tpu.memory_space<hbm>>) dst(%arg8 : memref<128xi32, #tpu.memory_space<vmem>>)
          tpu.yield
        }) : () -> ()
        %dma_start3A = arith.constant 0 : i32
        %dma_start3A_100 = arith.constant 0 : i32
        %dma_start3A_101 = tpu.memref_slice %arg2[%dma_start3A, %dma_start3A_100] : memref<10000x128xf32, #tpu.memory_space<hbm>> -> memref<10000x128xf32, #tpu.memory_space<hbm>>
        tpu.enqueue_indirect_dma source(%dma_start3A_101 : memref<10000x128xf32, #tpu.memory_space<hbm>>) target(%arg9 : memref<128x128xf32, #tpu.memory_space<vmem>>) offsets(%arg7 : memref<128xi32, #tpu.memory_space<vmem>>) semaphore(%arg15 : memref<!tpu.dma_semaphore, #tpu.memory_space<semaphore_mem>>)
        %dma_start3A_102 = arith.constant 0 : i32
        %dma_start3A_103 = arith.constant 0 : i32
        %dma_start3A_104 = tpu.memref_slice %arg3[%dma_start3A_102, %dma_start3A_103] : memref<10000x128xf32, #tpu.memory_space<hbm>> -> memref<10000x128xf32, #tpu.memory_space<hbm>>
        tpu.enqueue_indirect_dma source(%dma_start3A_104 : memref<10000x128xf32, #tpu.memory_space<hbm>>) target(%arg10 : memref<128x128xf32, #tpu.memory_space<vmem>>) offsets(%arg8 : memref<128xi32, #tpu.memory_space<vmem>>) semaphore(%arg15 : memref<!tpu.dma_semaphore, #tpu.memory_space<semaphore_mem>>)
      } else {
      }
      %add3A_87 = arith.constant 1 : i32
      %add3A_88 = arith.addi %mul3A_60, %add3A_87 : i32
      %lt3A_89 = arith.cmpi slt, %add3A_88, %select_n3A : i32
      %convert_element_type3A_90 = arith.extui %lt3A_89 : i1 to i32
      %cond3A_91 = arith.constant 0 : i32
      %cond3A_92 = arith.cmpi ne, %convert_element_type3A_90, %cond3A_91 : i32
      scf.if %cond3A_92 {
        %add3A_93 = arith.constant 1 : i32
        %add3A_94 = arith.addi %mul3A_60, %add3A_93 : i32
        %mul3A_95 = arith.constant 32 : i32
        %mul3A_96 = arith.muli %add3A_94, %mul3A_95 : i32
        %add3A_97 = arith.addi %add3A, %mul3A_96 : i32
        %mul3A_98 = arith.constant 128 : i32
        %mul3A_99 = arith.muli %add3A_97, %mul3A_98 : i32
        %dma_wait3A_100 = arith.constant 0 : i32
        %dma_wait3A_101 = arith.constant 0 : i32
        %dma_wait3A_102 = tpu.memref_slice %arg2[%dma_wait3A_100, %dma_wait3A_101] : memref<10000x128xf32, #tpu.memory_space<hbm>> -> memref<10000x128xf32, #tpu.memory_space<hbm>>
        tpu.wait_indirect_dma semaphore(%arg16 : memref<!tpu.dma_semaphore, #tpu.memory_space<semaphore_mem>>) src(%dma_wait3A_102 : memref<10000x128xf32, #tpu.memory_space<hbm>>) dst(%arg13 : memref<128x128xf32, #tpu.memory_space<vmem>>)
        %dma_wait3A_103 = arith.constant 0 : i32
        %dma_wait3A_104 = arith.constant 0 : i32
        %dma_wait3A_105 = tpu.memref_slice %arg3[%dma_wait3A_103, %dma_wait3A_104] : memref<10000x128xf32, #tpu.memory_space<hbm>> -> memref<10000x128xf32, #tpu.memory_space<hbm>>
        tpu.wait_indirect_dma semaphore(%arg16 : memref<!tpu.dma_semaphore, #tpu.memory_space<semaphore_mem>>) src(%dma_wait3A_105 : memref<10000x128xf32, #tpu.memory_space<hbm>>) dst(%arg14 : memref<128x128xf32, #tpu.memory_space<vmem>>)
        %scan3A_106 = arith.constant 0 : i32
        %scan3A_107 = arith.constant 0 : i32
        %scan3A_108 = arith.constant 128 : i32
        %scan3A_109 = arith.addi %scan3A_107, %scan3A_108 : i32
        %scan3A_110 = arith.constant 1 : i32
        scf.for %scan3A_112 = %scan3A_107 to %scan3A_109 step %scan3A_110  : i32 {
          %get3A = arith.index_cast %scan3A_112 : i32 to index
          %get3A_113 = arith.constant 0 : index
          %get3A_114 = tpu.vector_load %arg13[%get3A, %get3A_113] {strides = array<i32>} : memref<128x128xf32, #tpu.memory_space<vmem>>, vector<1x16xf32>,
          %get3A_115 = vector.shape_cast %get3A_114 : vector<1x16xf32> to vector<16xf32>
          %get3A_116 = arith.index_cast %scan3A_112 : i32 to index
          %get3A_117 = arith.constant 0 : index
          %get3A_118 = tpu.vector_load %arg14[%get3A_116, %get3A_117] {strides = array<i32>} : memref<128x128xf32, #tpu.memory_space<vmem>>, vector<1x16xf32>,
          %get3A_119 = vector.shape_cast %get3A_118 : vector<1x16xf32> to vector<16xf32>
          %add3A_120 = arith.addf %get3A_115, %get3A_119 : vector<16xf32>
          %swap3A = arith.index_cast %scan3A_112 : i32 to index
          %swap3A_121 = arith.constant 0 : index
          %swap3A_122 = tpu.vector_load %arg13[%swap3A, %swap3A_121] {strides = array<i32>} : memref<128x128xf32, #tpu.memory_space<vmem>>, vector<1x16xf32>,
          %swap3A_123 = vector.shape_cast %swap3A_122 : vector<1x16xf32> to vector<16xf32>
          %swap3A_124 = vector.shape_cast %add3A_120 : vector<16xf32> to vector<1x16xf32>
          tpu.vector_store %arg13[%swap3A, %swap3A_121], %swap3A_124 {strides = array<i32>} : memref<128x128xf32, #tpu.memory_space<vmem>>, vector<1x16xf32>,
          %get3A_125 = arith.index_cast %scan3A_112 : i32 to index
          %get3A_126 = arith.constant 16 : index
          %get3A_127 = tpu.vector_load %arg13[%get3A_125, %get3A_126] {strides = array<i32>} : memref<128x128xf32, #tpu.memory_space<vmem>>, vector<1x16xf32>,
          %get3A_128 = vector.shape_cast %get3A_127 : vector<1x16xf32> to vector<16xf32>
          %get3A_129 = arith.index_cast %scan3A_112 : i32 to index
          %get3A_130 = arith.constant 16 : index
          %get3A_131 = tpu.vector_load %arg14[%get3A_129, %get3A_130] {strides = array<i32>} : memref<128x128xf32, #tpu.memory_space<vmem>>, vector<1x16xf32>,
          %get3A_132 = vector.shape_cast %get3A_131 : vector<1x16xf32> to vector<16xf32>
          %add3A_133 = arith.addf %get3A_128, %get3A_132 : vector<16xf32>
          %swap3A_134 = arith.index_cast %scan3A_112 : i32 to index
          %swap3A_135 = arith.constant 16 : index
          %swap3A_136 = tpu.vector_load %arg13[%swap3A_134, %swap3A_135] {strides = array<i32>} : memref<128x128xf32, #tpu.memory_space<vmem>>, vector<1x16xf32>,
          %swap3A_137 = vector.shape_cast %swap3A_136 : vector<1x16xf32> to vector<16xf32>
          %swap3A_138 = vector.shape_cast %add3A_133 : vector<16xf32> to vector<1x16xf32>
          tpu.vector_store %arg13[%swap3A_134, %swap3A_135], %swap3A_138 {strides = array<i32>} : memref<128x128xf32, #tpu.memory_space<vmem>>, vector<1x16xf32>,
          %get3A_139 = arith.index_cast %scan3A_112 : i32 to index
          %get3A_140 = arith.constant 32 : index
          %get3A_141 = tpu.vector_load %arg13[%get3A_139, %get3A_140] {strides = array<i32>} : memref<128x128xf32, #tpu.memory_space<vmem>>, vector<1x16xf32>,
          %get3A_142 = vector.shape_cast %get3A_141 : vector<1x16xf32> to vector<16xf32>
          %get3A_143 = arith.index_cast %scan3A_112 : i32 to index
          %get3A_144 = arith.constant 32 : index
          %get3A_145 = tpu.vector_load %arg14[%get3A_143, %get3A_144] {strides = array<i32>} : memref<128x128xf32, #tpu.memory_space<vmem>>, vector<1x16xf32>,
          %get3A_146 = vector.shape_cast %get3A_145 : vector<1x16xf32> to vector<16xf32>
          %add3A_147 = arith.addf %get3A_142, %get3A_146 : vector<16xf32>
          %swap3A_148 = arith.index_cast %scan3A_112 : i32 to index
          %swap3A_149 = arith.constant 32 : index
          %swap3A_150 = tpu.vector_load %arg13[%swap3A_148, %swap3A_149] {strides = array<i32>} : memref<128x128xf32, #tpu.memory_space<vmem>>, vector<1x16xf32>,
          %swap3A_151 = vector.shape_cast %swap3A_150 : vector<1x16xf32> to vector<16xf32>
          %swap3A_152 = vector.shape_cast %add3A_147 : vector<16xf32> to vector<1x16xf32>
          tpu.vector_store %arg13[%swap3A_148, %swap3A_149], %swap3A_152 {strides = array<i32>} : memref<128x128xf32, #tpu.memory_space<vmem>>, vector<1x16xf32>,
          %get3A_153 = arith.index_cast %scan3A_112 : i32 to index
          %get3A_154 = arith.constant 48 : index
          %get3A_155 = tpu.vector_load %arg13[%get3A_153, %get3A_154] {strides = array<i32>} : memref<128x128xf32, #tpu.memory_space<vmem>>, vector<1x16xf32>,
          %get3A_156 = vector.shape_cast %get3A_155 : vector<1x16xf32> to vector<16xf32>
          %get3A_157 = arith.index_cast %scan3A_112 : i32 to index
          %get3A_158 = arith.constant 48 : index
          %get3A_159 = tpu.vector_load %arg14[%get3A_157, %get3A_158] {strides = array<i32>} : memref<128x128xf32, #tpu.memory_space<vmem>>, vector<1x16xf32>,
          %get3A_160 = vector.shape_cast %get3A_159 : vector<1x16xf32> to vector<16xf32>
          %add3A_161 = arith.addf %get3A_156, %get3A_160 : vector<16xf32>
          %swap3A_162 = arith.index_cast %scan3A_112 : i32 to index
          %swap3A_163 = arith.constant 48 : index
          %swap3A_164 = tpu.vector_load %arg13[%swap3A_162, %swap3A_163] {strides = array<i32>} : memref<128x128xf32, #tpu.memory_space<vmem>>, vector<1x16xf32>,
          %swap3A_165 = vector.shape_cast %swap3A_164 : vector<1x16xf32> to vector<16xf32>
          %swap3A_166 = vector.shape_cast %add3A_161 : vector<16xf32> to vector<1x16xf32>
          tpu.vector_store %arg13[%swap3A_162, %swap3A_163], %swap3A_166 {strides = array<i32>} : memref<128x128xf32, #tpu.memory_space<vmem>>, vector<1x16xf32>,
          %get3A_167 = arith.index_cast %scan3A_112 : i32 to index
          %get3A_168 = arith.constant 64 : index
          %get3A_169 = tpu.vector_load %arg13[%get3A_167, %get3A_168] {strides = array<i32>} : memref<128x128xf32, #tpu.memory_space<vmem>>, vector<1x16xf32>,
          %get3A_170 = vector.shape_cast %get3A_169 : vector<1x16xf32> to vector<16xf32>
          %get3A_171 = arith.index_cast %scan3A_112 : i32 to index
          %get3A_172 = arith.constant 64 : index
          %get3A_173 = tpu.vector_load %arg14[%get3A_171, %get3A_172] {strides = array<i32>} : memref<128x128xf32, #tpu.memory_space<vmem>>, vector<1x16xf32>,
          %get3A_174 = vector.shape_cast %get3A_173 : vector<1x16xf32> to vector<16xf32>
          %add3A_175 = arith.addf %get3A_170, %get3A_174 : vector<16xf32>
          %swap3A_176 = arith.index_cast %scan3A_112 : i32 to index
          %swap3A_177 = arith.constant 64 : index
          %swap3A_178 = tpu.vector_load %arg13[%swap3A_176, %swap3A_177] {strides = array<i32>} : memref<128x128xf32, #tpu.memory_space<vmem>>, vector<1x16xf32>,
          %swap3A_179 = vector.shape_cast %swap3A_178 : vector<1x16xf32> to vector<16xf32>
          %swap3A_180 = vector.shape_cast %add3A_175 : vector<16xf32> to vector<1x16xf32>
          tpu.vector_store %arg13[%swap3A_176, %swap3A_177], %swap3A_180 {strides = array<i32>} : memref<128x128xf32, #tpu.memory_space<vmem>>, vector<1x16xf32>,
          %get3A_181 = arith.index_cast %scan3A_112 : i32 to index
          %get3A_182 = arith.constant 80 : index
          %get3A_183 = tpu.vector_load %arg13[%get3A_181, %get3A_182] {strides = array<i32>} : memref<128x128xf32, #tpu.memory_space<vmem>>, vector<1x16xf32>,
          %get3A_184 = vector.shape_cast %get3A_183 : vector<1x16xf32> to vector<16xf32>
          %get3A_185 = arith.index_cast %scan3A_112 : i32 to index
          %get3A_186 = arith.constant 80 : index
          %get3A_187 = tpu.vector_load %arg14[%get3A_185, %get3A_186] {strides = array<i32>} : memref<128x128xf32, #tpu.memory_space<vmem>>, vector<1x16xf32>,
          %get3A_188 = vector.shape_cast %get3A_187 : vector<1x16xf32> to vector<16xf32>
          %add3A_189 = arith.addf %get3A_184, %get3A_188 : vector<16xf32>
          %swap3A_190 = arith.index_cast %scan3A_112 : i32 to index
          %swap3A_191 = arith.constant 80 : index
          %swap3A_192 = tpu.vector_load %arg13[%swap3A_190, %swap3A_191] {strides = array<i32>} : memref<128x128xf32, #tpu.memory_space<vmem>>, vector<1x16xf32>,
          %swap3A_193 = vector.shape_cast %swap3A_192 : vector<1x16xf32> to vector<16xf32>
          %swap3A_194 = vector.shape_cast %add3A_189 : vector<16xf32> to vector<1x16xf32>
          tpu.vector_store %arg13[%swap3A_190, %swap3A_191], %swap3A_194 {strides = array<i32>} : memref<128x128xf32, #tpu.memory_space<vmem>>, vector<1x16xf32>,
          %get3A_195 = arith.index_cast %scan3A_112 : i32 to index
          %get3A_196 = arith.constant 96 : index
          %get3A_197 = tpu.vector_load %arg13[%get3A_195, %get3A_196] {strides = array<i32>} : memref<128x128xf32, #tpu.memory_space<vmem>>, vector<1x16xf32>,
          %get3A_198 = vector.shape_cast %get3A_197 : vector<1x16xf32> to vector<16xf32>
          %get3A_199 = arith.index_cast %scan3A_112 : i32 to index
          %get3A_200 = arith.constant 96 : index
          %get3A_201 = tpu.vector_load %arg14[%get3A_199, %get3A_200] {strides = array<i32>} : memref<128x128xf32, #tpu.memory_space<vmem>>, vector<1x16xf32>,
          %get3A_202 = vector.shape_cast %get3A_201 : vector<1x16xf32> to vector<16xf32>
          %add3A_203 = arith.addf %get3A_198, %get3A_202 : vector<16xf32>
          %swap3A_204 = arith.index_cast %scan3A_112 : i32 to index
          %swap3A_205 = arith.constant 96 : index
          %swap3A_206 = tpu.vector_load %arg13[%swap3A_204, %swap3A_205] {strides = array<i32>} : memref<128x128xf32, #tpu.memory_space<vmem>>, vector<1x16xf32>,
          %swap3A_207 = vector.shape_cast %swap3A_206 : vector<1x16xf32> to vector<16xf32>
          %swap3A_208 = vector.shape_cast %add3A_203 : vector<16xf32> to vector<1x16xf32>
          tpu.vector_store %arg13[%swap3A_204, %swap3A_205], %swap3A_208 {strides = array<i32>} : memref<128x128xf32, #tpu.memory_space<vmem>>, vector<1x16xf32>,
          %get3A_209 = arith.index_cast %scan3A_112 : i32 to index
          %get3A_210 = arith.constant 112 : index
          %get3A_211 = tpu.vector_load %arg13[%get3A_209, %get3A_210] {strides = array<i32>} : memref<128x128xf32, #tpu.memory_space<vmem>>, vector<1x16xf32>,
          %get3A_212 = vector.shape_cast %get3A_211 : vector<1x16xf32> to vector<16xf32>
          %get3A_213 = arith.index_cast %scan3A_112 : i32 to index
          %get3A_214 = arith.constant 112 : index
          %get3A_215 = tpu.vector_load %arg14[%get3A_213, %get3A_214] {strides = array<i32>} : memref<128x128xf32, #tpu.memory_space<vmem>>, vector<1x16xf32>,
          %get3A_216 = vector.shape_cast %get3A_215 : vector<1x16xf32> to vector<16xf32>
          %add3A_217 = arith.addf %get3A_212, %get3A_216 : vector<16xf32>
          %swap3A_218 = arith.index_cast %scan3A_112 : i32 to index
          %swap3A_219 = arith.constant 112 : index
          %swap3A_220 = tpu.vector_load %arg13[%swap3A_218, %swap3A_219] {strides = array<i32>} : memref<128x128xf32, #tpu.memory_space<vmem>>, vector<1x16xf32>,
          %swap3A_221 = vector.shape_cast %swap3A_220 : vector<1x16xf32> to vector<16xf32>
          %swap3A_222 = vector.shape_cast %add3A_217 : vector<16xf32> to vector<1x16xf32>
          tpu.vector_store %arg13[%swap3A_218, %swap3A_219], %swap3A_222 {strides = array<i32>} : memref<128x128xf32, #tpu.memory_space<vmem>>, vector<1x16xf32>,
        }
        %scan3A_111 = arith.constant 128 : i32
        "tpu.region"() ({
          %run_scoped3A = tpu.sem_alloc : memref<!tpu.dma_semaphore, #tpu.memory_space<semaphore_mem>>
          %dma_start3A = arith.constant 0 : i32
          %dma_start3A_112 = tpu.memref_slice %arg6[%mul3A_99, %dma_start3A] : memref<320000x128xf32, #tpu.memory_space<hbm>> -> memref<128x128xf32, #tpu.memory_space<hbm>>
          %dma_start3A_113 = arith.constant 0 : i32
          %dma_start3A_114 = tpu.memref_slice %arg6[%mul3A_99, %dma_start3A_113] : memref<320000x128xf32, #tpu.memory_space<hbm>> -> memref<128x128xf32, #tpu.memory_space<hbm>>
          tpu.enqueue_dma source(%arg13 : memref<128x128xf32, #tpu.memory_space<vmem>>) target(%dma_start3A_114 : memref<128x128xf32, #tpu.memory_space<hbm>>) target_semaphore(%run_scoped3A : memref<!tpu.dma_semaphore, #tpu.memory_space<semaphore_mem>>)
          %dma_wait3A_115 = arith.constant 0 : i32
          %dma_wait3A_116 = tpu.memref_slice %arg6[%mul3A_99, %dma_wait3A_115] : memref<320000x128xf32, #tpu.memory_space<hbm>> -> memref<128x128xf32, #tpu.memory_space<hbm>>
          %dma_wait3A_117 = arith.constant 0 : i32
          %dma_wait3A_118 = tpu.memref_slice %arg6[%mul3A_99, %dma_wait3A_117] : memref<320000x128xf32, #tpu.memory_space<hbm>> -> memref<128x128xf32, #tpu.memory_space<hbm>>
          tpu.wait_dma2 semaphore(%run_scoped3A : memref<!tpu.dma_semaphore, #tpu.memory_space<semaphore_mem>>) src(%arg13 : memref<128x128xf32, #tpu.memory_space<vmem>>) dst(%dma_wait3A_118 : memref<128x128xf32, #tpu.memory_space<hbm>>)
          tpu.yield
        }) : () -> ()
      } else {
      }
    }
    return
  }
}

#map = affine_map<(d0, d1) -> (0, 0)>
#map1 = affine_map<(d0, d1) -> (0)>
#map2 = affine_map<(d0, d1) -> (0, 0, 0)>
module attributes {stable_mosaic.version = 14 : i64} {
  func.func @body(%arg0: i32, %arg1: i32, %arg2: memref<320000x128xf32, #tpu.memory_space<hbm>>, %arg3: memref<320000xi32, #tpu.memory_space<hbm>>, %arg4: memref<10000x128xf32, #tpu.memory_space<hbm>>, %arg5: memref<2x10000x128xf32, #tpu.memory_space<hbm>>, %arg6: memref<128xi32, #tpu.memory_space<vmem>>, %arg7: memref<128x128xf32, #tpu.memory_space<vmem>>, %arg8: memref<128xi32, #tpu.memory_space<vmem>>, %arg9: memref<128x128xf32, #tpu.memory_space<vmem>>, %arg10: memref<!tpu.dma_semaphore, #tpu.memory_space<semaphore_mem>>, %arg11: memref<!tpu.dma_semaphore, #tpu.memory_space<semaphore_mem>>, %arg12: memref<10000x128xf32, #tpu.memory_space<vmem_shared>>) attributes {dimension_semantics = [#tpu.dimension_semantics<core_parallel>, #tpu.dimension_semantics<subcore_parallel>], iteration_bounds = array<i64: 2, 16>, scalar_prefetch = 0 : i64, scratch_operands = 7 : i64, tpu.core_type = #tpu.core_type<sc_vector_subcore>, window_params = [{transform_indices = #map}, {transform_indices = #map1}, {transform_indices = #map}, {transform_indices = #map2}]} {
    %mul3A = arith.constant 2 : i32
    %mul3A_0 = arith.muli %arg1, %mul3A : i32
    %add3A = arith.addi %mul3A_0, %arg0 : i32
    %sub3A = arith.constant 2500 : i32
    %sub3A_1 = arith.subi %sub3A, %add3A : i32
    %add3A_2 = arith.constant 31 : i32
    %add3A_3 = arith.addi %sub3A_1, %add3A_2 : i32
    %jit3A = arith.constant 32 : i32
    %div3A = arith.divsi %add3A_3, %jit3A : i32
    %sign3A = arith.constant 0 : i32
    %sign3A_4 = arith.cmpi sgt, %add3A_3, %sign3A : i32
    %sign3A_5 = arith.extui %sign3A_4 : i1 to i32
    %sign3A_6 = arith.constant 0 : i32
    %sign3A_7 = arith.cmpi slt, %add3A_3, %sign3A_6 : i32
    %sign3A_8 = arith.extui %sign3A_7 : i1 to i32
    %sign3A_9 = arith.subi %sign3A_5, %sign3A_8 : i32
    %sign3A_10 = arith.constant 0 : i32
    %sign3A_11 = arith.cmpi sgt, %jit3A, %sign3A_10 : i32
    %sign3A_12 = arith.extui %sign3A_11 : i1 to i32
    %sign3A_13 = arith.constant 0 : i32
    %sign3A_14 = arith.cmpi slt, %jit3A, %sign3A_13 : i32
    %sign3A_15 = arith.extui %sign3A_14 : i1 to i32
    %sign3A_16 = arith.subi %sign3A_12, %sign3A_15 : i32
    %ne3A = arith.cmpi ne, %sign3A_9, %sign3A_16 : i32
    %rem3A = arith.remsi %add3A_3, %jit3A : i32
    %ne3A_17 = arith.constant 0 : i32
    %ne3A_18 = arith.cmpi ne, %rem3A, %ne3A_17 : i32
    %and3A = arith.andi %ne3A, %ne3A_18 : i1
    %sub3A_19 = arith.constant 1 : i32
    %sub3A_20 = arith.subi %div3A, %sub3A_19 : i32
    %select_n3A = arith.select %and3A, %sub3A_20, %div3A : i32
    %mul3A_21 = arith.constant 624 : i32
    %mul3A_22 = arith.muli %arg1, %mul3A_21 : i32
    %mul3A_23 = arith.constant 624 : i32
    %mul3A_24 = arith.muli %arg1, %mul3A_23 : i32
    "tpu.region"() ({
      %run_scoped3A = tpu.sem_alloc : memref<!tpu.dma_semaphore, #tpu.memory_space<semaphore_mem>>
      %dma_start3A = arith.constant 0 : i32
      %dma_start3A_76 = tpu.memref_slice %arg12[%mul3A_24, %dma_start3A] : memref<10000x128xf32, #tpu.memory_space<vmem_shared>> -> memref<624x128xf32, #tpu.memory_space<vmem_shared>>
      %dma_start3A_77 = arith.constant 0 : i32
      %dma_start3A_78 = tpu.memref_slice %arg4[%mul3A_22, %dma_start3A_77] : memref<10000x128xf32, #tpu.memory_space<hbm>> -> memref<624x128xf32, #tpu.memory_space<hbm>>
      tpu.enqueue_dma source(%dma_start3A_78 : memref<624x128xf32, #tpu.memory_space<hbm>>) target(%dma_start3A_76 : memref<624x128xf32, #tpu.memory_space<vmem_shared>>) target_semaphore(%run_scoped3A : memref<!tpu.dma_semaphore, #tpu.memory_space<semaphore_mem>>)
      %dma_wait3A = arith.constant 0 : i32
      %dma_wait3A_79 = tpu.memref_slice %arg12[%mul3A_24, %dma_wait3A] : memref<10000x128xf32, #tpu.memory_space<vmem_shared>> -> memref<624x128xf32, #tpu.memory_space<vmem_shared>>
      %dma_wait3A_80 = arith.constant 0 : i32
      %dma_wait3A_81 = tpu.memref_slice %arg4[%mul3A_22, %dma_wait3A_80] : memref<10000x128xf32, #tpu.memory_space<hbm>> -> memref<624x128xf32, #tpu.memory_space<hbm>>
      tpu.wait_dma2 semaphore(%run_scoped3A : memref<!tpu.dma_semaphore, #tpu.memory_space<semaphore_mem>>) src(%dma_wait3A_81 : memref<624x128xf32, #tpu.memory_space<hbm>>) dst(%dma_wait3A_79 : memref<624x128xf32, #tpu.memory_space<vmem_shared>>)
      tpu.yield
    }) : () -> ()
    %eq3A = arith.constant 0 : i32
    %eq3A_25 = arith.cmpi eq, %arg1, %eq3A : i32
    %convert_element_type3A = arith.extui %eq3A_25 : i1 to i32
    %cond3A = arith.constant 0 : i32
    %cond3A_26 = arith.cmpi ne, %convert_element_type3A, %cond3A : i32
    scf.if %cond3A_26 {
      "tpu.region"() ({
        %run_scoped3A = tpu.sem_alloc : memref<!tpu.dma_semaphore, #tpu.memory_space<semaphore_mem>>
        %dma_start3A = arith.constant 9984 : i32
        %dma_start3A_76 = arith.constant 0 : i32
        %dma_start3A_77 = tpu.memref_slice %arg12[%dma_start3A, %dma_start3A_76] : memref<10000x128xf32, #tpu.memory_space<vmem_shared>> -> memref<16x128xf32, #tpu.memory_space<vmem_shared>>
        %dma_start3A_78 = arith.constant 9984 : i32
        %dma_start3A_79 = arith.constant 0 : i32
        %dma_start3A_80 = tpu.memref_slice %arg4[%dma_start3A_78, %dma_start3A_79] : memref<10000x128xf32, #tpu.memory_space<hbm>> -> memref<16x128xf32, #tpu.memory_space<hbm>>
        tpu.enqueue_dma source(%dma_start3A_80 : memref<16x128xf32, #tpu.memory_space<hbm>>) target(%dma_start3A_77 : memref<16x128xf32, #tpu.memory_space<vmem_shared>>) target_semaphore(%run_scoped3A : memref<!tpu.dma_semaphore, #tpu.memory_space<semaphore_mem>>)
        %dma_wait3A = arith.constant 9984 : i32
        %dma_wait3A_81 = arith.constant 0 : i32
        %dma_wait3A_82 = tpu.memref_slice %arg12[%dma_wait3A, %dma_wait3A_81] : memref<10000x128xf32, #tpu.memory_space<vmem_shared>> -> memref<16x128xf32, #tpu.memory_space<vmem_shared>>
        %dma_wait3A_83 = arith.constant 9984 : i32
        %dma_wait3A_84 = arith.constant 0 : i32
        %dma_wait3A_85 = tpu.memref_slice %arg4[%dma_wait3A_83, %dma_wait3A_84] : memref<10000x128xf32, #tpu.memory_space<hbm>> -> memref<16x128xf32, #tpu.memory_space<hbm>>
        tpu.wait_dma2 semaphore(%run_scoped3A : memref<!tpu.dma_semaphore, #tpu.memory_space<semaphore_mem>>) src(%dma_wait3A_85 : memref<16x128xf32, #tpu.memory_space<hbm>>) dst(%dma_wait3A_82 : memref<16x128xf32, #tpu.memory_space<vmem_shared>>)
        tpu.yield
      }) : () -> ()
    } else {
    }
    %barrier3A = arith.constant 0 : index
    tpu.barrier barrier_id(%barrier3A)
    %gt3A = arith.constant 0 : i32
    %gt3A_27 = arith.cmpi sgt, %select_n3A, %gt3A : i32
    %convert_element_type3A_28 = arith.extui %gt3A_27 : i1 to i32
    %cond3A_29 = arith.constant 0 : i32
    %cond3A_30 = arith.cmpi ne, %convert_element_type3A_28, %cond3A_29 : i32
    scf.if %cond3A_30 {
      %add3A_76 = arith.constant 0 : i32
      %add3A_77 = arith.addi %add3A, %add3A_76 : i32
      %mul3A_78 = arith.constant 128 : i32
      %mul3A_79 = arith.muli %add3A_77, %mul3A_78 : i32
      %dma_start3A = tpu.memref_slice %arg3[%mul3A_79] : memref<320000xi32, #tpu.memory_space<hbm>> -> memref<128xi32, #tpu.memory_space<hbm>>
      %dma_start3A_80 = tpu.memref_slice %arg3[%mul3A_79] : memref<320000xi32, #tpu.memory_space<hbm>> -> memref<128xi32, #tpu.memory_space<hbm>>
      tpu.enqueue_dma source(%dma_start3A_80 : memref<128xi32, #tpu.memory_space<hbm>>) target(%arg6 : memref<128xi32, #tpu.memory_space<vmem>>) target_semaphore(%arg10 : memref<!tpu.dma_semaphore, #tpu.memory_space<semaphore_mem>>)
      %dma_start3A_81 = arith.constant 0 : i32
      %dma_start3A_82 = tpu.memref_slice %arg2[%mul3A_79, %dma_start3A_81] : memref<320000x128xf32, #tpu.memory_space<hbm>> -> memref<128x128xf32, #tpu.memory_space<hbm>>
      %dma_start3A_83 = arith.constant 0 : i32
      %dma_start3A_84 = tpu.memref_slice %arg2[%mul3A_79, %dma_start3A_83] : memref<320000x128xf32, #tpu.memory_space<hbm>> -> memref<128x128xf32, #tpu.memory_space<hbm>>
      tpu.enqueue_dma source(%dma_start3A_84 : memref<128x128xf32, #tpu.memory_space<hbm>>) target(%arg7 : memref<128x128xf32, #tpu.memory_space<vmem>>) target_semaphore(%arg10 : memref<!tpu.dma_semaphore, #tpu.memory_space<semaphore_mem>>)
    } else {
    }
    %add3A_31 = arith.constant 1 : i32
    %add3A_32 = arith.addi %select_n3A, %add3A_31 : i32
    %jit3A_33 = arith.constant 2 : i32
    %div3A_34 = arith.divsi %add3A_32, %jit3A_33 : i32
    %sign3A_35 = arith.constant 0 : i32
    %sign3A_36 = arith.cmpi sgt, %add3A_32, %sign3A_35 : i32
    %sign3A_37 = arith.extui %sign3A_36 : i1 to i32
    %sign3A_38 = arith.constant 0 : i32
    %sign3A_39 = arith.cmpi slt, %add3A_32, %sign3A_38 : i32
    %sign3A_40 = arith.extui %sign3A_39 : i1 to i32
    %sign3A_41 = arith.subi %sign3A_37, %sign3A_40 : i32
    %sign3A_42 = arith.constant 0 : i32
    %sign3A_43 = arith.cmpi sgt, %jit3A_33, %sign3A_42 : i32
    %sign3A_44 = arith.extui %sign3A_43 : i1 to i32
    %sign3A_45 = arith.constant 0 : i32
    %sign3A_46 = arith.cmpi slt, %jit3A_33, %sign3A_45 : i32
    %sign3A_47 = arith.extui %sign3A_46 : i1 to i32
    %sign3A_48 = arith.subi %sign3A_44, %sign3A_47 : i32
    %ne3A_49 = arith.cmpi ne, %sign3A_41, %sign3A_48 : i32
    %rem3A_50 = arith.remsi %add3A_32, %jit3A_33 : i32
    %ne3A_51 = arith.constant 0 : i32
    %ne3A_52 = arith.cmpi ne, %rem3A_50, %ne3A_51 : i32
    %and3A_53 = arith.andi %ne3A_49, %ne3A_52 : i1
    %sub3A_54 = arith.constant 1 : i32
    %sub3A_55 = arith.subi %div3A_34, %sub3A_54 : i32
    %select_n3A_56 = arith.select %and3A_53, %sub3A_55, %div3A_34 : i32
    %while3A = arith.constant 0 : i32
    %while3A_57 = arith.constant 0 : i32
    %while3A_58 = arith.subi %select_n3A_56, %while3A_57 : i32
    %while3A_59 = arith.addi %while3A_57, %while3A_58 : i32
    %while3A_60 = arith.constant 1 : i32
    %while3A_61 = arith.divsi %while3A_58, %while3A_60 : i32
    %while3A_62 = arith.muli %while3A_61, %while3A_60 : i32
    %while3A_63 = arith.addi %while3A_57, %while3A_62 : i32
    %while3A_64 = arith.constant 1 : i32
    scf.for %while3A_76 = %while3A_57 to %while3A_63 step %while3A_64  : i32 {
      %mul3A_77 = arith.constant 2 : i32
      %mul3A_78 = arith.muli %mul3A_77, %while3A_76 : i32
      %add3A_79 = arith.constant 1 : i32
      %add3A_80 = arith.addi %mul3A_78, %add3A_79 : i32
      %lt3A = arith.cmpi slt, %add3A_80, %select_n3A : i32
      %convert_element_type3A_81 = arith.extui %lt3A : i1 to i32
      %cond3A_82 = arith.constant 0 : i32
      %cond3A_83 = arith.cmpi ne, %convert_element_type3A_81, %cond3A_82 : i32
      scf.if %cond3A_83 {
        %add3A_106 = arith.constant 1 : i32
        %add3A_107 = arith.addi %mul3A_78, %add3A_106 : i32
        %mul3A_108 = arith.constant 32 : i32
        %mul3A_109 = arith.muli %add3A_107, %mul3A_108 : i32
        %add3A_110 = arith.addi %add3A, %mul3A_109 : i32
        %mul3A_111 = arith.constant 128 : i32
        %mul3A_112 = arith.muli %add3A_110, %mul3A_111 : i32
        %dma_start3A = tpu.memref_slice %arg3[%mul3A_112] : memref<320000xi32, #tpu.memory_space<hbm>> -> memref<128xi32, #tpu.memory_space<hbm>>
        %dma_start3A_113 = tpu.memref_slice %arg3[%mul3A_112] : memref<320000xi32, #tpu.memory_space<hbm>> -> memref<128xi32, #tpu.memory_space<hbm>>
        tpu.enqueue_dma source(%dma_start3A_113 : memref<128xi32, #tpu.memory_space<hbm>>) target(%arg8 : memref<128xi32, #tpu.memory_space<vmem>>) target_semaphore(%arg11 : memref<!tpu.dma_semaphore, #tpu.memory_space<semaphore_mem>>)
        %dma_start3A_114 = arith.constant 0 : i32
        %dma_start3A_115 = tpu.memref_slice %arg2[%mul3A_112, %dma_start3A_114] : memref<320000x128xf32, #tpu.memory_space<hbm>> -> memref<128x128xf32, #tpu.memory_space<hbm>>
        %dma_start3A_116 = arith.constant 0 : i32
        %dma_start3A_117 = tpu.memref_slice %arg2[%mul3A_112, %dma_start3A_116] : memref<320000x128xf32, #tpu.memory_space<hbm>> -> memref<128x128xf32, #tpu.memory_space<hbm>>
        tpu.enqueue_dma source(%dma_start3A_117 : memref<128x128xf32, #tpu.memory_space<hbm>>) target(%arg9 : memref<128x128xf32, #tpu.memory_space<vmem>>) target_semaphore(%arg11 : memref<!tpu.dma_semaphore, #tpu.memory_space<semaphore_mem>>)
      } else {
      }
      %mul3A_84 = arith.constant 32 : i32
      %mul3A_85 = arith.muli %mul3A_78, %mul3A_84 : i32
      %add3A_86 = arith.addi %add3A, %mul3A_85 : i32
      %mul3A_87 = arith.constant 128 : i32
      %mul3A_88 = arith.muli %add3A_86, %mul3A_87 : i32
      %dma_wait3A = tpu.memref_slice %arg3[%mul3A_88] : memref<320000xi32, #tpu.memory_space<hbm>> -> memref<128xi32, #tpu.memory_space<hbm>>
      %dma_wait3A_89 = tpu.memref_slice %arg3[%mul3A_88] : memref<320000xi32, #tpu.memory_space<hbm>> -> memref<128xi32, #tpu.memory_space<hbm>>
      tpu.wait_dma2 semaphore(%arg10 : memref<!tpu.dma_semaphore, #tpu.memory_space<semaphore_mem>>) src(%dma_wait3A_89 : memref<128xi32, #tpu.memory_space<hbm>>) dst(%arg6 : memref<128xi32, #tpu.memory_space<vmem>>)
      %dma_wait3A_90 = arith.constant 0 : i32
      %dma_wait3A_91 = tpu.memref_slice %arg2[%mul3A_88, %dma_wait3A_90] : memref<320000x128xf32, #tpu.memory_space<hbm>> -> memref<128x128xf32, #tpu.memory_space<hbm>>
      %dma_wait3A_92 = arith.constant 0 : i32
      %dma_wait3A_93 = tpu.memref_slice %arg2[%mul3A_88, %dma_wait3A_92] : memref<320000x128xf32, #tpu.memory_space<hbm>> -> memref<128x128xf32, #tpu.memory_space<hbm>>
      tpu.wait_dma2 semaphore(%arg10 : memref<!tpu.dma_semaphore, #tpu.memory_space<semaphore_mem>>) src(%dma_wait3A_93 : memref<128x128xf32, #tpu.memory_space<hbm>>) dst(%arg7 : memref<128x128xf32, #tpu.memory_space<vmem>>)
      "tpu.region"() ({
        %run_scoped3A = tpu.sem_alloc : memref<!tpu.dma_semaphore, #tpu.memory_space<semaphore_mem>>
        %dma_start3A = arith.constant 0 : i32
        %dma_start3A_106 = arith.constant 0 : i32
        %dma_start3A_107 = tpu.memref_slice %arg12[%dma_start3A, %dma_start3A_106] : memref<10000x128xf32, #tpu.memory_space<vmem_shared>> -> memref<10000x128xf32, #tpu.memory_space<vmem_shared>>
        tpu.enqueue_indirect_dma source(%arg7 : memref<128x128xf32, #tpu.memory_space<vmem>>) target(%dma_start3A_107 : memref<10000x128xf32, #tpu.memory_space<vmem_shared>>) offsets(%arg6 : memref<128xi32, #tpu.memory_space<vmem>>) semaphore(%run_scoped3A : memref<!tpu.dma_semaphore, #tpu.memory_space<semaphore_mem>>) {add = true}
        %dma_wait3A_108 = arith.constant 0 : i32
        %dma_wait3A_109 = arith.constant 0 : i32
        %dma_wait3A_110 = tpu.memref_slice %arg12[%dma_wait3A_108, %dma_wait3A_109] : memref<10000x128xf32, #tpu.memory_space<vmem_shared>> -> memref<10000x128xf32, #tpu.memory_space<vmem_shared>>
        tpu.wait_indirect_dma semaphore(%run_scoped3A : memref<!tpu.dma_semaphore, #tpu.memory_space<semaphore_mem>>) src(%arg7 : memref<128x128xf32, #tpu.memory_space<vmem>>) dst(%dma_wait3A_110 : memref<10000x128xf32, #tpu.memory_space<vmem_shared>>)
        tpu.yield
      }) : () -> ()
      %add3A_94 = arith.constant 2 : i32
      %add3A_95 = arith.addi %mul3A_78, %add3A_94 : i32
      %lt3A_96 = arith.cmpi slt, %add3A_95, %select_n3A : i32
      %convert_element_type3A_97 = arith.extui %lt3A_96 : i1 to i32
      %cond3A_98 = arith.constant 0 : i32
      %cond3A_99 = arith.cmpi ne, %convert_element_type3A_97, %cond3A_98 : i32
      scf.if %cond3A_99 {
        %add3A_106 = arith.constant 2 : i32
        %add3A_107 = arith.addi %mul3A_78, %add3A_106 : i32
        %mul3A_108 = arith.constant 32 : i32
        %mul3A_109 = arith.muli %add3A_107, %mul3A_108 : i32
        %add3A_110 = arith.addi %add3A, %mul3A_109 : i32
        %mul3A_111 = arith.constant 128 : i32
        %mul3A_112 = arith.muli %add3A_110, %mul3A_111 : i32
        %dma_start3A = tpu.memref_slice %arg3[%mul3A_112] : memref<320000xi32, #tpu.memory_space<hbm>> -> memref<128xi32, #tpu.memory_space<hbm>>
        %dma_start3A_113 = tpu.memref_slice %arg3[%mul3A_112] : memref<320000xi32, #tpu.memory_space<hbm>> -> memref<128xi32, #tpu.memory_space<hbm>>
        tpu.enqueue_dma source(%dma_start3A_113 : memref<128xi32, #tpu.memory_space<hbm>>) target(%arg6 : memref<128xi32, #tpu.memory_space<vmem>>) target_semaphore(%arg10 : memref<!tpu.dma_semaphore, #tpu.memory_space<semaphore_mem>>)
        %dma_start3A_114 = arith.constant 0 : i32
        %dma_start3A_115 = tpu.memref_slice %arg2[%mul3A_112, %dma_start3A_114] : memref<320000x128xf32, #tpu.memory_space<hbm>> -> memref<128x128xf32, #tpu.memory_space<hbm>>
        %dma_start3A_116 = arith.constant 0 : i32
        %dma_start3A_117 = tpu.memref_slice %arg2[%mul3A_112, %dma_start3A_116] : memref<320000x128xf32, #tpu.memory_space<hbm>> -> memref<128x128xf32, #tpu.memory_space<hbm>>
        tpu.enqueue_dma source(%dma_start3A_117 : memref<128x128xf32, #tpu.memory_space<hbm>>) target(%arg7 : memref<128x128xf32, #tpu.memory_space<vmem>>) target_semaphore(%arg10 : memref<!tpu.dma_semaphore, #tpu.memory_space<semaphore_mem>>)
      } else {
      }
      %add3A_100 = arith.constant 1 : i32
      %add3A_101 = arith.addi %mul3A_78, %add3A_100 : i32
      %lt3A_102 = arith.cmpi slt, %add3A_101, %select_n3A : i32
      %convert_element_type3A_103 = arith.extui %lt3A_102 : i1 to i32
      %cond3A_104 = arith.constant 0 : i32
      %cond3A_105 = arith.cmpi ne, %convert_element_type3A_103, %cond3A_104 : i32
      scf.if %cond3A_105 {
        %add3A_106 = arith.constant 1 : i32
        %add3A_107 = arith.addi %mul3A_78, %add3A_106 : i32
        %mul3A_108 = arith.constant 32 : i32
        %mul3A_109 = arith.muli %add3A_107, %mul3A_108 : i32
        %add3A_110 = arith.addi %add3A, %mul3A_109 : i32
        %mul3A_111 = arith.constant 128 : i32
        %mul3A_112 = arith.muli %add3A_110, %mul3A_111 : i32
        %dma_wait3A_113 = tpu.memref_slice %arg3[%mul3A_112] : memref<320000xi32, #tpu.memory_space<hbm>> -> memref<128xi32, #tpu.memory_space<hbm>>
        %dma_wait3A_114 = tpu.memref_slice %arg3[%mul3A_112] : memref<320000xi32, #tpu.memory_space<hbm>> -> memref<128xi32, #tpu.memory_space<hbm>>
        tpu.wait_dma2 semaphore(%arg11 : memref<!tpu.dma_semaphore, #tpu.memory_space<semaphore_mem>>) src(%dma_wait3A_114 : memref<128xi32, #tpu.memory_space<hbm>>) dst(%arg8 : memref<128xi32, #tpu.memory_space<vmem>>)
        %dma_wait3A_115 = arith.constant 0 : i32
        %dma_wait3A_116 = tpu.memref_slice %arg2[%mul3A_112, %dma_wait3A_115] : memref<320000x128xf32, #tpu.memory_space<hbm>> -> memref<128x128xf32, #tpu.memory_space<hbm>>
        %dma_wait3A_117 = arith.constant 0 : i32
        %dma_wait3A_118 = tpu.memref_slice %arg2[%mul3A_112, %dma_wait3A_117] : memref<320000x128xf32, #tpu.memory_space<hbm>> -> memref<128x128xf32, #tpu.memory_space<hbm>>
        tpu.wait_dma2 semaphore(%arg11 : memref<!tpu.dma_semaphore, #tpu.memory_space<semaphore_mem>>) src(%dma_wait3A_118 : memref<128x128xf32, #tpu.memory_space<hbm>>) dst(%arg9 : memref<128x128xf32, #tpu.memory_space<vmem>>)
        "tpu.region"() ({
          %run_scoped3A = tpu.sem_alloc : memref<!tpu.dma_semaphore, #tpu.memory_space<semaphore_mem>>
          %dma_start3A = arith.constant 0 : i32
          %dma_start3A_119 = arith.constant 0 : i32
          %dma_start3A_120 = tpu.memref_slice %arg12[%dma_start3A, %dma_start3A_119] : memref<10000x128xf32, #tpu.memory_space<vmem_shared>> -> memref<10000x128xf32, #tpu.memory_space<vmem_shared>>
          tpu.enqueue_indirect_dma source(%arg9 : memref<128x128xf32, #tpu.memory_space<vmem>>) target(%dma_start3A_120 : memref<10000x128xf32, #tpu.memory_space<vmem_shared>>) offsets(%arg8 : memref<128xi32, #tpu.memory_space<vmem>>) semaphore(%run_scoped3A : memref<!tpu.dma_semaphore, #tpu.memory_space<semaphore_mem>>) {add = true}
          %dma_wait3A_121 = arith.constant 0 : i32
          %dma_wait3A_122 = arith.constant 0 : i32
          %dma_wait3A_123 = tpu.memref_slice %arg12[%dma_wait3A_121, %dma_wait3A_122] : memref<10000x128xf32, #tpu.memory_space<vmem_shared>> -> memref<10000x128xf32, #tpu.memory_space<vmem_shared>>
          tpu.wait_indirect_dma semaphore(%run_scoped3A : memref<!tpu.dma_semaphore, #tpu.memory_space<semaphore_mem>>) src(%arg9 : memref<128x128xf32, #tpu.memory_space<vmem>>) dst(%dma_wait3A_123 : memref<10000x128xf32, #tpu.memory_space<vmem_shared>>)
          tpu.yield
        }) : () -> ()
      } else {
      }
    }
    %while3A_65 = arith.constant 1 : i32
    scf.for %while3A_76 = %while3A_63 to %while3A_59 step %while3A_65  : i32 {
      %mul3A_77 = arith.constant 2 : i32
      %mul3A_78 = arith.muli %mul3A_77, %while3A_76 : i32
      %add3A_79 = arith.constant 1 : i32
      %add3A_80 = arith.addi %mul3A_78, %add3A_79 : i32
      %lt3A = arith.cmpi slt, %add3A_80, %select_n3A : i32
      %convert_element_type3A_81 = arith.extui %lt3A : i1 to i32
      %cond3A_82 = arith.constant 0 : i32
      %cond3A_83 = arith.cmpi ne, %convert_element_type3A_81, %cond3A_82 : i32
      scf.if %cond3A_83 {
        %add3A_106 = arith.constant 1 : i32
        %add3A_107 = arith.addi %mul3A_78, %add3A_106 : i32
        %mul3A_108 = arith.constant 32 : i32
        %mul3A_109 = arith.muli %add3A_107, %mul3A_108 : i32
        %add3A_110 = arith.addi %add3A, %mul3A_109 : i32
        %mul3A_111 = arith.constant 128 : i32
        %mul3A_112 = arith.muli %add3A_110, %mul3A_111 : i32
        %dma_start3A = tpu.memref_slice %arg3[%mul3A_112] : memref<320000xi32, #tpu.memory_space<hbm>> -> memref<128xi32, #tpu.memory_space<hbm>>
        %dma_start3A_113 = tpu.memref_slice %arg3[%mul3A_112] : memref<320000xi32, #tpu.memory_space<hbm>> -> memref<128xi32, #tpu.memory_space<hbm>>
        tpu.enqueue_dma source(%dma_start3A_113 : memref<128xi32, #tpu.memory_space<hbm>>) target(%arg8 : memref<128xi32, #tpu.memory_space<vmem>>) target_semaphore(%arg11 : memref<!tpu.dma_semaphore, #tpu.memory_space<semaphore_mem>>)
        %dma_start3A_114 = arith.constant 0 : i32
        %dma_start3A_115 = tpu.memref_slice %arg2[%mul3A_112, %dma_start3A_114] : memref<320000x128xf32, #tpu.memory_space<hbm>> -> memref<128x128xf32, #tpu.memory_space<hbm>>
        %dma_start3A_116 = arith.constant 0 : i32
        %dma_start3A_117 = tpu.memref_slice %arg2[%mul3A_112, %dma_start3A_116] : memref<320000x128xf32, #tpu.memory_space<hbm>> -> memref<128x128xf32, #tpu.memory_space<hbm>>
        tpu.enqueue_dma source(%dma_start3A_117 : memref<128x128xf32, #tpu.memory_space<hbm>>) target(%arg9 : memref<128x128xf32, #tpu.memory_space<vmem>>) target_semaphore(%arg11 : memref<!tpu.dma_semaphore, #tpu.memory_space<semaphore_mem>>)
      } else {
      }
      %mul3A_84 = arith.constant 32 : i32
      %mul3A_85 = arith.muli %mul3A_78, %mul3A_84 : i32
      %add3A_86 = arith.addi %add3A, %mul3A_85 : i32
      %mul3A_87 = arith.constant 128 : i32
      %mul3A_88 = arith.muli %add3A_86, %mul3A_87 : i32
      %dma_wait3A = tpu.memref_slice %arg3[%mul3A_88] : memref<320000xi32, #tpu.memory_space<hbm>> -> memref<128xi32, #tpu.memory_space<hbm>>
      %dma_wait3A_89 = tpu.memref_slice %arg3[%mul3A_88] : memref<320000xi32, #tpu.memory_space<hbm>> -> memref<128xi32, #tpu.memory_space<hbm>>
      tpu.wait_dma2 semaphore(%arg10 : memref<!tpu.dma_semaphore, #tpu.memory_space<semaphore_mem>>) src(%dma_wait3A_89 : memref<128xi32, #tpu.memory_space<hbm>>) dst(%arg6 : memref<128xi32, #tpu.memory_space<vmem>>)
      %dma_wait3A_90 = arith.constant 0 : i32
      %dma_wait3A_91 = tpu.memref_slice %arg2[%mul3A_88, %dma_wait3A_90] : memref<320000x128xf32, #tpu.memory_space<hbm>> -> memref<128x128xf32, #tpu.memory_space<hbm>>
      %dma_wait3A_92 = arith.constant 0 : i32
      %dma_wait3A_93 = tpu.memref_slice %arg2[%mul3A_88, %dma_wait3A_92] : memref<320000x128xf32, #tpu.memory_space<hbm>> -> memref<128x128xf32, #tpu.memory_space<hbm>>
      tpu.wait_dma2 semaphore(%arg10 : memref<!tpu.dma_semaphore, #tpu.memory_space<semaphore_mem>>) src(%dma_wait3A_93 : memref<128x128xf32, #tpu.memory_space<hbm>>) dst(%arg7 : memref<128x128xf32, #tpu.memory_space<vmem>>)
      "tpu.region"() ({
        %run_scoped3A = tpu.sem_alloc : memref<!tpu.dma_semaphore, #tpu.memory_space<semaphore_mem>>
        %dma_start3A = arith.constant 0 : i32
        %dma_start3A_106 = arith.constant 0 : i32
        %dma_start3A_107 = tpu.memref_slice %arg12[%dma_start3A, %dma_start3A_106] : memref<10000x128xf32, #tpu.memory_space<vmem_shared>> -> memref<10000x128xf32, #tpu.memory_space<vmem_shared>>
        tpu.enqueue_indirect_dma source(%arg7 : memref<128x128xf32, #tpu.memory_space<vmem>>) target(%dma_start3A_107 : memref<10000x128xf32, #tpu.memory_space<vmem_shared>>) offsets(%arg6 : memref<128xi32, #tpu.memory_space<vmem>>) semaphore(%run_scoped3A : memref<!tpu.dma_semaphore, #tpu.memory_space<semaphore_mem>>) {add = true}
        %dma_wait3A_108 = arith.constant 0 : i32
        %dma_wait3A_109 = arith.constant 0 : i32
        %dma_wait3A_110 = tpu.memref_slice %arg12[%dma_wait3A_108, %dma_wait3A_109] : memref<10000x128xf32, #tpu.memory_space<vmem_shared>> -> memref<10000x128xf32, #tpu.memory_space<vmem_shared>>
        tpu.wait_indirect_dma semaphore(%run_scoped3A : memref<!tpu.dma_semaphore, #tpu.memory_space<semaphore_mem>>) src(%arg7 : memref<128x128xf32, #tpu.memory_space<vmem>>) dst(%dma_wait3A_110 : memref<10000x128xf32, #tpu.memory_space<vmem_shared>>)
        tpu.yield
      }) : () -> ()
      %add3A_94 = arith.constant 2 : i32
      %add3A_95 = arith.addi %mul3A_78, %add3A_94 : i32
      %lt3A_96 = arith.cmpi slt, %add3A_95, %select_n3A : i32
      %convert_element_type3A_97 = arith.extui %lt3A_96 : i1 to i32
      %cond3A_98 = arith.constant 0 : i32
      %cond3A_99 = arith.cmpi ne, %convert_element_type3A_97, %cond3A_98 : i32
      scf.if %cond3A_99 {
        %add3A_106 = arith.constant 2 : i32
        %add3A_107 = arith.addi %mul3A_78, %add3A_106 : i32
        %mul3A_108 = arith.constant 32 : i32
        %mul3A_109 = arith.muli %add3A_107, %mul3A_108 : i32
        %add3A_110 = arith.addi %add3A, %mul3A_109 : i32
        %mul3A_111 = arith.constant 128 : i32
        %mul3A_112 = arith.muli %add3A_110, %mul3A_111 : i32
        %dma_start3A = tpu.memref_slice %arg3[%mul3A_112] : memref<320000xi32, #tpu.memory_space<hbm>> -> memref<128xi32, #tpu.memory_space<hbm>>
        %dma_start3A_113 = tpu.memref_slice %arg3[%mul3A_112] : memref<320000xi32, #tpu.memory_space<hbm>> -> memref<128xi32, #tpu.memory_space<hbm>>
        tpu.enqueue_dma source(%dma_start3A_113 : memref<128xi32, #tpu.memory_space<hbm>>) target(%arg6 : memref<128xi32, #tpu.memory_space<vmem>>) target_semaphore(%arg10 : memref<!tpu.dma_semaphore, #tpu.memory_space<semaphore_mem>>)
        %dma_start3A_114 = arith.constant 0 : i32
        %dma_start3A_115 = tpu.memref_slice %arg2[%mul3A_112, %dma_start3A_114] : memref<320000x128xf32, #tpu.memory_space<hbm>> -> memref<128x128xf32, #tpu.memory_space<hbm>>
        %dma_start3A_116 = arith.constant 0 : i32
        %dma_start3A_117 = tpu.memref_slice %arg2[%mul3A_112, %dma_start3A_116] : memref<320000x128xf32, #tpu.memory_space<hbm>> -> memref<128x128xf32, #tpu.memory_space<hbm>>
        tpu.enqueue_dma source(%dma_start3A_117 : memref<128x128xf32, #tpu.memory_space<hbm>>) target(%arg7 : memref<128x128xf32, #tpu.memory_space<vmem>>) target_semaphore(%arg10 : memref<!tpu.dma_semaphore, #tpu.memory_space<semaphore_mem>>)
      } else {
      }
      %add3A_100 = arith.constant 1 : i32
      %add3A_101 = arith.addi %mul3A_78, %add3A_100 : i32
      %lt3A_102 = arith.cmpi slt, %add3A_101, %select_n3A : i32
      %convert_element_type3A_103 = arith.extui %lt3A_102 : i1 to i32
      %cond3A_104 = arith.constant 0 : i32
      %cond3A_105 = arith.cmpi ne, %convert_element_type3A_103, %cond3A_104 : i32
      scf.if %cond3A_105 {
        %add3A_106 = arith.constant 1 : i32
        %add3A_107 = arith.addi %mul3A_78, %add3A_106 : i32
        %mul3A_108 = arith.constant 32 : i32
        %mul3A_109 = arith.muli %add3A_107, %mul3A_108 : i32
        %add3A_110 = arith.addi %add3A, %mul3A_109 : i32
        %mul3A_111 = arith.constant 128 : i32
        %mul3A_112 = arith.muli %add3A_110, %mul3A_111 : i32
        %dma_wait3A_113 = tpu.memref_slice %arg3[%mul3A_112] : memref<320000xi32, #tpu.memory_space<hbm>> -> memref<128xi32, #tpu.memory_space<hbm>>
        %dma_wait3A_114 = tpu.memref_slice %arg3[%mul3A_112] : memref<320000xi32, #tpu.memory_space<hbm>> -> memref<128xi32, #tpu.memory_space<hbm>>
        tpu.wait_dma2 semaphore(%arg11 : memref<!tpu.dma_semaphore, #tpu.memory_space<semaphore_mem>>) src(%dma_wait3A_114 : memref<128xi32, #tpu.memory_space<hbm>>) dst(%arg8 : memref<128xi32, #tpu.memory_space<vmem>>)
        %dma_wait3A_115 = arith.constant 0 : i32
        %dma_wait3A_116 = tpu.memref_slice %arg2[%mul3A_112, %dma_wait3A_115] : memref<320000x128xf32, #tpu.memory_space<hbm>> -> memref<128x128xf32, #tpu.memory_space<hbm>>
        %dma_wait3A_117 = arith.constant 0 : i32
        %dma_wait3A_118 = tpu.memref_slice %arg2[%mul3A_112, %dma_wait3A_117] : memref<320000x128xf32, #tpu.memory_space<hbm>> -> memref<128x128xf32, #tpu.memory_space<hbm>>
        tpu.wait_dma2 semaphore(%arg11 : memref<!tpu.dma_semaphore, #tpu.memory_space<semaphore_mem>>) src(%dma_wait3A_118 : memref<128x128xf32, #tpu.memory_space<hbm>>) dst(%arg9 : memref<128x128xf32, #tpu.memory_space<vmem>>)
        "tpu.region"() ({
          %run_scoped3A = tpu.sem_alloc : memref<!tpu.dma_semaphore, #tpu.memory_space<semaphore_mem>>
          %dma_start3A = arith.constant 0 : i32
          %dma_start3A_119 = arith.constant 0 : i32
          %dma_start3A_120 = tpu.memref_slice %arg12[%dma_start3A, %dma_start3A_119] : memref<10000x128xf32, #tpu.memory_space<vmem_shared>> -> memref<10000x128xf32, #tpu.memory_space<vmem_shared>>
          tpu.enqueue_indirect_dma source(%arg9 : memref<128x128xf32, #tpu.memory_space<vmem>>) target(%dma_start3A_120 : memref<10000x128xf32, #tpu.memory_space<vmem_shared>>) offsets(%arg8 : memref<128xi32, #tpu.memory_space<vmem>>) semaphore(%run_scoped3A : memref<!tpu.dma_semaphore, #tpu.memory_space<semaphore_mem>>) {add = true}
          %dma_wait3A_121 = arith.constant 0 : i32
          %dma_wait3A_122 = arith.constant 0 : i32
          %dma_wait3A_123 = tpu.memref_slice %arg12[%dma_wait3A_121, %dma_wait3A_122] : memref<10000x128xf32, #tpu.memory_space<vmem_shared>> -> memref<10000x128xf32, #tpu.memory_space<vmem_shared>>
          tpu.wait_indirect_dma semaphore(%run_scoped3A : memref<!tpu.dma_semaphore, #tpu.memory_space<semaphore_mem>>) src(%arg9 : memref<128x128xf32, #tpu.memory_space<vmem>>) dst(%dma_wait3A_123 : memref<10000x128xf32, #tpu.memory_space<vmem_shared>>)
          tpu.yield
        }) : () -> ()
      } else {
      }
    }
    %barrier3A_66 = arith.constant 0 : index
    tpu.barrier barrier_id(%barrier3A_66)
    %mul3A_67 = arith.constant 624 : i32
    %mul3A_68 = arith.muli %arg1, %mul3A_67 : i32
    %mul3A_69 = arith.constant 624 : i32
    %mul3A_70 = arith.muli %arg1, %mul3A_69 : i32
    "tpu.region"() ({
      %run_scoped3A = tpu.sem_alloc : memref<!tpu.dma_semaphore, #tpu.memory_space<semaphore_mem>>
      %dma_start3A = arith.constant 0 : i32
      %dma_start3A_76 = arith.constant 0 : i32
      %dma_start3A_77 = tpu.memref_slice %arg5[%arg0, %dma_start3A, %dma_start3A_76] : memref<2x10000x128xf32, #tpu.memory_space<hbm>> -> memref<1x10000x128xf32, #tpu.memory_space<hbm>>
      %dma_start3A_78 = tpu.memref_squeeze %dma_start3A_77 : memref<1x10000x128xf32, #tpu.memory_space<hbm>> -> memref<10000x128xf32, #tpu.memory_space<hbm>>
      %dma_start3A_79 = arith.constant 0 : i32
      %dma_start3A_80 = tpu.memref_slice %dma_start3A_78[%mul3A_70, %dma_start3A_79] : memref<10000x128xf32, #tpu.memory_space<hbm>> -> memref<624x128xf32, #tpu.memory_space<hbm>>
      %dma_start3A_81 = arith.constant 0 : i32
      %dma_start3A_82 = tpu.memref_slice %arg12[%mul3A_68, %dma_start3A_81] : memref<10000x128xf32, #tpu.memory_space<vmem_shared>> -> memref<624x128xf32, #tpu.memory_space<vmem_shared>>
      tpu.enqueue_dma source(%dma_start3A_82 : memref<624x128xf32, #tpu.memory_space<vmem_shared>>) target(%dma_start3A_80 : memref<624x128xf32, #tpu.memory_space<hbm>>) target_semaphore(%run_scoped3A : memref<!tpu.dma_semaphore, #tpu.memory_space<semaphore_mem>>)
      %dma_wait3A = arith.constant 0 : i32
      %dma_wait3A_83 = arith.constant 0 : i32
      %dma_wait3A_84 = tpu.memref_slice %arg5[%arg0, %dma_wait3A, %dma_wait3A_83] : memref<2x10000x128xf32, #tpu.memory_space<hbm>> -> memref<1x10000x128xf32, #tpu.memory_space<hbm>>
      %dma_wait3A_85 = tpu.memref_squeeze %dma_wait3A_84 : memref<1x10000x128xf32, #tpu.memory_space<hbm>> -> memref<10000x128xf32, #tpu.memory_space<hbm>>
      %dma_wait3A_86 = arith.constant 0 : i32
      %dma_wait3A_87 = tpu.memref_slice %dma_wait3A_85[%mul3A_70, %dma_wait3A_86] : memref<10000x128xf32, #tpu.memory_space<hbm>> -> memref<624x128xf32, #tpu.memory_space<hbm>>
      %dma_wait3A_88 = arith.constant 0 : i32
      %dma_wait3A_89 = tpu.memref_slice %arg12[%mul3A_68, %dma_wait3A_88] : memref<10000x128xf32, #tpu.memory_space<vmem_shared>> -> memref<624x128xf32, #tpu.memory_space<vmem_shared>>
      tpu.wait_dma2 semaphore(%run_scoped3A : memref<!tpu.dma_semaphore, #tpu.memory_space<semaphore_mem>>) src(%dma_wait3A_89 : memref<624x128xf32, #tpu.memory_space<vmem_shared>>) dst(%dma_wait3A_87 : memref<624x128xf32, #tpu.memory_space<hbm>>)
      tpu.yield
    }) : () -> ()
    %eq3A_71 = arith.constant 0 : i32
    %eq3A_72 = arith.cmpi eq, %arg1, %eq3A_71 : i32
    %convert_element_type3A_73 = arith.extui %eq3A_72 : i1 to i32
    %cond3A_74 = arith.constant 0 : i32
    %cond3A_75 = arith.cmpi ne, %convert_element_type3A_73, %cond3A_74 : i32
    scf.if %cond3A_75 {
      "tpu.region"() ({
        %run_scoped3A = tpu.sem_alloc : memref<!tpu.dma_semaphore, #tpu.memory_space<semaphore_mem>>
        %dma_start3A = arith.constant 0 : i32
        %dma_start3A_76 = arith.constant 0 : i32
        %dma_start3A_77 = tpu.memref_slice %arg5[%arg0, %dma_start3A, %dma_start3A_76] : memref<2x10000x128xf32, #tpu.memory_space<hbm>> -> memref<1x10000x128xf32, #tpu.memory_space<hbm>>
        %dma_start3A_78 = tpu.memref_squeeze %dma_start3A_77 : memref<1x10000x128xf32, #tpu.memory_space<hbm>> -> memref<10000x128xf32, #tpu.memory_space<hbm>>
        %dma_start3A_79 = arith.constant 9984 : i32
        %dma_start3A_80 = arith.constant 0 : i32
        %dma_start3A_81 = tpu.memref_slice %dma_start3A_78[%dma_start3A_79, %dma_start3A_80] : memref<10000x128xf32, #tpu.memory_space<hbm>> -> memref<16x128xf32, #tpu.memory_space<hbm>>
        %dma_start3A_82 = arith.constant 9984 : i32
        %dma_start3A_83 = arith.constant 0 : i32
        %dma_start3A_84 = tpu.memref_slice %arg12[%dma_start3A_82, %dma_start3A_83] : memref<10000x128xf32, #tpu.memory_space<vmem_shared>> -> memref<16x128xf32, #tpu.memory_space<vmem_shared>>
        tpu.enqueue_dma source(%dma_start3A_84 : memref<16x128xf32, #tpu.memory_space<vmem_shared>>) target(%dma_start3A_81 : memref<16x128xf32, #tpu.memory_space<hbm>>) target_semaphore(%run_scoped3A : memref<!tpu.dma_semaphore, #tpu.memory_space<semaphore_mem>>)
        %dma_wait3A = arith.constant 0 : i32
        %dma_wait3A_85 = arith.constant 0 : i32
        %dma_wait3A_86 = tpu.memref_slice %arg5[%arg0, %dma_wait3A, %dma_wait3A_85] : memref<2x10000x128xf32, #tpu.memory_space<hbm>> -> memref<1x10000x128xf32, #tpu.memory_space<hbm>>
        %dma_wait3A_87 = tpu.memref_squeeze %dma_wait3A_86 : memref<1x10000x128xf32, #tpu.memory_space<hbm>> -> memref<10000x128xf32, #tpu.memory_space<hbm>>
        %dma_wait3A_88 = arith.constant 9984 : i32
        %dma_wait3A_89 = arith.constant 0 : i32
        %dma_wait3A_90 = tpu.memref_slice %dma_wait3A_87[%dma_wait3A_88, %dma_wait3A_89] : memref<10000x128xf32, #tpu.memory_space<hbm>> -> memref<16x128xf32, #tpu.memory_space<hbm>>
        %dma_wait3A_91 = arith.constant 9984 : i32
        %dma_wait3A_92 = arith.constant 0 : i32
        %dma_wait3A_93 = tpu.memref_slice %arg12[%dma_wait3A_91, %dma_wait3A_92] : memref<10000x128xf32, #tpu.memory_space<vmem_shared>> -> memref<16x128xf32, #tpu.memory_space<vmem_shared>>
        tpu.wait_dma2 semaphore(%run_scoped3A : memref<!tpu.dma_semaphore, #tpu.memory_space<semaphore_mem>>) src(%dma_wait3A_93 : memref<16x128xf32, #tpu.memory_space<vmem_shared>>) dst(%dma_wait3A_90 : memref<16x128xf32, #tpu.memory_space<hbm>>)
        tpu.yield
      }) : () -> ()
    } else {
    }
    return
  }
}

#map = affine_map<(d0, d1) -> (0, 0)>
#map1 = affine_map<(d0, d1) -> (0)>
#map2 = affine_map<(d0, d1) -> (0, 0, 0)>
module attributes {stable_mosaic.version = 14 : i64} {
  func.func @body(%arg0: i32, %arg1: i32, %arg2: memref<10000x128xf32, #tpu.memory_space<hbm>>, %arg3: memref<10000xi32, #tpu.memory_space<hbm>>, %arg4: memref<2500x128xf32, #tpu.memory_space<hbm>>, %arg5: memref<2x2500x128xf32, #tpu.memory_space<hbm>>, %arg6: memref<80xi32, #tpu.memory_space<vmem>>, %arg7: memref<80x128xf32, #tpu.memory_space<vmem>>, %arg8: memref<2500x128xf32, #tpu.memory_space<vmem_shared>>) attributes {dimension_semantics = [#tpu.dimension_semantics<core_parallel>, #tpu.dimension_semantics<subcore_parallel>], iteration_bounds = array<i64: 2, 16>, scalar_prefetch = 0 : i64, scratch_operands = 3 : i64, tpu.core_type = #tpu.core_type<sc_vector_subcore>, window_params = [{transform_indices = #map}, {transform_indices = #map1}, {transform_indices = #map}, {transform_indices = #map2}]} {
    %mul3A = arith.constant 2 : i32
    %mul3A_0 = arith.muli %arg1, %mul3A : i32
    %add3A = arith.addi %mul3A_0, %arg0 : i32
    %eq3A = arith.constant 0 : i32
    %eq3A_1 = arith.cmpi eq, %arg1, %eq3A : i32
    %convert_element_type3A = arith.extui %eq3A_1 : i1 to i32
    %cond3A = arith.constant 0 : i32
    %cond3A_2 = arith.cmpi ne, %convert_element_type3A, %cond3A : i32
    scf.if %cond3A_2 {
      "tpu.region"() ({
        %run_scoped3A = tpu.sem_alloc : memref<!tpu.dma_semaphore, #tpu.memory_space<semaphore_mem>>
        tpu.enqueue_dma source(%arg4 : memref<2500x128xf32, #tpu.memory_space<hbm>>) target(%arg8 : memref<2500x128xf32, #tpu.memory_space<vmem_shared>>) target_semaphore(%run_scoped3A : memref<!tpu.dma_semaphore, #tpu.memory_space<semaphore_mem>>)
        tpu.wait_dma2 semaphore(%run_scoped3A : memref<!tpu.dma_semaphore, #tpu.memory_space<semaphore_mem>>) src(%arg4 : memref<2500x128xf32, #tpu.memory_space<hbm>>) dst(%arg8 : memref<2500x128xf32, #tpu.memory_space<vmem_shared>>)
        tpu.yield
      }) : () -> ()
    } else {
    }
    %barrier3A = arith.constant 0 : index
    tpu.barrier barrier_id(%barrier3A)
    %sub3A = arith.constant 125 : i32
    %sub3A_3 = arith.subi %sub3A, %add3A : i32
    %add3A_4 = arith.constant 31 : i32
    %add3A_5 = arith.addi %sub3A_3, %add3A_4 : i32
    %jit3A = arith.constant 32 : i32
    %div3A = arith.divsi %add3A_5, %jit3A : i32
    %sign3A = arith.constant 0 : i32
    %sign3A_6 = arith.cmpi sgt, %add3A_5, %sign3A : i32
    %sign3A_7 = arith.extui %sign3A_6 : i1 to i32
    %sign3A_8 = arith.constant 0 : i32
    %sign3A_9 = arith.cmpi slt, %add3A_5, %sign3A_8 : i32
    %sign3A_10 = arith.extui %sign3A_9 : i1 to i32
    %sign3A_11 = arith.subi %sign3A_7, %sign3A_10 : i32
    %sign3A_12 = arith.constant 0 : i32
    %sign3A_13 = arith.cmpi sgt, %jit3A, %sign3A_12 : i32
    %sign3A_14 = arith.extui %sign3A_13 : i1 to i32
    %sign3A_15 = arith.constant 0 : i32
    %sign3A_16 = arith.cmpi slt, %jit3A, %sign3A_15 : i32
    %sign3A_17 = arith.extui %sign3A_16 : i1 to i32
    %sign3A_18 = arith.subi %sign3A_14, %sign3A_17 : i32
    %ne3A = arith.cmpi ne, %sign3A_11, %sign3A_18 : i32
    %rem3A = arith.remsi %add3A_5, %jit3A : i32
    %ne3A_19 = arith.constant 0 : i32
    %ne3A_20 = arith.cmpi ne, %rem3A, %ne3A_19 : i32
    %and3A = arith.andi %ne3A, %ne3A_20 : i1
    %sub3A_21 = arith.constant 1 : i32
    %sub3A_22 = arith.subi %div3A, %sub3A_21 : i32
    %select_n3A = arith.select %and3A, %sub3A_22, %div3A : i32
    %while3A = arith.constant 0 : i32
    %while3A_23 = arith.constant 0 : i32
    %while3A_24 = arith.subi %select_n3A, %while3A_23 : i32
    %while3A_25 = arith.addi %while3A_23, %while3A_24 : i32
    %while3A_26 = arith.constant 1 : i32
    %while3A_27 = arith.divsi %while3A_24, %while3A_26 : i32
    %while3A_28 = arith.muli %while3A_27, %while3A_26 : i32
    %while3A_29 = arith.addi %while3A_23, %while3A_28 : i32
    %while3A_30 = arith.constant 1 : i32
    scf.for %while3A_38 = %while3A_23 to %while3A_29 step %while3A_30  : i32 {
      %mul3A_39 = arith.constant 32 : i32
      %mul3A_40 = arith.muli %while3A_38, %mul3A_39 : i32
      %add3A_41 = arith.addi %add3A, %mul3A_40 : i32
      %mul3A_42 = arith.constant 80 : i32
      %mul3A_43 = arith.muli %add3A_41, %mul3A_42 : i32
      "tpu.region"() ({
        %run_scoped3A = tpu.sem_alloc : memref<!tpu.dma_semaphore, #tpu.memory_space<semaphore_mem>>
        %dma_start3A = tpu.memref_slice %arg3[%mul3A_43] : memref<10000xi32, #tpu.memory_space<hbm>> -> memref<80xi32, #tpu.memory_space<hbm>>
        %dma_start3A_44 = tpu.memref_slice %arg3[%mul3A_43] : memref<10000xi32, #tpu.memory_space<hbm>> -> memref<80xi32, #tpu.memory_space<hbm>>
        tpu.enqueue_dma source(%dma_start3A_44 : memref<80xi32, #tpu.memory_space<hbm>>) target(%arg6 : memref<80xi32, #tpu.memory_space<vmem>>) target_semaphore(%run_scoped3A : memref<!tpu.dma_semaphore, #tpu.memory_space<semaphore_mem>>)
        %dma_wait3A = tpu.memref_slice %arg3[%mul3A_43] : memref<10000xi32, #tpu.memory_space<hbm>> -> memref<80xi32, #tpu.memory_space<hbm>>
        %dma_wait3A_45 = tpu.memref_slice %arg3[%mul3A_43] : memref<10000xi32, #tpu.memory_space<hbm>> -> memref<80xi32, #tpu.memory_space<hbm>>
        tpu.wait_dma2 semaphore(%run_scoped3A : memref<!tpu.dma_semaphore, #tpu.memory_space<semaphore_mem>>) src(%dma_wait3A_45 : memref<80xi32, #tpu.memory_space<hbm>>) dst(%arg6 : memref<80xi32, #tpu.memory_space<vmem>>)
        tpu.yield
      }) : () -> ()
      "tpu.region"() ({
        %run_scoped3A = tpu.sem_alloc : memref<!tpu.dma_semaphore, #tpu.memory_space<semaphore_mem>>
        %dma_start3A = arith.constant 0 : i32
        %dma_start3A_44 = tpu.memref_slice %arg2[%mul3A_43, %dma_start3A] : memref<10000x128xf32, #tpu.memory_space<hbm>> -> memref<80x128xf32, #tpu.memory_space<hbm>>
        %dma_start3A_45 = arith.constant 0 : i32
        %dma_start3A_46 = tpu.memref_slice %arg2[%mul3A_43, %dma_start3A_45] : memref<10000x128xf32, #tpu.memory_space<hbm>> -> memref<80x128xf32, #tpu.memory_space<hbm>>
        tpu.enqueue_dma source(%dma_start3A_46 : memref<80x128xf32, #tpu.memory_space<hbm>>) target(%arg7 : memref<80x128xf32, #tpu.memory_space<vmem>>) target_semaphore(%run_scoped3A : memref<!tpu.dma_semaphore, #tpu.memory_space<semaphore_mem>>)
        %dma_wait3A = arith.constant 0 : i32
        %dma_wait3A_47 = tpu.memref_slice %arg2[%mul3A_43, %dma_wait3A] : memref<10000x128xf32, #tpu.memory_space<hbm>> -> memref<80x128xf32, #tpu.memory_space<hbm>>
        %dma_wait3A_48 = arith.constant 0 : i32
        %dma_wait3A_49 = tpu.memref_slice %arg2[%mul3A_43, %dma_wait3A_48] : memref<10000x128xf32, #tpu.memory_space<hbm>> -> memref<80x128xf32, #tpu.memory_space<hbm>>
        tpu.wait_dma2 semaphore(%run_scoped3A : memref<!tpu.dma_semaphore, #tpu.memory_space<semaphore_mem>>) src(%dma_wait3A_49 : memref<80x128xf32, #tpu.memory_space<hbm>>) dst(%arg7 : memref<80x128xf32, #tpu.memory_space<vmem>>)
        tpu.yield
      }) : () -> ()
      "tpu.region"() ({
        %run_scoped3A = tpu.sem_alloc : memref<!tpu.dma_semaphore, #tpu.memory_space<semaphore_mem>>
        %dma_start3A = arith.constant 0 : i32
        %dma_start3A_44 = arith.constant 0 : i32
        %dma_start3A_45 = tpu.memref_slice %arg8[%dma_start3A, %dma_start3A_44] : memref<2500x128xf32, #tpu.memory_space<vmem_shared>> -> memref<2500x128xf32, #tpu.memory_space<vmem_shared>>
        tpu.enqueue_indirect_dma source(%arg7 : memref<80x128xf32, #tpu.memory_space<vmem>>) target(%dma_start3A_45 : memref<2500x128xf32, #tpu.memory_space<vmem_shared>>) offsets(%arg6 : memref<80xi32, #tpu.memory_space<vmem>>) semaphore(%run_scoped3A : memref<!tpu.dma_semaphore, #tpu.memory_space<semaphore_mem>>) {add = true}
        %dma_wait3A = arith.constant 0 : i32
        %dma_wait3A_46 = arith.constant 0 : i32
        %dma_wait3A_47 = tpu.memref_slice %arg8[%dma_wait3A, %dma_wait3A_46] : memref<2500x128xf32, #tpu.memory_space<vmem_shared>> -> memref<2500x128xf32, #tpu.memory_space<vmem_shared>>
        tpu.wait_indirect_dma semaphore(%run_scoped3A : memref<!tpu.dma_semaphore, #tpu.memory_space<semaphore_mem>>) src(%arg7 : memref<80x128xf32, #tpu.memory_space<vmem>>) dst(%dma_wait3A_47 : memref<2500x128xf32, #tpu.memory_space<vmem_shared>>)
        tpu.yield
      }) : () -> ()
    }
    %while3A_31 = arith.constant 1 : i32
    scf.for %while3A_38 = %while3A_29 to %while3A_25 step %while3A_31  : i32 {
      %mul3A_39 = arith.constant 32 : i32
      %mul3A_40 = arith.muli %while3A_38, %mul3A_39 : i32
      %add3A_41 = arith.addi %add3A, %mul3A_40 : i32
      %mul3A_42 = arith.constant 80 : i32
      %mul3A_43 = arith.muli %add3A_41, %mul3A_42 : i32
      "tpu.region"() ({
        %run_scoped3A = tpu.sem_alloc : memref<!tpu.dma_semaphore, #tpu.memory_space<semaphore_mem>>
        %dma_start3A = tpu.memref_slice %arg3[%mul3A_43] : memref<10000xi32, #tpu.memory_space<hbm>> -> memref<80xi32, #tpu.memory_space<hbm>>
        %dma_start3A_44 = tpu.memref_slice %arg3[%mul3A_43] : memref<10000xi32, #tpu.memory_space<hbm>> -> memref<80xi32, #tpu.memory_space<hbm>>
        tpu.enqueue_dma source(%dma_start3A_44 : memref<80xi32, #tpu.memory_space<hbm>>) target(%arg6 : memref<80xi32, #tpu.memory_space<vmem>>) target_semaphore(%run_scoped3A : memref<!tpu.dma_semaphore, #tpu.memory_space<semaphore_mem>>)
        %dma_wait3A = tpu.memref_slice %arg3[%mul3A_43] : memref<10000xi32, #tpu.memory_space<hbm>> -> memref<80xi32, #tpu.memory_space<hbm>>
        %dma_wait3A_45 = tpu.memref_slice %arg3[%mul3A_43] : memref<10000xi32, #tpu.memory_space<hbm>> -> memref<80xi32, #tpu.memory_space<hbm>>
        tpu.wait_dma2 semaphore(%run_scoped3A : memref<!tpu.dma_semaphore, #tpu.memory_space<semaphore_mem>>) src(%dma_wait3A_45 : memref<80xi32, #tpu.memory_space<hbm>>) dst(%arg6 : memref<80xi32, #tpu.memory_space<vmem>>)
        tpu.yield
      }) : () -> ()
      "tpu.region"() ({
        %run_scoped3A = tpu.sem_alloc : memref<!tpu.dma_semaphore, #tpu.memory_space<semaphore_mem>>
        %dma_start3A = arith.constant 0 : i32
        %dma_start3A_44 = tpu.memref_slice %arg2[%mul3A_43, %dma_start3A] : memref<10000x128xf32, #tpu.memory_space<hbm>> -> memref<80x128xf32, #tpu.memory_space<hbm>>
        %dma_start3A_45 = arith.constant 0 : i32
        %dma_start3A_46 = tpu.memref_slice %arg2[%mul3A_43, %dma_start3A_45] : memref<10000x128xf32, #tpu.memory_space<hbm>> -> memref<80x128xf32, #tpu.memory_space<hbm>>
        tpu.enqueue_dma source(%dma_start3A_46 : memref<80x128xf32, #tpu.memory_space<hbm>>) target(%arg7 : memref<80x128xf32, #tpu.memory_space<vmem>>) target_semaphore(%run_scoped3A : memref<!tpu.dma_semaphore, #tpu.memory_space<semaphore_mem>>)
        %dma_wait3A = arith.constant 0 : i32
        %dma_wait3A_47 = tpu.memref_slice %arg2[%mul3A_43, %dma_wait3A] : memref<10000x128xf32, #tpu.memory_space<hbm>> -> memref<80x128xf32, #tpu.memory_space<hbm>>
        %dma_wait3A_48 = arith.constant 0 : i32
        %dma_wait3A_49 = tpu.memref_slice %arg2[%mul3A_43, %dma_wait3A_48] : memref<10000x128xf32, #tpu.memory_space<hbm>> -> memref<80x128xf32, #tpu.memory_space<hbm>>
        tpu.wait_dma2 semaphore(%run_scoped3A : memref<!tpu.dma_semaphore, #tpu.memory_space<semaphore_mem>>) src(%dma_wait3A_49 : memref<80x128xf32, #tpu.memory_space<hbm>>) dst(%arg7 : memref<80x128xf32, #tpu.memory_space<vmem>>)
        tpu.yield
      }) : () -> ()
      "tpu.region"() ({
        %run_scoped3A = tpu.sem_alloc : memref<!tpu.dma_semaphore, #tpu.memory_space<semaphore_mem>>
        %dma_start3A = arith.constant 0 : i32
        %dma_start3A_44 = arith.constant 0 : i32
        %dma_start3A_45 = tpu.memref_slice %arg8[%dma_start3A, %dma_start3A_44] : memref<2500x128xf32, #tpu.memory_space<vmem_shared>> -> memref<2500x128xf32, #tpu.memory_space<vmem_shared>>
        tpu.enqueue_indirect_dma source(%arg7 : memref<80x128xf32, #tpu.memory_space<vmem>>) target(%dma_start3A_45 : memref<2500x128xf32, #tpu.memory_space<vmem_shared>>) offsets(%arg6 : memref<80xi32, #tpu.memory_space<vmem>>) semaphore(%run_scoped3A : memref<!tpu.dma_semaphore, #tpu.memory_space<semaphore_mem>>) {add = true}
        %dma_wait3A = arith.constant 0 : i32
        %dma_wait3A_46 = arith.constant 0 : i32
        %dma_wait3A_47 = tpu.memref_slice %arg8[%dma_wait3A, %dma_wait3A_46] : memref<2500x128xf32, #tpu.memory_space<vmem_shared>> -> memref<2500x128xf32, #tpu.memory_space<vmem_shared>>
        tpu.wait_indirect_dma semaphore(%run_scoped3A : memref<!tpu.dma_semaphore, #tpu.memory_space<semaphore_mem>>) src(%arg7 : memref<80x128xf32, #tpu.memory_space<vmem>>) dst(%dma_wait3A_47 : memref<2500x128xf32, #tpu.memory_space<vmem_shared>>)
        tpu.yield
      }) : () -> ()
    }
    %barrier3A_32 = arith.constant 0 : index
    tpu.barrier barrier_id(%barrier3A_32)
    %eq3A_33 = arith.constant 0 : i32
    %eq3A_34 = arith.cmpi eq, %arg1, %eq3A_33 : i32
    %convert_element_type3A_35 = arith.extui %eq3A_34 : i1 to i32
    %cond3A_36 = arith.constant 0 : i32
    %cond3A_37 = arith.cmpi ne, %convert_element_type3A_35, %cond3A_36 : i32
    scf.if %cond3A_37 {
      "tpu.region"() ({
        %run_scoped3A = tpu.sem_alloc : memref<!tpu.dma_semaphore, #tpu.memory_space<semaphore_mem>>
        %dma_start3A = arith.constant 0 : i32
        %dma_start3A_38 = arith.constant 0 : i32
        %dma_start3A_39 = tpu.memref_slice %arg5[%arg0, %dma_start3A, %dma_start3A_38] : memref<2x2500x128xf32, #tpu.memory_space<hbm>> -> memref<1x2500x128xf32, #tpu.memory_space<hbm>>
        %dma_start3A_40 = tpu.memref_squeeze %dma_start3A_39 : memref<1x2500x128xf32, #tpu.memory_space<hbm>> -> memref<2500x128xf32, #tpu.memory_space<hbm>>
        tpu.enqueue_dma source(%arg8 : memref<2500x128xf32, #tpu.memory_space<vmem_shared>>) target(%dma_start3A_40 : memref<2500x128xf32, #tpu.memory_space<hbm>>) target_semaphore(%run_scoped3A : memref<!tpu.dma_semaphore, #tpu.memory_space<semaphore_mem>>)
        %dma_wait3A = arith.constant 0 : i32
        %dma_wait3A_41 = arith.constant 0 : i32
        %dma_wait3A_42 = tpu.memref_slice %arg5[%arg0, %dma_wait3A, %dma_wait3A_41] : memref<2x2500x128xf32, #tpu.memory_space<hbm>> -> memref<1x2500x128xf32, #tpu.memory_space<hbm>>
        %dma_wait3A_43 = tpu.memref_squeeze %dma_wait3A_42 : memref<1x2500x128xf32, #tpu.memory_space<hbm>> -> memref<2500x128xf32, #tpu.memory_space<hbm>>
        tpu.wait_dma2 semaphore(%run_scoped3A : memref<!tpu.dma_semaphore, #tpu.memory_space<semaphore_mem>>) src(%arg8 : memref<2500x128xf32, #tpu.memory_space<vmem_shared>>) dst(%dma_wait3A_43 : memref<2500x128xf32, #tpu.memory_space<hbm>>)
        tpu.yield
      }) : () -> ()
    } else {
    }
    return
  }
}

module attributes {stable_mosaic.version = 14 : i64} {
  func.func @body(%arg0: memref<10000x128xf32, #tpu.memory_space<vmem>>, %arg1: memref<128x128xf32, #tpu.memory_space<vmem>>, %arg2: memref<128x128xf32, #tpu.memory_space<vmem>>, %arg3: memref<10000x128xf32, #tpu.memory_space<vmem>>, %arg4: memref<10000x128xf32, #tpu.memory_space<vmem>>) attributes {dimension_semantics = [], scalar_prefetch = 0 : i64, scratch_operands = 0 : i64, tpu.core_type = #tpu.core_type<tc>} {
    %get3A = arith.constant 0 : index
    %get3A_0 = arith.constant 0 : index
    %get3A_1 = vector.load %arg0[%get3A, %get3A_0] : memref<10000x128xf32, #tpu.memory_space<vmem>>, vector<10000x128xf32>
    %get3A_2 = arith.constant 0 : index
    %get3A_3 = arith.constant 0 : index
    %get3A_4 = vector.load %arg1[%get3A_2, %get3A_3] : memref<128x128xf32, #tpu.memory_space<vmem>>, vector<128x128xf32>
    %dot_general3A = arith.constant dense<0.000000e+00> : vector<10000x128xf32>
    %dot_general3A_5 = tpu.matmul %get3A_1, %get3A_4, %dot_general3A {dimension_numbers = #tpu.dot_dimension_numbers<[1], [0], [0], [1], [0, 0, 1, 1], [], []>, transpose_lhs_hint = false} : vector<10000x128xf32>, vector<128x128xf32>, vector<10000x128xf32> -> vector<10000x128xf32>
    %swap3A = arith.constant 0 : index
    %swap3A_6 = arith.constant 0 : index
    %swap3A_7 = vector.load %arg3[%swap3A, %swap3A_6] : memref<10000x128xf32, #tpu.memory_space<vmem>>, vector<10000x128xf32>
    tpu.vector_store %arg3[%swap3A, %swap3A_6], %dot_general3A_5 {strides = array<i32>} : memref<10000x128xf32, #tpu.memory_space<vmem>>, vector<10000x128xf32>,
    %get3A_8 = arith.constant 0 : index
    %get3A_9 = arith.constant 0 : index
    %get3A_10 = vector.load %arg2[%get3A_8, %get3A_9] : memref<128x128xf32, #tpu.memory_space<vmem>>, vector<128x128xf32>
    %dot_general3A_11 = arith.constant dense<0.000000e+00> : vector<10000x128xf32>
    %dot_general3A_12 = tpu.matmul %get3A_1, %get3A_10, %dot_general3A_11 {dimension_numbers = #tpu.dot_dimension_numbers<[1], [0], [0], [1], [0, 0, 1, 1], [], []>, transpose_lhs_hint = false} : vector<10000x128xf32>, vector<128x128xf32>, vector<10000x128xf32> -> vector<10000x128xf32>
    %swap3A_13 = arith.constant 0 : index
    %swap3A_14 = arith.constant 0 : index
    %swap3A_15 = vector.load %arg4[%swap3A_13, %swap3A_14] : memref<10000x128xf32, #tpu.memory_space<vmem>>, vector<10000x128xf32>
    tpu.vector_store %arg4[%swap3A_13, %swap3A_14], %dot_general3A_12 {strides = array<i32>} : memref<10000x128xf32, #tpu.memory_space<vmem>>, vector<10000x128xf32>,
    return
  }
}

module attributes {stable_mosaic.version = 14 : i64} {
  func.func @body(%arg0: i32, %arg1: memref<2560x128xf32, #tpu.memory_space<vmem>>, %arg2: memref<2560x128xf32, #tpu.memory_space<vmem>>, %arg3: memref<128x128xf32, #tpu.memory_space<vmem>>, %arg4: memref<1x128xf32, #tpu.memory_space<vmem>>, %arg5: memref<128x128xf32, #tpu.memory_space<vmem>>, %arg6: memref<1x128xf32, #tpu.memory_space<vmem>>, %arg7: memref<2560x128xf32, #tpu.memory_space<vmem>>) attributes {dimension_semantics = [#tpu.dimension_semantics<arbitrary>], iteration_bounds = array<i64: 125>, scalar_prefetch = 0 : i64, scratch_operands = 0 : i64, tpu.core_type = #tpu.core_type<tc>, window_params = [{transform_indices = @transform_0, window_bounds = array<i64: 2560, 128>}, {transform_indices = @transform_1, window_bounds = array<i64: 2560, 128>}, {pipeline_mode = #tpu.pipeline_mode<synchronous>, transform_indices = @transform_2, window_bounds = array<i64: 128, 128>}, {pipeline_mode = #tpu.pipeline_mode<synchronous>, transform_indices = @transform_3, window_bounds = array<i64: 1, 128>}, {pipeline_mode = #tpu.pipeline_mode<synchronous>, transform_indices = @transform_4, window_bounds = array<i64: 128, 128>}, {pipeline_mode = #tpu.pipeline_mode<synchronous>, transform_indices = @transform_5, window_bounds = array<i64: 1, 128>}, {transform_indices = @transform_6, window_bounds = array<i64: 2560, 128>}]} {
    %get3A = arith.constant 0 : index
    %get3A_0 = arith.constant 0 : index
    %get3A_1 = vector.load %arg1[%get3A, %get3A_0] : memref<2560x128xf32, #tpu.memory_space<vmem>>, vector<2560x128xf32>
    %get3A_2 = arith.constant 0 : index
    %get3A_3 = arith.constant 0 : index
    %get3A_4 = vector.load %arg3[%get3A_2, %get3A_3] : memref<128x128xf32, #tpu.memory_space<vmem>>, vector<128x128xf32>
    %dot_general3A = arith.constant dense<0.000000e+00> : vector<2560x128xf32>
    %dot_general3A_5 = tpu.matmul %get3A_1, %get3A_4, %dot_general3A {dimension_numbers = #tpu.dot_dimension_numbers<[1], [0], [0], [1], [0, 0, 1, 1], [], []>, transpose_lhs_hint = false} : vector<2560x128xf32>, vector<128x128xf32>, vector<2560x128xf32> -> vector<2560x128xf32>
    %get3A_6 = arith.constant 0 : index
    %get3A_7 = arith.constant 0 : index
    %get3A_8 = vector.load %arg2[%get3A_6, %get3A_7] : memref<2560x128xf32, #tpu.memory_space<vmem>>, vector<2560x128xf32>
    %add3A = arith.addf %dot_general3A_5, %get3A_8 : vector<2560x128xf32>
    %get3A_9 = arith.constant 0 : index
    %get3A_10 = arith.constant 0 : index
    %get3A_11 = vector.load %arg4[%get3A_9, %get3A_10] : memref<1x128xf32, #tpu.memory_space<vmem>>, vector<1x128xf32>
    %add3A_12 = vector.broadcast %get3A_11 : vector<1x128xf32> to vector<2560x128xf32>
    %add3A_13 = arith.addf %add3A, %add3A_12 : vector<2560x128xf32>
    %max3A = arith.constant 0.000000e+00 : f32
    %max3A_14 = vector.broadcast %max3A : f32 to vector<2560x128xf32>
    %max3A_15 = arith.maximumf %add3A_13, %max3A_14 : vector<2560x128xf32>
    %get3A_16 = arith.constant 0 : index
    %get3A_17 = arith.constant 0 : index
    %get3A_18 = vector.load %arg5[%get3A_16, %get3A_17] : memref<128x128xf32, #tpu.memory_space<vmem>>, vector<128x128xf32>
    %dot_general3A_19 = arith.constant dense<0.000000e+00> : vector<2560x128xf32>
    %dot_general3A_20 = tpu.matmul %max3A_15, %get3A_18, %dot_general3A_19 {dimension_numbers = #tpu.dot_dimension_numbers<[1], [0], [0], [1], [0, 0, 1, 1], [], []>, transpose_lhs_hint = false} : vector<2560x128xf32>, vector<128x128xf32>, vector<2560x128xf32> -> vector<2560x128xf32>
    %add3A_21 = arith.addf %get3A_1, %dot_general3A_20 : vector<2560x128xf32>
    %get3A_22 = arith.constant 0 : index
    %get3A_23 = arith.constant 0 : index
    %get3A_24 = vector.load %arg6[%get3A_22, %get3A_23] : memref<1x128xf32, #tpu.memory_space<vmem>>, vector<1x128xf32>
    %add3A_25 = vector.broadcast %get3A_24 : vector<1x128xf32> to vector<2560x128xf32>
    %add3A_26 = arith.addf %add3A_21, %add3A_25 : vector<2560x128xf32>
    %swap3A = arith.constant 0 : index
    %swap3A_27 = arith.constant 0 : index
    %swap3A_28 = vector.load %arg7[%swap3A, %swap3A_27] : memref<2560x128xf32, #tpu.memory_space<vmem>>, vector<2560x128xf32>
    tpu.vector_store %arg7[%swap3A, %swap3A_27], %add3A_26 {strides = array<i32>} : memref<2560x128xf32, #tpu.memory_space<vmem>>, vector<2560x128xf32>,
    return
  }
  func.func @transform_0(%arg0: i32) -> (i32, i32) {
    %c0_i32 = arith.constant 0 : i32
    %c0_i32_0 = arith.constant 0 : i32
    return %arg0, %c0_i32 : i32, i32
  }
  func.func @transform_1(%arg0: i32) -> (i32, i32) {
    %c0_i32 = arith.constant 0 : i32
    %c0_i32_0 = arith.constant 0 : i32
    return %arg0, %c0_i32 : i32, i32
  }
  func.func @transform_2(%arg0: i32) -> (i32, i32) {
    %c0_i32 = arith.constant 0 : i32
    %c0_i32_0 = arith.constant 0 : i32
    %c0_i32_1 = arith.constant 0 : i32
    return %c0_i32, %c0_i32_0 : i32, i32
  }
  func.func @transform_3(%arg0: i32) -> (i32, i32) {
    %c0_i32 = arith.constant 0 : i32
    %c0_i32_0 = arith.constant 0 : i32
    %c0_i32_1 = arith.constant 0 : i32
    return %c0_i32, %c0_i32_0 : i32, i32
  }
  func.func @transform_4(%arg0: i32) -> (i32, i32) {
    %c0_i32 = arith.constant 0 : i32
    %c0_i32_0 = arith.constant 0 : i32
    %c0_i32_1 = arith.constant 0 : i32
    return %c0_i32, %c0_i32_0 : i32, i32
  }
  func.func @transform_5(%arg0: i32) -> (i32, i32) {
    %c0_i32 = arith.constant 0 : i32
    %c0_i32_0 = arith.constant 0 : i32
    %c0_i32_1 = arith.constant 0 : i32
    return %c0_i32, %c0_i32_0 : i32, i32
  }
  func.func @transform_6(%arg0: i32) -> (i32, i32) {
    %c0_i32 = arith.constant 0 : i32
    %c0_i32_0 = arith.constant 0 : i32
    return %arg0, %c0_i32 : i32, i32
  }
}

module attributes {stable_mosaic.version = 14 : i64} {
  func.func @body(%arg0: memref<10000x128xf32, #tpu.memory_space<vmem>>, %arg1: memref<10000x128xf32, #tpu.memory_space<vmem>>, %arg2: memref<10000x128xf32, #tpu.memory_space<vmem>>, %arg3: memref<128x128xf32, #tpu.memory_space<vmem>>, %arg4: memref<128x128xf32, #tpu.memory_space<vmem>>, %arg5: memref<1x128xf32, #tpu.memory_space<vmem>>, %arg6: memref<128x128xf32, #tpu.memory_space<vmem>>, %arg7: memref<1x128xf32, #tpu.memory_space<vmem>>, %arg8: memref<128x128xf32, #tpu.memory_space<vmem>>, %arg9: memref<128x128xf32, #tpu.memory_space<vmem>>, %arg10: memref<1x128xf32, #tpu.memory_space<vmem>>, %arg11: memref<1x128xf32, #tpu.memory_space<vmem>>, %arg12: memref<10000x128xf32, #tpu.memory_space<vmem>>, %arg13: memref<10000x128xf32, #tpu.memory_space<vmem>>, %arg14: memref<10000x128xf32, #tpu.memory_space<vmem>>) attributes {dimension_semantics = [], scalar_prefetch = 0 : i64, scratch_operands = 0 : i64, tpu.core_type = #tpu.core_type<tc>} {
    %get3A = arith.constant 0 : index
    %get3A_0 = arith.constant 0 : index
    %get3A_1 = vector.load %arg0[%get3A, %get3A_0] : memref<10000x128xf32, #tpu.memory_space<vmem>>, vector<10000x128xf32>
    %get3A_2 = arith.constant 0 : index
    %get3A_3 = arith.constant 0 : index
    %get3A_4 = vector.load %arg1[%get3A_2, %get3A_3] : memref<10000x128xf32, #tpu.memory_space<vmem>>, vector<10000x128xf32>
    %get3A_5 = arith.constant 0 : index
    %get3A_6 = arith.constant 0 : index
    %get3A_7 = vector.load %arg2[%get3A_5, %get3A_6] : memref<10000x128xf32, #tpu.memory_space<vmem>>, vector<10000x128xf32>
    %add3A = arith.addf %get3A_4, %get3A_7 : vector<10000x128xf32>
    %get3A_8 = arith.constant 0 : index
    %get3A_9 = arith.constant 0 : index
    %get3A_10 = vector.load %arg3[%get3A_8, %get3A_9] : memref<128x128xf32, #tpu.memory_space<vmem>>, vector<128x128xf32>
    %dot_general3A = arith.constant dense<0.000000e+00> : vector<10000x128xf32>
    %dot_general3A_11 = tpu.matmul %get3A_1, %get3A_10, %dot_general3A {dimension_numbers = #tpu.dot_dimension_numbers<[1], [0], [0], [1], [0, 0, 1, 1], [], []>, transpose_lhs_hint = false} : vector<10000x128xf32>, vector<128x128xf32>, vector<10000x128xf32> -> vector<10000x128xf32>
    %get3A_12 = arith.constant 0 : index
    %get3A_13 = arith.constant 0 : index
    %get3A_14 = vector.load %arg4[%get3A_12, %get3A_13] : memref<128x128xf32, #tpu.memory_space<vmem>>, vector<128x128xf32>
    %dot_general3A_15 = arith.constant dense<0.000000e+00> : vector<10000x128xf32>
    %dot_general3A_16 = tpu.matmul %add3A, %get3A_14, %dot_general3A_15 {dimension_numbers = #tpu.dot_dimension_numbers<[1], [0], [0], [1], [0, 0, 1, 1], [], []>, transpose_lhs_hint = false} : vector<10000x128xf32>, vector<128x128xf32>, vector<10000x128xf32> -> vector<10000x128xf32>
    %add3A_17 = arith.addf %dot_general3A_11, %dot_general3A_16 : vector<10000x128xf32>
    %get3A_18 = arith.constant 0 : index
    %get3A_19 = arith.constant 0 : index
    %get3A_20 = vector.load %arg5[%get3A_18, %get3A_19] : memref<1x128xf32, #tpu.memory_space<vmem>>, vector<1x128xf32>
    %add3A_21 = vector.broadcast %get3A_20 : vector<1x128xf32> to vector<10000x128xf32>
    %add3A_22 = arith.addf %add3A_17, %add3A_21 : vector<10000x128xf32>
    %max3A = arith.constant 0.000000e+00 : f32
    %max3A_23 = vector.broadcast %max3A : f32 to vector<10000x128xf32>
    %max3A_24 = arith.maximumf %add3A_22, %max3A_23 : vector<10000x128xf32>
    %get3A_25 = arith.constant 0 : index
    %get3A_26 = arith.constant 0 : index
    %get3A_27 = vector.load %arg6[%get3A_25, %get3A_26] : memref<128x128xf32, #tpu.memory_space<vmem>>, vector<128x128xf32>
    %dot_general3A_28 = arith.constant dense<0.000000e+00> : vector<10000x128xf32>
    %dot_general3A_29 = tpu.matmul %max3A_24, %get3A_27, %dot_general3A_28 {dimension_numbers = #tpu.dot_dimension_numbers<[1], [0], [0], [1], [0, 0, 1, 1], [], []>, transpose_lhs_hint = false} : vector<10000x128xf32>, vector<128x128xf32>, vector<10000x128xf32> -> vector<10000x128xf32>
    %add3A_30 = arith.addf %get3A_1, %dot_general3A_29 : vector<10000x128xf32>
    %get3A_31 = arith.constant 0 : index
    %get3A_32 = arith.constant 0 : index
    %get3A_33 = vector.load %arg7[%get3A_31, %get3A_32] : memref<1x128xf32, #tpu.memory_space<vmem>>, vector<1x128xf32>
    %add3A_34 = vector.broadcast %get3A_33 : vector<1x128xf32> to vector<10000x128xf32>
    %add3A_35 = arith.addf %add3A_30, %add3A_34 : vector<10000x128xf32>
    %swap3A = arith.constant 0 : index
    %swap3A_36 = arith.constant 0 : index
    %swap3A_37 = vector.load %arg12[%swap3A, %swap3A_36] : memref<10000x128xf32, #tpu.memory_space<vmem>>, vector<10000x128xf32>
    tpu.vector_store %arg12[%swap3A, %swap3A_36], %add3A_35 {strides = array<i32>} : memref<10000x128xf32, #tpu.memory_space<vmem>>, vector<10000x128xf32>,
    %get3A_38 = arith.constant 0 : index
    %get3A_39 = arith.constant 0 : index
    %get3A_40 = vector.load %arg8[%get3A_38, %get3A_39] : memref<128x128xf32, #tpu.memory_space<vmem>>, vector<128x128xf32>
    %dot_general3A_41 = arith.constant dense<0.000000e+00> : vector<10000x128xf32>
    %dot_general3A_42 = tpu.matmul %add3A_35, %get3A_40, %dot_general3A_41 {dimension_numbers = #tpu.dot_dimension_numbers<[1], [0], [0], [1], [0, 0, 1, 1], [], []>, transpose_lhs_hint = false} : vector<10000x128xf32>, vector<128x128xf32>, vector<10000x128xf32> -> vector<10000x128xf32>
    %swap3A_43 = arith.constant 0 : index
    %swap3A_44 = arith.constant 0 : index
    %swap3A_45 = vector.load %arg13[%swap3A_43, %swap3A_44] : memref<10000x128xf32, #tpu.memory_space<vmem>>, vector<10000x128xf32>
    tpu.vector_store %arg13[%swap3A_43, %swap3A_44], %dot_general3A_42 {strides = array<i32>} : memref<10000x128xf32, #tpu.memory_space<vmem>>, vector<10000x128xf32>,
    %get3A_46 = arith.constant 0 : index
    %get3A_47 = arith.constant 0 : index
    %get3A_48 = vector.load %arg9[%get3A_46, %get3A_47] : memref<128x128xf32, #tpu.memory_space<vmem>>, vector<128x128xf32>
    %dot_general3A_49 = arith.constant dense<0.000000e+00> : vector<10000x128xf32>
    %dot_general3A_50 = tpu.matmul %add3A_35, %get3A_48, %dot_general3A_49 {dimension_numbers = #tpu.dot_dimension_numbers<[1], [0], [0], [1], [0, 0, 1, 1], [], []>, transpose_lhs_hint = false} : vector<10000x128xf32>, vector<128x128xf32>, vector<10000x128xf32> -> vector<10000x128xf32>
    %swap3A_51 = arith.constant 0 : index
    %swap3A_52 = arith.constant 0 : index
    %swap3A_53 = vector.load %arg14[%swap3A_51, %swap3A_52] : memref<10000x128xf32, #tpu.memory_space<vmem>>, vector<10000x128xf32>
    tpu.vector_store %arg14[%swap3A_51, %swap3A_52], %dot_general3A_50 {strides = array<i32>} : memref<10000x128xf32, #tpu.memory_space<vmem>>, vector<10000x128xf32>,
    return
  }
}

module attributes {stable_mosaic.version = 14 : i64} {
  func.func @body(%arg0: memref<10000x128xf32, #tpu.memory_space<vmem>>, %arg1: memref<10000x128xf32, #tpu.memory_space<vmem>>, %arg2: memref<1x128xf32, #tpu.memory_space<vmem>>, %arg3: memref<1x128xf32, #tpu.memory_space<vmem>>, %arg4: memref<10000x128xf32, #tpu.memory_space<vmem>>) attributes {dimension_semantics = [], scalar_prefetch = 0 : i64, scratch_operands = 0 : i64, tpu.core_type = #tpu.core_type<tc>} {
    %get3A = arith.constant 0 : index
    %get3A_0 = arith.constant 0 : index
    %get3A_1 = vector.load %arg0[%get3A, %get3A_0] : memref<10000x128xf32, #tpu.memory_space<vmem>>, vector<10000x128xf32>
    %slice3A = vector.extract_strided_slice %get3A_1 {offsets = [0, 2], sizes = [10000, 1], strides = [1, 1]} : vector<10000x128xf32> to vector<10000x1xf32>
    %max3A = arith.constant 1.000000e+00 : f32
    %max3A_2 = vector.broadcast %max3A : f32 to vector<10000x1xf32>
    %max3A_3 = arith.maximumf %slice3A, %max3A_2 : vector<10000x1xf32>
    %get3A_4 = arith.constant 0 : index
    %get3A_5 = arith.constant 0 : index
    %get3A_6 = vector.load %arg1[%get3A_4, %get3A_5] : memref<10000x128xf32, #tpu.memory_space<vmem>>, vector<10000x1xf32>
    %slice3A_7 = vector.extract_strided_slice %get3A_1 {offsets = [0, 0], sizes = [10000, 1], strides = [1, 1]} : vector<10000x128xf32> to vector<10000x1xf32>
    %div3A = arith.divf %slice3A_7, %max3A_3 : vector<10000x1xf32>
    %sub3A = arith.subf %get3A_6, %div3A : vector<10000x1xf32>
    %get3A_8 = arith.constant 0 : index
    %get3A_9 = arith.constant 1 : index
    %get3A_10 = vector.load %arg1[%get3A_8, %get3A_9] : memref<10000x128xf32, #tpu.memory_space<vmem>>, vector<10000x1xf32>
    %slice3A_11 = vector.extract_strided_slice %get3A_1 {offsets = [0, 1], sizes = [10000, 1], strides = [1, 1]} : vector<10000x128xf32> to vector<10000x1xf32>
    %div3A_12 = arith.divf %slice3A_11, %max3A_3 : vector<10000x1xf32>
    %sub3A_13 = arith.subf %get3A_10, %div3A_12 : vector<10000x1xf32>
    %mul3A = arith.mulf %sub3A, %sub3A : vector<10000x1xf32>
    %mul3A_14 = arith.mulf %sub3A_13, %sub3A_13 : vector<10000x1xf32>
    %add3A = arith.addf %mul3A, %mul3A_14 : vector<10000x1xf32>
    %add3A_15 = arith.constant 9.99999996E-13 : f32
    %add3A_16 = vector.broadcast %add3A_15 : f32 to vector<10000x1xf32>
    %add3A_17 = arith.addf %add3A, %add3A_16 : vector<10000x1xf32>
    %sqrt3A = math.sqrt %add3A_17 : vector<10000x1xf32>
    %get3A_18 = arith.constant 0 : index
    %get3A_19 = arith.constant 0 : index
    %get3A_20 = vector.load %arg2[%get3A_18, %get3A_19] : memref<1x128xf32, #tpu.memory_space<vmem>>, vector<1x128xf32>
    %mul3A_21 = vector.broadcast %sqrt3A : vector<10000x1xf32> to vector<10000x128xf32>
    %mul3A_22 = vector.broadcast %get3A_20 : vector<1x128xf32> to vector<10000x128xf32>
    %mul3A_23 = arith.mulf %mul3A_21, %mul3A_22 : vector<10000x128xf32>
    %get3A_24 = arith.constant 0 : index
    %get3A_25 = arith.constant 0 : index
    %get3A_26 = vector.load %arg3[%get3A_24, %get3A_25] : memref<1x128xf32, #tpu.memory_space<vmem>>, vector<1x128xf32>
    %add3A_27 = vector.broadcast %get3A_26 : vector<1x128xf32> to vector<10000x128xf32>
    %add3A_28 = arith.addf %mul3A_23, %add3A_27 : vector<10000x128xf32>
    %swap3A = arith.constant 0 : index
    %swap3A_29 = arith.constant 0 : index
    %swap3A_30 = vector.load %arg4[%swap3A, %swap3A_29] : memref<10000x128xf32, #tpu.memory_space<vmem>>, vector<10000x128xf32>
    tpu.vector_store %arg4[%swap3A, %swap3A_29], %add3A_28 {strides = array<i32>} : memref<10000x128xf32, #tpu.memory_space<vmem>>, vector<10000x128xf32>,
    return
  }
}

module attributes {stable_mosaic.version = 14 : i64} {
  func.func @body(%arg0: memref<10000x128xf32, #tpu.memory_space<vmem>>, %arg1: memref<10000x128xf32, #tpu.memory_space<vmem>>, %arg2: memref<10000x128xf32, #tpu.memory_space<vmem>>, %arg3: memref<128x128xf32, #tpu.memory_space<vmem>>, %arg4: memref<128x128xf32, #tpu.memory_space<vmem>>, %arg5: memref<1x128xf32, #tpu.memory_space<vmem>>, %arg6: memref<128x128xf32, #tpu.memory_space<vmem>>, %arg7: memref<1x128xf32, #tpu.memory_space<vmem>>, %arg8: memref<128x128xf32, #tpu.memory_space<vmem>>, %arg9: memref<128x128xf32, #tpu.memory_space<vmem>>, %arg10: memref<10000x128xf32, #tpu.memory_space<vmem>>, %arg11: memref<1x128xf32, #tpu.memory_space<vmem>>, %arg12: memref<10000x128xf32, #tpu.memory_space<vmem>>, %arg13: memref<10000x128xf32, #tpu.memory_space<vmem>>, %arg14: memref<10000x128xf32, #tpu.memory_space<vmem>>) attributes {dimension_semantics = [], scalar_prefetch = 0 : i64, scratch_operands = 0 : i64, tpu.core_type = #tpu.core_type<tc>} {
    %get3A = arith.constant 0 : index
    %get3A_0 = arith.constant 0 : index
    %get3A_1 = vector.load %arg0[%get3A, %get3A_0] : memref<10000x128xf32, #tpu.memory_space<vmem>>, vector<10000x128xf32>
    %get3A_2 = arith.constant 0 : index
    %get3A_3 = arith.constant 0 : index
    %get3A_4 = vector.load %arg1[%get3A_2, %get3A_3] : memref<10000x128xf32, #tpu.memory_space<vmem>>, vector<10000x128xf32>
    %get3A_5 = arith.constant 0 : index
    %get3A_6 = arith.constant 0 : index
    %get3A_7 = vector.load %arg2[%get3A_5, %get3A_6] : memref<10000x128xf32, #tpu.memory_space<vmem>>, vector<10000x128xf32>
    %add3A = arith.addf %get3A_4, %get3A_7 : vector<10000x128xf32>
    %get3A_8 = arith.constant 0 : index
    %get3A_9 = arith.constant 0 : index
    %get3A_10 = vector.load %arg3[%get3A_8, %get3A_9] : memref<128x128xf32, #tpu.memory_space<vmem>>, vector<128x128xf32>
    %dot_general3A = arith.constant dense<0.000000e+00> : vector<10000x128xf32>
    %dot_general3A_11 = tpu.matmul %get3A_1, %get3A_10, %dot_general3A {dimension_numbers = #tpu.dot_dimension_numbers<[1], [0], [0], [1], [0, 0, 1, 1], [], []>, transpose_lhs_hint = false} : vector<10000x128xf32>, vector<128x128xf32>, vector<10000x128xf32> -> vector<10000x128xf32>
    %get3A_12 = arith.constant 0 : index
    %get3A_13 = arith.constant 0 : index
    %get3A_14 = vector.load %arg4[%get3A_12, %get3A_13] : memref<128x128xf32, #tpu.memory_space<vmem>>, vector<128x128xf32>
    %dot_general3A_15 = arith.constant dense<0.000000e+00> : vector<10000x128xf32>
    %dot_general3A_16 = tpu.matmul %add3A, %get3A_14, %dot_general3A_15 {dimension_numbers = #tpu.dot_dimension_numbers<[1], [0], [0], [1], [0, 0, 1, 1], [], []>, transpose_lhs_hint = false} : vector<10000x128xf32>, vector<128x128xf32>, vector<10000x128xf32> -> vector<10000x128xf32>
    %add3A_17 = arith.addf %dot_general3A_11, %dot_general3A_16 : vector<10000x128xf32>
    %get3A_18 = arith.constant 0 : index
    %get3A_19 = arith.constant 0 : index
    %get3A_20 = vector.load %arg5[%get3A_18, %get3A_19] : memref<1x128xf32, #tpu.memory_space<vmem>>, vector<1x128xf32>
    %add3A_21 = vector.broadcast %get3A_20 : vector<1x128xf32> to vector<10000x128xf32>
    %add3A_22 = arith.addf %add3A_17, %add3A_21 : vector<10000x128xf32>
    %max3A = arith.constant 0.000000e+00 : f32
    %max3A_23 = vector.broadcast %max3A : f32 to vector<10000x128xf32>
    %max3A_24 = arith.maximumf %add3A_22, %max3A_23 : vector<10000x128xf32>
    %get3A_25 = arith.constant 0 : index
    %get3A_26 = arith.constant 0 : index
    %get3A_27 = vector.load %arg6[%get3A_25, %get3A_26] : memref<128x128xf32, #tpu.memory_space<vmem>>, vector<128x128xf32>
    %dot_general3A_28 = arith.constant dense<0.000000e+00> : vector<10000x128xf32>
    %dot_general3A_29 = tpu.matmul %max3A_24, %get3A_27, %dot_general3A_28 {dimension_numbers = #tpu.dot_dimension_numbers<[1], [0], [0], [1], [0, 0, 1, 1], [], []>, transpose_lhs_hint = false} : vector<10000x128xf32>, vector<128x128xf32>, vector<10000x128xf32> -> vector<10000x128xf32>
    %add3A_30 = arith.addf %get3A_1, %dot_general3A_29 : vector<10000x128xf32>
    %get3A_31 = arith.constant 0 : index
    %get3A_32 = arith.constant 0 : index
    %get3A_33 = vector.load %arg7[%get3A_31, %get3A_32] : memref<1x128xf32, #tpu.memory_space<vmem>>, vector<1x128xf32>
    %add3A_34 = vector.broadcast %get3A_33 : vector<1x128xf32> to vector<10000x128xf32>
    %add3A_35 = arith.addf %add3A_30, %add3A_34 : vector<10000x128xf32>
    %swap3A = arith.constant 0 : index
    %swap3A_36 = arith.constant 0 : index
    %swap3A_37 = vector.load %arg12[%swap3A, %swap3A_36] : memref<10000x128xf32, #tpu.memory_space<vmem>>, vector<10000x128xf32>
    tpu.vector_store %arg12[%swap3A, %swap3A_36], %add3A_35 {strides = array<i32>} : memref<10000x128xf32, #tpu.memory_space<vmem>>, vector<10000x128xf32>,
    %get3A_38 = arith.constant 0 : index
    %get3A_39 = arith.constant 0 : index
    %get3A_40 = vector.load %arg8[%get3A_38, %get3A_39] : memref<128x128xf32, #tpu.memory_space<vmem>>, vector<128x128xf32>
    %dot_general3A_41 = arith.constant dense<0.000000e+00> : vector<10000x128xf32>
    %dot_general3A_42 = tpu.matmul %add3A_35, %get3A_40, %dot_general3A_41 {dimension_numbers = #tpu.dot_dimension_numbers<[1], [0], [0], [1], [0, 0, 1, 1], [], []>, transpose_lhs_hint = false} : vector<10000x128xf32>, vector<128x128xf32>, vector<10000x128xf32> -> vector<10000x128xf32>
    %get3A_43 = arith.constant 0 : index
    %get3A_44 = arith.constant 0 : index
    %get3A_45 = vector.load %arg10[%get3A_43, %get3A_44] : memref<10000x128xf32, #tpu.memory_space<vmem>>, vector<10000x128xf32>
    %add3A_46 = arith.addf %dot_general3A_42, %get3A_45 : vector<10000x128xf32>
    %max3A_47 = arith.constant 0.000000e+00 : f32
    %max3A_48 = vector.broadcast %max3A_47 : f32 to vector<10000x128xf32>
    %max3A_49 = arith.maximumf %add3A_46, %max3A_48 : vector<10000x128xf32>
    %get3A_50 = arith.constant 0 : index
    %get3A_51 = arith.constant 0 : index
    %get3A_52 = vector.load %arg9[%get3A_50, %get3A_51] : memref<128x128xf32, #tpu.memory_space<vmem>>, vector<128x128xf32>
    %dot_general3A_53 = arith.constant dense<0.000000e+00> : vector<10000x128xf32>
    %dot_general3A_54 = tpu.matmul %max3A_49, %get3A_52, %dot_general3A_53 {dimension_numbers = #tpu.dot_dimension_numbers<[1], [0], [0], [1], [0, 0, 1, 1], [], []>, transpose_lhs_hint = false} : vector<10000x128xf32>, vector<128x128xf32>, vector<10000x128xf32> -> vector<10000x128xf32>
    %get3A_55 = arith.constant 0 : index
    %get3A_56 = arith.constant 0 : index
    %get3A_57 = vector.load %arg11[%get3A_55, %get3A_56] : memref<1x128xf32, #tpu.memory_space<vmem>>, vector<1x128xf32>
    %add3A_58 = vector.broadcast %get3A_57 : vector<1x128xf32> to vector<10000x128xf32>
    %add3A_59 = arith.addf %dot_general3A_54, %add3A_58 : vector<10000x128xf32>
    %swap3A_60 = arith.constant 0 : index
    %swap3A_61 = arith.constant 0 : index
    %swap3A_62 = vector.load %arg13[%swap3A_60, %swap3A_61] : memref<10000x128xf32, #tpu.memory_space<vmem>>, vector<10000x128xf32>
    tpu.vector_store %arg13[%swap3A_60, %swap3A_61], %add3A_59 {strides = array<i32>} : memref<10000x128xf32, #tpu.memory_space<vmem>>, vector<10000x128xf32>,
    %swap3A_63 = arith.constant 0 : index
    %swap3A_64 = arith.constant 0 : index
    %swap3A_65 = vector.load %arg14[%swap3A_63, %swap3A_64] : memref<10000x128xf32, #tpu.memory_space<vmem>>, vector<10000x128xf32>
    tpu.vector_store %arg14[%swap3A_63, %swap3A_64], %add3A_59 {strides = array<i32>} : memref<10000x128xf32, #tpu.memory_space<vmem>>, vector<10000x128xf32>,
    return
  }
}

module attributes {stable_mosaic.version = 14 : i64} {
  func.func @body(%arg0: i32, %arg1: memref<8000x128xf32, #tpu.memory_space<vmem>>, %arg2: memref<8000x128xf32, #tpu.memory_space<vmem>>, %arg3: memref<1x128xf32, #tpu.memory_space<vmem>>, %arg4: memref<1x128xf32, #tpu.memory_space<vmem>>, %arg5: memref<128x128xf32, #tpu.memory_space<vmem>>, %arg6: memref<1x128xf32, #tpu.memory_space<vmem>>, %arg7: memref<8000x128xf32, #tpu.memory_space<vmem>>) attributes {dimension_semantics = [#tpu.dimension_semantics<arbitrary>], iteration_bounds = array<i64: 5>, scalar_prefetch = 0 : i64, scratch_operands = 0 : i64, tpu.core_type = #tpu.core_type<tc>, window_params = [{transform_indices = @transform_0, window_bounds = array<i64: 8000, 128>}, {transform_indices = @transform_1, window_bounds = array<i64: 8000, 128>}, {pipeline_mode = #tpu.pipeline_mode<synchronous>, transform_indices = @transform_2, window_bounds = array<i64: 1, 128>}, {pipeline_mode = #tpu.pipeline_mode<synchronous>, transform_indices = @transform_3, window_bounds = array<i64: 1, 128>}, {pipeline_mode = #tpu.pipeline_mode<synchronous>, transform_indices = @transform_4, window_bounds = array<i64: 128, 128>}, {pipeline_mode = #tpu.pipeline_mode<synchronous>, transform_indices = @transform_5, window_bounds = array<i64: 1, 128>}, {transform_indices = @transform_6, window_bounds = array<i64: 8000, 128>}]} {
    %get3A = arith.constant 0 : index
    %get3A_0 = arith.constant 0 : index
    %get3A_1 = vector.load %arg1[%get3A, %get3A_0] : memref<8000x128xf32, #tpu.memory_space<vmem>>, vector<8000x128xf32>
    %get3A_2 = arith.constant 0 : index
    %get3A_3 = arith.constant 0 : index
    %get3A_4 = vector.load %arg2[%get3A_2, %get3A_3] : memref<8000x128xf32, #tpu.memory_space<vmem>>, vector<8000x128xf32>
    %slice3A = vector.extract_strided_slice %get3A_1 {offsets = [0, 2], sizes = [8000, 1], strides = [1, 1]} : vector<8000x128xf32> to vector<8000x1xf32>
    %max3A = arith.constant 1.000000e+00 : f32
    %max3A_5 = vector.broadcast %max3A : f32 to vector<8000x1xf32>
    %max3A_6 = arith.maximumf %slice3A, %max3A_5 : vector<8000x1xf32>
    %slice3A_7 = vector.extract_strided_slice %get3A_4 {offsets = [0, 2], sizes = [8000, 1], strides = [1, 1]} : vector<8000x128xf32> to vector<8000x1xf32>
    %max3A_8 = arith.constant 1.000000e+00 : f32
    %max3A_9 = vector.broadcast %max3A_8 : f32 to vector<8000x1xf32>
    %max3A_10 = arith.maximumf %slice3A_7, %max3A_9 : vector<8000x1xf32>
    %slice3A_11 = vector.extract_strided_slice %get3A_1 {offsets = [0, 0], sizes = [8000, 1], strides = [1, 1]} : vector<8000x128xf32> to vector<8000x1xf32>
    %div3A = arith.divf %slice3A_11, %max3A_6 : vector<8000x1xf32>
    %slice3A_12 = vector.extract_strided_slice %get3A_4 {offsets = [0, 0], sizes = [8000, 1], strides = [1, 1]} : vector<8000x128xf32> to vector<8000x1xf32>
    %div3A_13 = arith.divf %slice3A_12, %max3A_10 : vector<8000x1xf32>
    %sub3A = arith.subf %div3A, %div3A_13 : vector<8000x1xf32>
    %slice3A_14 = vector.extract_strided_slice %get3A_1 {offsets = [0, 1], sizes = [8000, 1], strides = [1, 1]} : vector<8000x128xf32> to vector<8000x1xf32>
    %div3A_15 = arith.divf %slice3A_14, %max3A_6 : vector<8000x1xf32>
    %slice3A_16 = vector.extract_strided_slice %get3A_4 {offsets = [0, 1], sizes = [8000, 1], strides = [1, 1]} : vector<8000x128xf32> to vector<8000x1xf32>
    %div3A_17 = arith.divf %slice3A_16, %max3A_10 : vector<8000x1xf32>
    %sub3A_18 = arith.subf %div3A_15, %div3A_17 : vector<8000x1xf32>
    %mul3A = arith.mulf %sub3A, %sub3A : vector<8000x1xf32>
    %mul3A_19 = arith.mulf %sub3A_18, %sub3A_18 : vector<8000x1xf32>
    %add3A = arith.addf %mul3A, %mul3A_19 : vector<8000x1xf32>
    %add3A_20 = arith.constant 9.99999996E-13 : f32
    %add3A_21 = vector.broadcast %add3A_20 : f32 to vector<8000x1xf32>
    %add3A_22 = arith.addf %add3A, %add3A_21 : vector<8000x1xf32>
    %sqrt3A = math.sqrt %add3A_22 : vector<8000x1xf32>
    %get3A_23 = arith.constant 0 : index
    %get3A_24 = arith.constant 0 : index
    %get3A_25 = vector.load %arg3[%get3A_23, %get3A_24] : memref<1x128xf32, #tpu.memory_space<vmem>>, vector<1x128xf32>
    %mul3A_26 = vector.broadcast %sqrt3A : vector<8000x1xf32> to vector<8000x128xf32>
    %mul3A_27 = vector.broadcast %get3A_25 : vector<1x128xf32> to vector<8000x128xf32>
    %mul3A_28 = arith.mulf %mul3A_26, %mul3A_27 : vector<8000x128xf32>
    %get3A_29 = arith.constant 0 : index
    %get3A_30 = arith.constant 0 : index
    %get3A_31 = vector.load %arg4[%get3A_29, %get3A_30] : memref<1x128xf32, #tpu.memory_space<vmem>>, vector<1x128xf32>
    %add3A_32 = vector.broadcast %get3A_31 : vector<1x128xf32> to vector<8000x128xf32>
    %add3A_33 = arith.addf %mul3A_28, %add3A_32 : vector<8000x128xf32>
    %max3A_34 = arith.constant 0.000000e+00 : f32
    %max3A_35 = vector.broadcast %max3A_34 : f32 to vector<8000x128xf32>
    %max3A_36 = arith.maximumf %add3A_33, %max3A_35 : vector<8000x128xf32>
    %get3A_37 = arith.constant 0 : index
    %get3A_38 = arith.constant 0 : index
    %get3A_39 = vector.load %arg5[%get3A_37, %get3A_38] : memref<128x128xf32, #tpu.memory_space<vmem>>, vector<128x128xf32>
    %dot_general3A = arith.constant dense<0.000000e+00> : vector<8000x128xf32>
    %dot_general3A_40 = tpu.matmul %max3A_36, %get3A_39, %dot_general3A {dimension_numbers = #tpu.dot_dimension_numbers<[1], [0], [0], [1], [0, 0, 1, 1], [], []>, transpose_lhs_hint = false} : vector<8000x128xf32>, vector<128x128xf32>, vector<8000x128xf32> -> vector<8000x128xf32>
    %get3A_41 = arith.constant 0 : index
    %get3A_42 = arith.constant 0 : index
    %get3A_43 = vector.load %arg6[%get3A_41, %get3A_42] : memref<1x128xf32, #tpu.memory_space<vmem>>, vector<1x128xf32>
    %add3A_44 = vector.broadcast %get3A_43 : vector<1x128xf32> to vector<8000x128xf32>
    %add3A_45 = arith.addf %dot_general3A_40, %add3A_44 : vector<8000x128xf32>
    %swap3A = arith.constant 0 : index
    %swap3A_46 = arith.constant 0 : index
    %swap3A_47 = vector.load %arg7[%swap3A, %swap3A_46] : memref<8000x128xf32, #tpu.memory_space<vmem>>, vector<8000x128xf32>
    tpu.vector_store %arg7[%swap3A, %swap3A_46], %add3A_45 {strides = array<i32>} : memref<8000x128xf32, #tpu.memory_space<vmem>>, vector<8000x128xf32>,
    return
  }
  func.func @transform_0(%arg0: i32) -> (i32, i32) {
    %c0_i32 = arith.constant 0 : i32
    %c0_i32_0 = arith.constant 0 : i32
    return %arg0, %c0_i32 : i32, i32
  }
  func.func @transform_1(%arg0: i32) -> (i32, i32) {
    %c0_i32 = arith.constant 0 : i32
    %c0_i32_0 = arith.constant 0 : i32
    return %arg0, %c0_i32 : i32, i32
  }
  func.func @transform_2(%arg0: i32) -> (i32, i32) {
    %c0_i32 = arith.constant 0 : i32
    %c0_i32_0 = arith.constant 0 : i32
    %c0_i32_1 = arith.constant 0 : i32
    return %c0_i32, %c0_i32_0 : i32, i32
  }
  func.func @transform_3(%arg0: i32) -> (i32, i32) {
    %c0_i32 = arith.constant 0 : i32
    %c0_i32_0 = arith.constant 0 : i32
    %c0_i32_1 = arith.constant 0 : i32
    return %c0_i32, %c0_i32_0 : i32, i32
  }
  func.func @transform_4(%arg0: i32) -> (i32, i32) {
    %c0_i32 = arith.constant 0 : i32
    %c0_i32_0 = arith.constant 0 : i32
    %c0_i32_1 = arith.constant 0 : i32
    return %c0_i32, %c0_i32_0 : i32, i32
  }
  func.func @transform_5(%arg0: i32) -> (i32, i32) {
    %c0_i32 = arith.constant 0 : i32
    %c0_i32_0 = arith.constant 0 : i32
    %c0_i32_1 = arith.constant 0 : i32
    return %c0_i32, %c0_i32_0 : i32, i32
  }
  func.func @transform_6(%arg0: i32) -> (i32, i32) {
    %c0_i32 = arith.constant 0 : i32
    %c0_i32_0 = arith.constant 0 : i32
    return %arg0, %c0_i32 : i32, i32
  }
}

module attributes {stable_mosaic.version = 14 : i64} {
  func.func @body(%arg0: memref<2500x128xf32, #tpu.memory_space<vmem>>, %arg1: memref<2500x128xf32, #tpu.memory_space<vmem>>, %arg2: memref<1x128xf32, #tpu.memory_space<vmem>>, %arg3: memref<2500x128xf32, #tpu.memory_space<vmem>>) attributes {dimension_semantics = [], scalar_prefetch = 0 : i64, scratch_operands = 0 : i64, tpu.core_type = #tpu.core_type<tc>} {
    %get3A = arith.constant 0 : index
    %get3A_0 = arith.constant 0 : index
    %get3A_1 = vector.load %arg0[%get3A, %get3A_0] : memref<2500x128xf32, #tpu.memory_space<vmem>>, vector<2500x128xf32>
    %get3A_2 = arith.constant 0 : index
    %get3A_3 = arith.constant 0 : index
    %get3A_4 = vector.load %arg1[%get3A_2, %get3A_3] : memref<2500x128xf32, #tpu.memory_space<vmem>>, vector<2500x128xf32>
    %add3A = arith.addf %get3A_1, %get3A_4 : vector<2500x128xf32>
    %get3A_5 = arith.constant 0 : index
    %get3A_6 = arith.constant 0 : index
    %get3A_7 = vector.load %arg2[%get3A_5, %get3A_6] : memref<1x128xf32, #tpu.memory_space<vmem>>, vector<1x128xf32>
    %add3A_8 = vector.broadcast %get3A_7 : vector<1x128xf32> to vector<2500x128xf32>
    %add3A_9 = arith.addf %add3A, %add3A_8 : vector<2500x128xf32>
    %swap3A = arith.constant 0 : index
    %swap3A_10 = arith.constant 0 : index
    %swap3A_11 = vector.load %arg3[%swap3A, %swap3A_10] : memref<2500x128xf32, #tpu.memory_space<vmem>>, vector<2500x128xf32>
    tpu.vector_store %arg3[%swap3A, %swap3A_10], %add3A_9 {strides = array<i32>} : memref<2500x128xf32, #tpu.memory_space<vmem>>, vector<2500x128xf32>,
    return
  }
}

</mosaic_0001>

<sc_bundles>
// kernel: kernel.16.cloned.1.call-start
scs
__scs_entry_jumppad:
0x0: {  	(pc) =	sbr.rel $0x88, $3  }
0x1: {  	(tag) =	ssettag $0x0;
	lr =	simm.s32 $0x1  }
0x2: {  	[smem:$0x3F8B] =	sst lr;
	_ =	strace $0xD0000000  }
0x3: {  	_ = 	snop  }
0x4: {  	_ = 	snop  }
0x5: {  	_ = 	snop  }
0x6: {  	_ = 	snop  }
0x7: {  	_ = 	snop  }
__scs_overlays_trampoline_lowered:
0x8: {  	[smem:$0x3F9A] =	sst s0  }
0x9: {  	[smem:$0x3F9B] =	sst s1  }
0xa: {  	[smem:$0x3F9C] =	sst s2  }
0xb: {  	[smem:$0x3F9D] =	sst s3  }
0xc: {  	[smem:$0x3F9E] =	sst s4  }
0xd: {  	[smem:$0x3F9F] =	sst s5  }
0xe: {  	[smem:$0x3FA0] =	sst s6  }
0xf: {  	[smem:$0x3FA1] =	sst s7  }
0x10: {  	[smem:$0x3FA2] =	sst s8  }
0x11: {  	[smem:$0x3FA3] =	sst s9;
	s0 =	simm.s32 @!p0 $0x0  }
0x12: {  	s1 =	sld [smem:$0x3F89];
	s0 =	simm.s32 @p0 $0x1  }
0x13: {  	[smem:$0x3FA4] =	sst s0;
	s0 =	simm.s32 @!p1 $0x0  }
0x14: {  	s2 =	sld [smem:$0x3F88];
	s0 =	simm.s32 @p1 $0x1  }
0x15: {  	[smem:$0x3FA5] =	sst s0;
	s0 =	simm.s32 @!p2 $0x0  }
0x16: {  	s3 =	sld [smem:$0x3FDB];
	s0 =	simm.s32 @p2 $0x1  }
0x17: {  	s4 =	simm.s32 $0x1BF5;
	[smem:$0x3FA7] =	sst s0  }
0x18: {  	s0 =	sld [smem:$0x3F8A];
	_ =	swait.ge [sflag:s4], $0x0  }
0x19: {  	s7 =	sld [smem:$0x3F8B]  }
0x1a: {  	s8 =	sadd.s32 $0xFFFFE003, lr  }
0x1b: {  	s9 =	sadd.s32 $0xFFFFFEF7, lr;
	s5 =	simm.s32 $0xFFFFFFFF;
	p2 =	slt.u32 s8, $0xFFFFF086  }
0x1c: {  	p1 =	slt.u32 s9, $0xF7A;
	s5 =	simm.s32 @!p2 $0x0  }
0x1d: {  	s5 =	simm.s32 @p1 $0x1;
	p0 =	seq.s32 s7, s2  }
0x1e: {  	s7 =	smul.u32 @!p0 $0xF7A, s2;
	p2 =	seq.s32 @!p0 s5, $0x0  }
0x1f: {  	s9 =	smul.u32 $0xF7A, s1;
	s8 =	simm.s32 @!p0 $0x1BF5;
	p2 =	por !p2, p0  }
0x20: {  	[sflag:s8] =	ssyncset.s32 @!p0 $0xFFFFF086;
	s6 =	sadd.s32 @!p0 s3, s7;
	s7 =	simm.s32 @!p0 $0x108  }
0x21: {  	s3 =	sadd.s32 s3, s9;
	s6 =	sadd.s32 @!p0 $0x88, s6;
	s7 =	simm.s32 @p2 $0x1082  }
0x22: {  	[simem:s7], [sflag:s8] =	dma.local @!p0 [hbm:s6], $0xF7A  }
0x23: {  	s9 =	sor.u32 $0xD0000000, s2;
	s6 =	simm.s32 $0x108;
	_ =	swait.ge @!p0 [sflag:s8], $0x0  }
0x24: {  	s3 =	sadd.s32 $0x88, s3;
	s6 =	simm.s32 @!p1 $0x1082;
	[sflag:s4] =	ssyncset.s32 $0xFFFFF086  }
0x25: {  	[simem:s6], [sflag:s4] =	dma.local [hbm:s3], $0xF7A  }
0x26: {  	[smem:$0x3F8B] =	sst s1;
	(tag) =	ssettag s2;
	_ =	strace s9  }
0x27: {  	s1 =	sld [smem:$0x3F9B]  }
0x28: {  	s2 =	sld [smem:$0x3F9C]  }
0x29: {  	s4 =	sld [smem:$0x3F9E]  }
0x2a: {  	p0 =	seq.s32 s5, $0x0;
	s5 =	sld [smem:$0x3F9F]  }
0x2b: {  	s6 =	sld [smem:$0x3FA0]  }
0x2c: {  	s7 =	sld [smem:$0x3FA1]  }
0x2d: {  	s3 =	simm.s32 $0x108;
	s8 =	sld [smem:$0x3FA2]  }
0x2e: {  	s3 =	simm.s32 @!p0 $0x1082;
	s9 =	sld [smem:$0x3FA3]  }
0x2f: {  	lr =	sadd.s32 s0, s3;
	s0 =	sld [smem:$0x3F9A]  }
0x30: {  	s3 =	sld [smem:$0x3F9D]  }
0x31: {  	[smem:$0x3FA6] =	sst s10  }
0x32: {  	s10 =	sld [smem:$0x3FA4];
	_ =	sdelay $0x3  }
0x33: {  	p0 =	seq.s32 s10, $0x1;
	s10 =	sld [smem:$0x3FA6];
	_ =	sdelay $0x3  }
0x34: {  	[smem:$0x3FA6] =	sst s10  }
0x35: {  	s10 =	sld [smem:$0x3FA5];
	_ =	sdelay $0x3  }
0x36: {  	p1 =	seq.s32 s10, $0x1;
	s10 =	sld [smem:$0x3FA6];
	_ =	sdelay $0x3  }
0x37: {  	[smem:$0x3FA6] =	sst s10  }
0x38: {  	s10 =	sld [smem:$0x3FA7]  }
0x39: {  	_ = 	snop;
	(pc) =	sbr.ind lr, $3  }
0x3a: {  	_ = 	snop  }
0x3b: {  	_ = 	snop  }
0x3c: {  	p2 =	seq.s32 s10, $0x1;
	s10 =	sld [smem:$0x3FA6]  }
0x3d: {  	_ =	shalt  }
0x3e: {  	_ =	shalt  }
0x3f: {  	_ =	shalt  }
0x40: {  	_ =	shalt  }
0x41: {  	_ =	shalt  }
0x42: {  	_ =	shalt  }
0x43: {  	_ =	shalt  }
0x44: {  	_ =	shalt  }
0x45: {  	_ =	shalt  }
0x46: {  	_ =	shalt  }
0x47: {  	_ =	shalt  }
0x48: {  	_ =	shalt  }
0x49: {  	_ =	shalt  }
0x4a: {  	_ =	shalt  }
0x4b: {  	_ =	shalt  }
0x4c: {  	_ =	shalt  }
0x4d: {  	_ =	shalt  }
0x4e: {  	_ =	shalt  }
0x4f: {  	_ =	shalt  }
0x50: {  	_ =	shalt  }
0x51: {  	_ =	shalt  }
0x52: {  	_ =	shalt  }
0x53: {  	_ =	shalt  }
0x54: {  	_ =	shalt  }
0x55: {  	_ =	shalt  }
0x56: {  	_ =	shalt  }
0x57: {  	_ =	shalt  }
0x58: {  	_ =	shalt  }
0x59: {  	_ =	shalt  }
0x5a: {  	_ =	shalt  }
0x5b: {  	_ =	shalt  }
0x5c: {  	_ =	shalt  }
0x5d: {  	_ =	shalt  }
0x5e: {  	_ =	shalt  }
0x5f: {  	_ =	shalt  }
0x60: {  	_ =	shalt  }
0x61: {  	_ =	shalt  }
0x62: {  	_ =	shalt  }
0x63: {  	_ =	shalt  }
0x64: {  	_ =	shalt  }
0x65: {  	_ =	shalt  }
0x66: {  	_ =	shalt  }
0x67: {  	_ =	shalt  }
0x68: {  	_ =	shalt  }
0x69: {  	_ =	shalt  }
0x6a: {  	_ =	shalt  }
0x6b: {  	_ =	shalt  }
0x6c: {  	_ =	shalt  }
0x6d: {  	_ =	shalt  }
0x6e: {  	_ =	shalt  }
0x6f: {  	_ =	shalt  }
0x70: {  	_ =	shalt  }
0x71: {  	_ =	shalt  }
0x72: {  	_ =	shalt  }
0x73: {  	_ =	shalt  }
0x74: {  	_ =	shalt  }
0x75: {  	_ =	shalt  }
0x76: {  	_ =	shalt  }
0x77: {  	_ =	shalt  }
0x78: {  	_ =	shalt  }
0x79: {  	_ =	shalt  }
0x7a: {  	_ =	shalt  }
0x7b: {  	_ =	shalt  }
0x7c: {  	_ =	shalt  }
0x7d: {  	_ =	shalt  }
0x7e: {  	_ =	shalt  }
0x7f: {  	_ =	shalt  }
0x80: {  	_ =	shalt  }
0x81: {  	_ =	shalt  }
0x82: {  	_ =	shalt  }
0x83: {  	_ =	shalt  }
0x84: {  	_ =	shalt  }
0x85: {  	_ =	shalt  }
0x86: {  	_ =	shalt  }
0x87: {  	_ =	shalt  }
.Lfunc_end0:
.L_simem_size_0:
called_computation_lowered:
.L_overlay_start_0:
0x88: {  	s2 =	sld [smem:$0x3FD9]  }
0x89: {  	s3 =	sld [smem:$0x3FFE];
	_ =	sdelay $0x1  }
0x8a: {  	s1 =	srdreg.scid  }
0x8b: {  	s0 =	sand.u32 $0x1, s1  }
0x8c: {  	s15 =	sshll.u32 s0, $0xA;
	s2 =	sadd.s32 s3, s2  }
0x8d: {  	s2 =	sadd.s32 s2, s15  }
0x8e: {  	[smem:$0x3FB2] =	sst s2  }
0x8f: {  	_ = 	snop  }
0x90: {  	s16 =	sld [smem:$0x3FD0];
	_ =	sdelay $0x2  }
0x91: {  	s4 =	simm.s32 $0xB;
	s5 =	simm.s32 $0x10;
	s2 =	sld [smem:$0x3FC5]  }
0x92: {  	[smem:s5], [sflag:s4] =	dma.local [hbm:s16], $0x1  }
0x93: {  	_ =	swait.eq [sflag:s4], $0x1  }
0x94: {  	[sflag:s4] =	ssyncset.done $0x0  }
0x95: {  	[sflag:s4] =	ssyncadd.s32 $0xFFFFFFFF  }
0x96: {  	s17 =	sld [smem:$0x11];
	(tm) =	ssettm $0x1  }
0x97: {  	s18 =	sld [smem:$0x3FFB];
	_ =	sdelay $0x3  }
0x98: {  	_ =	strace s18  }
0x99: {  	s3 =	sld [smem:$0x3FFC];
	_ =	sdelay $0x3  }
0x9a: {  	_ =	strace s3  }
0x9b: {  	s3 =	sld [smem:$0x3FFD];
	_ =	sdelay $0x3  }
0x9c: {  	_ =	strace s3  }
0x9d: {  	_ =	strace $0x8FFFFFFF  }
0x9e: {  	s19 =	sld [smem:$0x3FDB];
	_ =	sdelay $0x1  }
0x9f: {  	s20 =	simm.s32 $_scs_section_size  }
0xa0: {  	s6 =	simm.s32 $_size__tile_overlayer_lowered;
	s7 =	simm.s32 $_tile_overlayer_lowered  }
0xa1: {  	s8 =	simm.s32 $0x1BFF;
	s21 =	sshll.u32 s7, $0x1;
	s5 =	sadd.s32 s20, s19  }
0xa2: {  	s22 =	simm.s32 $0x0;
	s6 =	sshll.u32 s6, $0x1;
	s7 =	sadd.s32 s21, s5  }
0xa3: {  	[timem:s22], [sflag:s8] =	dma.local [hbm:s7], s6  }
0xa4: {  	_ =	swait.ge [sflag:s8], s6  }
0xa5: {  	s6 =	ssub.s32 $0x0, s6;
	[sflag:s8] =	ssyncset.done $0x0  }
0xa6: {  	[sflag:s8] =	ssyncadd.s32 s6;
	_ =	sdelay $0x1  }
0xa7: {  	s23 =	simm.s32 $0x1B8B  }
0xa8: {  	_ =	swait.ge [sflag:s23], $0x1  }
0xa9: {  	[sflag:s23] =	ssyncset.done $0x0  }
0xaa: {  	[sflag:s23] =	ssyncadd.s32 $0xFFFFFFFF  }
0xab: {  	s6 =	sld [smem:$0x0]  }
0xac: {  	s7 =	sand.u32 $0xFFFFFFFE, s1  }
0xad: {  	p0 =	sne.s32 s1, s7  }
0xae: {  	s7 =	sshll.u32 @p0 s7, $0xE  }
0xaf: {  	s7 =	sadd.s32 @p0 $0x11B8D, s7;
	s8 =	sshll.u32 @p0 s6, $0x11  }
0xb0: {  	s7 =	sor.u32 @p0 s8, s7  }
0xb1: {  	[sflag:s7] =	ssyncadd.remote.s32 @p0 $0x1;
	_ =	sdelay $0x1  }
0xb2: {  	s7 =	simm.s32 @p0 $0x1B8D  }
0xb3: {  	_ =	swait.eq @p0 [sflag:s7], $0x1  }
0xb4: {  	[sflag:s7] =	ssyncadd.s32 @p0 $0xFFFFFFFF  }
0xb5: {  	s8 =	sshll.u32 @!p0 s1, $0xE  }
0xb6: {  	s8 =	sor.u32 @!p0 $0x4000, s8;
	s7 =	simm.s32 @!p0 $0x1B8D  }
0xb7: {  	s6 =	sshll.u32 @!p0 s6, $0x11;
	s8 =	sadd.s32 @!p0 $0x11B8D, s8;
	_ =	swait.eq @!p0 [sflag:s7], $0x1  }
0xb8: {  	s6 =	sor.u32 @!p0 s6, s8;
	[sflag:s7] =	ssyncadd.s32 @!p0 $0xFFFFFFFF  }
0xb9: {  	s25 =	simm.s32 $0x1B8E;
	s24 =	sld [smem:$0x3FFE];
	[sflag:s6] =	ssyncadd.remote.s32 @!p0 $0x1  }
0xba: {  	s26 =	simm.s32 $execute0_lowered;
	[smem:$0x3FD2] =	sst s25  }
0xbb: {  	s7 =	sshll.u32 s26, $0x1;
	_ =	strace $0x8000004F;
	[dreg:$0x1] =	wrdreg $0xFFFFFFFF  }
0xbc: {  	s28 =	simm.s32 $_size_execute0_lowered;
	s5 =	sadd.s32 s5, s7;
	[dreg:$0x0] =	wrdreg $0x0  }
0xbd: {  	s7 =	sshll.u32 s28, $0x1;
	[dreg:$0x2] =	wrdreg s5  }
0xbe: {  	[dreg:$0x3] =	wrdreg s7  }
0xbf: {  	[dreg:$0x4] =	wrdreg $0xC0  }
0xc0: {  	_ =	task [dreg:s22], $0x5FFFF  }
0xc1: {  	[dreg:$0x1] =	wrdreg $0xFFFFFFFF  }
0xc2: {  	[dreg:$0x0] =	wrdreg $0x60  }
0xc3: {  	[dreg:$0x2] =	wrdreg s24  }
0xc4: {  	[dreg:$0x3] =	wrdreg s2  }
0xc5: {  	[dreg:$0x4] =	wrdreg s17  }
0xc6: {  	[dreg:$0x5] =	wrdreg $0x28800  }
0xc7: {  	[dreg:$0x6] =	wrdreg $0x9  }
0xc8: {  	_ =	task.clear_ibuf [dreg:s22], $0x7FFFF;
	_ =	strace $0x9000004F  }
0xc9: {  	s29 =	simm.s32 $0x9;
	_ =	strace $0x80000051  }
0xca: {  	_ =	swait.ge [sflag:s29], $0x1  }
0xcb: {  	[sflag:s29] =	ssyncadd.s32 $0xFFFFFFFF  }
0xcc: {  	_ =	strace $0x90000051  }
0xcd: {  	_ =	sfence  }
0xce: {  	s30 =	sld [smem:$0x0];
	_ =	sdelay $0x2  }
0xcf: {  	s31 =	sshll.u32 s1, $0xD;
	s1 =	sshrl.u32 s1, $0x2  }
0xd0: {  	s4 =	sand.u32 $0x4000, s31;
	s1 =	sadd.s32 s1, s30  }
0xd1: {  	s0 =	sor.u32 s4, s0;
	s1 =	sshll.u32 s1, $0x11  }
0xd2: {  	s0 =	sor.u32 s1, s0  }
0xd3: {  	s0 =	sadd.s32 $0x8F2B, s0  }
0xd4: {  	[sflag:s0] =	ssyncadd.remote.s32 $0x1  }
0xd5: {  	_ =	sfence.sel $0xFFFF  }
0xd6: {  	[dreg:$0x0] =	wrdreg $0xFFFFFFFF;
	(pc) =	sbr.abs _section_cstart, $3  }
0xd7: {  	[dreg:$0x1] =	wrdreg $0xFFFFFFFF  }
0xd8: {  	_ =	task.clear_ibuf [dreg:s22], $0x2FFFF;
	_ =	strace $0x9FFFFFFF  }
0xd9: {  	(tm) =	ssettm $0x7FFFFFFF  }
tec
execute0_lowered:
.L_overlay_start_1:
0x0: {  	(tag) =	ssettag $0x1  }
0x1: {  	s9 =	rddreg [dreg:$0x0]  }
0x2: {  	s1 =	rddreg [dreg:$0x1]  }
0x3: {  	s2 =	rddreg [dreg:$0x2]  }
0x4: {  	s3 =	rddreg [dreg:$0x3]  }
0x5: {  	s18 =	stileid.u32;
	s0 =	rddreg [dreg:$0x4];
	s4 =	simm.s32 $0x0  }
0x6: {  	s6 =	srdreg.scid;
	s22 =	simm.s32 $0x1;
	s23 =	simm.s32 $0x0  }
0x7: {  	s5 =	smul.u32 $0x500, s18;
	s14 =	sand.u32 $0x1, s6;
	s6 =	sadd.s32 $0xA28C00, s9  }
0x8: {  	[smem:$0x7FF] =	sst s4;
	s7 =	sadd.s32 $0xA52600, s9;
	s13 =	smul.u32 $0xA, s18  }
0x9: {  	s8 =	sadd.s32 $0xA5C400, s9;
	s15 =	sshll.u32 s18, $0x1;
	s16 =	smul.u32 $0xA0, s18  }
0xa: {  	s30 =	ssub.s32 $0x8C, s18;
	s20 =	smul.u32 $0x5000, s18;
	p0 =	sne.s32 s18, $0x0  }
0xb: {  	_ =	strace $0x80000050;
	s10 =	ssub.s32 $0x2, s14;
	s17 =	smul.u32 $0x50, s14  }
0xc: {  	s19 =	sor.u32 s15, s14;
	s21 =	smul.u32 $0x2800, s14;
	s18 =	sshrl.u32 @!p0 s3, $0x3  }
0xd: {  	s12 =	sadd.s32 s5, s9;
	s5 =	sadd.s32 $0xA2A000, s9;
	s11 =	sshrl.u32 s10, $0x1  }
0xe: {  	s9 =	sadd.s32 $0xA83600, s9;
	s13 =	sadd.s32 s13, s1;
	s15 =	ssub.s32 $0x9C, s19  }
0xf: {  	s31 =	ssub.s32 $0x213, s19;
	s19 =	simm.s32 $0x2;
	s11 =	ssub.s32 s10, s11  }
0x10: {  	s10 =	sshrl.u32 s30, $0x4;
	s12 =	sadd.s32 $0xA2B400, s12;
	s14 =	sshrl.u32 s15, $0x5  }
0x11: {  	s15 =	sadd.s32 s17, s16;
	s16 =	sadd.s32 s21, s20;
	s17 =	sshrl.u32 s31, $0x5  }
0x12: {  	s20 =	simm.s32 $0x80;
	s21 =	simm.s32 $0x50;
	s11 =	smax.u32 s11, $0x1  }
.LBB2_1:
0x13: {  	s24 =	simm.s32 @!p0 $0x1C02  }
0x14: {  	[spmem:s18], [sflag:s24] =	dma.local @!p0 [hbm:s7], $0x9C40  }
0x15: {  	s24 =	simm.s32 @!p0 $0x2  }
0x16: {  	_ =	swait.ge @!p0 [sflag:s24], $0x9C40  }
0x17: {  	[sflag:s24] =	ssyncset.done @!p0 $0x0  }
0x18: {  	[sflag:s24] =	ssyncadd.s32 @!p0 $0xFFFF63C0  }
0x19: {  	[bflag:$0x0] =	sbarrier.arrive $0xFFFF  }
0x1a: {  	[tilespmem:s4], [sflag:$0x2] =	stream.linear.gather [hbm4b:s13+s4], $0x50, $0x38;
	[tilespmem:$0x76A0] =	vst v63  }
0x1b: {  	_ =	swait.ge [sflag:s19], $0x50  }
0x1c: {  	[sflag:s19] =	ssyncset.done $0x0  }
0x1d: {  	[sflag:s19] =	ssyncadd.s32 $0xFFFFFFB0  }
0x1e: {  	[tilespmem:s20], [sflag:$0x2] =	stream.linear.gather [hbm4b:s12+s4], $0x2800, $0x38;
	[tilespmem:$0x76A0] =	vst v63  }
0x1f: {  	p1 =	sne.s32 s10, $0x1;
	_ =	swait.ge [sflag:s19], $0x2800  }
.Ltmp0:
0x20: {  	[sflag:s19] =	ssyncset.done $0x0;
	(pc) =	sbr.rel @!p1 .LBB2_3-.Ltmp0, $4  }
0x21: {  	[sflag:s19] =	ssyncadd.s32 $0xFFFFD800  }
0x22: {  	[spmem:s3] =	stream.indirect.scatter.add.f32 [tilespmem:s20], [sflag:$0x2], $0x80, s4, s21, $0xb8;
	[tilespmem:$0x76A0] =	vst v63  }
0x23: {  	s25 =	smov.u32 s12;
	_ =	swait.ge [sflag:s19], $0x2800  }
0x24: {  	s26 =	smov.u32 s13;
	s24 =	sadd.s32 $0xFFFFFFFF, s10;
	[sflag:s19] =	ssyncset.done $0x0  }
.LBB2_2:
0x25: {  	[sflag:s19] =	ssyncadd.s32 $0xFFFFD800;
	s25 =	sadd.s32 $0x5000, s25;
	s26 =	sadd.s32 $0xA0, s26  }
0x26: {  	[tilespmem:s4], [sflag:$0x2] =	stream.linear.gather [hbm4b:s26+s4], $0x50, $0x38;
	[tilespmem:$0x76A0] =	vst v63  }
0x27: {  	p1 =	sne.s32 s24, $0x1;
	s24 =	sadd.s32 $0xFFFFFFFF, s24;
	_ =	swait.ge [sflag:s19], $0x50  }
0x28: {  	[sflag:s19] =	ssyncset.done $0x0  }
0x29: {  	[sflag:s19] =	ssyncadd.s32 $0xFFFFFFB0  }
0x2a: {  	[tilespmem:s20], [sflag:$0x2] =	stream.linear.gather [hbm4b:s25+s4], $0x2800, $0x38;
	[tilespmem:$0x76A0] =	vst v63  }
0x2b: {  	_ =	swait.ge [sflag:s19], $0x2800  }
.Ltmp1:
0x2c: {  	[sflag:s19] =	ssyncset.done $0x0;
	(pc) =	sbr.rel @p1 .LBB2_2-.Ltmp1, $4  }
0x2d: {  	[sflag:s19] =	ssyncadd.s32 $0xFFFFD800  }
0x2e: {  	[spmem:s3] =	stream.indirect.scatter.add.f32 [tilespmem:s20], [sflag:$0x2], $0x80, s4, s21, $0xb8;
	[tilespmem:$0x76A0] =	vst v63  }
0x2f: {  	_ =	swait.ge [sflag:s19], $0x2800  }
0x30: {  	[sflag:s19] =	ssyncset.done $0x0  }
.LBB2_3:
0x31: {  	p3 =	sne.s32 s14, $0x1  }
.Ltmp2:
0x32: {  	_ = 	snop;
	(pc) =	sbr.rel @!p3 .LBB2_7-.Ltmp2, $4  }
0x33: {  	_ = 	snop  }
0x34: {  	[sflag:s19] =	ssyncadd.s32 $0xFFFFD800;
	s24 =	sshrl.u32 s15, $0x3  }
0x35: {  	s26 =	sadd.s32 $0xFFFFFFFF, s14;
	p1 =	por $0x0, $0x0;
	[bflag:$0x0] =	sbarrier.arrive $0xFFFF  }
0x36: {  	s25 =	smov.u32 s16;
	p2 =	por $0x0, $0x0;
	s29 =	smov.u32 s24  }
0x37: {  	s25 =	sadd.s32 s1, s24  }
0x38: {  	[tilespmem:s4], [sflag:$0x2] =	stream.linear.gather [hbm4b:s25+s4], $0x50, $0x38;
	[tilespmem:$0x76A0] =	vst v63  }
0x39: {  	_ =	swait.ge [sflag:s19], $0x50  }
0x3a: {  	[sflag:s19] =	ssyncset.done $0x0  }
0x3b: {  	[sflag:s19] =	ssyncadd.s32 $0xFFFFFFB0  }
0x3c: {  	[tilespmem:s20], [sflag:$0x1] =	stream.indirect.gather [spmem:s3], $0x80, s4, s21, $0xb8;
	[tilespmem:$0x76A0] =	vst v63  }
0x3d: {  	p3 =	sne.s32 s26, $0x1;
	_ =	swait.ge [sflag:s22], $0x2800  }
.Ltmp3:
0x3e: {  	s31 =	sshrl.u32 s16, $0x3;
	[sflag:s22] =	ssyncset.done $0x0;
	(pc) =	sbr.rel @!p3 .LBB2_5-.Ltmp3, $4  }
0x3f: {  	s26 =	sadd.s32 $0xFFFFFFFF, s26;
	s25 =	sadd.s32 s8, s31;
	[sflag:s22] =	ssyncadd.s32 $0xFFFFD800  }
0x40: {  	[hbm4b:s25+s4] =	stream.linear.scatter [tilespmem:s20], [sflag:$0x2], $0x2800, $0x38;
	[tilespmem:$0x76A0] =	vst v63  }
0x41: {  	s28 =	sadd.s32 $0xA00, s15;
	p2 =	por $0x1, $0x1;
	_ =	swait.ge [sflag:s19], $0x2800  }
0x42: {  	s29 =	sshrl.u32 s28, $0x3;
	s25 =	smov.u32 s16;
	[sflag:s19] =	ssyncset.done $0x0  }
.LBB2_6:
0x43: {  	s29 =	sadd.s32 s1, s29;
	[sflag:s19] =	ssyncadd.s32 $0xFFFFD800;
	s25 =	sadd.s32 $0x50000, s25  }
0x44: {  	[tilespmem:s4], [sflag:$0x2] =	stream.linear.gather [hbm4b:s29+s4], $0x50, $0x38;
	[tilespmem:$0x76A0] =	vst v63  }
0x45: {  	p3 =	sne.s32 s26, $0x1;
	s26 =	sadd.s32 $0xFFFFFFFF, s26;
	_ =	swait.ge [sflag:s19], $0x50  }
0x46: {  	[sflag:s19] =	ssyncset.done $0x0  }
0x47: {  	[sflag:s19] =	ssyncadd.s32 $0xFFFFFFB0  }
0x48: {  	[tilespmem:s20], [sflag:$0x1] =	stream.indirect.gather [spmem:s3], $0x80, s4, s21, $0xb8;
	[tilespmem:$0x76A0] =	vst v63  }
0x49: {  	_ =	swait.ge [sflag:s22], $0x2800  }
.Ltmp4:
0x4a: {  	s29 =	sshrl.u32 s25, $0x3;
	[sflag:s22] =	ssyncset.done $0x0;
	(pc) =	sbr.rel @p3 .LBB2_6-.Ltmp4, $4  }
0x4b: {  	s29 =	sadd.s32 s8, s29;
	[sflag:s22] =	ssyncadd.s32 $0xFFFFD800  }
0x4c: {  	[hbm4b:s29+s4] =	stream.linear.scatter [tilespmem:s20], [sflag:$0x2], $0x2800, $0x38;
	[tilespmem:$0x76A0] =	vst v63  }
0x4d: {  	s28 =	sadd.s32 $0xA00, s28;
	_ =	swait.ge [sflag:s19], $0x2800  }
0x4e: {  	s29 =	sshrl.u32 s28, $0x3;
	[sflag:s19] =	ssyncset.done $0x0  }
.LBB2_7:
0x4f: {  	s26 =	sadd.s32 s1, s29;
	[sflag:s19] =	ssyncadd.s32 @p2 $0xFFFFD800  }
0x50: {  	[tilespmem:s4], [sflag:$0x2] =	stream.linear.gather [hbm4b:s26+s4], $0x50, $0x38;
	[tilespmem:$0x76A0] =	vst v63  }
0x51: {  	_ =	swait.ge [sflag:s19], $0x50  }
0x52: {  	[sflag:s19] =	ssyncset.done $0x0  }
0x53: {  	s25 =	sadd.s32 @p2 $0x50000, s25;
	s26 =	smov.u32 s16;
	[sflag:s19] =	ssyncadd.s32 $0xFFFFFFB0  }
0x54: {  	[tilespmem:s20], [sflag:$0x1] =	stream.indirect.gather [spmem:s3], $0x80, s4, s21, $0xb8;
	[tilespmem:$0x76A0] =	vst v63  }
0x55: {  	s26 =	smov.u32 @p2 s25;
	_ =	swait.ge [sflag:s22], $0x2800  }
0x56: {  	p2 =	sne.s32 s17, $0x1;
	s25 =	sshrl.u32 s26, $0x3;
	[sflag:s22] =	ssyncset.done $0x0  }
.Ltmp5:
0x57: {  	s25 =	sadd.s32 s8, s25;
	[sflag:s22] =	ssyncadd.s32 $0xFFFFD800;
	(pc) =	sbr.rel @!p2 .LBB2_11-.Ltmp5, $4  }
0x58: {  	[hbm4b:s25+s4] =	stream.linear.scatter [tilespmem:s20], [sflag:$0x2], $0x2800, $0x38;
	[tilespmem:$0x76A0] =	vst v63  }
0x59: {  	_ =	swait.ge [sflag:s19], $0x2800  }
0x5a: {  	s30 =	smov.u32 s24;
	[sflag:s19] =	ssyncset.done $0x0  }
0x5b: {  	s26 =	smov.u32 s16;
	s25 =	sadd.s32 $0xFFFFFFFF, s17;
	[sflag:s19] =	ssyncadd.s32 $0xFFFFD800  }
0x5c: {  	s26 =	sadd.s32 s5, s24  }
0x5d: {  	[tilespmem:s4], [sflag:$0x2] =	stream.linear.gather [hbm4b:s26+s4], $0x50, $0x38;
	[tilespmem:$0x76A0] =	vst v63  }
0x5e: {  	_ =	swait.ge [sflag:s19], $0x50  }
0x5f: {  	[sflag:s19] =	ssyncset.done $0x0  }
0x60: {  	[sflag:s19] =	ssyncadd.s32 $0xFFFFFFB0  }
0x61: {  	[tilespmem:s20], [sflag:$0x1] =	stream.indirect.gather [spmem:s3], $0x80, s4, s21, $0xb8;
	[tilespmem:$0x76A0] =	vst v63  }
0x62: {  	p3 =	sne.s32 s25, $0x1;
	_ =	swait.ge [sflag:s22], $0x2800  }
.Ltmp6:
0x63: {  	s31 =	sshrl.u32 s16, $0x3;
	[sflag:s22] =	ssyncset.done $0x0;
	(pc) =	sbr.rel @!p3 .LBB2_9-.Ltmp6, $4  }
0x64: {  	s28 =	sadd.s32 $0xFFFFFFFF, s25;
	s26 =	sadd.s32 s2, s31;
	[sflag:s22] =	ssyncadd.s32 $0xFFFFD800  }
0x65: {  	[hbm4b:s26+s4] =	stream.linear.scatter [tilespmem:s20], [sflag:$0x2], $0x2800, $0x38;
	[tilespmem:$0x76A0] =	vst v63  }
0x66: {  	s29 =	sadd.s32 $0xA00, s15;
	p1 =	por $0x1, $0x1;
	_ =	swait.ge [sflag:s19], $0x2800  }
0x67: {  	s30 =	sshrl.u32 s29, $0x3;
	s26 =	smov.u32 s16;
	[sflag:s19] =	ssyncset.done $0x0  }
.LBB2_10:
0x68: {  	s30 =	sadd.s32 s5, s30;
	[sflag:s19] =	ssyncadd.s32 $0xFFFFD800;
	s26 =	sadd.s32 $0x50000, s26  }
0x69: {  	[tilespmem:s4], [sflag:$0x2] =	stream.linear.gather [hbm4b:s30+s4], $0x50, $0x38;
	[tilespmem:$0x76A0] =	vst v63  }
0x6a: {  	p3 =	sne.s32 s28, $0x1;
	s28 =	sadd.s32 $0xFFFFFFFF, s28;
	_ =	swait.ge [sflag:s19], $0x50  }
0x6b: {  	[sflag:s19] =	ssyncset.done $0x0  }
0x6c: {  	[sflag:s19] =	ssyncadd.s32 $0xFFFFFFB0  }
0x6d: {  	[tilespmem:s20], [sflag:$0x1] =	stream.indirect.gather [spmem:s3], $0x80, s4, s21, $0xb8;
	[tilespmem:$0x76A0] =	vst v63  }
0x6e: {  	_ =	swait.ge [sflag:s22], $0x2800  }
.Ltmp7:
0x6f: {  	s30 =	sshrl.u32 s26, $0x3;
	[sflag:s22] =	ssyncset.done $0x0;
	(pc) =	sbr.rel @p3 .LBB2_10-.Ltmp7, $4  }
0x70: {  	s30 =	sadd.s32 s2, s30;
	[sflag:s22] =	ssyncadd.s32 $0xFFFFD800  }
0x71: {  	[hbm4b:s30+s4] =	stream.linear.scatter [tilespmem:s20], [sflag:$0x2], $0x2800, $0x38;
	[tilespmem:$0x76A0] =	vst v63  }
0x72: {  	s29 =	sadd.s32 $0xA00, s29;
	_ =	swait.ge [sflag:s19], $0x2800  }
0x73: {  	s30 =	sshrl.u32 s29, $0x3;
	[sflag:s19] =	ssyncset.done $0x0  }
.LBB2_11:
0x74: {  	s28 =	sadd.s32 s5, s30;
	[sflag:s19] =	ssyncadd.s32 @p1 $0xFFFFD800  }
0x75: {  	[tilespmem:s4], [sflag:$0x2] =	stream.linear.gather [hbm4b:s28+s4], $0x50, $0x38;
	[tilespmem:$0x76A0] =	vst v63  }
0x76: {  	_ =	swait.ge [sflag:s19], $0x50  }
0x77: {  	[sflag:s19] =	ssyncset.done $0x0  }
0x78: {  	s26 =	sadd.s32 @p1 $0x50000, s26;
	s28 =	smov.u32 s16;
	[sflag:s19] =	ssyncadd.s32 $0xFFFFFFB0  }
0x79: {  	[tilespmem:s20], [sflag:$0x1] =	stream.indirect.gather [spmem:s3], $0x80, s4, s21, $0xb8;
	[tilespmem:$0x76A0] =	vst v63  }
0x7a: {  	s28 =	smov.u32 @p1 s26;
	_ =	swait.ge [sflag:s22], $0x2800  }
0x7b: {  	s26 =	sshrl.u32 s28, $0x3;
	[sflag:s22] =	ssyncset.done $0x0  }
.Ltmp8:
0x7c: {  	s26 =	sadd.s32 s2, s26;
	[sflag:s22] =	ssyncadd.s32 $0xFFFFD800;
	(pc) =	sbr.rel @!p2 .LBB2_12-.Ltmp8, $4  }
0x7d: {  	[hbm4b:s26+s4] =	stream.linear.scatter [tilespmem:s20], [sflag:$0x2], $0x2800, $0x38;
	[tilespmem:$0x76A0] =	vst v63  }
0x7e: {  	_ =	swait.ge [sflag:s19], $0x2800  }
0x7f: {  	[sflag:s19] =	ssyncset.done $0x0  }
0x80: {  	p1 =	por $0x0, $0x0;
	[sflag:s19] =	ssyncadd.s32 $0xFFFFD800  }
0x81: {  	s24 =	sadd.s32 s6, s24  }
0x82: {  	[tilespmem:s4], [sflag:$0x2] =	stream.linear.gather [hbm4b:s24+s4], $0x50, $0x38;
	[tilespmem:$0x76A0] =	vst v63  }
0x83: {  	_ =	swait.ge [sflag:s19], $0x50  }
0x84: {  	[sflag:s19] =	ssyncset.done $0x0  }
0x85: {  	[sflag:s19] =	ssyncadd.s32 $0xFFFFFFB0  }
0x86: {  	[tilespmem:s20], [sflag:$0x1] =	stream.indirect.gather [spmem:s3], $0x80, s4, s21, $0xb8;
	[tilespmem:$0x76A0] =	vst v63  }
0x87: {  	p2 =	sne.s32 s25, $0x1;
	_ =	swait.ge [sflag:s22], $0x2800  }
.Ltmp9:
0x88: {  	s31 =	sshrl.u32 s16, $0x3;
	[sflag:s22] =	ssyncset.done $0x0;
	(pc) =	sbr.rel @!p2 .LBB2_14-.Ltmp9, $4  }
0x89: {  	s26 =	sadd.s32 $0xFFFFFFFF, s25;
	s24 =	sadd.s32 s9, s31;
	[sflag:s22] =	ssyncadd.s32 $0xFFFFD800  }
0x8a: {  	[hbm4b:s24+s4] =	stream.linear.scatter [tilespmem:s20], [sflag:$0x2], $0x2800, $0x38;
	[tilespmem:$0x76A0] =	vst v63  }
0x8b: {  	s28 =	sadd.s32 $0xA00, s15;
	p1 =	por $0x1, $0x1;
	_ =	swait.ge [sflag:s19], $0x2800  }
0x8c: {  	s25 =	smov.u32 s16;
	s24 =	sshrl.u32 s28, $0x3;
	[sflag:s19] =	ssyncset.done $0x0  }
.LBB2_15:
0x8d: {  	s24 =	sadd.s32 s6, s24;
	[sflag:s19] =	ssyncadd.s32 $0xFFFFD800;
	s25 =	sadd.s32 $0x50000, s25  }
0x8e: {  	[tilespmem:s4], [sflag:$0x2] =	stream.linear.gather [hbm4b:s24+s4], $0x50, $0x38;
	[tilespmem:$0x76A0] =	vst v63  }
0x8f: {  	p2 =	sne.s32 s26, $0x1;
	s26 =	sadd.s32 $0xFFFFFFFF, s26;
	_ =	swait.ge [sflag:s19], $0x50  }
0x90: {  	[sflag:s19] =	ssyncset.done $0x0  }
0x91: {  	[sflag:s19] =	ssyncadd.s32 $0xFFFFFFB0  }
0x92: {  	[tilespmem:s20], [sflag:$0x1] =	stream.indirect.gather [spmem:s3], $0x80, s4, s21, $0xb8;
	[tilespmem:$0x76A0] =	vst v63  }
0x93: {  	_ =	swait.ge [sflag:s22], $0x2800  }
.Ltmp10:
0x94: {  	s24 =	sshrl.u32 s25, $0x3;
	[sflag:s22] =	ssyncset.done $0x0;
	(pc) =	sbr.rel @p2 .LBB2_15-.Ltmp10, $4  }
0x95: {  	s24 =	sadd.s32 s9, s24;
	[sflag:s22] =	ssyncadd.s32 $0xFFFFD800  }
0x96: {  	[hbm4b:s24+s4] =	stream.linear.scatter [tilespmem:s20], [sflag:$0x2], $0x2800, $0x38;
	[tilespmem:$0x76A0] =	vst v63  }
0x97: {  	s28 =	sadd.s32 $0xA00, s28;
	_ =	swait.ge [sflag:s19], $0x2800  }
0x98: {  	s24 =	sshrl.u32 s28, $0x3;
	[sflag:s19] =	ssyncset.done $0x0  }
.LBB2_16:
0x99: {  	s24 =	sadd.s32 s6, s24;
	[sflag:s19] =	ssyncadd.s32 @p1 $0xFFFFD800  }
0x9a: {  	[tilespmem:s4], [sflag:$0x2] =	stream.linear.gather [hbm4b:s24+s4], $0x50, $0x38;
	[tilespmem:$0x76A0] =	vst v63  }
0x9b: {  	_ =	swait.ge [sflag:s19], $0x50  }
0x9c: {  	[sflag:s19] =	ssyncset.done $0x0  }
0x9d: {  	s24 =	sadd.s32 @p1 $0x50000, s25;
	s25 =	smov.u32 s16;
	[sflag:s19] =	ssyncadd.s32 $0xFFFFFFB0  }
0x9e: {  	[tilespmem:s20], [sflag:$0x1] =	stream.indirect.gather [spmem:s3], $0x80, s4, s21, $0xb8;
	[tilespmem:$0x76A0] =	vst v63  }
0x9f: {  	s25 =	smov.u32 @p1 s24;
	_ =	swait.ge [sflag:s22], $0x2800  }
0xa0: {  	s23 =	sadd.s32 $0x1, s23;
	s24 =	sshrl.u32 s25, $0x3;
	[sflag:s22] =	ssyncset.done $0x0  }
0xa1: {  	p1 =	sne.s32 s23, s11;
	s24 =	sadd.s32 s9, s24;
	[sflag:s22] =	ssyncadd.s32 $0xFFFFD800  }
0xa2: {  	[hbm4b:s24+s4] =	stream.linear.scatter [tilespmem:s20], [sflag:$0x2], $0x2800, $0x38;
	[tilespmem:$0x76A0] =	vst v63  }
.Ltmp11:
0xa3: {  	_ = 	snop;
	(pc) =	sbr.rel @p1 .LBB2_1-.Ltmp11, $4  }
.Ltmp12:
0xa4: {  	_ = 	snop;
	(pc) =	sbr.rel @!p1 .LBB2_17-.Ltmp12, $4  }
0xa5: {  	_ =	swait.ge [sflag:s19], $0x2800  }
0xa6: {  	[sflag:s19] =	ssyncset.done $0x0  }
0xa7: {  	[sflag:s19] =	ssyncadd.s32 $0xFFFFD800  }
0xa8: {  	_ = 	snop  }
.LBB2_12:
.Ltmp13:
0xa9: {  	(pc) =	sbr.rel .LBB2_16-.Ltmp13, $2  }
0xaa: {  	_ =	sdelay $0x2  }
0xab: {  	s25 =	smov.u32 s16  }
.LBB2_5:
.Ltmp14:
0xac: {  	(pc) =	sbr.rel .LBB2_7-.Ltmp14, $2  }
0xad: {  	_ =	sdelay $0x2  }
0xae: {  	s25 =	smov.u32 s16  }
.LBB2_9:
.Ltmp15:
0xaf: {  	(pc) =	sbr.rel .LBB2_11-.Ltmp15, $2  }
0xb0: {  	_ =	sdelay $0x2  }
0xb1: {  	s26 =	smov.u32 s16  }
.LBB2_14:
.Ltmp16:
0xb2: {  	(pc) =	sbr.rel .LBB2_16-.Ltmp16, $2  }
0xb3: {  	_ =	sdelay $0x2  }
0xb4: {  	s25 =	smov.u32 s16  }
.LBB2_17:
0xb5: {  	_ =	sfence.sel $0x180000  }
0xb6: {  	[bflag:$0x0] =	sbarrier.arrive $0xFFFF  }
0xb7: {  	_ =	strace $0x90000050  }
0xb8: {  	s0 =	sadd.s32 @!p0 $0x100000, s0;
	[bflag:$0x2] =	sbarrier.arrive $0xFFFF  }
0xb9: {  	[sflag:s0] =	ssyncadd.tile.s32 @!p0 $0x1;
	_ =	shalt  }
.Lfunc_end2:
_tile_overlayer_lowered:
.L_overlay_start_2:
0xba: {  	(tag) =	ssettag $0x2  }
0xbb: {  	s0 =	rddreg [dreg:$0x0];
	s2 =	stileid.u32  }
0xbc: {  	s1 =	rddreg [dreg:$0x1];
	p0 =	sne.s32 s2, $0x0  }
0xbd: {  	s3 =	rddreg [dreg:$0x2];
	[bflag:$0x3] =	sbarrier.arrive $0xFFFF;
	s2 =	simm.s32 @!p0 $0x1C02  }
0xbe: {  	[timem:s3], [sflag:s2] =	dma.local @!p0 [hbm:s0], s1  }
0xbf: {  	s0 =	simm.s32 @!p0 $0x2  }
0xc0: {  	_ =	swait.ge @!p0 [sflag:s0], s1  }
0xc1: {  	s1 =	ssub.s32 @!p0 $0x0, s1;
	[sflag:s0] =	ssyncset.done @!p0 $0x0  }
0xc2: {  	[sflag:s0] =	ssyncadd.s32 @!p0 s1  }
0xc3: {  	[bflag:$0x3] =	sbarrier.arrive $0xFFFF  }
0xc4: {  	_ =	shalt  }

// kernel: kernel.19.cloned.1.call-start
scs
__scs_entry_jumppad:
0x0: {  	(pc) =	sbr.rel $0x88, $3  }
0x1: {  	(tag) =	ssettag $0x0;
	lr =	simm.s32 $0x1  }
0x2: {  	[smem:$0x3F8B] =	sst lr;
	_ =	strace $0xD0000000  }
0x3: {  	_ = 	snop  }
0x4: {  	_ = 	snop  }
0x5: {  	_ = 	snop  }
0x6: {  	_ = 	snop  }
0x7: {  	_ = 	snop  }
__scs_overlays_trampoline_lowered:
0x8: {  	[smem:$0x3F9A] =	sst s0  }
0x9: {  	[smem:$0x3F9B] =	sst s1  }
0xa: {  	[smem:$0x3F9C] =	sst s2  }
0xb: {  	[smem:$0x3F9D] =	sst s3  }
0xc: {  	[smem:$0x3F9E] =	sst s4  }
0xd: {  	[smem:$0x3F9F] =	sst s5  }
0xe: {  	[smem:$0x3FA0] =	sst s6  }
0xf: {  	[smem:$0x3FA1] =	sst s7  }
0x10: {  	[smem:$0x3FA2] =	sst s8  }
0x11: {  	[smem:$0x3FA3] =	sst s9;
	s0 =	simm.s32 @!p0 $0x0  }
0x12: {  	s1 =	sld [smem:$0x3F89];
	s0 =	simm.s32 @p0 $0x1  }
0x13: {  	[smem:$0x3FA4] =	sst s0;
	s0 =	simm.s32 @!p1 $0x0  }
0x14: {  	s2 =	sld [smem:$0x3F88];
	s0 =	simm.s32 @p1 $0x1  }
0x15: {  	[smem:$0x3FA5] =	sst s0;
	s0 =	simm.s32 @!p2 $0x0  }
0x16: {  	s3 =	sld [smem:$0x3FDB];
	s0 =	simm.s32 @p2 $0x1  }
0x17: {  	s4 =	simm.s32 $0x1BF5;
	[smem:$0x3FA7] =	sst s0  }
0x18: {  	s0 =	sld [smem:$0x3F8A];
	_ =	swait.ge [sflag:s4], $0x0  }
0x19: {  	s7 =	sld [smem:$0x3F8B]  }
0x1a: {  	s8 =	sadd.s32 $0xFFFFE003, lr  }
0x1b: {  	s9 =	sadd.s32 $0xFFFFFEF7, lr;
	s5 =	simm.s32 $0xFFFFFFFF;
	p2 =	slt.u32 s8, $0xFFFFF086  }
0x1c: {  	p1 =	slt.u32 s9, $0xF7A;
	s5 =	simm.s32 @!p2 $0x0  }
0x1d: {  	s5 =	simm.s32 @p1 $0x1;
	p0 =	seq.s32 s7, s2  }
0x1e: {  	s7 =	smul.u32 @!p0 $0xF7A, s2;
	p2 =	seq.s32 @!p0 s5, $0x0  }
0x1f: {  	s9 =	smul.u32 $0xF7A, s1;
	s8 =	simm.s32 @!p0 $0x1BF5;
	p2 =	por !p2, p0  }
0x20: {  	[sflag:s8] =	ssyncset.s32 @!p0 $0xFFFFF086;
	s6 =	sadd.s32 @!p0 s3, s7;
	s7 =	simm.s32 @!p0 $0x108  }
0x21: {  	s3 =	sadd.s32 s3, s9;
	s6 =	sadd.s32 @!p0 $0x88, s6;
	s7 =	simm.s32 @p2 $0x1082  }
0x22: {  	[simem:s7], [sflag:s8] =	dma.local @!p0 [hbm:s6], $0xF7A  }
0x23: {  	s9 =	sor.u32 $0xD0000000, s2;
	s6 =	simm.s32 $0x108;
	_ =	swait.ge @!p0 [sflag:s8], $0x0  }
0x24: {  	s3 =	sadd.s32 $0x88, s3;
	s6 =	simm.s32 @!p1 $0x1082;
	[sflag:s4] =	ssyncset.s32 $0xFFFFF086  }
0x25: {  	[simem:s6], [sflag:s4] =	dma.local [hbm:s3], $0xF7A  }
0x26: {  	[smem:$0x3F8B] =	sst s1;
	(tag) =	ssettag s2;
	_ =	strace s9  }
0x27: {  	s1 =	sld [smem:$0x3F9B]  }
0x28: {  	s2 =	sld [smem:$0x3F9C]  }
0x29: {  	s4 =	sld [smem:$0x3F9E]  }
0x2a: {  	p0 =	seq.s32 s5, $0x0;
	s5 =	sld [smem:$0x3F9F]  }
0x2b: {  	s6 =	sld [smem:$0x3FA0]  }
0x2c: {  	s7 =	sld [smem:$0x3FA1]  }
0x2d: {  	s3 =	simm.s32 $0x108;
	s8 =	sld [smem:$0x3FA2]  }
0x2e: {  	s3 =	simm.s32 @!p0 $0x1082;
	s9 =	sld [smem:$0x3FA3]  }
0x2f: {  	lr =	sadd.s32 s0, s3;
	s0 =	sld [smem:$0x3F9A]  }
0x30: {  	s3 =	sld [smem:$0x3F9D]  }
0x31: {  	[smem:$0x3FA6] =	sst s10  }
0x32: {  	s10 =	sld [smem:$0x3FA4];
	_ =	sdelay $0x3  }
0x33: {  	p0 =	seq.s32 s10, $0x1;
	s10 =	sld [smem:$0x3FA6];
	_ =	sdelay $0x3  }
0x34: {  	[smem:$0x3FA6] =	sst s10  }
0x35: {  	s10 =	sld [smem:$0x3FA5];
	_ =	sdelay $0x3  }
0x36: {  	p1 =	seq.s32 s10, $0x1;
	s10 =	sld [smem:$0x3FA6];
	_ =	sdelay $0x3  }
0x37: {  	[smem:$0x3FA6] =	sst s10  }
0x38: {  	s10 =	sld [smem:$0x3FA7]  }
0x39: {  	_ = 	snop;
	(pc) =	sbr.ind lr, $3  }
0x3a: {  	_ = 	snop  }
0x3b: {  	_ = 	snop  }
0x3c: {  	p2 =	seq.s32 s10, $0x1;
	s10 =	sld [smem:$0x3FA6]  }
0x3d: {  	_ =	shalt  }
0x3e: {  	_ =	shalt  }
0x3f: {  	_ =	shalt  }
0x40: {  	_ =	shalt  }
0x41: {  	_ =	shalt  }
0x42: {  	_ =	shalt  }
0x43: {  	_ =	shalt  }
0x44: {  	_ =	shalt  }
0x45: {  	_ =	shalt  }
0x46: {  	_ =	shalt  }
0x47: {  	_ =	shalt  }
0x48: {  	_ =	shalt  }
0x49: {  	_ =	shalt  }
0x4a: {  	_ =	shalt  }
0x4b: {  	_ =	shalt  }
0x4c: {  	_ =	shalt  }
0x4d: {  	_ =	shalt  }
0x4e: {  	_ =	shalt  }
0x4f: {  	_ =	shalt  }
0x50: {  	_ =	shalt  }
0x51: {  	_ =	shalt  }
0x52: {  	_ =	shalt  }
0x53: {  	_ =	shalt  }
0x54: {  	_ =	shalt  }
0x55: {  	_ =	shalt  }
0x56: {  	_ =	shalt  }
0x57: {  	_ =	shalt  }
0x58: {  	_ =	shalt  }
0x59: {  	_ =	shalt  }
0x5a: {  	_ =	shalt  }
0x5b: {  	_ =	shalt  }
0x5c: {  	_ =	shalt  }
0x5d: {  	_ =	shalt  }
0x5e: {  	_ =	shalt  }
0x5f: {  	_ =	shalt  }
0x60: {  	_ =	shalt  }
0x61: {  	_ =	shalt  }
0x62: {  	_ =	shalt  }
0x63: {  	_ =	shalt  }
0x64: {  	_ =	shalt  }
0x65: {  	_ =	shalt  }
0x66: {  	_ =	shalt  }
0x67: {  	_ =	shalt  }
0x68: {  	_ =	shalt  }
0x69: {  	_ =	shalt  }
0x6a: {  	_ =	shalt  }
0x6b: {  	_ =	shalt  }
0x6c: {  	_ =	shalt  }
0x6d: {  	_ =	shalt  }
0x6e: {  	_ =	shalt  }
0x6f: {  	_ =	shalt  }
0x70: {  	_ =	shalt  }
0x71: {  	_ =	shalt  }
0x72: {  	_ =	shalt  }
0x73: {  	_ =	shalt  }
0x74: {  	_ =	shalt  }
0x75: {  	_ =	shalt  }
0x76: {  	_ =	shalt  }
0x77: {  	_ =	shalt  }
0x78: {  	_ =	shalt  }
0x79: {  	_ =	shalt  }
0x7a: {  	_ =	shalt  }
0x7b: {  	_ =	shalt  }
0x7c: {  	_ =	shalt  }
0x7d: {  	_ =	shalt  }
0x7e: {  	_ =	shalt  }
0x7f: {  	_ =	shalt  }
0x80: {  	_ =	shalt  }
0x81: {  	_ =	shalt  }
0x82: {  	_ =	shalt  }
0x83: {  	_ =	shalt  }
0x84: {  	_ =	shalt  }
0x85: {  	_ =	shalt  }
0x86: {  	_ =	shalt  }
0x87: {  	_ =	shalt  }
.Lfunc_end0:
.L_simem_size_0:
called_computation.1_lowered:
.L_overlay_start_0:
0x88: {  	s2 =	sld [smem:$0x3FD9]  }
0x89: {  	s3 =	sld [smem:$0x3FFE];
	_ =	sdelay $0x1  }
0x8a: {  	s1 =	srdreg.scid  }
0x8b: {  	s0 =	sand.u32 $0x1, s1  }
0x8c: {  	s14 =	sshll.u32 s0, $0xA;
	s2 =	sadd.s32 s3, s2  }
0x8d: {  	s2 =	sadd.s32 s2, s14  }
0x8e: {  	[smem:$0x3FB2] =	sst s2  }
0x8f: {  	_ = 	snop  }
0x90: {  	s2 =	sld [smem:$0x3FD0];
	_ =	sdelay $0x2  }
0x91: {  	s15 =	simm.s32 $0xB;
	s4 =	simm.s32 $0x10  }
0x92: {  	[smem:s4], [sflag:s15] =	dma.local [hbm:s2], $0x1  }
0x93: {  	_ =	swait.eq [sflag:s15], $0x1  }
0x94: {  	s16 =	sld [smem:$0x10]  }
0x95: {  	s17 =	sld [smem:$0x11];
	[sflag:s15] =	ssyncset.done $0x0  }
0x96: {  	s5 =	sld [smem:$0x12];
	[sflag:s15] =	ssyncadd.s32 $0xFFFFFFFF  }
0x97: {  	s18 =	sld [smem:$0x13];
	(tm) =	ssettm $0x1  }
0x98: {  	s6 =	sld [smem:$0x3FFB];
	_ =	sdelay $0x3  }
0x99: {  	_ =	strace s6  }
0x9a: {  	s6 =	sld [smem:$0x3FFC];
	_ =	sdelay $0x3  }
0x9b: {  	_ =	strace s6  }
0x9c: {  	s6 =	sld [smem:$0x3FFD];
	_ =	sdelay $0x3  }
0x9d: {  	_ =	strace s6  }
0x9e: {  	_ =	strace $0x8FFFFFFF  }
0x9f: {  	s19 =	sld [smem:$0x3FDB];
	_ =	sdelay $0x1  }
0xa0: {  	s7 =	simm.s32 $_scs_section_size  }
0xa1: {  	s8 =	simm.s32 $_size__tile_overlayer_lowered;
	s9 =	simm.s32 $_tile_overlayer_lowered  }
0xa2: {  	s22 =	simm.s32 $0x1BFF;
	s21 =	sshll.u32 s9, $0x1;
	s6 =	sadd.s32 s7, s19  }
0xa3: {  	s10 =	simm.s32 $0x0;
	s20 =	sshll.u32 s8, $0x1;
	s8 =	sadd.s32 s21, s6  }
0xa4: {  	[timem:s10], [sflag:s22] =	dma.local [hbm:s8], s20  }
0xa5: {  	_ =	swait.ge [sflag:s22], s20  }
0xa6: {  	s7 =	ssub.s32 $0x0, s20;
	[sflag:s22] =	ssyncset.done $0x0  }
0xa7: {  	[sflag:s22] =	ssyncadd.s32 s7;
	_ =	sdelay $0x1  }
0xa8: {  	s23 =	simm.s32 $0x1B8B  }
0xa9: {  	_ =	swait.ge [sflag:s23], $0x1  }
0xaa: {  	[sflag:s23] =	ssyncset.done $0x0  }
0xab: {  	s25 =	simm.s32 $0x1B8E;
	s24 =	sld [smem:$0x3FFE];
	[sflag:s23] =	ssyncadd.s32 $0xFFFFFFFF  }
0xac: {  	s26 =	simm.s32 $execute0_lowered;
	[smem:$0x3FD2] =	sst s25  }
0xad: {  	s8 =	sshll.u32 s26, $0x1;
	_ =	strace $0x80000046;
	[dreg:$0x1] =	wrdreg $0xFFFFFFFF  }
0xae: {  	s28 =	simm.s32 $_size_execute0_lowered;
	s6 =	sadd.s32 s6, s8;
	[dreg:$0x0] =	wrdreg $0x0  }
0xaf: {  	s8 =	sshll.u32 s28, $0x1;
	[dreg:$0x2] =	wrdreg s6  }
0xb0: {  	[dreg:$0x3] =	wrdreg s8  }
0xb1: {  	[dreg:$0x4] =	wrdreg $0xC0  }
0xb2: {  	_ =	task [dreg:s10], $0x5FFFF  }
0xb3: {  	[dreg:$0x1] =	wrdreg $0xFFFFFFFF  }
0xb4: {  	[dreg:$0x0] =	wrdreg $0x60  }
0xb5: {  	[dreg:$0x2] =	wrdreg s5  }
0xb6: {  	[dreg:$0x3] =	wrdreg s17  }
0xb7: {  	[dreg:$0x4] =	wrdreg s24  }
0xb8: {  	[dreg:$0x5] =	wrdreg s16  }
0xb9: {  	[dreg:$0x6] =	wrdreg s18  }
0xba: {  	[dreg:$0x7] =	wrdreg $0x9  }
0xbb: {  	_ =	task.clear_ibuf [dreg:s10], $0x8FFFF;
	_ =	strace $0x90000046  }
0xbc: {  	s29 =	simm.s32 $0x9;
	_ =	strace $0x80000048  }
0xbd: {  	_ =	swait.ge [sflag:s29], $0x1  }
0xbe: {  	[sflag:s29] =	ssyncadd.s32 $0xFFFFFFFF  }
0xbf: {  	_ =	strace $0x90000048  }
0xc0: {  	_ =	sfence  }
0xc1: {  	s30 =	sld [smem:$0x0];
	_ =	sdelay $0x2  }
0xc2: {  	s31 =	sshll.u32 s1, $0xD;
	s1 =	sshrl.u32 s1, $0x2  }
0xc3: {  	s3 =	sand.u32 $0x4000, s31;
	s1 =	sadd.s32 s1, s30  }
0xc4: {  	s0 =	sor.u32 s3, s0;
	s1 =	sshll.u32 s1, $0x11  }
0xc5: {  	s0 =	sor.u32 s1, s0  }
0xc6: {  	s0 =	sadd.s32 $0x8F2B, s0  }
0xc7: {  	[sflag:s0] =	ssyncadd.remote.s32 $0x1  }
0xc8: {  	_ =	sfence.sel $0xFFFF  }
0xc9: {  	[dreg:$0x0] =	wrdreg $0xFFFFFFFF;
	(pc) =	sbr.abs _section_cstart, $3  }
0xca: {  	[dreg:$0x1] =	wrdreg $0xFFFFFFFF  }
0xcb: {  	_ =	task.clear_ibuf [dreg:s10], $0x2FFFF;
	_ =	strace $0x9FFFFFFF  }
0xcc: {  	(tm) =	ssettm $0x7FFFFFFF  }
0xcd: {  	_ =	shalt  }
tec
execute0_lowered:
.L_overlay_start_1:
0x0: {  	(tag) =	ssettag $0x1  }
0x1: {  	s1 =	rddreg [dreg:$0x0]  }
0x2: {  	s2 =	rddreg [dreg:$0x1]  }
0x3: {  	s7 =	rddreg [dreg:$0x2]  }
0x4: {  	s3 =	rddreg [dreg:$0x3]  }
0x5: {  	s4 =	rddreg [dreg:$0x4]  }
0x6: {  	s0 =	rddreg [dreg:$0x5];
	s6 =	simm.s32 $0x0;
	s8 =	srdreg.scid  }
0x7: {  	s5 =	stileid.u32;
	s15 =	simm.s32 $0x3;
	s16 =	simm.s32 $0x80  }
0x8: {  	s17 =	simm.s32 $0x100;
	s18 =	simm.s32 $0x4100;
	s19 =	simm.s32 $0x1  }
0x9: {  	s20 =	simm.s32 $0x4;
	s21 =	simm.s32 $0x2;
	s22 =	simm.s32 $0x8200  }
0xa: {  	s23 =	simm.s32 $0x0;
	[smem:$0x7FF] =	sst s6;
	s8 =	sand.u32 $0x1, s8  }
0xb: {  	s9 =	sshll.u32 s5, $0x1;
	s7 =	sadd.s32 $0x8600, s7;
	_ =	strace $0x80000047  }
.Ltmp0:
0xc: {  	s10 =	ssub.s32 $0x2, s8;
	s12 =	sor.u32 s8, s9;
	(pc) =	sbr.rel .LBB2_1-.Ltmp0, $4  }
0xd: {  	s31 =	sshrl.u32 s10, $0x1;
	s9 =	ssub.s32 $0x9E3, s12;
	s11 =	sshll.u32 s12, $0x4  }
0xe: {  	s14 =	ssub.s32 s10, s31;
	s8 =	sshrl.u32 s9, $0x5;
	s9 =	sadd.s32 s7, s11  }
0xf: {  	s10 =	sadd.s32 s3, s11;
	s11 =	sshll.u32 s12, $0x7;
	s13 =	sadd.s32 $0x1, s8  }
0x10: {  	s12 =	sshll.u32 s12, $0xE;
	s14 =	smax.u32 s14, $0x1;
	s13 =	sshrl.u32 s13, $0x1  }
.LBB2_9:
0x11: {  	s23 =	sadd.s32 $0x1, s23  }
0x12: {  	p0 =	sne.s32 s23, s14  }
.Ltmp1:
0x13: {  	_ = 	snop;
	(pc) =	sbr.rel @!p0 .LBB2_10-.Ltmp1, $1  }
0x14: {  	_ =	sdelay $0x3  }
.LBB2_1:
0x15: {  	[tilespmem:s6], [sflag:$0x3] =	stream.linear.gather [hbm4b:s9+s6], $0x80, $0x38;
	[tilespmem:$0x10200] =	vst v63  }
0x16: {  	_ =	swait.ge [sflag:s15], $0x80  }
0x17: {  	[sflag:s15] =	ssyncset.done $0x0  }
0x18: {  	[sflag:s15] =	ssyncadd.s32 $0xFFFFFF80  }
0x19: {  	[tilespmem:s16], [sflag:$0x3] =	stream.linear.gather [hbm4b:s10+s6], $0x80, $0x38;
	[tilespmem:$0x10200] =	vst v63  }
0x1a: {  	_ =	swait.ge [sflag:s15], $0x80  }
.Ltmp2:
0x1b: {  	[sflag:s15] =	ssyncset.done $0x0;
	(pc) =	sbr.rel .LBB2_2-.Ltmp2, $4  }
0x1c: {  	[sflag:s15] =	ssyncadd.s32 $0xFFFFFF80  }
0x1d: {  	[tilespmem:s17], [sflag:$0x1] =	stream.indirect.gather [hbm4b:s1+s16], $0x80, s6, s16, $0xb8;
	[tilespmem:$0x10200] =	vst v63  }
0x1e: {  	s24 =	simm.s32 $0x0  }
0x1f: {  	[tilespmem:s18], [sflag:$0x1] =	stream.indirect.gather [hbm4b:s2+s16], $0x80, s16, s16, $0xb8;
	[tilespmem:$0x10200] =	vst v63  }
.LBB2_8:
0x20: {  	s24 =	sadd.s32 $0x1, s24  }
0x21: {  	p0 =	sne.s32 s24, s13  }
.Ltmp3:
0x22: {  	_ = 	snop;
	(pc) =	sbr.rel @!p0 .LBB2_9-.Ltmp3, $1  }
0x23: {  	_ =	sdelay $0x3  }
.LBB2_2:
0x24: {  	s25 =	sshllo.u32 s24, $0x1  }
0x25: {  	p0 =	sge.u32 s25, s8  }
0x26: {  	s26 =	sshll.u32 @!p0 s25, $0xC  }
0x27: {  	s26 =	sor.u32 @!p0 s11, s26  }
0x28: {  	s26 =	sshrl.u32 @!p0 s26, $0x3  }
0x29: {  	s29 =	simm.s32 @!p0 $0x0;
	s30 =	simm.s32 @!p0 $0x8100;
	s28 =	sadd.s32 @!p0 s7, s26  }
0x2a: {  	[tilespmem:s30], [sflag:$0x4] =	stream.linear.gather @!p0 [hbm4b:s28+s29], $0x80, $0x38;
	[tilespmem:$0x10200] =	vst v63  }
0x2b: {  	s28 =	simm.s32 @!p0 $0x4  }
0x2c: {  	_ =	swait.ge @!p0 [sflag:s28], $0x80  }
0x2d: {  	[sflag:s28] =	ssyncset.done @!p0 $0x0  }
0x2e: {  	s31 =	simm.s32 @!p0 $0x8180;
	s26 =	sadd.s32 @!p0 s3, s26;
	[sflag:s28] =	ssyncadd.s32 @!p0 $0xFFFFFF80  }
0x2f: {  	[tilespmem:s31], [sflag:$0x4] =	stream.linear.gather @!p0 [hbm4b:s26+s29], $0x80, $0x38;
	[tilespmem:$0x10200] =	vst v63  }
0x30: {  	_ =	swait.ge @!p0 [sflag:s28], $0x80  }
0x31: {  	[sflag:s28] =	ssyncset.done @!p0 $0x0  }
0x32: {  	s26 =	simm.s32 @!p0 $0x80;
	[sflag:s28] =	ssyncadd.s32 @!p0 $0xFFFFFF80;
	s28 =	simm.s32 @!p0 $0x8200  }
0x33: {  	[tilespmem:s28], [sflag:$0x2] =	stream.indirect.gather @!p0 [hbm4b:s1+s26], $0x80, s30, s26, $0xb8;
	[tilespmem:$0x10200] =	vst v63  }
0x34: {  	s28 =	simm.s32 @!p0 $0xC200  }
0x35: {  	[tilespmem:s28], [sflag:$0x2] =	stream.indirect.gather @!p0 [hbm4b:s2+s26], $0x80, s31, s26, $0xb8;
	[tilespmem:$0x10200] =	vst v63  }
0x36: {  	_ =	swait.ge [sflag:s19], $0x4000  }
0x37: {  	[sflag:s19] =	ssyncset.done $0x0  }
0x38: {  	[sflag:s19] =	ssyncadd.s32 $0xFFFFC000  }
0x39: {  	_ =	swait.ge [sflag:s19], $0x4000  }
0x3a: {  	[sflag:s19] =	ssyncset.done $0x0  }
0x3b: {  	s26 =	simm.s32 $0x0;
	[sflag:s19] =	ssyncadd.s32 $0xFFFFC000  }
0x3c: {  	v7 =	vld [tilespmem:s26+$0x4100]  }
0x3d: {  	v11 =	vld [tilespmem:s26+$0x4110]  }
0x3e: {  	v5 =	vld [tilespmem:s26+$0x4120]  }
0x3f: {  	v4 =	vld [tilespmem:s26+$0x4130]  }
0x40: {  	v3 =	vld [tilespmem:s26+$0x4140]  }
0x41: {  	v2 =	vld [tilespmem:s26+$0x4150]  }
0x42: {  	v1 =	vld [tilespmem:s26+$0x4160]  }
0x43: {  	v0 =	vld [tilespmem:s26+$0x4170]  }
0x44: {  	v12 =	vld [tilespmem:s26+$0x100]  }
0x45: {  	v13 =	vld [tilespmem:s26+$0x110]  }
0x46: {  	v10 =	vld [tilespmem:s26+$0x120]  }
0x47: {  	v9 =	vld [tilespmem:s26+$0x130]  }
0x48: {  	v8 =	vld [tilespmem:s26+$0x140]  }
0x49: {  	v6 =	vld [tilespmem:s26+$0x150];
	v12 =	vadd.f32 v7, v12  }
0x4a: {  	s29 =	simm.s32 $0x200;
	s28 =	sshll.u32 s24, $0x1;
	v11 =	vadd.f32 v11, v13;
	v7 =	vld [tilespmem:s26+$0x160]  }
.LBB2_3:
0x4b: {  	s30 =	sshra.s32 s29, $0x2;
	p1 =	sne.s32 s29, $0xFE00;
	[tilespmem:s26+$0x100] =	vst v12;
	v5 =	vadd.f32 v5, v10;
	v10 =	vld [tilespmem:s26+$0x170]  }
0x4c: {  	v12 =	vld [tilespmem:s30+$0x4100];
	[tilespmem:s26+$0x110] =	vst v11;
	v4 =	vadd.f32 v4, v9  }
0x4d: {  	v11 =	vld [tilespmem:s30+$0x4110];
	[tilespmem:s26+$0x120] =	vst v5;
	v3 =	vadd.f32 v3, v8  }
0x4e: {  	v5 =	vld [tilespmem:s30+$0x4120];
	[tilespmem:s26+$0x130] =	vst v4;
	v2 =	vadd.f32 v2, v6  }
0x4f: {  	v4 =	vld [tilespmem:s30+$0x4130];
	[tilespmem:s26+$0x140] =	vst v3;
	v1 =	vadd.f32 v1, v7  }
0x50: {  	v3 =	vld [tilespmem:s30+$0x4140];
	[tilespmem:s26+$0x150] =	vst v2;
	v0 =	vadd.f32 v0, v10  }
0x51: {  	v2 =	vld [tilespmem:s30+$0x4150];
	[tilespmem:s26+$0x160] =	vst v1  }
0x52: {  	v1 =	vld [tilespmem:s30+$0x4160];
	[tilespmem:s26+$0x170] =	vst v0;
	s26 =	smov.u32 s30  }
0x53: {  	v0 =	vld [tilespmem:s26+$0x4170]  }
0x54: {  	v6 =	vld [tilespmem:s26+$0x100]  }
0x55: {  	v7 =	vld [tilespmem:s26+$0x110]  }
.Ltmp4:
0x56: {  	v10 =	vld [tilespmem:s26+$0x120];
	(pc) =	sbr.rel @p1 .LBB2_3-.Ltmp4, $4  }
0x57: {  	v9 =	vld [tilespmem:s26+$0x130]  }
0x58: {  	v8 =	vld [tilespmem:s26+$0x140]  }
0x59: {  	v12 =	vadd.f32 v12, v6;
	v6 =	vld [tilespmem:s26+$0x150]  }
0x5a: {  	s29 =	sadd.s32 $0x200, s29;
	v11 =	vadd.f32 v11, v7;
	v7 =	vld [tilespmem:s26+$0x160]  }
0x5b: {  	[tilespmem:s26+$0x100] =	vst v12;
	v5 =	vadd.f32 v5, v10;
	v63 =	vld [tilespmem:s26+$0x170]  }
0x5c: {  	[tilespmem:s26+$0x110] =	vst v11;
	v4 =	vadd.f32 v4, v9  }
0x5d: {  	[tilespmem:s26+$0x120] =	vst v5;
	v3 =	vadd.f32 v3, v8  }
0x5e: {  	[tilespmem:s26+$0x130] =	vst v4;
	v2 =	vadd.f32 v2, v6  }
0x5f: {  	s29 =	sshll.u32 s24, $0x14;
	[tilespmem:s26+$0x140] =	vst v3;
	v1 =	vadd.f32 v1, v7  }
0x60: {  	s29 =	sor.u32 s12, s29;
	[tilespmem:s26+$0x150] =	vst v2;
	v0 =	vadd.f32 v0, v63  }
0x61: {  	s29 =	sshrl.u32 s29, $0x3;
	[tilespmem:s26+$0x160] =	vst v1  }
0x62: {  	s31 =	sadd.s32 s4, s29;
	[tilespmem:s26+$0x170] =	vst v0;
	s26 =	sadd.s32 $0x2, s28  }
0x63: {  	[hbm4b:s31+s6] =	stream.linear.scatter [tilespmem:s17], [sflag:$0x4], $0x4000, $0x38;
	[tilespmem:$0x10200] =	vst v63  }
0x64: {  	p1 =	sge.u32 s26, s8  }
0x65: {  	s26 =	sshll.u32 @!p1 s26, $0xC  }
0x66: {  	_ =	swait.ge [sflag:s20], $0x4000;
	s26 =	sor.u32 @!p1 s11, s26  }
0x67: {  	[sflag:s20] =	ssyncset.done $0x0;
	s26 =	sshrl.u32 @!p1 s26, $0x3  }
0x68: {  	s29 =	simm.s32 @!p1 $0x0;
	[sflag:s20] =	ssyncadd.s32 $0xFFFFC000;
	s28 =	sadd.s32 @!p1 s7, s26  }
0x69: {  	[tilespmem:s29], [sflag:$0x4] =	stream.linear.gather @!p1 [hbm4b:s28+s29], $0x80, $0x38;
	[tilespmem:$0x10200] =	vst v63  }
0x6a: {  	s28 =	simm.s32 @!p1 $0x4  }
0x6b: {  	_ =	swait.ge @!p1 [sflag:s28], $0x80  }
0x6c: {  	[sflag:s28] =	ssyncset.done @!p1 $0x0  }
0x6d: {  	s30 =	simm.s32 @!p1 $0x80;
	s26 =	sadd.s32 @!p1 s3, s26;
	[sflag:s28] =	ssyncadd.s32 @!p1 $0xFFFFFF80  }
0x6e: {  	[tilespmem:s30], [sflag:$0x4] =	stream.linear.gather @!p1 [hbm4b:s26+s29], $0x80, $0x38;
	[tilespmem:$0x10200] =	vst v63  }
0x6f: {  	_ =	swait.ge @!p1 [sflag:s28], $0x80  }
.Ltmp5:
0x70: {  	[sflag:s28] =	ssyncset.done @!p1 $0x0;
	(pc) =	sbr.rel @p0 .LBB2_8-.Ltmp5, $4  }
0x71: {  	s26 =	simm.s32 @!p1 $0x100;
	[sflag:s28] =	ssyncadd.s32 @!p1 $0xFFFFFF80  }
0x72: {  	[tilespmem:s26], [sflag:$0x1] =	stream.indirect.gather @!p1 [hbm4b:s1+s30], $0x80, s29, s30, $0xb8;
	[tilespmem:$0x10200] =	vst v63  }
0x73: {  	s26 =	simm.s32 @!p1 $0x4100  }
0x74: {  	[tilespmem:s26], [sflag:$0x1] =	stream.indirect.gather @!p1 [hbm4b:s2+s30], $0x80, s30, s30, $0xb8;
	[tilespmem:$0x10200] =	vst v63  }
0x75: {  	_ =	swait.ge [sflag:s21], $0x4000  }
0x76: {  	[sflag:s21] =	ssyncset.done $0x0  }
0x77: {  	[sflag:s21] =	ssyncadd.s32 $0xFFFFC000  }
0x78: {  	_ =	swait.ge [sflag:s21], $0x4000  }
0x79: {  	[sflag:s21] =	ssyncset.done $0x0  }
0x7a: {  	s26 =	simm.s32 $0x0;
	[sflag:s21] =	ssyncadd.s32 $0xFFFFC000  }
0x7b: {  	v7 =	vld [tilespmem:s26+$0xC200]  }
0x7c: {  	v11 =	vld [tilespmem:s26+$0xC210]  }
0x7d: {  	v5 =	vld [tilespmem:s26+$0xC220]  }
0x7e: {  	v4 =	vld [tilespmem:s26+$0xC230]  }
0x7f: {  	v3 =	vld [tilespmem:s26+$0xC240]  }
0x80: {  	v2 =	vld [tilespmem:s26+$0xC250]  }
0x81: {  	v1 =	vld [tilespmem:s26+$0xC260]  }
0x82: {  	v0 =	vld [tilespmem:s26+$0xC270]  }
0x83: {  	v12 =	vld [tilespmem:s26+$0x8200]  }
0x84: {  	v13 =	vld [tilespmem:s26+$0x8210]  }
0x85: {  	v10 =	vld [tilespmem:s26+$0x8220]  }
0x86: {  	v9 =	vld [tilespmem:s26+$0x8230]  }
0x87: {  	v8 =	vld [tilespmem:s26+$0x8240]  }
0x88: {  	v6 =	vld [tilespmem:s26+$0x8250];
	v12 =	vadd.f32 v7, v12  }
0x89: {  	s28 =	simm.s32 $0x200;
	v11 =	vadd.f32 v11, v13;
	v7 =	vld [tilespmem:s26+$0x8260]  }
.LBB2_6:
0x8a: {  	s29 =	sshra.s32 s28, $0x2;
	p0 =	sne.s32 s28, $0xFE00;
	[tilespmem:s26+$0x8200] =	vst v12;
	v5 =	vadd.f32 v5, v10;
	v10 =	vld [tilespmem:s26+$0x8270]  }
0x8b: {  	v12 =	vld [tilespmem:s29+$0xC200];
	[tilespmem:s26+$0x8210] =	vst v11;
	v4 =	vadd.f32 v4, v9  }
0x8c: {  	v11 =	vld [tilespmem:s29+$0xC210];
	[tilespmem:s26+$0x8220] =	vst v5;
	v3 =	vadd.f32 v3, v8  }
0x8d: {  	v5 =	vld [tilespmem:s29+$0xC220];
	[tilespmem:s26+$0x8230] =	vst v4;
	v2 =	vadd.f32 v2, v6  }
0x8e: {  	v4 =	vld [tilespmem:s29+$0xC230];
	[tilespmem:s26+$0x8240] =	vst v3;
	v1 =	vadd.f32 v1, v7  }
0x8f: {  	v3 =	vld [tilespmem:s29+$0xC240];
	[tilespmem:s26+$0x8250] =	vst v2;
	v0 =	vadd.f32 v0, v10  }
0x90: {  	v2 =	vld [tilespmem:s29+$0xC250];
	[tilespmem:s26+$0x8260] =	vst v1  }
0x91: {  	v1 =	vld [tilespmem:s29+$0xC260];
	[tilespmem:s26+$0x8270] =	vst v0;
	s26 =	smov.u32 s29  }
0x92: {  	v0 =	vld [tilespmem:s26+$0xC270]  }
0x93: {  	v6 =	vld [tilespmem:s26+$0x8200]  }
0x94: {  	v7 =	vld [tilespmem:s26+$0x8210]  }
.Ltmp6:
0x95: {  	v10 =	vld [tilespmem:s26+$0x8220];
	(pc) =	sbr.rel @p0 .LBB2_6-.Ltmp6, $4  }
0x96: {  	v9 =	vld [tilespmem:s26+$0x8230]  }
0x97: {  	v8 =	vld [tilespmem:s26+$0x8240]  }
0x98: {  	v12 =	vadd.f32 v12, v6;
	v6 =	vld [tilespmem:s26+$0x8250]  }
0x99: {  	s28 =	sadd.s32 $0x200, s28;
	v11 =	vadd.f32 v11, v7;
	v7 =	vld [tilespmem:s26+$0x8260]  }
0x9a: {  	[tilespmem:s26+$0x8200] =	vst v12;
	v5 =	vadd.f32 v5, v10;
	v63 =	vld [tilespmem:s26+$0x8270]  }
0x9b: {  	[tilespmem:s26+$0x8210] =	vst v11;
	v4 =	vadd.f32 v4, v9  }
0x9c: {  	[tilespmem:s26+$0x8220] =	vst v5;
	v3 =	vadd.f32 v3, v8  }
0x9d: {  	[tilespmem:s26+$0x8230] =	vst v4;
	v2 =	vadd.f32 v2, v6  }
0x9e: {  	s25 =	sshll.u32 s25, $0x13;
	[tilespmem:s26+$0x8240] =	vst v3;
	v1 =	vadd.f32 v1, v7  }
0x9f: {  	s25 =	sor.u32 s12, s25;
	[tilespmem:s26+$0x8250] =	vst v2;
	v0 =	vadd.f32 v0, v63  }
0xa0: {  	s25 =	sshrl.u32 s25, $0x3;
	[tilespmem:s26+$0x8260] =	vst v1  }
.Ltmp7:
0xa1: {  	s25 =	sadd.s32 s4, s25;
	[tilespmem:s26+$0x8270] =	vst v0;
	(pc) =	sbr.rel .LBB2_8-.Ltmp7, $4  }
0xa2: {  	[hbm4b:s25+s6] =	stream.linear.scatter [tilespmem:s22], [sflag:$0x3], $0x4000, $0x38;
	[tilespmem:$0x10200] =	vst v63  }
0xa3: {  	_ =	swait.ge [sflag:s15], $0x4000  }
0xa4: {  	[sflag:s15] =	ssyncset.done $0x0  }
0xa5: {  	[sflag:s15] =	ssyncadd.s32 $0xFFFFC000  }
.LBB2_10:
0xa6: {  	_ =	sfence.sel $0x180000  }
0xa7: {  	[bflag:$0x0] =	sbarrier.arrive $0xFFFF  }
0xa8: {  	p0 =	sne.s32 s5, $0x0;
	_ =	strace $0x90000047  }
0xa9: {  	s0 =	sadd.s32 @!p0 $0x100000, s0;
	[bflag:$0x2] =	sbarrier.arrive $0xFFFF  }
0xaa: {  	[sflag:s0] =	ssyncadd.tile.s32 @!p0 $0x1;
	_ =	shalt  }
.Lfunc_end2:
_tile_overlayer_lowered:
.L_overlay_start_2:
0xab: {  	(tag) =	ssettag $0x2  }
0xac: {  	s0 =	rddreg [dreg:$0x0];
	s2 =	stileid.u32  }
0xad: {  	s1 =	rddreg [dreg:$0x1];
	p0 =	sne.s32 s2, $0x0  }
0xae: {  	s3 =	rddreg [dreg:$0x2];
	[bflag:$0x3] =	sbarrier.arrive $0xFFFF;
	s2 =	simm.s32 @!p0 $0x1C03  }
0xaf: {  	[timem:s3], [sflag:s2] =	dma.local @!p0 [hbm:s0], s1  }
0xb0: {  	s0 =	simm.s32 @!p0 $0x3  }
0xb1: {  	_ =	swait.ge @!p0 [sflag:s0], s1  }
0xb2: {  	s1 =	ssub.s32 @!p0 $0x0, s1;
	[sflag:s0] =	ssyncset.done @!p0 $0x0  }
0xb3: {  	[sflag:s0] =	ssyncadd.s32 @!p0 s1  }
0xb4: {  	[bflag:$0x3] =	sbarrier.arrive $0xFFFF  }
0xb5: {  	_ =	shalt  }

// kernel: kernel.22.cloned.1.call-start
scs
__scs_entry_jumppad:
0x0: {  	(pc) =	sbr.rel $0x88, $3  }
0x1: {  	(tag) =	ssettag $0x0;
	lr =	simm.s32 $0x1  }
0x2: {  	[smem:$0x3F8B] =	sst lr;
	_ =	strace $0xD0000000  }
0x3: {  	_ = 	snop  }
0x4: {  	_ = 	snop  }
0x5: {  	_ = 	snop  }
0x6: {  	_ = 	snop  }
0x7: {  	_ = 	snop  }
__scs_overlays_trampoline_lowered:
0x8: {  	[smem:$0x3F9A] =	sst s0  }
0x9: {  	[smem:$0x3F9B] =	sst s1  }
0xa: {  	[smem:$0x3F9C] =	sst s2  }
0xb: {  	[smem:$0x3F9D] =	sst s3  }
0xc: {  	[smem:$0x3F9E] =	sst s4  }
0xd: {  	[smem:$0x3F9F] =	sst s5  }
0xe: {  	[smem:$0x3FA0] =	sst s6  }
0xf: {  	[smem:$0x3FA1] =	sst s7  }
0x10: {  	[smem:$0x3FA2] =	sst s8  }
0x11: {  	[smem:$0x3FA3] =	sst s9;
	s0 =	simm.s32 @!p0 $0x0  }
0x12: {  	s1 =	sld [smem:$0x3F89];
	s0 =	simm.s32 @p0 $0x1  }
0x13: {  	[smem:$0x3FA4] =	sst s0;
	s0 =	simm.s32 @!p1 $0x0  }
0x14: {  	s2 =	sld [smem:$0x3F88];
	s0 =	simm.s32 @p1 $0x1  }
0x15: {  	[smem:$0x3FA5] =	sst s0;
	s0 =	simm.s32 @!p2 $0x0  }
0x16: {  	s3 =	sld [smem:$0x3FDB];
	s0 =	simm.s32 @p2 $0x1  }
0x17: {  	s4 =	simm.s32 $0x1BF5;
	[smem:$0x3FA7] =	sst s0  }
0x18: {  	s0 =	sld [smem:$0x3F8A];
	_ =	swait.ge [sflag:s4], $0x0  }
0x19: {  	s7 =	sld [smem:$0x3F8B]  }
0x1a: {  	s8 =	sadd.s32 $0xFFFFE003, lr  }
0x1b: {  	s9 =	sadd.s32 $0xFFFFFEF7, lr;
	s5 =	simm.s32 $0xFFFFFFFF;
	p2 =	slt.u32 s8, $0xFFFFF086  }
0x1c: {  	p1 =	slt.u32 s9, $0xF7A;
	s5 =	simm.s32 @!p2 $0x0  }
0x1d: {  	s5 =	simm.s32 @p1 $0x1;
	p0 =	seq.s32 s7, s2  }
0x1e: {  	s7 =	smul.u32 @!p0 $0xF7A, s2;
	p2 =	seq.s32 @!p0 s5, $0x0  }
0x1f: {  	s9 =	smul.u32 $0xF7A, s1;
	s8 =	simm.s32 @!p0 $0x1BF5;
	p2 =	por !p2, p0  }
0x20: {  	[sflag:s8] =	ssyncset.s32 @!p0 $0xFFFFF086;
	s6 =	sadd.s32 @!p0 s3, s7;
	s7 =	simm.s32 @!p0 $0x108  }
0x21: {  	s3 =	sadd.s32 s3, s9;
	s6 =	sadd.s32 @!p0 $0x88, s6;
	s7 =	simm.s32 @p2 $0x1082  }
0x22: {  	[simem:s7], [sflag:s8] =	dma.local @!p0 [hbm:s6], $0xF7A  }
0x23: {  	s9 =	sor.u32 $0xD0000000, s2;
	s6 =	simm.s32 $0x108;
	_ =	swait.ge @!p0 [sflag:s8], $0x0  }
0x24: {  	s3 =	sadd.s32 $0x88, s3;
	s6 =	simm.s32 @!p1 $0x1082;
	[sflag:s4] =	ssyncset.s32 $0xFFFFF086  }
0x25: {  	[simem:s6], [sflag:s4] =	dma.local [hbm:s3], $0xF7A  }
0x26: {  	[smem:$0x3F8B] =	sst s1;
	(tag) =	ssettag s2;
	_ =	strace s9  }
0x27: {  	s1 =	sld [smem:$0x3F9B]  }
0x28: {  	s2 =	sld [smem:$0x3F9C]  }
0x29: {  	s4 =	sld [smem:$0x3F9E]  }
0x2a: {  	p0 =	seq.s32 s5, $0x0;
	s5 =	sld [smem:$0x3F9F]  }
0x2b: {  	s6 =	sld [smem:$0x3FA0]  }
0x2c: {  	s7 =	sld [smem:$0x3FA1]  }
0x2d: {  	s3 =	simm.s32 $0x108;
	s8 =	sld [smem:$0x3FA2]  }
0x2e: {  	s3 =	simm.s32 @!p0 $0x1082;
	s9 =	sld [smem:$0x3FA3]  }
0x2f: {  	lr =	sadd.s32 s0, s3;
	s0 =	sld [smem:$0x3F9A]  }
0x30: {  	s3 =	sld [smem:$0x3F9D]  }
0x31: {  	[smem:$0x3FA6] =	sst s10  }
0x32: {  	s10 =	sld [smem:$0x3FA4];
	_ =	sdelay $0x3  }
0x33: {  	p0 =	seq.s32 s10, $0x1;
	s10 =	sld [smem:$0x3FA6];
	_ =	sdelay $0x3  }
0x34: {  	[smem:$0x3FA6] =	sst s10  }
0x35: {  	s10 =	sld [smem:$0x3FA5];
	_ =	sdelay $0x3  }
0x36: {  	p1 =	seq.s32 s10, $0x1;
	s10 =	sld [smem:$0x3FA6];
	_ =	sdelay $0x3  }
0x37: {  	[smem:$0x3FA6] =	sst s10  }
0x38: {  	s10 =	sld [smem:$0x3FA7]  }
0x39: {  	_ = 	snop;
	(pc) =	sbr.ind lr, $3  }
0x3a: {  	_ = 	snop  }
0x3b: {  	_ = 	snop  }
0x3c: {  	p2 =	seq.s32 s10, $0x1;
	s10 =	sld [smem:$0x3FA6]  }
0x3d: {  	_ =	shalt  }
0x3e: {  	_ =	shalt  }
0x3f: {  	_ =	shalt  }
0x40: {  	_ =	shalt  }
0x41: {  	_ =	shalt  }
0x42: {  	_ =	shalt  }
0x43: {  	_ =	shalt  }
0x44: {  	_ =	shalt  }
0x45: {  	_ =	shalt  }
0x46: {  	_ =	shalt  }
0x47: {  	_ =	shalt  }
0x48: {  	_ =	shalt  }
0x49: {  	_ =	shalt  }
0x4a: {  	_ =	shalt  }
0x4b: {  	_ =	shalt  }
0x4c: {  	_ =	shalt  }
0x4d: {  	_ =	shalt  }
0x4e: {  	_ =	shalt  }
0x4f: {  	_ =	shalt  }
0x50: {  	_ =	shalt  }
0x51: {  	_ =	shalt  }
0x52: {  	_ =	shalt  }
0x53: {  	_ =	shalt  }
0x54: {  	_ =	shalt  }
0x55: {  	_ =	shalt  }
0x56: {  	_ =	shalt  }
0x57: {  	_ =	shalt  }
0x58: {  	_ =	shalt  }
0x59: {  	_ =	shalt  }
0x5a: {  	_ =	shalt  }
0x5b: {  	_ =	shalt  }
0x5c: {  	_ =	shalt  }
0x5d: {  	_ =	shalt  }
0x5e: {  	_ =	shalt  }
0x5f: {  	_ =	shalt  }
0x60: {  	_ =	shalt  }
0x61: {  	_ =	shalt  }
0x62: {  	_ =	shalt  }
0x63: {  	_ =	shalt  }
0x64: {  	_ =	shalt  }
0x65: {  	_ =	shalt  }
0x66: {  	_ =	shalt  }
0x67: {  	_ =	shalt  }
0x68: {  	_ =	shalt  }
0x69: {  	_ =	shalt  }
0x6a: {  	_ =	shalt  }
0x6b: {  	_ =	shalt  }
0x6c: {  	_ =	shalt  }
0x6d: {  	_ =	shalt  }
0x6e: {  	_ =	shalt  }
0x6f: {  	_ =	shalt  }
0x70: {  	_ =	shalt  }
0x71: {  	_ =	shalt  }
0x72: {  	_ =	shalt  }
0x73: {  	_ =	shalt  }
0x74: {  	_ =	shalt  }
0x75: {  	_ =	shalt  }
0x76: {  	_ =	shalt  }
0x77: {  	_ =	shalt  }
0x78: {  	_ =	shalt  }
0x79: {  	_ =	shalt  }
0x7a: {  	_ =	shalt  }
0x7b: {  	_ =	shalt  }
0x7c: {  	_ =	shalt  }
0x7d: {  	_ =	shalt  }
0x7e: {  	_ =	shalt  }
0x7f: {  	_ =	shalt  }
0x80: {  	_ =	shalt  }
0x81: {  	_ =	shalt  }
0x82: {  	_ =	shalt  }
0x83: {  	_ =	shalt  }
0x84: {  	_ =	shalt  }
0x85: {  	_ =	shalt  }
0x86: {  	_ =	shalt  }
0x87: {  	_ =	shalt  }
.Lfunc_end0:
.L_simem_size_0:
called_computation.2_lowered:
.L_overlay_start_0:
0x88: {  	s2 =	sld [smem:$0x3FD9]  }
0x89: {  	s3 =	sld [smem:$0x3FFE];
	_ =	sdelay $0x1  }
0x8a: {  	s1 =	srdreg.scid  }
0x8b: {  	s0 =	sand.u32 $0x1, s1  }
0x8c: {  	s14 =	sshll.u32 s0, $0xA;
	s2 =	sadd.s32 s3, s2  }
0x8d: {  	s2 =	sadd.s32 s2, s14  }
0x8e: {  	[smem:$0x3FB2] =	sst s2  }
0x8f: {  	_ = 	snop  }
0x90: {  	s2 =	sld [smem:$0x3FD0];
	_ =	sdelay $0x2  }
0x91: {  	s15 =	simm.s32 $0xB;
	s4 =	simm.s32 $0x10  }
0x92: {  	[smem:s4], [sflag:s15] =	dma.local [hbm:s2], $0x1  }
0x93: {  	_ =	swait.eq [sflag:s15], $0x1  }
0x94: {  	s16 =	sld [smem:$0x10];
	[sflag:s15] =	ssyncset.done $0x0  }
0x95: {  	s17 =	sld [smem:$0x11];
	[sflag:s15] =	ssyncadd.s32 $0xFFFFFFFF  }
0x96: {  	s18 =	sld [smem:$0x12];
	(tm) =	ssettm $0x1  }
0x97: {  	s5 =	sld [smem:$0x3FFB];
	_ =	sdelay $0x3  }
0x98: {  	_ =	strace s5  }
0x99: {  	s5 =	sld [smem:$0x3FFC];
	_ =	sdelay $0x3  }
0x9a: {  	_ =	strace s5  }
0x9b: {  	s5 =	sld [smem:$0x3FFD];
	_ =	sdelay $0x3  }
0x9c: {  	_ =	strace s5  }
0x9d: {  	_ =	strace $0x8FFFFFFF  }
0x9e: {  	s19 =	sld [smem:$0x3FDB];
	_ =	sdelay $0x1  }
0x9f: {  	s6 =	simm.s32 $_scs_section_size  }
0xa0: {  	s7 =	simm.s32 $_size__tile_overlayer_lowered;
	s8 =	simm.s32 $_tile_overlayer_lowered  }
0xa1: {  	s22 =	simm.s32 $0x1BFF;
	s21 =	sshll.u32 s8, $0x1;
	s5 =	sadd.s32 s6, s19  }
0xa2: {  	s9 =	simm.s32 $0x0;
	s20 =	sshll.u32 s7, $0x1;
	s7 =	sadd.s32 s21, s5  }
0xa3: {  	[timem:s9], [sflag:s22] =	dma.local [hbm:s7], s20  }
0xa4: {  	_ =	swait.ge [sflag:s22], s20  }
0xa5: {  	s6 =	ssub.s32 $0x0, s20;
	[sflag:s22] =	ssyncset.done $0x0  }
0xa6: {  	[sflag:s22] =	ssyncadd.s32 s6;
	_ =	sdelay $0x1  }
0xa7: {  	s23 =	simm.s32 $0x1B8B  }
0xa8: {  	_ =	swait.ge [sflag:s23], $0x1  }
0xa9: {  	[sflag:s23] =	ssyncset.done $0x0  }
0xaa: {  	s25 =	simm.s32 $0x1B8E;
	s24 =	sld [smem:$0x3FFE];
	[sflag:s23] =	ssyncadd.s32 $0xFFFFFFFF  }
0xab: {  	s26 =	simm.s32 $execute0_lowered;
	[smem:$0x3FD2] =	sst s25  }
0xac: {  	s7 =	sshll.u32 s26, $0x1;
	_ =	strace $0x80000049;
	[dreg:$0x1] =	wrdreg $0xFFFFFFFF  }
0xad: {  	s28 =	simm.s32 $_size_execute0_lowered;
	s5 =	sadd.s32 s5, s7;
	[dreg:$0x0] =	wrdreg $0x0  }
0xae: {  	s7 =	sshll.u32 s28, $0x1;
	[dreg:$0x2] =	wrdreg s5  }
0xaf: {  	[dreg:$0x3] =	wrdreg s7  }
0xb0: {  	[dreg:$0x4] =	wrdreg $0xC0  }
0xb1: {  	_ =	task [dreg:s9], $0x5FFFF  }
0xb2: {  	[dreg:$0x1] =	wrdreg $0xFFFFFFFF  }
0xb3: {  	[dreg:$0x0] =	wrdreg $0x60  }
0xb4: {  	[dreg:$0x2] =	wrdreg s24  }
0xb5: {  	[dreg:$0x3] =	wrdreg s16  }
0xb6: {  	[dreg:$0x4] =	wrdreg s18  }
0xb7: {  	[dreg:$0x5] =	wrdreg s17  }
0xb8: {  	[dreg:$0x6] =	wrdreg $0x81000  }
0xb9: {  	[dreg:$0x7] =	wrdreg $0x9  }
0xba: {  	_ =	task.clear_ibuf [dreg:s9], $0x8FFFF;
	_ =	strace $0x90000049  }
0xbb: {  	s29 =	simm.s32 $0x9;
	_ =	strace $0x8000004B  }
0xbc: {  	_ =	swait.ge [sflag:s29], $0x1  }
0xbd: {  	[sflag:s29] =	ssyncadd.s32 $0xFFFFFFFF  }
0xbe: {  	_ =	strace $0x9000004B  }
0xbf: {  	_ =	sfence  }
0xc0: {  	s30 =	sld [smem:$0x0];
	_ =	sdelay $0x2  }
0xc1: {  	s31 =	sshll.u32 s1, $0xD;
	s1 =	sshrl.u32 s1, $0x2  }
0xc2: {  	s3 =	sand.u32 $0x4000, s31;
	s1 =	sadd.s32 s1, s30  }
0xc3: {  	s0 =	sor.u32 s3, s0;
	s1 =	sshll.u32 s1, $0x11  }
0xc4: {  	s0 =	sor.u32 s1, s0  }
0xc5: {  	s0 =	sadd.s32 $0x8F2B, s0  }
0xc6: {  	[sflag:s0] =	ssyncadd.remote.s32 $0x1  }
0xc7: {  	_ =	sfence.sel $0xFFFF  }
0xc8: {  	[dreg:$0x0] =	wrdreg $0xFFFFFFFF;
	(pc) =	sbr.abs _section_cstart, $3  }
0xc9: {  	[dreg:$0x1] =	wrdreg $0xFFFFFFFF  }
0xca: {  	_ =	task.clear_ibuf [dreg:s9], $0x2FFFF;
	_ =	strace $0x9FFFFFFF  }
0xcb: {  	(tm) =	ssettm $0x7FFFFFFF  }
tec
execute0_lowered:
.L_overlay_start_1:
0x0: {  	(tag) =	ssettag $0x1  }
0x1: {  	s4 =	rddreg [dreg:$0x0]  }
0x2: {  	s1 =	rddreg [dreg:$0x1]  }
0x3: {  	s8 =	rddreg [dreg:$0x2]  }
0x4: {  	s11 =	rddreg [dreg:$0x3]  }
0x5: {  	s2 =	rddreg [dreg:$0x4];
	s3 =	simm.s32 $0x0  }
0x6: {  	s5 =	srdreg.scid;
	s16 =	stileid.u32;
	s21 =	simm.s32 $0x4  }
0x7: {  	s22 =	simm.s32 $0x0;
	[smem:$0x7FF] =	sst s3;
	s13 =	sand.u32 $0x1, s5  }
0x8: {  	s7 =	sshll.u32 s16, $0x1;
	s9 =	smul.u32 $0x4E000, s16;
	s14 =	sadd.s32 $0x15800, s4  }
0x9: {  	s0 =	smul.u32 $0x2700, s16;
	s25 =	sshll.u32 s16, $0x6;
	s18 =	sadd.s32 $0x138000, s2  }
0xa: {  	s28 =	sadd.s32 $0x27000, s8;
	s29 =	sshll.u32 s16, $0xC;
	s31 =	sshll.u32 s16, $0x8  }
0xb: {  	p0 =	sne.s32 s16, $0x0;
	_ =	strace $0x8000004A;
	s5 =	ssub.s32 $0x2, s13  }
0xc: {  	s10 =	sor.u32 s13, s7;
	s7 =	sor.u32 $0x1C03, s25;
	s15 =	smul.u32 $0x27100, s13  }
0xd: {  	[dreg:$0x8] =	wrdreg s28;
	s30 =	sshll.u32 s13, $0xB;
	s20 =	sshll.u32 s13, $0x7  }
0xe: {  	s18 =	sshrl.u32 @!p0 s18, $0x3;
	s6 =	sshrl.u32 s5, $0x1;
	s23 =	ssub.s32 $0x9E3, s10  }
0xf: {  	s24 =	sshrl.u32 s9, $0x2;
	[dreg:$0x6] =	wrdreg s0;
	s0 =	sadd.s32 s8, s0  }
0x10: {  	s26 =	sshll.u32 s10, $0x4;
	s10 =	sshll.u32 s10, $0xB;
	s12 =	ssub.s32 s5, s6  }
0x11: {  	s5 =	sshrl.u32 s23, $0x5;
	s17 =	sadd.s32 s24, s2;
	[dreg:$0x7] =	wrdreg s0  }
0x12: {  	s9 =	sadd.s32 s1, s26;
	s10 =	sadd.s32 s14, s10;
	s11 =	sadd.s32 s11, s15  }
0x13: {  	s14 =	sadd.s32 s29, s14;
	s15 =	sor.u32 s20, s31;
	s20 =	simm.s32 $0x1  }
0x14: {  	s12 =	smax.u32 s12, $0x1;
	s19 =	sadd.s32 $0x1, s5;
	s14 =	sadd.s32 s30, s14  }
0x15: {  	s15 =	sor.u32 $0x1000, s15;
	s16 =	sshrl.u32 s17, $0x3;
	s17 =	simm.s32 $0x3  }
0x16: {  	s13 =	sand.u32 $0x5E, s19;
	s14 =	sadd.s32 $0x10000, s14;
	s19 =	simm.s32 $0x80  }
.LBB2_1:
0x17: {  	s0 =	rddreg [dreg:$0x7]  }
0x18: {  	[spmem:s16], [sflag:s7] =	dma.local [hbm:s0], $0x2700  }
0x19: {  	_ =	swait.ge [sflag:s17], $0x2700  }
0x1a: {  	[sflag:s17] =	ssyncset.done $0x0  }
0x1b: {  	s23 =	simm.s32 @!p0 $0x3;
	s0 =	rddreg [dreg:$0x8];
	[sflag:s17] =	ssyncadd.s32 $0xFFFFD900  }
0x1c: {  	[spmem:s18], [sflag:s7] =	dma.local @!p0 [hbm:s0], $0x100  }
0x1d: {  	_ =	swait.ge @!p0 [sflag:s23], $0x100  }
0x1e: {  	p1 =	sne.s32 s13, $0x2;
	[sflag:s23] =	ssyncset.done @!p0 $0x0  }
.Ltmp0:
0x1f: {  	[sflag:s23] =	ssyncadd.s32 @!p0 $0xFFFFFF00;
	(pc) =	sbr.rel @!p1 .LBB2_2-.Ltmp0, $4  }
0x20: {  	s24 =	simm.s32 $0x2;
	p3 =	sle.u32 s5, $0x1;
	[bflag:$0x0] =	sbarrier.arrive $0xFFFF  }
0x21: {  	[tilespmem:s3], [sflag:$0x1] =	stream.linear.gather [hbm4b:s9+s3], $0x80, $0x38;
	[tilespmem:$0x1B980] =	vst v63  }
0x22: {  	p2 =	por $0x0, $0x0;
	s29 =	sshrl.u32 @!p3 s15, $0x3;
	s30 =	simm.s32 @!p3 $0x0  }
0x23: {  	[tilespmem:s19], [sflag:$0x1] =	stream.linear.gather [hbm4b:s10+s3], $0x4000, $0x38;
	[tilespmem:$0x1B980] =	vst v63  }
0x24: {  	s24 =	sadd.s32 @!p3 s1, s29;
	s26 =	simm.s32 @!p3 $0x4080  }
0x25: {  	[tilespmem:s26], [sflag:$0x2] =	stream.linear.gather @!p3 [hbm4b:s24+s30], $0x80, $0x38;
	[tilespmem:$0x1B980] =	vst v63  }
0x26: {  	s28 =	simm.s32 @!p3 $0x4100  }
0x27: {  	[tilespmem:s28], [sflag:$0x2] =	stream.linear.gather @!p3 [hbm4b:s14+s30], $0x4000, $0x38;
	[tilespmem:$0x1B980] =	vst v63  }
0x28: {  	_ =	swait.ge [sflag:s20], $0x80  }
0x29: {  	[sflag:s20] =	ssyncset.done $0x0  }
0x2a: {  	[sflag:s20] =	ssyncadd.s32 $0xFFFFFF80  }
0x2b: {  	_ =	swait.ge [sflag:s20], $0x4000  }
0x2c: {  	[sflag:s20] =	ssyncset.done $0x0  }
0x2d: {  	p2 =	sle.u32 s5, $0x2;
	[sflag:s20] =	ssyncadd.s32 $0xFFFFC000  }
0x2e: {  	[spmem:s2] =	stream.indirect.scatter.add.f32 [tilespmem:s19], [sflag:$0x4], $0x80, s3, s19, $0xb8;
	[tilespmem:$0x1B980] =	vst v63  }
0x2f: {  	s24 =	sadd.s32 @!p2 $0x1000, s15;
	_ =	swait.ge [sflag:s21], $0x4000  }
0x30: {  	p1 =	por p3, p3;
	s24 =	sshrl.u32 @!p2 s24, $0x3;
	[sflag:s21] =	ssyncset.done $0x0  }
0x31: {  	s25 =	simm.s32 @!p2 $0x0;
	s24 =	sadd.s32 @!p2 s1, s24;
	[sflag:s21] =	ssyncadd.s32 $0xFFFFC000  }
0x32: {  	[tilespmem:s25], [sflag:$0x1] =	stream.linear.gather @!p2 [hbm4b:s24+s25], $0x80, $0x38;
	[tilespmem:$0x1B980] =	vst v63  }
0x33: {  	s29 =	simm.s32 @!p2 $0x80;
	s30 =	simm.s32 @!p1 $0x2;
	s24 =	sadd.s32 @!p2 $0x10000, s14  }
0x34: {  	[tilespmem:s29], [sflag:$0x1] =	stream.linear.gather @!p2 [hbm4b:s24+s25], $0x4000, $0x38;
	[tilespmem:$0x1B980] =	vst v63  }
0x35: {  	_ =	swait.ge @!p1 [sflag:s30], $0x80  }
0x36: {  	[sflag:s30] =	ssyncset.done @!p1 $0x0  }
0x37: {  	p4 =	sne.s32 s13, $0x4;
	s31 =	simm.s32 @!p1 $0x3;
	[sflag:s30] =	ssyncadd.s32 @!p1 $0xFFFFFF80  }
0x38: {  	p3 =	sle.u32 s5, $0x3;
	s24 =	simm.s32 $0x4;
	_ =	swait.ge @!p1 [sflag:s30], $0x4000  }
.Ltmp1:
0x39: {  	s25 =	sadd.s32 $0x20000, s14;
	[sflag:s30] =	ssyncset.done @!p1 $0x0;
	(pc) =	sbr.rel @!p4 .LBB2_5-.Ltmp1, $4  }
0x3a: {  	s29 =	simm.s32 @!p1 $0x80;
	p2 =	por $0x1, $0x1;
	[sflag:s30] =	ssyncadd.s32 @!p1 $0xFFFFC000  }
0x3b: {  	[spmem:s2] =	stream.indirect.scatter.add.f32 @!p1 [tilespmem:s28], [sflag:$0x3], $0x80, s26, s29, $0xb8;
	[tilespmem:$0x1B980] =	vst v63  }
0x3c: {  	s30 =	simm.s32 @!p3 $0x0;
	s26 =	sadd.s32 $0x2000, s15;
	_ =	swait.ge @!p1 [sflag:s31], $0x4000  }
0x3d: {  	s28 =	simm.s32 $0x4;
	s29 =	sshrl.u32 @!p3 s26, $0x3;
	[sflag:s31] =	ssyncset.done @!p1 $0x0  }
.LBB2_4:
0x3e: {  	s0 =	sadd.s32 @!p3 s1, s29;
	s29 =	simm.s32 @!p3 $0x4080;
	[sflag:s31] =	ssyncadd.s32 @!p1 $0xFFFFC000  }
0x3f: {  	[tilespmem:s29], [sflag:$0x2] =	stream.linear.gather @!p3 [hbm4b:s0+s30], $0x80, $0x38;
	[tilespmem:$0x1B980] =	vst v63  }
0x40: {  	s6 =	smov.u32 s28;
	s28 =	sadd.s32 $0x2, s28;
	s0 =	simm.s32 @!p3 $0x4100  }
0x41: {  	[tilespmem:s0], [sflag:$0x2] =	stream.linear.gather @!p3 [hbm4b:s25+s30], $0x4000, $0x38;
	[tilespmem:$0x1B980] =	vst v63  }
0x42: {  	p1 =	por p3, p3;
	p4 =	sne.s32 s13, s28;
	_ =	swait.ge [sflag:s20], $0x80  }
0x43: {  	[sflag:s20] =	ssyncset.done $0x0  }
0x44: {  	[sflag:s20] =	ssyncadd.s32 $0xFFFFFF80  }
0x45: {  	_ =	swait.ge [sflag:s20], $0x4000  }
0x46: {  	[sflag:s20] =	ssyncset.done $0x0  }
0x47: {  	p3 =	sge.u32 s24, s5;
	s24 =	smov.u32 s28;
	[sflag:s20] =	ssyncadd.s32 $0xFFFFC000  }
0x48: {  	[spmem:s2] =	stream.indirect.scatter.add.f32 [tilespmem:s19], [sflag:$0x4], $0x80, s3, s19, $0xb8;
	[tilespmem:$0x1B980] =	vst v63  }
0x49: {  	s30 =	sadd.s32 @!p3 $0x1000, s26;
	_ =	swait.ge [sflag:s21], $0x4000  }
0x4a: {  	s30 =	sshrl.u32 @!p3 s30, $0x3;
	[sflag:s21] =	ssyncset.done $0x0  }
0x4b: {  	s31 =	simm.s32 @!p3 $0x0;
	s30 =	sadd.s32 @!p3 s1, s30;
	[sflag:s21] =	ssyncadd.s32 $0xFFFFC000  }
0x4c: {  	[tilespmem:s31], [sflag:$0x1] =	stream.linear.gather @!p3 [hbm4b:s30+s31], $0x80, $0x38;
	[tilespmem:$0x1B980] =	vst v63  }
0x4d: {  	s8 =	simm.s32 @!p1 $0x2;
	s4 =	simm.s32 @!p3 $0x80;
	s30 =	sadd.s32 @!p3 $0x10000, s25  }
0x4e: {  	[tilespmem:s4], [sflag:$0x1] =	stream.linear.gather @!p3 [hbm4b:s30+s31], $0x4000, $0x38;
	[tilespmem:$0x1B980] =	vst v63  }
0x4f: {  	_ =	swait.ge @!p1 [sflag:s8], $0x80  }
0x50: {  	[sflag:s8] =	ssyncset.done @!p1 $0x0  }
0x51: {  	[sflag:s8] =	ssyncadd.s32 @!p1 $0xFFFFFF80  }
0x52: {  	s25 =	sadd.s32 $0x20000, s25;
	_ =	swait.ge @!p1 [sflag:s8], $0x4000  }
.Ltmp2:
0x53: {  	s31 =	simm.s32 @!p1 $0x3;
	[sflag:s8] =	ssyncset.done @!p1 $0x0;
	(pc) =	sbr.rel @p4 .LBB2_4-.Ltmp2, $4  }
0x54: {  	s4 =	sadd.s32 $0x1, s6;
	s6 =	simm.s32 @!p1 $0x80;
	[sflag:s8] =	ssyncadd.s32 @!p1 $0xFFFFC000  }
0x55: {  	[spmem:s2] =	stream.indirect.scatter.add.f32 @!p1 [tilespmem:s0], [sflag:$0x3], $0x80, s29, s6, $0xb8;
	[tilespmem:$0x1B980] =	vst v63  }
0x56: {  	s26 =	sadd.s32 $0x2000, s26;
	p3 =	sge.u32 s4, s5;
	_ =	swait.ge @!p1 [sflag:s31], $0x4000  }
0x57: {  	s30 =	simm.s32 @!p3 $0x0;
	s29 =	sshrl.u32 @!p3 s26, $0x3;
	[sflag:s31] =	ssyncset.done @!p1 $0x0  }
.LBB2_5:
0x58: {  	p1 =	por p1, !p2  }
0x59: {  	s0 =	sadd.s32 @!p3 s1, s29;
	s4 =	simm.s32 @!p3 $0x4080;
	[sflag:s31] =	ssyncadd.s32 @!p1 $0xFFFFC000  }
0x5a: {  	[tilespmem:s4], [sflag:$0x2] =	stream.linear.gather @!p3 [hbm4b:s0+s30], $0x80, $0x38;
	[tilespmem:$0x1B980] =	vst v63  }
0x5b: {  	s0 =	simm.s32 @!p3 $0x4100  }
0x5c: {  	[tilespmem:s0], [sflag:$0x2] =	stream.linear.gather @!p3 [hbm4b:s25+s30], $0x4000, $0x38;
	[tilespmem:$0x1B980] =	vst v63  }
0x5d: {  	_ =	swait.ge [sflag:s20], $0x80  }
0x5e: {  	[sflag:s20] =	ssyncset.done $0x0  }
0x5f: {  	[sflag:s20] =	ssyncadd.s32 $0xFFFFFF80  }
0x60: {  	_ =	swait.ge [sflag:s20], $0x4000  }
0x61: {  	[sflag:s20] =	ssyncset.done $0x0  }
0x62: {  	p2 =	sge.u32 s24, s5;
	[sflag:s20] =	ssyncadd.s32 $0xFFFFC000  }
0x63: {  	[spmem:s2] =	stream.indirect.scatter.add.f32 [tilespmem:s19], [sflag:$0x4], $0x80, s3, s19, $0xb8;
	[tilespmem:$0x1B980] =	vst v63  }
0x64: {  	s6 =	sadd.s32 @!p2 $0x1000, s26;
	_ =	swait.ge [sflag:s21], $0x4000  }
0x65: {  	p1 =	por p3, p3;
	s6 =	sshrl.u32 @!p2 s6, $0x3;
	[sflag:s21] =	ssyncset.done $0x0  }
0x66: {  	s8 =	simm.s32 @!p2 $0x0;
	s6 =	sadd.s32 @!p2 s1, s6;
	[sflag:s21] =	ssyncadd.s32 $0xFFFFC000  }
0x67: {  	[tilespmem:s8], [sflag:$0x1] =	stream.linear.gather @!p2 [hbm4b:s6+s8], $0x80, $0x38;
	[tilespmem:$0x1B980] =	vst v63  }
0x68: {  	s24 =	simm.s32 @!p2 $0x80;
	s6 =	sadd.s32 @!p2 $0x10000, s25;
	s25 =	simm.s32 @!p1 $0x2  }
0x69: {  	[tilespmem:s24], [sflag:$0x1] =	stream.linear.gather @!p2 [hbm4b:s6+s8], $0x4000, $0x38;
	[tilespmem:$0x1B980] =	vst v63  }
0x6a: {  	_ =	swait.ge @!p1 [sflag:s25], $0x80  }
0x6b: {  	[sflag:s25] =	ssyncset.done @!p1 $0x0  }
0x6c: {  	[sflag:s25] =	ssyncadd.s32 @!p1 $0xFFFFFF80  }
0x6d: {  	_ =	swait.ge @!p1 [sflag:s25], $0x4000  }
0x6e: {  	[sflag:s25] =	ssyncset.done @!p1 $0x0  }
0x6f: {  	s6 =	simm.s32 @!p1 $0x3;
	s8 =	simm.s32 @!p1 $0x80;
	[sflag:s25] =	ssyncadd.s32 @!p1 $0xFFFFC000  }
0x70: {  	[spmem:s2] =	stream.indirect.scatter.add.f32 @!p1 [tilespmem:s0], [sflag:$0x3], $0x80, s4, s8, $0xb8;
	[tilespmem:$0x1B980] =	vst v63  }
0x71: {  	_ =	swait.ge @!p1 [sflag:s6], $0x4000  }
0x72: {  	[sflag:s6] =	ssyncset.done @!p1 $0x0  }
0x73: {  	[sflag:s6] =	ssyncadd.s32 @!p1 $0xFFFFC000  }
0x74: {  	[bflag:$0x0] =	sbarrier.arrive $0xFFFF  }
0x75: {  	s31 =	rddreg [dreg:$0x6]  }
0x76: {  	s0 =	sadd.s32 s31, s11  }
0x77: {  	[hbm:s0], [sflag:s7] =	dma.local [spmem:s16], $0x2700  }
0x78: {  	_ =	swait.ge [sflag:s17], $0x2700  }
0x79: {  	s22 =	sadd.s32 $0x1, s22;
	[sflag:s17] =	ssyncset.done $0x0  }
0x7a: {  	p1 =	sne.s32 s22, s12;
	s0 =	sadd.s32 @!p0 $0x27000, s11;
	[sflag:s17] =	ssyncadd.s32 $0xFFFFD900  }
0x7b: {  	[hbm:s0], [sflag:s7] =	dma.local @!p0 [spmem:s18], $0x100  }
.Ltmp3:
0x7c: {  	_ = 	snop;
	(pc) =	sbr.rel @p1 .LBB2_1-.Ltmp3, $4  }
.Ltmp4:
0x7d: {  	_ = 	snop;
	(pc) =	sbr.rel @!p1 .LBB2_6-.Ltmp4, $4  }
0x7e: {  	_ =	swait.ge @!p0 [sflag:s23], $0x100  }
0x7f: {  	[sflag:s23] =	ssyncset.done @!p0 $0x0  }
0x80: {  	[sflag:s23] =	ssyncadd.s32 @!p0 $0xFFFFFF00  }
0x81: {  	_ = 	snop  }
.LBB2_2:
.Ltmp5:
0x82: {  	(pc) =	sbr.rel .LBB2_5-.Ltmp5, $2  }
0x83: {  	_ =	sdelay $0x2  }
0x84: {  	s25 =	smov.u32 s14;
	s26 =	smov.u32 s15  }
.LBB2_6:
0x85: {  	_ =	sfence.sel $0x180000  }
0x86: {  	[bflag:$0x0] =	sbarrier.arrive $0xFFFF  }
0x87: {  	_ =	strace $0x9000004A  }
0x88: {  	[bflag:$0x2] =	sbarrier.arrive $0xFFFF  }
0x89: {  	s0 =	rddreg [dreg:$0x5]  }
0x8a: {  	s0 =	sadd.s32 @!p0 $0x100000, s0  }
0x8b: {  	[sflag:s0] =	ssyncadd.tile.s32 @!p0 $0x1;
	_ =	shalt  }
.Lfunc_end2:
_tile_overlayer_lowered:
.L_overlay_start_2:
0x8c: {  	(tag) =	ssettag $0x2  }
0x8d: {  	s0 =	rddreg [dreg:$0x0];
	s2 =	stileid.u32  }
0x8e: {  	s1 =	rddreg [dreg:$0x1];
	p0 =	sne.s32 s2, $0x0  }
0x8f: {  	s3 =	rddreg [dreg:$0x2];
	[bflag:$0x3] =	sbarrier.arrive $0xFFFF;
	s2 =	simm.s32 @!p0 $0x1C03  }
0x90: {  	[timem:s3], [sflag:s2] =	dma.local @!p0 [hbm:s0], s1  }
0x91: {  	s0 =	simm.s32 @!p0 $0x3  }
0x92: {  	_ =	swait.ge @!p0 [sflag:s0], s1  }
0x93: {  	s1 =	ssub.s32 @!p0 $0x0, s1;
	[sflag:s0] =	ssyncset.done @!p0 $0x0  }
0x94: {  	[sflag:s0] =	ssyncadd.s32 @!p0 s1  }
0x95: {  	[bflag:$0x3] =	sbarrier.arrive $0xFFFF  }
0x96: {  	_ =	shalt  }

// kernel: kernel.25.cloned.1.call-start
scs
__scs_entry_jumppad:
0x0: {  	(pc) =	sbr.rel $0x88, $3  }
0x1: {  	(tag) =	ssettag $0x0;
	lr =	simm.s32 $0x1  }
0x2: {  	[smem:$0x3F8B] =	sst lr;
	_ =	strace $0xD0000000  }
0x3: {  	_ = 	snop  }
0x4: {  	_ = 	snop  }
0x5: {  	_ = 	snop  }
0x6: {  	_ = 	snop  }
0x7: {  	_ = 	snop  }
__scs_overlays_trampoline_lowered:
0x8: {  	[smem:$0x3F9A] =	sst s0  }
0x9: {  	[smem:$0x3F9B] =	sst s1  }
0xa: {  	[smem:$0x3F9C] =	sst s2  }
0xb: {  	[smem:$0x3F9D] =	sst s3  }
0xc: {  	[smem:$0x3F9E] =	sst s4  }
0xd: {  	[smem:$0x3F9F] =	sst s5  }
0xe: {  	[smem:$0x3FA0] =	sst s6  }
0xf: {  	[smem:$0x3FA1] =	sst s7  }
0x10: {  	[smem:$0x3FA2] =	sst s8  }
0x11: {  	[smem:$0x3FA3] =	sst s9;
	s0 =	simm.s32 @!p0 $0x0  }
0x12: {  	s1 =	sld [smem:$0x3F89];
	s0 =	simm.s32 @p0 $0x1  }
0x13: {  	[smem:$0x3FA4] =	sst s0;
	s0 =	simm.s32 @!p1 $0x0  }
0x14: {  	s2 =	sld [smem:$0x3F88];
	s0 =	simm.s32 @p1 $0x1  }
0x15: {  	[smem:$0x3FA5] =	sst s0;
	s0 =	simm.s32 @!p2 $0x0  }
0x16: {  	s3 =	sld [smem:$0x3FDB];
	s0 =	simm.s32 @p2 $0x1  }
0x17: {  	s4 =	simm.s32 $0x1BF5;
	[smem:$0x3FA7] =	sst s0  }
0x18: {  	s0 =	sld [smem:$0x3F8A];
	_ =	swait.ge [sflag:s4], $0x0  }
0x19: {  	s7 =	sld [smem:$0x3F8B]  }
0x1a: {  	s8 =	sadd.s32 $0xFFFFE003, lr  }
0x1b: {  	s9 =	sadd.s32 $0xFFFFFEF7, lr;
	s5 =	simm.s32 $0xFFFFFFFF;
	p2 =	slt.u32 s8, $0xFFFFF086  }
0x1c: {  	p1 =	slt.u32 s9, $0xF7A;
	s5 =	simm.s32 @!p2 $0x0  }
0x1d: {  	s5 =	simm.s32 @p1 $0x1;
	p0 =	seq.s32 s7, s2  }
0x1e: {  	s7 =	smul.u32 @!p0 $0xF7A, s2;
	p2 =	seq.s32 @!p0 s5, $0x0  }
0x1f: {  	s9 =	smul.u32 $0xF7A, s1;
	s8 =	simm.s32 @!p0 $0x1BF5;
	p2 =	por !p2, p0  }
0x20: {  	[sflag:s8] =	ssyncset.s32 @!p0 $0xFFFFF086;
	s6 =	sadd.s32 @!p0 s3, s7;
	s7 =	simm.s32 @!p0 $0x108  }
0x21: {  	s3 =	sadd.s32 s3, s9;
	s6 =	sadd.s32 @!p0 $0x88, s6;
	s7 =	simm.s32 @p2 $0x1082  }
0x22: {  	[simem:s7], [sflag:s8] =	dma.local @!p0 [hbm:s6], $0xF7A  }
0x23: {  	s9 =	sor.u32 $0xD0000000, s2;
	s6 =	simm.s32 $0x108;
	_ =	swait.ge @!p0 [sflag:s8], $0x0  }
0x24: {  	s3 =	sadd.s32 $0x88, s3;
	s6 =	simm.s32 @!p1 $0x1082;
	[sflag:s4] =	ssyncset.s32 $0xFFFFF086  }
0x25: {  	[simem:s6], [sflag:s4] =	dma.local [hbm:s3], $0xF7A  }
0x26: {  	[smem:$0x3F8B] =	sst s1;
	(tag) =	ssettag s2;
	_ =	strace s9  }
0x27: {  	s1 =	sld [smem:$0x3F9B]  }
0x28: {  	s2 =	sld [smem:$0x3F9C]  }
0x29: {  	s4 =	sld [smem:$0x3F9E]  }
0x2a: {  	p0 =	seq.s32 s5, $0x0;
	s5 =	sld [smem:$0x3F9F]  }
0x2b: {  	s6 =	sld [smem:$0x3FA0]  }
0x2c: {  	s7 =	sld [smem:$0x3FA1]  }
0x2d: {  	s3 =	simm.s32 $0x108;
	s8 =	sld [smem:$0x3FA2]  }
0x2e: {  	s3 =	simm.s32 @!p0 $0x1082;
	s9 =	sld [smem:$0x3FA3]  }
0x2f: {  	lr =	sadd.s32 s0, s3;
	s0 =	sld [smem:$0x3F9A]  }
0x30: {  	s3 =	sld [smem:$0x3F9D]  }
0x31: {  	[smem:$0x3FA6] =	sst s10  }
0x32: {  	s10 =	sld [smem:$0x3FA4];
	_ =	sdelay $0x3  }
0x33: {  	p0 =	seq.s32 s10, $0x1;
	s10 =	sld [smem:$0x3FA6];
	_ =	sdelay $0x3  }
0x34: {  	[smem:$0x3FA6] =	sst s10  }
0x35: {  	s10 =	sld [smem:$0x3FA5];
	_ =	sdelay $0x3  }
0x36: {  	p1 =	seq.s32 s10, $0x1;
	s10 =	sld [smem:$0x3FA6];
	_ =	sdelay $0x3  }
0x37: {  	[smem:$0x3FA6] =	sst s10  }
0x38: {  	s10 =	sld [smem:$0x3FA7]  }
0x39: {  	_ = 	snop;
	(pc) =	sbr.ind lr, $3  }
0x3a: {  	_ = 	snop  }
0x3b: {  	_ = 	snop  }
0x3c: {  	p2 =	seq.s32 s10, $0x1;
	s10 =	sld [smem:$0x3FA6]  }
0x3d: {  	_ =	shalt  }
0x3e: {  	_ =	shalt  }
0x3f: {  	_ =	shalt  }
0x40: {  	_ =	shalt  }
0x41: {  	_ =	shalt  }
0x42: {  	_ =	shalt  }
0x43: {  	_ =	shalt  }
0x44: {  	_ =	shalt  }
0x45: {  	_ =	shalt  }
0x46: {  	_ =	shalt  }
0x47: {  	_ =	shalt  }
0x48: {  	_ =	shalt  }
0x49: {  	_ =	shalt  }
0x4a: {  	_ =	shalt  }
0x4b: {  	_ =	shalt  }
0x4c: {  	_ =	shalt  }
0x4d: {  	_ =	shalt  }
0x4e: {  	_ =	shalt  }
0x4f: {  	_ =	shalt  }
0x50: {  	_ =	shalt  }
0x51: {  	_ =	shalt  }
0x52: {  	_ =	shalt  }
0x53: {  	_ =	shalt  }
0x54: {  	_ =	shalt  }
0x55: {  	_ =	shalt  }
0x56: {  	_ =	shalt  }
0x57: {  	_ =	shalt  }
0x58: {  	_ =	shalt  }
0x59: {  	_ =	shalt  }
0x5a: {  	_ =	shalt  }
0x5b: {  	_ =	shalt  }
0x5c: {  	_ =	shalt  }
0x5d: {  	_ =	shalt  }
0x5e: {  	_ =	shalt  }
0x5f: {  	_ =	shalt  }
0x60: {  	_ =	shalt  }
0x61: {  	_ =	shalt  }
0x62: {  	_ =	shalt  }
0x63: {  	_ =	shalt  }
0x64: {  	_ =	shalt  }
0x65: {  	_ =	shalt  }
0x66: {  	_ =	shalt  }
0x67: {  	_ =	shalt  }
0x68: {  	_ =	shalt  }
0x69: {  	_ =	shalt  }
0x6a: {  	_ =	shalt  }
0x6b: {  	_ =	shalt  }
0x6c: {  	_ =	shalt  }
0x6d: {  	_ =	shalt  }
0x6e: {  	_ =	shalt  }
0x6f: {  	_ =	shalt  }
0x70: {  	_ =	shalt  }
0x71: {  	_ =	shalt  }
0x72: {  	_ =	shalt  }
0x73: {  	_ =	shalt  }
0x74: {  	_ =	shalt  }
0x75: {  	_ =	shalt  }
0x76: {  	_ =	shalt  }
0x77: {  	_ =	shalt  }
0x78: {  	_ =	shalt  }
0x79: {  	_ =	shalt  }
0x7a: {  	_ =	shalt  }
0x7b: {  	_ =	shalt  }
0x7c: {  	_ =	shalt  }
0x7d: {  	_ =	shalt  }
0x7e: {  	_ =	shalt  }
0x7f: {  	_ =	shalt  }
0x80: {  	_ =	shalt  }
0x81: {  	_ =	shalt  }
0x82: {  	_ =	shalt  }
0x83: {  	_ =	shalt  }
0x84: {  	_ =	shalt  }
0x85: {  	_ =	shalt  }
0x86: {  	_ =	shalt  }
0x87: {  	_ =	shalt  }
.Lfunc_end0:
.L_simem_size_0:
called_computation.3_lowered:
.L_overlay_start_0:
0x88: {  	s2 =	sld [smem:$0x3FD9]  }
0x89: {  	s3 =	sld [smem:$0x3FFE];
	_ =	sdelay $0x1  }
0x8a: {  	s1 =	srdreg.scid  }
0x8b: {  	s0 =	sand.u32 $0x1, s1  }
0x8c: {  	s14 =	sshll.u32 s0, $0xA;
	s2 =	sadd.s32 s3, s2  }
0x8d: {  	s2 =	sadd.s32 s2, s14  }
0x8e: {  	[smem:$0x3FB2] =	sst s2  }
0x8f: {  	_ = 	snop  }
0x90: {  	s2 =	sld [smem:$0x3FD0];
	_ =	sdelay $0x2  }
0x91: {  	s15 =	simm.s32 $0xB;
	s4 =	simm.s32 $0x10  }
0x92: {  	[smem:s4], [sflag:s15] =	dma.local [hbm:s2], $0x1  }
0x93: {  	_ =	swait.eq [sflag:s15], $0x1  }
0x94: {  	[sflag:s15] =	ssyncset.done $0x0  }
0x95: {  	s16 =	sld [smem:$0x10];
	[sflag:s15] =	ssyncadd.s32 $0xFFFFFFFF  }
0x96: {  	s17 =	sld [smem:$0x13];
	(tm) =	ssettm $0x1  }
0x97: {  	s18 =	sld [smem:$0x3FFB];
	_ =	sdelay $0x3  }
0x98: {  	_ =	strace s18  }
0x99: {  	s4 =	sld [smem:$0x3FFC];
	_ =	sdelay $0x3  }
0x9a: {  	_ =	strace s4  }
0x9b: {  	s4 =	sld [smem:$0x3FFD];
	_ =	sdelay $0x3  }
0x9c: {  	_ =	strace s4  }
0x9d: {  	_ =	strace $0x8FFFFFFF  }
0x9e: {  	s19 =	sld [smem:$0x3FDB];
	_ =	sdelay $0x1  }
0x9f: {  	s5 =	simm.s32 $_scs_section_size  }
0xa0: {  	s6 =	simm.s32 $_size__tile_overlayer_lowered;
	s7 =	simm.s32 $_tile_overlayer_lowered  }
0xa1: {  	s22 =	simm.s32 $0x1BFF;
	s21 =	sshll.u32 s7, $0x1;
	s4 =	sadd.s32 s5, s19  }
0xa2: {  	s8 =	simm.s32 $0x0;
	s20 =	sshll.u32 s6, $0x1;
	s6 =	sadd.s32 s21, s4  }
0xa3: {  	[timem:s8], [sflag:s22] =	dma.local [hbm:s6], s20  }
0xa4: {  	_ =	swait.ge [sflag:s22], s20  }
0xa5: {  	s5 =	ssub.s32 $0x0, s20;
	[sflag:s22] =	ssyncset.done $0x0  }
0xa6: {  	[sflag:s22] =	ssyncadd.s32 s5;
	_ =	sdelay $0x1  }
0xa7: {  	s23 =	simm.s32 $0x1B8B  }
0xa8: {  	_ =	swait.ge [sflag:s23], $0x1  }
0xa9: {  	[sflag:s23] =	ssyncset.done $0x0  }
0xaa: {  	s25 =	simm.s32 $0x1B8E;
	s24 =	sld [smem:$0x3FFE];
	[sflag:s23] =	ssyncadd.s32 $0xFFFFFFFF  }
0xab: {  	s26 =	simm.s32 $execute0_lowered;
	[smem:$0x3FD2] =	sst s25  }
0xac: {  	s6 =	sshll.u32 s26, $0x1;
	_ =	strace $0x8000004C;
	[dreg:$0x1] =	wrdreg $0xFFFFFFFF  }
0xad: {  	s28 =	simm.s32 $_size_execute0_lowered;
	s4 =	sadd.s32 s4, s6;
	[dreg:$0x0] =	wrdreg $0x0  }
0xae: {  	s6 =	sshll.u32 s28, $0x1;
	[dreg:$0x2] =	wrdreg s4  }
0xaf: {  	[dreg:$0x3] =	wrdreg s6  }
0xb0: {  	[dreg:$0x4] =	wrdreg $0xC0  }
0xb1: {  	_ =	task [dreg:s8], $0x5FFFF  }
0xb2: {  	[dreg:$0x1] =	wrdreg $0xFFFFFFFF  }
0xb3: {  	[dreg:$0x0] =	wrdreg $0x60  }
0xb4: {  	[dreg:$0x2] =	wrdreg s17  }
0xb5: {  	[dreg:$0x3] =	wrdreg s24  }
0xb6: {  	[dreg:$0x4] =	wrdreg s16  }
0xb7: {  	[dreg:$0x5] =	wrdreg $0xA  }
0xb8: {  	_ =	task.clear_ibuf [dreg:s8], $0x6FFFF;
	_ =	strace $0x9000004C  }
0xb9: {  	s29 =	simm.s32 $0xA;
	_ =	strace $0x8000004E  }
0xba: {  	_ =	swait.ge [sflag:s29], $0x1  }
0xbb: {  	[sflag:s29] =	ssyncadd.s32 $0xFFFFFFFF  }
0xbc: {  	_ =	strace $0x9000004E  }
0xbd: {  	_ =	sfence  }
0xbe: {  	s30 =	sld [smem:$0x0];
	_ =	sdelay $0x2  }
0xbf: {  	s31 =	sshll.u32 s1, $0xD;
	s1 =	sshrl.u32 s1, $0x2  }
0xc0: {  	s3 =	sand.u32 $0x4000, s31;
	s1 =	sadd.s32 s1, s30  }
0xc1: {  	s0 =	sor.u32 s3, s0;
	s1 =	sshll.u32 s1, $0x11  }
0xc2: {  	s0 =	sor.u32 s1, s0  }
0xc3: {  	s0 =	sadd.s32 $0x8F2B, s0  }
0xc4: {  	[sflag:s0] =	ssyncadd.remote.s32 $0x1  }
0xc5: {  	_ =	sfence.sel $0xFFFF  }
0xc6: {  	[dreg:$0x0] =	wrdreg $0xFFFFFFFF;
	(pc) =	sbr.abs _section_cstart, $3  }
0xc7: {  	[dreg:$0x1] =	wrdreg $0xFFFFFFFF  }
0xc8: {  	_ =	task.clear_ibuf [dreg:s8], $0x2FFFF;
	_ =	strace $0x9FFFFFFF  }
0xc9: {  	(tm) =	ssettm $0x7FFFFFFF  }
tec
execute0_lowered:
.L_overlay_start_1:
0x0: {  	(tag) =	ssettag $0x1  }
0x1: {  	s1 =	rddreg [dreg:$0x0]  }
0x2: {  	s7 =	rddreg [dreg:$0x1]  }
0x3: {  	s2 =	rddreg [dreg:$0x2]  }
0x4: {  	s0 =	rddreg [dreg:$0x3];
	s3 =	simm.s32 $0x0  }
0x5: {  	s8 =	srdreg.scid;
	s4 =	stileid.u32;
	s15 =	simm.s32 $0x3  }
0x6: {  	s16 =	simm.s32 $0x80;
	s17 =	simm.s32 $0x100;
	s18 =	simm.s32 $0x4100  }
0x7: {  	s19 =	simm.s32 $0x1;
	s20 =	simm.s32 $0x4;
	s21 =	simm.s32 $0x2  }
0x8: {  	s22 =	simm.s32 $0x8200;
	s23 =	simm.s32 $0x0;
	[smem:$0x7FF] =	sst s3  }
0x9: {  	s5 =	sadd.s32 $0x4F8800, s7;
	s6 =	sadd.s32 $0x8600, s7;
	s8 =	sand.u32 $0x1, s8  }
0xa: {  	s9 =	sshll.u32 s4, $0x1;
	s7 =	sadd.s32 $0x546C00, s7;
	_ =	strace $0x8000004D  }
.Ltmp0:
0xb: {  	s10 =	ssub.s32 $0x2, s8;
	s12 =	sor.u32 s8, s9;
	(pc) =	sbr.rel .LBB2_1-.Ltmp0, $4  }
0xc: {  	s31 =	sshrl.u32 s10, $0x1;
	s9 =	ssub.s32 $0x9E3, s12;
	s11 =	sshll.u32 s12, $0x4  }
0xd: {  	s14 =	ssub.s32 s10, s31;
	s8 =	sshrl.u32 s9, $0x5;
	s9 =	sadd.s32 s6, s11  }
0xe: {  	s10 =	sadd.s32 s2, s11;
	s11 =	sshll.u32 s12, $0x7;
	s13 =	sadd.s32 $0x1, s8  }
0xf: {  	s12 =	sshll.u32 s12, $0xE;
	s14 =	smax.u32 s14, $0x1;
	s13 =	sshrl.u32 s13, $0x1  }
.LBB2_9:
0x10: {  	s23 =	sadd.s32 $0x1, s23  }
0x11: {  	p0 =	sne.s32 s23, s14  }
.Ltmp1:
0x12: {  	_ = 	snop;
	(pc) =	sbr.rel @!p0 .LBB2_10-.Ltmp1, $1  }
0x13: {  	_ =	sdelay $0x3  }
.LBB2_1:
0x14: {  	[tilespmem:s3], [sflag:$0x3] =	stream.linear.gather [hbm4b:s9+s3], $0x80, $0x38;
	[tilespmem:$0x10200] =	vst v63  }
0x15: {  	_ =	swait.ge [sflag:s15], $0x80  }
0x16: {  	[sflag:s15] =	ssyncset.done $0x0  }
0x17: {  	[sflag:s15] =	ssyncadd.s32 $0xFFFFFF80  }
0x18: {  	[tilespmem:s16], [sflag:$0x3] =	stream.linear.gather [hbm4b:s10+s3], $0x80, $0x38;
	[tilespmem:$0x10200] =	vst v63  }
0x19: {  	_ =	swait.ge [sflag:s15], $0x80  }
.Ltmp2:
0x1a: {  	[sflag:s15] =	ssyncset.done $0x0;
	(pc) =	sbr.rel .LBB2_2-.Ltmp2, $4  }
0x1b: {  	[sflag:s15] =	ssyncadd.s32 $0xFFFFFF80  }
0x1c: {  	[tilespmem:s17], [sflag:$0x1] =	stream.indirect.gather [hbm4b:s1+s16], $0x80, s3, s16, $0xb8;
	[tilespmem:$0x10200] =	vst v63  }
0x1d: {  	s24 =	simm.s32 $0x0  }
0x1e: {  	[tilespmem:s18], [sflag:$0x1] =	stream.indirect.gather [hbm4b:s5+s16], $0x80, s16, s16, $0xb8;
	[tilespmem:$0x10200] =	vst v63  }
.LBB2_8:
0x1f: {  	s24 =	sadd.s32 $0x1, s24  }
0x20: {  	p0 =	sne.s32 s24, s13  }
.Ltmp3:
0x21: {  	_ = 	snop;
	(pc) =	sbr.rel @!p0 .LBB2_9-.Ltmp3, $1  }
0x22: {  	_ =	sdelay $0x3  }
.LBB2_2:
0x23: {  	s25 =	sshllo.u32 s24, $0x1  }
0x24: {  	p0 =	sge.u32 s25, s8  }
0x25: {  	s26 =	sshll.u32 @!p0 s25, $0xC  }
0x26: {  	s26 =	sor.u32 @!p0 s11, s26  }
0x27: {  	s26 =	sshrl.u32 @!p0 s26, $0x3  }
0x28: {  	s29 =	simm.s32 @!p0 $0x0;
	s30 =	simm.s32 @!p0 $0x8100;
	s28 =	sadd.s32 @!p0 s6, s26  }
0x29: {  	[tilespmem:s30], [sflag:$0x4] =	stream.linear.gather @!p0 [hbm4b:s28+s29], $0x80, $0x38;
	[tilespmem:$0x10200] =	vst v63  }
0x2a: {  	s28 =	simm.s32 @!p0 $0x4  }
0x2b: {  	_ =	swait.ge @!p0 [sflag:s28], $0x80  }
0x2c: {  	[sflag:s28] =	ssyncset.done @!p0 $0x0  }
0x2d: {  	s31 =	simm.s32 @!p0 $0x8180;
	s26 =	sadd.s32 @!p0 s2, s26;
	[sflag:s28] =	ssyncadd.s32 @!p0 $0xFFFFFF80  }
0x2e: {  	[tilespmem:s31], [sflag:$0x4] =	stream.linear.gather @!p0 [hbm4b:s26+s29], $0x80, $0x38;
	[tilespmem:$0x10200] =	vst v63  }
0x2f: {  	_ =	swait.ge @!p0 [sflag:s28], $0x80  }
0x30: {  	[sflag:s28] =	ssyncset.done @!p0 $0x0  }
0x31: {  	s26 =	simm.s32 @!p0 $0x80;
	[sflag:s28] =	ssyncadd.s32 @!p0 $0xFFFFFF80;
	s28 =	simm.s32 @!p0 $0x8200  }
0x32: {  	[tilespmem:s28], [sflag:$0x2] =	stream.indirect.gather @!p0 [hbm4b:s1+s26], $0x80, s30, s26, $0xb8;
	[tilespmem:$0x10200] =	vst v63  }
0x33: {  	s28 =	simm.s32 @!p0 $0xC200  }
0x34: {  	[tilespmem:s28], [sflag:$0x2] =	stream.indirect.gather @!p0 [hbm4b:s5+s26], $0x80, s31, s26, $0xb8;
	[tilespmem:$0x10200] =	vst v63  }
0x35: {  	_ =	swait.ge [sflag:s19], $0x4000  }
0x36: {  	[sflag:s19] =	ssyncset.done $0x0  }
0x37: {  	[sflag:s19] =	ssyncadd.s32 $0xFFFFC000  }
0x38: {  	_ =	swait.ge [sflag:s19], $0x4000  }
0x39: {  	[sflag:s19] =	ssyncset.done $0x0  }
0x3a: {  	s26 =	simm.s32 $0x0;
	[sflag:s19] =	ssyncadd.s32 $0xFFFFC000  }
0x3b: {  	v7 =	vld [tilespmem:s26+$0x4100]  }
0x3c: {  	v11 =	vld [tilespmem:s26+$0x4110]  }
0x3d: {  	v5 =	vld [tilespmem:s26+$0x4120]  }
0x3e: {  	v4 =	vld [tilespmem:s26+$0x4130]  }
0x3f: {  	v3 =	vld [tilespmem:s26+$0x4140]  }
0x40: {  	v2 =	vld [tilespmem:s26+$0x4150]  }
0x41: {  	v1 =	vld [tilespmem:s26+$0x4160]  }
0x42: {  	v0 =	vld [tilespmem:s26+$0x4170]  }
0x43: {  	v12 =	vld [tilespmem:s26+$0x100]  }
0x44: {  	v13 =	vld [tilespmem:s26+$0x110]  }
0x45: {  	v10 =	vld [tilespmem:s26+$0x120]  }
0x46: {  	v9 =	vld [tilespmem:s26+$0x130]  }
0x47: {  	v8 =	vld [tilespmem:s26+$0x140]  }
0x48: {  	v6 =	vld [tilespmem:s26+$0x150];
	v12 =	vadd.f32 v7, v12  }
0x49: {  	s29 =	simm.s32 $0x200;
	s28 =	sshll.u32 s24, $0x1;
	v11 =	vadd.f32 v11, v13;
	v7 =	vld [tilespmem:s26+$0x160]  }
.LBB2_3:
0x4a: {  	s30 =	sshra.s32 s29, $0x2;
	p1 =	sne.s32 s29, $0xFE00;
	[tilespmem:s26+$0x100] =	vst v12;
	v5 =	vadd.f32 v5, v10;
	v10 =	vld [tilespmem:s26+$0x170]  }
0x4b: {  	v12 =	vld [tilespmem:s30+$0x4100];
	[tilespmem:s26+$0x110] =	vst v11;
	v4 =	vadd.f32 v4, v9  }
0x4c: {  	v11 =	vld [tilespmem:s30+$0x4110];
	[tilespmem:s26+$0x120] =	vst v5;
	v3 =	vadd.f32 v3, v8  }
0x4d: {  	v5 =	vld [tilespmem:s30+$0x4120];
	[tilespmem:s26+$0x130] =	vst v4;
	v2 =	vadd.f32 v2, v6  }
0x4e: {  	v4 =	vld [tilespmem:s30+$0x4130];
	[tilespmem:s26+$0x140] =	vst v3;
	v1 =	vadd.f32 v1, v7  }
0x4f: {  	v3 =	vld [tilespmem:s30+$0x4140];
	[tilespmem:s26+$0x150] =	vst v2;
	v0 =	vadd.f32 v0, v10  }
0x50: {  	v2 =	vld [tilespmem:s30+$0x4150];
	[tilespmem:s26+$0x160] =	vst v1  }
0x51: {  	v1 =	vld [tilespmem:s30+$0x4160];
	[tilespmem:s26+$0x170] =	vst v0;
	s26 =	smov.u32 s30  }
0x52: {  	v0 =	vld [tilespmem:s26+$0x4170]  }
0x53: {  	v6 =	vld [tilespmem:s26+$0x100]  }
0x54: {  	v7 =	vld [tilespmem:s26+$0x110]  }
.Ltmp4:
0x55: {  	v10 =	vld [tilespmem:s26+$0x120];
	(pc) =	sbr.rel @p1 .LBB2_3-.Ltmp4, $4  }
0x56: {  	v9 =	vld [tilespmem:s26+$0x130]  }
0x57: {  	v8 =	vld [tilespmem:s26+$0x140]  }
0x58: {  	v12 =	vadd.f32 v12, v6;
	v6 =	vld [tilespmem:s26+$0x150]  }
0x59: {  	s29 =	sadd.s32 $0x200, s29;
	v11 =	vadd.f32 v11, v7;
	v7 =	vld [tilespmem:s26+$0x160]  }
0x5a: {  	[tilespmem:s26+$0x100] =	vst v12;
	v5 =	vadd.f32 v5, v10;
	v63 =	vld [tilespmem:s26+$0x170]  }
0x5b: {  	[tilespmem:s26+$0x110] =	vst v11;
	v4 =	vadd.f32 v4, v9  }
0x5c: {  	[tilespmem:s26+$0x120] =	vst v5;
	v3 =	vadd.f32 v3, v8  }
0x5d: {  	[tilespmem:s26+$0x130] =	vst v4;
	v2 =	vadd.f32 v2, v6  }
0x5e: {  	s29 =	sshll.u32 s24, $0x14;
	[tilespmem:s26+$0x140] =	vst v3;
	v1 =	vadd.f32 v1, v7  }
0x5f: {  	s29 =	sor.u32 s12, s29;
	[tilespmem:s26+$0x150] =	vst v2;
	v0 =	vadd.f32 v0, v63  }
0x60: {  	s29 =	sshrl.u32 s29, $0x3;
	[tilespmem:s26+$0x160] =	vst v1  }
0x61: {  	s31 =	sadd.s32 s7, s29;
	[tilespmem:s26+$0x170] =	vst v0;
	s26 =	sadd.s32 $0x2, s28  }
0x62: {  	[hbm4b:s31+s3] =	stream.linear.scatter [tilespmem:s17], [sflag:$0x4], $0x4000, $0x38;
	[tilespmem:$0x10200] =	vst v63  }
0x63: {  	p1 =	sge.u32 s26, s8  }
0x64: {  	s26 =	sshll.u32 @!p1 s26, $0xC  }
0x65: {  	_ =	swait.ge [sflag:s20], $0x4000;
	s26 =	sor.u32 @!p1 s11, s26  }
0x66: {  	[sflag:s20] =	ssyncset.done $0x0;
	s26 =	sshrl.u32 @!p1 s26, $0x3  }
0x67: {  	s29 =	simm.s32 @!p1 $0x0;
	[sflag:s20] =	ssyncadd.s32 $0xFFFFC000;
	s28 =	sadd.s32 @!p1 s6, s26  }
0x68: {  	[tilespmem:s29], [sflag:$0x4] =	stream.linear.gather @!p1 [hbm4b:s28+s29], $0x80, $0x38;
	[tilespmem:$0x10200] =	vst v63  }
0x69: {  	s28 =	simm.s32 @!p1 $0x4  }
0x6a: {  	_ =	swait.ge @!p1 [sflag:s28], $0x80  }
0x6b: {  	[sflag:s28] =	ssyncset.done @!p1 $0x0  }
0x6c: {  	s30 =	simm.s32 @!p1 $0x80;
	s26 =	sadd.s32 @!p1 s2, s26;
	[sflag:s28] =	ssyncadd.s32 @!p1 $0xFFFFFF80  }
0x6d: {  	[tilespmem:s30], [sflag:$0x4] =	stream.linear.gather @!p1 [hbm4b:s26+s29], $0x80, $0x38;
	[tilespmem:$0x10200] =	vst v63  }
0x6e: {  	_ =	swait.ge @!p1 [sflag:s28], $0x80  }
.Ltmp5:
0x6f: {  	[sflag:s28] =	ssyncset.done @!p1 $0x0;
	(pc) =	sbr.rel @p0 .LBB2_8-.Ltmp5, $4  }
0x70: {  	s26 =	simm.s32 @!p1 $0x100;
	[sflag:s28] =	ssyncadd.s32 @!p1 $0xFFFFFF80  }
0x71: {  	[tilespmem:s26], [sflag:$0x1] =	stream.indirect.gather @!p1 [hbm4b:s1+s30], $0x80, s29, s30, $0xb8;
	[tilespmem:$0x10200] =	vst v63  }
0x72: {  	s26 =	simm.s32 @!p1 $0x4100  }
0x73: {  	[tilespmem:s26], [sflag:$0x1] =	stream.indirect.gather @!p1 [hbm4b:s5+s30], $0x80, s30, s30, $0xb8;
	[tilespmem:$0x10200] =	vst v63  }
0x74: {  	_ =	swait.ge [sflag:s21], $0x4000  }
0x75: {  	[sflag:s21] =	ssyncset.done $0x0  }
0x76: {  	[sflag:s21] =	ssyncadd.s32 $0xFFFFC000  }
0x77: {  	_ =	swait.ge [sflag:s21], $0x4000  }
0x78: {  	[sflag:s21] =	ssyncset.done $0x0  }
0x79: {  	s26 =	simm.s32 $0x0;
	[sflag:s21] =	ssyncadd.s32 $0xFFFFC000  }
0x7a: {  	v7 =	vld [tilespmem:s26+$0xC200]  }
0x7b: {  	v11 =	vld [tilespmem:s26+$0xC210]  }
0x7c: {  	v5 =	vld [tilespmem:s26+$0xC220]  }
0x7d: {  	v4 =	vld [tilespmem:s26+$0xC230]  }
0x7e: {  	v3 =	vld [tilespmem:s26+$0xC240]  }
0x7f: {  	v2 =	vld [tilespmem:s26+$0xC250]  }
0x80: {  	v1 =	vld [tilespmem:s26+$0xC260]  }
0x81: {  	v0 =	vld [tilespmem:s26+$0xC270]  }
0x82: {  	v12 =	vld [tilespmem:s26+$0x8200]  }
0x83: {  	v13 =	vld [tilespmem:s26+$0x8210]  }
0x84: {  	v10 =	vld [tilespmem:s26+$0x8220]  }
0x85: {  	v9 =	vld [tilespmem:s26+$0x8230]  }
0x86: {  	v8 =	vld [tilespmem:s26+$0x8240]  }
0x87: {  	v6 =	vld [tilespmem:s26+$0x8250];
	v12 =	vadd.f32 v7, v12  }
0x88: {  	s28 =	simm.s32 $0x200;
	v11 =	vadd.f32 v11, v13;
	v7 =	vld [tilespmem:s26+$0x8260]  }
.LBB2_6:
0x89: {  	s29 =	sshra.s32 s28, $0x2;
	p0 =	sne.s32 s28, $0xFE00;
	[tilespmem:s26+$0x8200] =	vst v12;
	v5 =	vadd.f32 v5, v10;
	v10 =	vld [tilespmem:s26+$0x8270]  }
0x8a: {  	v12 =	vld [tilespmem:s29+$0xC200];
	[tilespmem:s26+$0x8210] =	vst v11;
	v4 =	vadd.f32 v4, v9  }
0x8b: {  	v11 =	vld [tilespmem:s29+$0xC210];
	[tilespmem:s26+$0x8220] =	vst v5;
	v3 =	vadd.f32 v3, v8  }
0x8c: {  	v5 =	vld [tilespmem:s29+$0xC220];
	[tilespmem:s26+$0x8230] =	vst v4;
	v2 =	vadd.f32 v2, v6  }
0x8d: {  	v4 =	vld [tilespmem:s29+$0xC230];
	[tilespmem:s26+$0x8240] =	vst v3;
	v1 =	vadd.f32 v1, v7  }
0x8e: {  	v3 =	vld [tilespmem:s29+$0xC240];
	[tilespmem:s26+$0x8250] =	vst v2;
	v0 =	vadd.f32 v0, v10  }
0x8f: {  	v2 =	vld [tilespmem:s29+$0xC250];
	[tilespmem:s26+$0x8260] =	vst v1  }
0x90: {  	v1 =	vld [tilespmem:s29+$0xC260];
	[tilespmem:s26+$0x8270] =	vst v0;
	s26 =	smov.u32 s29  }
0x91: {  	v0 =	vld [tilespmem:s26+$0xC270]  }
0x92: {  	v6 =	vld [tilespmem:s26+$0x8200]  }
0x93: {  	v7 =	vld [tilespmem:s26+$0x8210]  }
.Ltmp6:
0x94: {  	v10 =	vld [tilespmem:s26+$0x8220];
	(pc) =	sbr.rel @p0 .LBB2_6-.Ltmp6, $4  }
0x95: {  	v9 =	vld [tilespmem:s26+$0x8230]  }
0x96: {  	v8 =	vld [tilespmem:s26+$0x8240]  }
0x97: {  	v12 =	vadd.f32 v12, v6;
	v6 =	vld [tilespmem:s26+$0x8250]  }
0x98: {  	s28 =	sadd.s32 $0x200, s28;
	v11 =	vadd.f32 v11, v7;
	v7 =	vld [tilespmem:s26+$0x8260]  }
0x99: {  	[tilespmem:s26+$0x8200] =	vst v12;
	v5 =	vadd.f32 v5, v10;
	v63 =	vld [tilespmem:s26+$0x8270]  }
0x9a: {  	[tilespmem:s26+$0x8210] =	vst v11;
	v4 =	vadd.f32 v4, v9  }
0x9b: {  	[tilespmem:s26+$0x8220] =	vst v5;
	v3 =	vadd.f32 v3, v8  }
0x9c: {  	[tilespmem:s26+$0x8230] =	vst v4;
	v2 =	vadd.f32 v2, v6  }
0x9d: {  	s25 =	sshll.u32 s25, $0x13;
	[tilespmem:s26+$0x8240] =	vst v3;
	v1 =	vadd.f32 v1, v7  }
0x9e: {  	s25 =	sor.u32 s12, s25;
	[tilespmem:s26+$0x8250] =	vst v2;
	v0 =	vadd.f32 v0, v63  }
0x9f: {  	s25 =	sshrl.u32 s25, $0x3;
	[tilespmem:s26+$0x8260] =	vst v1  }
.Ltmp7:
0xa0: {  	s25 =	sadd.s32 s7, s25;
	[tilespmem:s26+$0x8270] =	vst v0;
	(pc) =	sbr.rel .LBB2_8-.Ltmp7, $4  }
0xa1: {  	[hbm4b:s25+s3] =	stream.linear.scatter [tilespmem:s22], [sflag:$0x3], $0x4000, $0x38;
	[tilespmem:$0x10200] =	vst v63  }
0xa2: {  	_ =	swait.ge [sflag:s15], $0x4000  }
0xa3: {  	[sflag:s15] =	ssyncset.done $0x0  }
0xa4: {  	[sflag:s15] =	ssyncadd.s32 $0xFFFFC000  }
.LBB2_10:
0xa5: {  	_ =	sfence.sel $0x180000  }
0xa6: {  	[bflag:$0x0] =	sbarrier.arrive $0xFFFF  }
0xa7: {  	p0 =	sne.s32 s4, $0x0;
	_ =	strace $0x9000004D  }
0xa8: {  	s0 =	sadd.s32 @!p0 $0x100000, s0;
	[bflag:$0x2] =	sbarrier.arrive $0xFFFF  }
0xa9: {  	[sflag:s0] =	ssyncadd.tile.s32 @!p0 $0x1;
	_ =	shalt  }
.Lfunc_end2:
_tile_overlayer_lowered:
.L_overlay_start_2:
0xaa: {  	(tag) =	ssettag $0x2  }
0xab: {  	s0 =	rddreg [dreg:$0x0];
	s2 =	stileid.u32  }
0xac: {  	s1 =	rddreg [dreg:$0x1];
	p0 =	sne.s32 s2, $0x0  }
0xad: {  	s3 =	rddreg [dreg:$0x2];
	[bflag:$0x3] =	sbarrier.arrive $0xFFFF;
	s2 =	simm.s32 @!p0 $0x1C03  }
0xae: {  	[timem:s3], [sflag:s2] =	dma.local @!p0 [hbm:s0], s1  }
0xaf: {  	s0 =	simm.s32 @!p0 $0x3  }
0xb0: {  	_ =	swait.ge @!p0 [sflag:s0], s1  }
0xb1: {  	s1 =	ssub.s32 @!p0 $0x0, s1;
	[sflag:s0] =	ssyncset.done @!p0 $0x0  }
0xb2: {  	[sflag:s0] =	ssyncadd.s32 @!p0 s1  }
0xb3: {  	[bflag:$0x3] =	sbarrier.arrive $0xFFFF  }
0xb4: {  	_ =	shalt  }

// kernel: kernel.28.cloned.1.call-start
scs
__scs_entry_jumppad:
0x0: {  	(pc) =	sbr.rel $0x88, $3  }
0x1: {  	(tag) =	ssettag $0x0;
	lr =	simm.s32 $0x1  }
0x2: {  	[smem:$0x3F8B] =	sst lr;
	_ =	strace $0xD0000000  }
0x3: {  	_ = 	snop  }
0x4: {  	_ = 	snop  }
0x5: {  	_ = 	snop  }
0x6: {  	_ = 	snop  }
0x7: {  	_ = 	snop  }
__scs_overlays_trampoline_lowered:
0x8: {  	[smem:$0x3F9A] =	sst s0  }
0x9: {  	[smem:$0x3F9B] =	sst s1  }
0xa: {  	[smem:$0x3F9C] =	sst s2  }
0xb: {  	[smem:$0x3F9D] =	sst s3  }
0xc: {  	[smem:$0x3F9E] =	sst s4  }
0xd: {  	[smem:$0x3F9F] =	sst s5  }
0xe: {  	[smem:$0x3FA0] =	sst s6  }
0xf: {  	[smem:$0x3FA1] =	sst s7  }
0x10: {  	[smem:$0x3FA2] =	sst s8  }
0x11: {  	[smem:$0x3FA3] =	sst s9;
	s0 =	simm.s32 @!p0 $0x0  }
0x12: {  	s1 =	sld [smem:$0x3F89];
	s0 =	simm.s32 @p0 $0x1  }
0x13: {  	[smem:$0x3FA4] =	sst s0;
	s0 =	simm.s32 @!p1 $0x0  }
0x14: {  	s2 =	sld [smem:$0x3F88];
	s0 =	simm.s32 @p1 $0x1  }
0x15: {  	[smem:$0x3FA5] =	sst s0;
	s0 =	simm.s32 @!p2 $0x0  }
0x16: {  	s3 =	sld [smem:$0x3FDB];
	s0 =	simm.s32 @p2 $0x1  }
0x17: {  	s4 =	simm.s32 $0x1BF5;
	[smem:$0x3FA7] =	sst s0  }
0x18: {  	s0 =	sld [smem:$0x3F8A];
	_ =	swait.ge [sflag:s4], $0x0  }
0x19: {  	s7 =	sld [smem:$0x3F8B]  }
0x1a: {  	s8 =	sadd.s32 $0xFFFFE003, lr  }
0x1b: {  	s9 =	sadd.s32 $0xFFFFFEF7, lr;
	s5 =	simm.s32 $0xFFFFFFFF;
	p2 =	slt.u32 s8, $0xFFFFF086  }
0x1c: {  	p1 =	slt.u32 s9, $0xF7A;
	s5 =	simm.s32 @!p2 $0x0  }
0x1d: {  	s5 =	simm.s32 @p1 $0x1;
	p0 =	seq.s32 s7, s2  }
0x1e: {  	s7 =	smul.u32 @!p0 $0xF7A, s2;
	p2 =	seq.s32 @!p0 s5, $0x0  }
0x1f: {  	s9 =	smul.u32 $0xF7A, s1;
	s8 =	simm.s32 @!p0 $0x1BF5;
	p2 =	por !p2, p0  }
0x20: {  	[sflag:s8] =	ssyncset.s32 @!p0 $0xFFFFF086;
	s6 =	sadd.s32 @!p0 s3, s7;
	s7 =	simm.s32 @!p0 $0x108  }
0x21: {  	s3 =	sadd.s32 s3, s9;
	s6 =	sadd.s32 @!p0 $0x88, s6;
	s7 =	simm.s32 @p2 $0x1082  }
0x22: {  	[simem:s7], [sflag:s8] =	dma.local @!p0 [hbm:s6], $0xF7A  }
0x23: {  	s9 =	sor.u32 $0xD0000000, s2;
	s6 =	simm.s32 $0x108;
	_ =	swait.ge @!p0 [sflag:s8], $0x0  }
0x24: {  	s3 =	sadd.s32 $0x88, s3;
	s6 =	simm.s32 @!p1 $0x1082;
	[sflag:s4] =	ssyncset.s32 $0xFFFFF086  }
0x25: {  	[simem:s6], [sflag:s4] =	dma.local [hbm:s3], $0xF7A  }
0x26: {  	[smem:$0x3F8B] =	sst s1;
	(tag) =	ssettag s2;
	_ =	strace s9  }
0x27: {  	s1 =	sld [smem:$0x3F9B]  }
0x28: {  	s2 =	sld [smem:$0x3F9C]  }
0x29: {  	s4 =	sld [smem:$0x3F9E]  }
0x2a: {  	p0 =	seq.s32 s5, $0x0;
	s5 =	sld [smem:$0x3F9F]  }
0x2b: {  	s6 =	sld [smem:$0x3FA0]  }
0x2c: {  	s7 =	sld [smem:$0x3FA1]  }
0x2d: {  	s3 =	simm.s32 $0x108;
	s8 =	sld [smem:$0x3FA2]  }
0x2e: {  	s3 =	simm.s32 @!p0 $0x1082;
	s9 =	sld [smem:$0x3FA3]  }
0x2f: {  	lr =	sadd.s32 s0, s3;
	s0 =	sld [smem:$0x3F9A]  }
0x30: {  	s3 =	sld [smem:$0x3F9D]  }
0x31: {  	[smem:$0x3FA6] =	sst s10  }
0x32: {  	s10 =	sld [smem:$0x3FA4];
	_ =	sdelay $0x3  }
0x33: {  	p0 =	seq.s32 s10, $0x1;
	s10 =	sld [smem:$0x3FA6];
	_ =	sdelay $0x3  }
0x34: {  	[smem:$0x3FA6] =	sst s10  }
0x35: {  	s10 =	sld [smem:$0x3FA5];
	_ =	sdelay $0x3  }
0x36: {  	p1 =	seq.s32 s10, $0x1;
	s10 =	sld [smem:$0x3FA6];
	_ =	sdelay $0x3  }
0x37: {  	[smem:$0x3FA6] =	sst s10  }
0x38: {  	s10 =	sld [smem:$0x3FA7]  }
0x39: {  	_ = 	snop;
	(pc) =	sbr.ind lr, $3  }
0x3a: {  	_ = 	snop  }
0x3b: {  	_ = 	snop  }
0x3c: {  	p2 =	seq.s32 s10, $0x1;
	s10 =	sld [smem:$0x3FA6]  }
0x3d: {  	_ =	shalt  }
0x3e: {  	_ =	shalt  }
0x3f: {  	_ =	shalt  }
0x40: {  	_ =	shalt  }
0x41: {  	_ =	shalt  }
0x42: {  	_ =	shalt  }
0x43: {  	_ =	shalt  }
0x44: {  	_ =	shalt  }
0x45: {  	_ =	shalt  }
0x46: {  	_ =	shalt  }
0x47: {  	_ =	shalt  }
0x48: {  	_ =	shalt  }
0x49: {  	_ =	shalt  }
0x4a: {  	_ =	shalt  }
0x4b: {  	_ =	shalt  }
0x4c: {  	_ =	shalt  }
0x4d: {  	_ =	shalt  }
0x4e: {  	_ =	shalt  }
0x4f: {  	_ =	shalt  }
0x50: {  	_ =	shalt  }
0x51: {  	_ =	shalt  }
0x52: {  	_ =	shalt  }
0x53: {  	_ =	shalt  }
0x54: {  	_ =	shalt  }
0x55: {  	_ =	shalt  }
0x56: {  	_ =	shalt  }
0x57: {  	_ =	shalt  }
0x58: {  	_ =	shalt  }
0x59: {  	_ =	shalt  }
0x5a: {  	_ =	shalt  }
0x5b: {  	_ =	shalt  }
0x5c: {  	_ =	shalt  }
0x5d: {  	_ =	shalt  }
0x5e: {  	_ =	shalt  }
0x5f: {  	_ =	shalt  }
0x60: {  	_ =	shalt  }
0x61: {  	_ =	shalt  }
0x62: {  	_ =	shalt  }
0x63: {  	_ =	shalt  }
0x64: {  	_ =	shalt  }
0x65: {  	_ =	shalt  }
0x66: {  	_ =	shalt  }
0x67: {  	_ =	shalt  }
0x68: {  	_ =	shalt  }
0x69: {  	_ =	shalt  }
0x6a: {  	_ =	shalt  }
0x6b: {  	_ =	shalt  }
0x6c: {  	_ =	shalt  }
0x6d: {  	_ =	shalt  }
0x6e: {  	_ =	shalt  }
0x6f: {  	_ =	shalt  }
0x70: {  	_ =	shalt  }
0x71: {  	_ =	shalt  }
0x72: {  	_ =	shalt  }
0x73: {  	_ =	shalt  }
0x74: {  	_ =	shalt  }
0x75: {  	_ =	shalt  }
0x76: {  	_ =	shalt  }
0x77: {  	_ =	shalt  }
0x78: {  	_ =	shalt  }
0x79: {  	_ =	shalt  }
0x7a: {  	_ =	shalt  }
0x7b: {  	_ =	shalt  }
0x7c: {  	_ =	shalt  }
0x7d: {  	_ =	shalt  }
0x7e: {  	_ =	shalt  }
0x7f: {  	_ =	shalt  }
0x80: {  	_ =	shalt  }
0x81: {  	_ =	shalt  }
0x82: {  	_ =	shalt  }
0x83: {  	_ =	shalt  }
0x84: {  	_ =	shalt  }
0x85: {  	_ =	shalt  }
0x86: {  	_ =	shalt  }
0x87: {  	_ =	shalt  }
.Lfunc_end0:
.L_simem_size_0:
called_computation.4_lowered:
.L_overlay_start_0:
0x88: {  	s2 =	sld [smem:$0x3FD9]  }
0x89: {  	s3 =	sld [smem:$0x3FFE];
	_ =	sdelay $0x1  }
0x8a: {  	s1 =	srdreg.scid  }
0x8b: {  	s0 =	sand.u32 $0x1, s1  }
0x8c: {  	s15 =	sshll.u32 s0, $0xA;
	s2 =	sadd.s32 s3, s2  }
0x8d: {  	s2 =	sadd.s32 s2, s15  }
0x8e: {  	[smem:$0x3FB2] =	sst s2  }
0x8f: {  	_ = 	snop  }
0x90: {  	s2 =	sld [smem:$0x3FD0];
	_ =	sdelay $0x2  }
0x91: {  	s5 =	simm.s32 $0xB;
	s16 =	simm.s32 $0x10  }
0x92: {  	[smem:s16], [sflag:s5] =	dma.local [hbm:s2], $0x1  }
0x93: {  	_ =	swait.eq [sflag:s5], $0x1  }
0x94: {  	s17 =	sld [smem:$0x10];
	[sflag:s5] =	ssyncset.done $0x0  }
0x95: {  	s4 =	sld [smem:$0x12];
	[sflag:s5] =	ssyncadd.s32 $0xFFFFFFFF  }
0x96: {  	s18 =	sld [smem:$0x13];
	(tm) =	ssettm $0x1  }
0x97: {  	s19 =	sld [smem:$0x3FFB];
	_ =	sdelay $0x3  }
0x98: {  	_ =	strace s19  }
0x99: {  	s2 =	sld [smem:$0x3FFC];
	_ =	sdelay $0x3  }
0x9a: {  	_ =	strace s2  }
0x9b: {  	s2 =	sld [smem:$0x3FFD];
	_ =	sdelay $0x3  }
0x9c: {  	_ =	strace s2  }
0x9d: {  	_ =	strace $0x8FFFFFFF  }
0x9e: {  	s20 =	sld [smem:$0x3FDB];
	_ =	sdelay $0x1  }
0x9f: {  	s6 =	simm.s32 $_scs_section_size  }
0xa0: {  	s7 =	simm.s32 $_size__tile_overlayer_lowered;
	s8 =	simm.s32 $_tile_overlayer_lowered  }
0xa1: {  	s9 =	simm.s32 $0x1BFF;
	s21 =	sshll.u32 s8, $0x1;
	s6 =	sadd.s32 s6, s20  }
0xa2: {  	s22 =	simm.s32 $0x0;
	s7 =	sshll.u32 s7, $0x1;
	s8 =	sadd.s32 s21, s6  }
0xa3: {  	[timem:s22], [sflag:s9] =	dma.local [hbm:s8], s7  }
0xa4: {  	_ =	swait.ge [sflag:s9], s7  }
0xa5: {  	s7 =	ssub.s32 $0x0, s7;
	[sflag:s9] =	ssyncset.done $0x0  }
0xa6: {  	[sflag:s9] =	ssyncadd.s32 s7;
	_ =	sdelay $0x1  }
0xa7: {  	s23 =	simm.s32 $0x1B8B  }
0xa8: {  	_ =	swait.ge [sflag:s23], $0x1  }
0xa9: {  	[sflag:s23] =	ssyncset.done $0x0  }
0xaa: {  	[sflag:s23] =	ssyncadd.s32 $0xFFFFFFFF  }
0xab: {  	s7 =	sld [smem:$0x0]  }
0xac: {  	s8 =	sand.u32 $0xFFFFFFFE, s1  }
0xad: {  	p0 =	sne.s32 s1, s8  }
0xae: {  	s8 =	sshll.u32 @p0 s8, $0xE  }
0xaf: {  	s8 =	sadd.s32 @p0 $0x11B8D, s8;
	s9 =	sshll.u32 @p0 s7, $0x11  }
0xb0: {  	s8 =	sor.u32 @p0 s9, s8  }
0xb1: {  	[sflag:s8] =	ssyncadd.remote.s32 @p0 $0x1;
	_ =	sdelay $0x1  }
0xb2: {  	s8 =	simm.s32 @p0 $0x1B8D  }
0xb3: {  	_ =	swait.eq @p0 [sflag:s8], $0x1  }
0xb4: {  	[sflag:s8] =	ssyncadd.s32 @p0 $0xFFFFFFFF  }
0xb5: {  	s9 =	sshll.u32 @!p0 s1, $0xE  }
0xb6: {  	s9 =	sor.u32 @!p0 $0x4000, s9;
	s8 =	simm.s32 @!p0 $0x1B8D  }
0xb7: {  	s7 =	sshll.u32 @!p0 s7, $0x11;
	s9 =	sadd.s32 @!p0 $0x11B8D, s9;
	_ =	swait.eq @!p0 [sflag:s8], $0x1  }
0xb8: {  	s7 =	sor.u32 @!p0 s7, s9;
	[sflag:s8] =	ssyncadd.s32 @!p0 $0xFFFFFFFF  }
0xb9: {  	s25 =	simm.s32 $0x1B8E;
	s24 =	sld [smem:$0x3FFE];
	[sflag:s7] =	ssyncadd.remote.s32 @!p0 $0x1  }
0xba: {  	s26 =	simm.s32 $execute0_lowered;
	[smem:$0x3FD2] =	sst s25  }
0xbb: {  	s8 =	sshll.u32 s26, $0x1;
	_ =	strace $0x80000052;
	[dreg:$0x1] =	wrdreg $0xFFFFFFFF  }
0xbc: {  	s28 =	simm.s32 $_size_execute0_lowered;
	s6 =	sadd.s32 s6, s8;
	[dreg:$0x0] =	wrdreg $0x0  }
0xbd: {  	s8 =	sshll.u32 s28, $0x1;
	[dreg:$0x2] =	wrdreg s6  }
0xbe: {  	[dreg:$0x3] =	wrdreg s8  }
0xbf: {  	[dreg:$0x4] =	wrdreg $0xC0  }
0xc0: {  	_ =	task [dreg:s22], $0x5FFFF  }
0xc1: {  	[dreg:$0x1] =	wrdreg $0xFFFFFFFF  }
0xc2: {  	[dreg:$0x0] =	wrdreg $0x60  }
0xc3: {  	[dreg:$0x2] =	wrdreg s18  }
0xc4: {  	[dreg:$0x3] =	wrdreg s17  }
0xc5: {  	[dreg:$0x4] =	wrdreg s4  }
0xc6: {  	[dreg:$0x5] =	wrdreg s24  }
0xc7: {  	[dreg:$0x6] =	wrdreg $0x81000  }
0xc8: {  	[dreg:$0x7] =	wrdreg $0xA  }
0xc9: {  	_ =	task.clear_ibuf [dreg:s22], $0x8FFFF;
	_ =	strace $0x90000052  }
0xca: {  	s29 =	simm.s32 $0xA;
	_ =	strace $0x80000054  }
0xcb: {  	_ =	swait.ge [sflag:s29], $0x1  }
0xcc: {  	[sflag:s29] =	ssyncadd.s32 $0xFFFFFFFF  }
0xcd: {  	_ =	strace $0x90000054  }
0xce: {  	_ =	sfence  }
0xcf: {  	s30 =	sld [smem:$0x0];
	_ =	sdelay $0x2  }
0xd0: {  	s31 =	sshll.u32 s1, $0xD;
	s1 =	sshrl.u32 s1, $0x2  }
0xd1: {  	s4 =	sand.u32 $0x4000, s31;
	s1 =	sadd.s32 s1, s30  }
0xd2: {  	s0 =	sor.u32 s4, s0;
	s1 =	sshll.u32 s1, $0x11  }
0xd3: {  	s0 =	sor.u32 s1, s0  }
0xd4: {  	s0 =	sadd.s32 $0x8F2B, s0  }
0xd5: {  	[sflag:s0] =	ssyncadd.remote.s32 $0x1  }
0xd6: {  	_ =	sfence.sel $0xFFFF  }
0xd7: {  	[dreg:$0x0] =	wrdreg $0xFFFFFFFF;
	(pc) =	sbr.abs _section_cstart, $3  }
0xd8: {  	[dreg:$0x1] =	wrdreg $0xFFFFFFFF  }
0xd9: {  	_ =	task.clear_ibuf [dreg:s22], $0x2FFFF;
	_ =	strace $0x9FFFFFFF  }
0xda: {  	(tm) =	ssettm $0x7FFFFFFF  }
0xdb: {  	_ =	shalt  }
tec
execute0_lowered:
.L_overlay_start_1:
0x0: {  	(tag) =	ssettag $0x1  }
0x1: {  	s13 =	rddreg [dreg:$0x0]  }
0x2: {  	s1 =	rddreg [dreg:$0x1]  }
0x3: {  	s8 =	rddreg [dreg:$0x2]  }
0x4: {  	s4 =	rddreg [dreg:$0x3]  }
0x5: {  	s2 =	rddreg [dreg:$0x4];
	s5 =	srdreg.scid  }
0x6: {  	s3 =	simm.s32 $0x0;
	s16 =	stileid.u32;
	s22 =	simm.s32 $0x0  }
0x7: {  	s14 =	sand.u32 $0x1, s5;
	[smem:$0x7FF] =	sst s3;
	s7 =	smul.u32 $0x4E000, s16  }
0x8: {  	s24 =	sshll.u32 s16, $0x1;
	s0 =	smul.u32 $0x2700, s16;
	s26 =	sshll.u32 s16, $0x6  }
0x9: {  	s18 =	sadd.s32 $0x138000, s2;
	s28 =	sadd.s32 $0x27000, s8;
	s29 =	sshll.u32 s16, $0xC  }
0xa: {  	s20 =	sshll.u32 s16, $0x8;
	p0 =	sne.s32 s16, $0x0;
	s5 =	smul.u32 $0x27100, s14  }
0xb: {  	_ =	strace $0x80000053;
	s23 =	ssub.s32 $0x2, s14;
	s9 =	sor.u32 s14, s24  }
0xc: {  	[dreg:$0x8] =	wrdreg s28;
	s30 =	sshll.u32 s14, $0xB;
	s21 =	sshll.u32 s14, $0x7  }
0xd: {  	s18 =	sshrl.u32 @!p0 s18, $0x3;
	s6 =	sshrl.u32 s23, $0x1;
	s25 =	sshrl.u32 s7, $0x2  }
0xe: {  	[dreg:$0x6] =	wrdreg s0;
	s0 =	sadd.s32 s8, s0;
	s7 =	sor.u32 $0x1C03, s26  }
0xf: {  	s10 =	sshll.u32 s9, $0x4;
	s15 =	sshll.u32 s9, $0xB;
	s31 =	sor.u32 s21, s20  }
0x10: {  	s20 =	simm.s32 $0x1;
	s21 =	simm.s32 $0x4;
	s11 =	sadd.s32 s5, s4  }
0x11: {  	s12 =	ssub.s32 s23, s6;
	s5 =	ssub.s32 $0x9E3, s9;
	s17 =	sadd.s32 s25, s2  }
0x12: {  	[dreg:$0x7] =	wrdreg s0;
	s9 =	sadd.s32 s1, s10;
	s10 =	sadd.s32 s13, s15  }
0x13: {  	s13 =	sadd.s32 s29, s13;
	s5 =	sshrl.u32 s5, $0x5;
	s11 =	sadd.s32 $0x546C00, s11  }
0x14: {  	s12 =	smax.u32 s12, $0x1;
	s15 =	sadd.s32 s30, s13;
	s16 =	sshrl.u32 s17, $0x3  }
0x15: {  	s17 =	simm.s32 $0x3;
	s19 =	sadd.s32 $0x1, s5;
	s14 =	sadd.s32 $0x10000, s15  }
0x16: {  	s15 =	sor.u32 $0x1000, s31;
	s13 =	sand.u32 $0x5E, s19;
	s19 =	simm.s32 $0x80  }
.LBB2_1:
0x17: {  	s0 =	rddreg [dreg:$0x7]  }
0x18: {  	[spmem:s16], [sflag:s7] =	dma.local [hbm:s0], $0x2700  }
0x19: {  	_ =	swait.ge [sflag:s17], $0x2700  }
0x1a: {  	[sflag:s17] =	ssyncset.done $0x0  }
0x1b: {  	s23 =	simm.s32 @!p0 $0x3;
	s0 =	rddreg [dreg:$0x8];
	[sflag:s17] =	ssyncadd.s32 $0xFFFFD900  }
0x1c: {  	[spmem:s18], [sflag:s7] =	dma.local @!p0 [hbm:s0], $0x100  }
0x1d: {  	_ =	swait.ge @!p0 [sflag:s23], $0x100  }
0x1e: {  	p1 =	sne.s32 s13, $0x2;
	[sflag:s23] =	ssyncset.done @!p0 $0x0  }
.Ltmp0:
0x1f: {  	[sflag:s23] =	ssyncadd.s32 @!p0 $0xFFFFFF00;
	(pc) =	sbr.rel @!p1 .LBB2_2-.Ltmp0, $4  }
0x20: {  	s24 =	simm.s32 $0x2;
	p3 =	sle.u32 s5, $0x1;
	[bflag:$0x0] =	sbarrier.arrive $0xFFFF  }
0x21: {  	[tilespmem:s3], [sflag:$0x1] =	stream.linear.gather [hbm4b:s9+s3], $0x80, $0x38;
	[tilespmem:$0x1B980] =	vst v63  }
0x22: {  	p2 =	por $0x0, $0x0;
	s29 =	sshrl.u32 @!p3 s15, $0x3;
	s30 =	simm.s32 @!p3 $0x0  }
0x23: {  	[tilespmem:s19], [sflag:$0x1] =	stream.linear.gather [hbm4b:s10+s3], $0x4000, $0x38;
	[tilespmem:$0x1B980] =	vst v63  }
0x24: {  	s24 =	sadd.s32 @!p3 s1, s29;
	s26 =	simm.s32 @!p3 $0x4080  }
0x25: {  	[tilespmem:s26], [sflag:$0x2] =	stream.linear.gather @!p3 [hbm4b:s24+s30], $0x80, $0x38;
	[tilespmem:$0x1B980] =	vst v63  }
0x26: {  	s28 =	simm.s32 @!p3 $0x4100  }
0x27: {  	[tilespmem:s28], [sflag:$0x2] =	stream.linear.gather @!p3 [hbm4b:s14+s30], $0x4000, $0x38;
	[tilespmem:$0x1B980] =	vst v63  }
0x28: {  	_ =	swait.ge [sflag:s20], $0x80  }
0x29: {  	[sflag:s20] =	ssyncset.done $0x0  }
0x2a: {  	[sflag:s20] =	ssyncadd.s32 $0xFFFFFF80  }
0x2b: {  	_ =	swait.ge [sflag:s20], $0x4000  }
0x2c: {  	[sflag:s20] =	ssyncset.done $0x0  }
0x2d: {  	p2 =	sle.u32 s5, $0x2;
	[sflag:s20] =	ssyncadd.s32 $0xFFFFC000  }
0x2e: {  	[spmem:s2] =	stream.indirect.scatter.add.f32 [tilespmem:s19], [sflag:$0x4], $0x80, s3, s19, $0xb8;
	[tilespmem:$0x1B980] =	vst v63  }
0x2f: {  	s24 =	sadd.s32 @!p2 $0x1000, s15;
	_ =	swait.ge [sflag:s21], $0x4000  }
0x30: {  	p1 =	por p3, p3;
	s24 =	sshrl.u32 @!p2 s24, $0x3;
	[sflag:s21] =	ssyncset.done $0x0  }
0x31: {  	s25 =	simm.s32 @!p2 $0x0;
	s24 =	sadd.s32 @!p2 s1, s24;
	[sflag:s21] =	ssyncadd.s32 $0xFFFFC000  }
0x32: {  	[tilespmem:s25], [sflag:$0x1] =	stream.linear.gather @!p2 [hbm4b:s24+s25], $0x80, $0x38;
	[tilespmem:$0x1B980] =	vst v63  }
0x33: {  	s29 =	simm.s32 @!p2 $0x80;
	s30 =	simm.s32 @!p1 $0x2;
	s24 =	sadd.s32 @!p2 $0x10000, s14  }
0x34: {  	[tilespmem:s29], [sflag:$0x1] =	stream.linear.gather @!p2 [hbm4b:s24+s25], $0x4000, $0x38;
	[tilespmem:$0x1B980] =	vst v63  }
0x35: {  	_ =	swait.ge @!p1 [sflag:s30], $0x80  }
0x36: {  	[sflag:s30] =	ssyncset.done @!p1 $0x0  }
0x37: {  	p4 =	sne.s32 s13, $0x4;
	s31 =	simm.s32 @!p1 $0x3;
	[sflag:s30] =	ssyncadd.s32 @!p1 $0xFFFFFF80  }
0x38: {  	p3 =	sle.u32 s5, $0x3;
	s24 =	simm.s32 $0x4;
	_ =	swait.ge @!p1 [sflag:s30], $0x4000  }
.Ltmp1:
0x39: {  	s25 =	sadd.s32 $0x20000, s14;
	[sflag:s30] =	ssyncset.done @!p1 $0x0;
	(pc) =	sbr.rel @!p4 .LBB2_5-.Ltmp1, $4  }
0x3a: {  	s29 =	simm.s32 @!p1 $0x80;
	p2 =	por $0x1, $0x1;
	[sflag:s30] =	ssyncadd.s32 @!p1 $0xFFFFC000  }
0x3b: {  	[spmem:s2] =	stream.indirect.scatter.add.f32 @!p1 [tilespmem:s28], [sflag:$0x3], $0x80, s26, s29, $0xb8;
	[tilespmem:$0x1B980] =	vst v63  }
0x3c: {  	s30 =	simm.s32 @!p3 $0x0;
	s26 =	sadd.s32 $0x2000, s15;
	_ =	swait.ge @!p1 [sflag:s31], $0x4000  }
0x3d: {  	s28 =	simm.s32 $0x4;
	s29 =	sshrl.u32 @!p3 s26, $0x3;
	[sflag:s31] =	ssyncset.done @!p1 $0x0  }
.LBB2_4:
0x3e: {  	s0 =	sadd.s32 @!p3 s1, s29;
	s29 =	simm.s32 @!p3 $0x4080;
	[sflag:s31] =	ssyncadd.s32 @!p1 $0xFFFFC000  }
0x3f: {  	[tilespmem:s29], [sflag:$0x2] =	stream.linear.gather @!p3 [hbm4b:s0+s30], $0x80, $0x38;
	[tilespmem:$0x1B980] =	vst v63  }
0x40: {  	s6 =	smov.u32 s28;
	s28 =	sadd.s32 $0x2, s28;
	s0 =	simm.s32 @!p3 $0x4100  }
0x41: {  	[tilespmem:s0], [sflag:$0x2] =	stream.linear.gather @!p3 [hbm4b:s25+s30], $0x4000, $0x38;
	[tilespmem:$0x1B980] =	vst v63  }
0x42: {  	p1 =	por p3, p3;
	p4 =	sne.s32 s13, s28;
	_ =	swait.ge [sflag:s20], $0x80  }
0x43: {  	[sflag:s20] =	ssyncset.done $0x0  }
0x44: {  	[sflag:s20] =	ssyncadd.s32 $0xFFFFFF80  }
0x45: {  	_ =	swait.ge [sflag:s20], $0x4000  }
0x46: {  	[sflag:s20] =	ssyncset.done $0x0  }
0x47: {  	p3 =	sge.u32 s24, s5;
	s24 =	smov.u32 s28;
	[sflag:s20] =	ssyncadd.s32 $0xFFFFC000  }
0x48: {  	[spmem:s2] =	stream.indirect.scatter.add.f32 [tilespmem:s19], [sflag:$0x4], $0x80, s3, s19, $0xb8;
	[tilespmem:$0x1B980] =	vst v63  }
0x49: {  	s30 =	sadd.s32 @!p3 $0x1000, s26;
	_ =	swait.ge [sflag:s21], $0x4000  }
0x4a: {  	s30 =	sshrl.u32 @!p3 s30, $0x3;
	[sflag:s21] =	ssyncset.done $0x0  }
0x4b: {  	s31 =	simm.s32 @!p3 $0x0;
	s30 =	sadd.s32 @!p3 s1, s30;
	[sflag:s21] =	ssyncadd.s32 $0xFFFFC000  }
0x4c: {  	[tilespmem:s31], [sflag:$0x1] =	stream.linear.gather @!p3 [hbm4b:s30+s31], $0x80, $0x38;
	[tilespmem:$0x1B980] =	vst v63  }
0x4d: {  	s8 =	simm.s32 @!p1 $0x2;
	s4 =	simm.s32 @!p3 $0x80;
	s30 =	sadd.s32 @!p3 $0x10000, s25  }
0x4e: {  	[tilespmem:s4], [sflag:$0x1] =	stream.linear.gather @!p3 [hbm4b:s30+s31], $0x4000, $0x38;
	[tilespmem:$0x1B980] =	vst v63  }
0x4f: {  	_ =	swait.ge @!p1 [sflag:s8], $0x80  }
0x50: {  	[sflag:s8] =	ssyncset.done @!p1 $0x0  }
0x51: {  	[sflag:s8] =	ssyncadd.s32 @!p1 $0xFFFFFF80  }
0x52: {  	s25 =	sadd.s32 $0x20000, s25;
	_ =	swait.ge @!p1 [sflag:s8], $0x4000  }
.Ltmp2:
0x53: {  	s31 =	simm.s32 @!p1 $0x3;
	[sflag:s8] =	ssyncset.done @!p1 $0x0;
	(pc) =	sbr.rel @p4 .LBB2_4-.Ltmp2, $4  }
0x54: {  	s4 =	sadd.s32 $0x1, s6;
	s6 =	simm.s32 @!p1 $0x80;
	[sflag:s8] =	ssyncadd.s32 @!p1 $0xFFFFC000  }
0x55: {  	[spmem:s2] =	stream.indirect.scatter.add.f32 @!p1 [tilespmem:s0], [sflag:$0x3], $0x80, s29, s6, $0xb8;
	[tilespmem:$0x1B980] =	vst v63  }
0x56: {  	s26 =	sadd.s32 $0x2000, s26;
	p3 =	sge.u32 s4, s5;
	_ =	swait.ge @!p1 [sflag:s31], $0x4000  }
0x57: {  	s30 =	simm.s32 @!p3 $0x0;
	s29 =	sshrl.u32 @!p3 s26, $0x3;
	[sflag:s31] =	ssyncset.done @!p1 $0x0  }
.LBB2_5:
0x58: {  	p1 =	por p1, !p2  }
0x59: {  	s0 =	sadd.s32 @!p3 s1, s29;
	s4 =	simm.s32 @!p3 $0x4080;
	[sflag:s31] =	ssyncadd.s32 @!p1 $0xFFFFC000  }
0x5a: {  	[tilespmem:s4], [sflag:$0x2] =	stream.linear.gather @!p3 [hbm4b:s0+s30], $0x80, $0x38;
	[tilespmem:$0x1B980] =	vst v63  }
0x5b: {  	s0 =	simm.s32 @!p3 $0x4100  }
0x5c: {  	[tilespmem:s0], [sflag:$0x2] =	stream.linear.gather @!p3 [hbm4b:s25+s30], $0x4000, $0x38;
	[tilespmem:$0x1B980] =	vst v63  }
0x5d: {  	_ =	swait.ge [sflag:s20], $0x80  }
0x5e: {  	[sflag:s20] =	ssyncset.done $0x0  }
0x5f: {  	[sflag:s20] =	ssyncadd.s32 $0xFFFFFF80  }
0x60: {  	_ =	swait.ge [sflag:s20], $0x4000  }
0x61: {  	[sflag:s20] =	ssyncset.done $0x0  }
0x62: {  	p2 =	sge.u32 s24, s5;
	[sflag:s20] =	ssyncadd.s32 $0xFFFFC000  }
0x63: {  	[spmem:s2] =	stream.indirect.scatter.add.f32 [tilespmem:s19], [sflag:$0x4], $0x80, s3, s19, $0xb8;
	[tilespmem:$0x1B980] =	vst v63  }
0x64: {  	s6 =	sadd.s32 @!p2 $0x1000, s26;
	_ =	swait.ge [sflag:s21], $0x4000  }
0x65: {  	p1 =	por p3, p3;
	s6 =	sshrl.u32 @!p2 s6, $0x3;
	[sflag:s21] =	ssyncset.done $0x0  }
0x66: {  	s8 =	simm.s32 @!p2 $0x0;
	s6 =	sadd.s32 @!p2 s1, s6;
	[sflag:s21] =	ssyncadd.s32 $0xFFFFC000  }
0x67: {  	[tilespmem:s8], [sflag:$0x1] =	stream.linear.gather @!p2 [hbm4b:s6+s8], $0x80, $0x38;
	[tilespmem:$0x1B980] =	vst v63  }
0x68: {  	s24 =	simm.s32 @!p2 $0x80;
	s6 =	sadd.s32 @!p2 $0x10000, s25;
	s25 =	simm.s32 @!p1 $0x2  }
0x69: {  	[tilespmem:s24], [sflag:$0x1] =	stream.linear.gather @!p2 [hbm4b:s6+s8], $0x4000, $0x38;
	[tilespmem:$0x1B980] =	vst v63  }
0x6a: {  	_ =	swait.ge @!p1 [sflag:s25], $0x80  }
0x6b: {  	[sflag:s25] =	ssyncset.done @!p1 $0x0  }
0x6c: {  	[sflag:s25] =	ssyncadd.s32 @!p1 $0xFFFFFF80  }
0x6d: {  	_ =	swait.ge @!p1 [sflag:s25], $0x4000  }
0x6e: {  	[sflag:s25] =	ssyncset.done @!p1 $0x0  }
0x6f: {  	s6 =	simm.s32 @!p1 $0x3;
	s8 =	simm.s32 @!p1 $0x80;
	[sflag:s25] =	ssyncadd.s32 @!p1 $0xFFFFC000  }
0x70: {  	[spmem:s2] =	stream.indirect.scatter.add.f32 @!p1 [tilespmem:s0], [sflag:$0x3], $0x80, s4, s8, $0xb8;
	[tilespmem:$0x1B980] =	vst v63  }
0x71: {  	_ =	swait.ge @!p1 [sflag:s6], $0x4000  }
0x72: {  	[sflag:s6] =	ssyncset.done @!p1 $0x0  }
0x73: {  	[sflag:s6] =	ssyncadd.s32 @!p1 $0xFFFFC000  }
0x74: {  	[bflag:$0x0] =	sbarrier.arrive $0xFFFF  }
0x75: {  	s31 =	rddreg [dreg:$0x6]  }
0x76: {  	s0 =	sadd.s32 s31, s11  }
0x77: {  	[hbm:s0], [sflag:s7] =	dma.local [spmem:s16], $0x2700  }
0x78: {  	_ =	swait.ge [sflag:s17], $0x2700  }
0x79: {  	s22 =	sadd.s32 $0x1, s22;
	[sflag:s17] =	ssyncset.done $0x0  }
0x7a: {  	p1 =	sne.s32 s22, s12;
	s0 =	sadd.s32 @!p0 $0x27000, s11;
	[sflag:s17] =	ssyncadd.s32 $0xFFFFD900  }
0x7b: {  	[hbm:s0], [sflag:s7] =	dma.local @!p0 [spmem:s18], $0x100  }
.Ltmp3:
0x7c: {  	_ = 	snop;
	(pc) =	sbr.rel @p1 .LBB2_1-.Ltmp3, $4  }
.Ltmp4:
0x7d: {  	_ = 	snop;
	(pc) =	sbr.rel @!p1 .LBB2_6-.Ltmp4, $4  }
0x7e: {  	_ =	swait.ge @!p0 [sflag:s23], $0x100  }
0x7f: {  	[sflag:s23] =	ssyncset.done @!p0 $0x0  }
0x80: {  	[sflag:s23] =	ssyncadd.s32 @!p0 $0xFFFFFF00  }
0x81: {  	_ = 	snop  }
.LBB2_2:
.Ltmp5:
0x82: {  	(pc) =	sbr.rel .LBB2_5-.Ltmp5, $2  }
0x83: {  	_ =	sdelay $0x2  }
0x84: {  	s25 =	smov.u32 s14;
	s26 =	smov.u32 s15  }
.LBB2_6:
0x85: {  	_ =	sfence.sel $0x180000  }
0x86: {  	[bflag:$0x0] =	sbarrier.arrive $0xFFFF  }
0x87: {  	_ =	strace $0x90000053  }
0x88: {  	[bflag:$0x2] =	sbarrier.arrive $0xFFFF  }
0x89: {  	s0 =	rddreg [dreg:$0x5]  }
0x8a: {  	s0 =	sadd.s32 @!p0 $0x100000, s0  }
0x8b: {  	[sflag:s0] =	ssyncadd.tile.s32 @!p0 $0x1;
	_ =	shalt  }
.Lfunc_end2:
_tile_overlayer_lowered:
.L_overlay_start_2:
0x8c: {  	(tag) =	ssettag $0x2  }
0x8d: {  	s0 =	rddreg [dreg:$0x0];
	s2 =	stileid.u32  }
0x8e: {  	s1 =	rddreg [dreg:$0x1];
	p0 =	sne.s32 s2, $0x0  }
0x8f: {  	s3 =	rddreg [dreg:$0x2];
	[bflag:$0x3] =	sbarrier.arrive $0xFFFF;
	s2 =	simm.s32 @!p0 $0x1C03  }
0x90: {  	[timem:s3], [sflag:s2] =	dma.local @!p0 [hbm:s0], s1  }
0x91: {  	s0 =	simm.s32 @!p0 $0x3  }
0x92: {  	_ =	swait.ge @!p0 [sflag:s0], s1  }
0x93: {  	s1 =	ssub.s32 @!p0 $0x0, s1;
	[sflag:s0] =	ssyncset.done @!p0 $0x0  }
0x94: {  	[sflag:s0] =	ssyncadd.s32 @!p0 s1  }
0x95: {  	[bflag:$0x3] =	sbarrier.arrive $0xFFFF  }
0x96: {  	_ =	shalt  }

// kernel: kernel.31.cloned.1.call-start
scs
__scs_entry_jumppad:
0x0: {  	(pc) =	sbr.rel $0x88, $3  }
0x1: {  	(tag) =	ssettag $0x0;
	lr =	simm.s32 $0x1  }
0x2: {  	[smem:$0x3F8B] =	sst lr;
	_ =	strace $0xD0000000  }
0x3: {  	_ = 	snop  }
0x4: {  	_ = 	snop  }
0x5: {  	_ = 	snop  }
0x6: {  	_ = 	snop  }
0x7: {  	_ = 	snop  }
__scs_overlays_trampoline_lowered:
0x8: {  	[smem:$0x3F9A] =	sst s0  }
0x9: {  	[smem:$0x3F9B] =	sst s1  }
0xa: {  	[smem:$0x3F9C] =	sst s2  }
0xb: {  	[smem:$0x3F9D] =	sst s3  }
0xc: {  	[smem:$0x3F9E] =	sst s4  }
0xd: {  	[smem:$0x3F9F] =	sst s5  }
0xe: {  	[smem:$0x3FA0] =	sst s6  }
0xf: {  	[smem:$0x3FA1] =	sst s7  }
0x10: {  	[smem:$0x3FA2] =	sst s8  }
0x11: {  	[smem:$0x3FA3] =	sst s9;
	s0 =	simm.s32 @!p0 $0x0  }
0x12: {  	s1 =	sld [smem:$0x3F89];
	s0 =	simm.s32 @p0 $0x1  }
0x13: {  	[smem:$0x3FA4] =	sst s0;
	s0 =	simm.s32 @!p1 $0x0  }
0x14: {  	s2 =	sld [smem:$0x3F88];
	s0 =	simm.s32 @p1 $0x1  }
0x15: {  	[smem:$0x3FA5] =	sst s0;
	s0 =	simm.s32 @!p2 $0x0  }
0x16: {  	s3 =	sld [smem:$0x3FDB];
	s0 =	simm.s32 @p2 $0x1  }
0x17: {  	s4 =	simm.s32 $0x1BF5;
	[smem:$0x3FA7] =	sst s0  }
0x18: {  	s0 =	sld [smem:$0x3F8A];
	_ =	swait.ge [sflag:s4], $0x0  }
0x19: {  	s7 =	sld [smem:$0x3F8B]  }
0x1a: {  	s8 =	sadd.s32 $0xFFFFE003, lr  }
0x1b: {  	s9 =	sadd.s32 $0xFFFFFEF7, lr;
	s5 =	simm.s32 $0xFFFFFFFF;
	p2 =	slt.u32 s8, $0xFFFFF086  }
0x1c: {  	p1 =	slt.u32 s9, $0xF7A;
	s5 =	simm.s32 @!p2 $0x0  }
0x1d: {  	s5 =	simm.s32 @p1 $0x1;
	p0 =	seq.s32 s7, s2  }
0x1e: {  	s7 =	smul.u32 @!p0 $0xF7A, s2;
	p2 =	seq.s32 @!p0 s5, $0x0  }
0x1f: {  	s9 =	smul.u32 $0xF7A, s1;
	s8 =	simm.s32 @!p0 $0x1BF5;
	p2 =	por !p2, p0  }
0x20: {  	[sflag:s8] =	ssyncset.s32 @!p0 $0xFFFFF086;
	s6 =	sadd.s32 @!p0 s3, s7;
	s7 =	simm.s32 @!p0 $0x108  }
0x21: {  	s3 =	sadd.s32 s3, s9;
	s6 =	sadd.s32 @!p0 $0x88, s6;
	s7 =	simm.s32 @p2 $0x1082  }
0x22: {  	[simem:s7], [sflag:s8] =	dma.local @!p0 [hbm:s6], $0xF7A  }
0x23: {  	s9 =	sor.u32 $0xD0000000, s2;
	s6 =	simm.s32 $0x108;
	_ =	swait.ge @!p0 [sflag:s8], $0x0  }
0x24: {  	s3 =	sadd.s32 $0x88, s3;
	s6 =	simm.s32 @!p1 $0x1082;
	[sflag:s4] =	ssyncset.s32 $0xFFFFF086  }
0x25: {  	[simem:s6], [sflag:s4] =	dma.local [hbm:s3], $0xF7A  }
0x26: {  	[smem:$0x3F8B] =	sst s1;
	(tag) =	ssettag s2;
	_ =	strace s9  }
0x27: {  	s1 =	sld [smem:$0x3F9B]  }
0x28: {  	s2 =	sld [smem:$0x3F9C]  }
0x29: {  	s4 =	sld [smem:$0x3F9E]  }
0x2a: {  	p0 =	seq.s32 s5, $0x0;
	s5 =	sld [smem:$0x3F9F]  }
0x2b: {  	s6 =	sld [smem:$0x3FA0]  }
0x2c: {  	s7 =	sld [smem:$0x3FA1]  }
0x2d: {  	s3 =	simm.s32 $0x108;
	s8 =	sld [smem:$0x3FA2]  }
0x2e: {  	s3 =	simm.s32 @!p0 $0x1082;
	s9 =	sld [smem:$0x3FA3]  }
0x2f: {  	lr =	sadd.s32 s0, s3;
	s0 =	sld [smem:$0x3F9A]  }
0x30: {  	s3 =	sld [smem:$0x3F9D]  }
0x31: {  	[smem:$0x3FA6] =	sst s10  }
0x32: {  	s10 =	sld [smem:$0x3FA4];
	_ =	sdelay $0x3  }
0x33: {  	p0 =	seq.s32 s10, $0x1;
	s10 =	sld [smem:$0x3FA6];
	_ =	sdelay $0x3  }
0x34: {  	[smem:$0x3FA6] =	sst s10  }
0x35: {  	s10 =	sld [smem:$0x3FA5];
	_ =	sdelay $0x3  }
0x36: {  	p1 =	seq.s32 s10, $0x1;
	s10 =	sld [smem:$0x3FA6];
	_ =	sdelay $0x3  }
0x37: {  	[smem:$0x3FA6] =	sst s10  }
0x38: {  	s10 =	sld [smem:$0x3FA7]  }
0x39: {  	_ = 	snop;
	(pc) =	sbr.ind lr, $3  }
0x3a: {  	_ = 	snop  }
0x3b: {  	_ = 	snop  }
0x3c: {  	p2 =	seq.s32 s10, $0x1;
	s10 =	sld [smem:$0x3FA6]  }
0x3d: {  	_ =	shalt  }
0x3e: {  	_ =	shalt  }
0x3f: {  	_ =	shalt  }
0x40: {  	_ =	shalt  }
0x41: {  	_ =	shalt  }
0x42: {  	_ =	shalt  }
0x43: {  	_ =	shalt  }
0x44: {  	_ =	shalt  }
0x45: {  	_ =	shalt  }
0x46: {  	_ =	shalt  }
0x47: {  	_ =	shalt  }
0x48: {  	_ =	shalt  }
0x49: {  	_ =	shalt  }
0x4a: {  	_ =	shalt  }
0x4b: {  	_ =	shalt  }
0x4c: {  	_ =	shalt  }
0x4d: {  	_ =	shalt  }
0x4e: {  	_ =	shalt  }
0x4f: {  	_ =	shalt  }
0x50: {  	_ =	shalt  }
0x51: {  	_ =	shalt  }
0x52: {  	_ =	shalt  }
0x53: {  	_ =	shalt  }
0x54: {  	_ =	shalt  }
0x55: {  	_ =	shalt  }
0x56: {  	_ =	shalt  }
0x57: {  	_ =	shalt  }
0x58: {  	_ =	shalt  }
0x59: {  	_ =	shalt  }
0x5a: {  	_ =	shalt  }
0x5b: {  	_ =	shalt  }
0x5c: {  	_ =	shalt  }
0x5d: {  	_ =	shalt  }
0x5e: {  	_ =	shalt  }
0x5f: {  	_ =	shalt  }
0x60: {  	_ =	shalt  }
0x61: {  	_ =	shalt  }
0x62: {  	_ =	shalt  }
0x63: {  	_ =	shalt  }
0x64: {  	_ =	shalt  }
0x65: {  	_ =	shalt  }
0x66: {  	_ =	shalt  }
0x67: {  	_ =	shalt  }
0x68: {  	_ =	shalt  }
0x69: {  	_ =	shalt  }
0x6a: {  	_ =	shalt  }
0x6b: {  	_ =	shalt  }
0x6c: {  	_ =	shalt  }
0x6d: {  	_ =	shalt  }
0x6e: {  	_ =	shalt  }
0x6f: {  	_ =	shalt  }
0x70: {  	_ =	shalt  }
0x71: {  	_ =	shalt  }
0x72: {  	_ =	shalt  }
0x73: {  	_ =	shalt  }
0x74: {  	_ =	shalt  }
0x75: {  	_ =	shalt  }
0x76: {  	_ =	shalt  }
0x77: {  	_ =	shalt  }
0x78: {  	_ =	shalt  }
0x79: {  	_ =	shalt  }
0x7a: {  	_ =	shalt  }
0x7b: {  	_ =	shalt  }
0x7c: {  	_ =	shalt  }
0x7d: {  	_ =	shalt  }
0x7e: {  	_ =	shalt  }
0x7f: {  	_ =	shalt  }
0x80: {  	_ =	shalt  }
0x81: {  	_ =	shalt  }
0x82: {  	_ =	shalt  }
0x83: {  	_ =	shalt  }
0x84: {  	_ =	shalt  }
0x85: {  	_ =	shalt  }
0x86: {  	_ =	shalt  }
0x87: {  	_ =	shalt  }
.Lfunc_end0:
.L_simem_size_0:
called_computation.5_lowered:
.L_overlay_start_0:
0x88: {  	s2 =	sld [smem:$0x3FD9]  }
0x89: {  	s3 =	sld [smem:$0x3FFE];
	_ =	sdelay $0x1  }
0x8a: {  	s1 =	srdreg.scid  }
0x8b: {  	s0 =	sand.u32 $0x1, s1  }
0x8c: {  	s17 =	sshll.u32 s0, $0xA;
	s2 =	sadd.s32 s3, s2  }
0x8d: {  	s2 =	sadd.s32 s2, s17  }
0x8e: {  	[smem:$0x3FB2] =	sst s2  }
0x8f: {  	_ = 	snop  }
0x90: {  	s2 =	sld [smem:$0x3FC5];
	(tm) =	ssettm $0x1  }
0x91: {  	s18 =	sld [smem:$0x3FFB];
	_ =	sdelay $0x3  }
0x92: {  	_ =	strace s18  }
0x93: {  	s3 =	sld [smem:$0x3FFC];
	_ =	sdelay $0x3  }
0x94: {  	_ =	strace s3  }
0x95: {  	s3 =	sld [smem:$0x3FFD];
	_ =	sdelay $0x3  }
0x96: {  	_ =	strace s3  }
0x97: {  	_ =	strace $0x8FFFFFFF  }
0x98: {  	s19 =	sld [smem:$0x3FDB];
	_ =	sdelay $0x1  }
0x99: {  	s4 =	simm.s32 $_scs_section_size  }
0x9a: {  	s5 =	simm.s32 $_size__tile_overlayer_lowered;
	s6 =	simm.s32 $_tile_overlayer_lowered  }
0x9b: {  	s22 =	simm.s32 $0x1BFF;
	s21 =	sshll.u32 s6, $0x1;
	s3 =	sadd.s32 s4, s19  }
0x9c: {  	s7 =	simm.s32 $0x0;
	s20 =	sshll.u32 s5, $0x1;
	s5 =	sadd.s32 s21, s3  }
0x9d: {  	[timem:s7], [sflag:s22] =	dma.local [hbm:s5], s20  }
0x9e: {  	_ =	swait.ge [sflag:s22], s20  }
0x9f: {  	s4 =	ssub.s32 $0x0, s20;
	[sflag:s22] =	ssyncset.done $0x0  }
0xa0: {  	[sflag:s22] =	ssyncadd.s32 s4;
	_ =	sdelay $0x1  }
0xa1: {  	s23 =	simm.s32 $0x1B8B  }
0xa2: {  	_ =	swait.ge [sflag:s23], $0x1  }
0xa3: {  	[sflag:s23] =	ssyncset.done $0x0  }
0xa4: {  	s25 =	simm.s32 $0x1B8E;
	s24 =	sld [smem:$0x3FFE];
	[sflag:s23] =	ssyncadd.s32 $0xFFFFFFFF  }
0xa5: {  	s26 =	simm.s32 $execute0_lowered;
	[smem:$0x3FD2] =	sst s25  }
0xa6: {  	s5 =	sshll.u32 s26, $0x1;
	_ =	strace $0x80000055;
	[dreg:$0x1] =	wrdreg $0xFFFFFFFF  }
0xa7: {  	s28 =	simm.s32 $_size_execute0_lowered;
	s3 =	sadd.s32 s3, s5;
	[dreg:$0x0] =	wrdreg $0x0  }
0xa8: {  	s5 =	sshll.u32 s28, $0x1;
	[dreg:$0x2] =	wrdreg s3  }
0xa9: {  	[dreg:$0x3] =	wrdreg s5  }
0xaa: {  	[dreg:$0x4] =	wrdreg $0xC0  }
0xab: {  	_ =	task [dreg:s7], $0x5FFFF  }
0xac: {  	[dreg:$0x1] =	wrdreg $0xFFFFFFFF  }
0xad: {  	[dreg:$0x0] =	wrdreg $0x60  }
0xae: {  	[dreg:$0x2] =	wrdreg s24  }
0xaf: {  	[dreg:$0x3] =	wrdreg s2  }
0xb0: {  	[dreg:$0x4] =	wrdreg $0x28800  }
0xb1: {  	[dreg:$0x5] =	wrdreg $0x9  }
0xb2: {  	_ =	task.clear_ibuf [dreg:s7], $0x6FFFF;
	_ =	strace $0x90000055  }
0xb3: {  	s29 =	simm.s32 $0x9;
	_ =	strace $0x80000057  }
0xb4: {  	_ =	swait.ge [sflag:s29], $0x1  }
0xb5: {  	[sflag:s29] =	ssyncadd.s32 $0xFFFFFFFF  }
0xb6: {  	_ =	strace $0x90000057  }
0xb7: {  	_ =	sfence  }
0xb8: {  	s30 =	sld [smem:$0x0];
	_ =	sdelay $0x2  }
0xb9: {  	s31 =	sshll.u32 s1, $0xD;
	s1 =	sshrl.u32 s1, $0x2  }
0xba: {  	s3 =	sand.u32 $0x4000, s31;
	s1 =	sadd.s32 s1, s30  }
0xbb: {  	s0 =	sor.u32 s3, s0;
	s1 =	sshll.u32 s1, $0x11  }
0xbc: {  	s0 =	sor.u32 s1, s0  }
0xbd: {  	s0 =	sadd.s32 $0x8F2B, s0  }
0xbe: {  	[sflag:s0] =	ssyncadd.remote.s32 $0x1  }
0xbf: {  	_ =	sfence.sel $0xFFFF  }
0xc0: {  	[dreg:$0x0] =	wrdreg $0xFFFFFFFF;
	(pc) =	sbr.abs _section_cstart, $3  }
0xc1: {  	[dreg:$0x1] =	wrdreg $0xFFFFFFFF  }
0xc2: {  	_ =	task.clear_ibuf [dreg:s7], $0x2FFFF;
	_ =	strace $0x9FFFFFFF  }
0xc3: {  	(tm) =	ssettm $0x7FFFFFFF  }
tec
execute0_lowered:
.L_overlay_start_1:
0x0: {  	(tag) =	ssettag $0x1  }
0x1: {  	s6 =	rddreg [dreg:$0x0]  }
0x2: {  	s1 =	rddreg [dreg:$0x1]  }
0x3: {  	s2 =	rddreg [dreg:$0x2]  }
0x4: {  	s0 =	rddreg [dreg:$0x3];
	s3 =	simm.s32 $0x0  }
0x5: {  	s4 =	srdreg.scid;
	s10 =	stileid.u32;
	s15 =	simm.s32 $0x0  }
0x6: {  	s8 =	sand.u32 $0x1, s4;
	s4 =	sadd.s32 $0xA5C400, s6;
	s11 =	smul.u32 $0xA0, s10  }
0x7: {  	[smem:$0x7FF] =	sst s3;
	s5 =	sadd.s32 $0xA52600, s6;
	s13 =	smul.u32 $0x5000, s10  }
0x8: {  	s31 =	sshll.u32 s10, $0x1;
	p0 =	sne.s32 s10, $0x0;
	s7 =	smul.u32 $0x9C80, s8  }
0x9: {  	_ =	strace $0x80000056;
	s9 =	ssub.s32 $0x2, s8;
	s14 =	smul.u32 $0x2800, s8  }
0xa: {  	s12 =	smul.u32 $0x50, s8;
	s30 =	sshrl.u32 s9, $0x1;
	s6 =	sadd.s32 s7, s6  }
0xb: {  	s7 =	ssub.s32 s9, s30;
	s9 =	sor.u32 s31, s8;
	s10 =	sadd.s32 s14, s13  }
0xc: {  	s13 =	simm.s32 $0x80;
	s14 =	simm.s32 $0x50;
	s9 =	ssub.s32 $0x9C, s9  }
0xd: {  	s6 =	sadd.s32 $0x13200, s6;
	s7 =	smax.u32 s7, $0x1;
	s8 =	sshrl.u32 s9, $0x5  }
0xe: {  	s9 =	sadd.s32 s12, s11;
	s11 =	sshrl.u32 @!p0 s2, $0x3;
	s12 =	simm.s32 $0x1  }
.LBB2_1:
0xf: {  	s17 =	simm.s32 @!p0 $0x1C01;
	s16 =	simm.s32 @!p0 $0x1;
	p2 =	sne.s32 s8, $0x1  }
0x10: {  	[spmem:s11], [sflag:s17] =	dma.local @!p0 [hbm:s5], $0x9C40  }
.Ltmp0:
0x11: {  	_ =	swait.ge @!p0 [sflag:s16], $0x9C40;
	(pc) =	sbr.rel @!p2 .LBB2_2-.Ltmp0, $4  }
0x12: {  	[sflag:s16] =	ssyncset.done @!p0 $0x0  }
0x13: {  	[sflag:s16] =	ssyncadd.s32 @!p0 $0xFFFF63C0  }
0x14: {  	[bflag:$0x0] =	sbarrier.arrive $0xFFFF  }
0x15: {  	s18 =	sadd.s32 $0xFFFFFFFF, s8;
	s21 =	sshrl.u32 s9, $0x3;
	p1 =	por $0x0, $0x0  }
0x16: {  	s19 =	sadd.s32 s1, s21  }
0x17: {  	[tilespmem:s3], [sflag:$0x1] =	stream.linear.gather [hbm4b:s19+s3], $0x50, $0x38;
	[tilespmem:$0x76A0] =	vst v63  }
0x18: {  	_ =	swait.ge [sflag:s12], $0x50  }
0x19: {  	s31 =	sshrl.u32 s10, $0x3;
	[sflag:s12] =	ssyncset.done $0x0  }
0x1a: {  	s19 =	sadd.s32 s4, s31;
	[sflag:s12] =	ssyncadd.s32 $0xFFFFFFB0  }
0x1b: {  	[tilespmem:s13], [sflag:$0x1] =	stream.linear.gather [hbm4b:s19+s3], $0x2800, $0x38;
	[tilespmem:$0x76A0] =	vst v63  }
0x1c: {  	p2 =	sne.s32 s18, $0x1;
	_ =	swait.ge [sflag:s12], $0x2800  }
.Ltmp1:
0x1d: {  	[sflag:s12] =	ssyncset.done $0x0;
	(pc) =	sbr.rel @!p2 .LBB2_4-.Ltmp1, $4  }
0x1e: {  	s20 =	sadd.s32 $0xA00, s9;
	[sflag:s12] =	ssyncadd.s32 $0xFFFFD800  }
0x1f: {  	[spmem:s2] =	stream.indirect.scatter.add.f32 [tilespmem:s13], [sflag:$0x1], $0x80, s3, s14, $0xb8;
	[tilespmem:$0x76A0] =	vst v63  }
0x20: {  	p1 =	por $0x1, $0x1;
	s21 =	sshrl.u32 s20, $0x3;
	_ =	swait.ge [sflag:s12], $0x2800  }
0x21: {  	s19 =	sadd.s32 $0xFFFFFFFF, s18;
	s18 =	smov.u32 s10;
	[sflag:s12] =	ssyncset.done $0x0  }
.LBB2_5:
0x22: {  	s21 =	sadd.s32 s1, s21;
	[sflag:s12] =	ssyncadd.s32 $0xFFFFD800;
	s18 =	sadd.s32 $0x50000, s18  }
0x23: {  	[tilespmem:s3], [sflag:$0x1] =	stream.linear.gather [hbm4b:s21+s3], $0x50, $0x38;
	[tilespmem:$0x76A0] =	vst v63  }
0x24: {  	p2 =	sne.s32 s19, $0x1;
	s19 =	sadd.s32 $0xFFFFFFFF, s19;
	_ =	swait.ge [sflag:s12], $0x50  }
0x25: {  	s21 =	sshrl.u32 s18, $0x3;
	[sflag:s12] =	ssyncset.done $0x0  }
0x26: {  	s21 =	sadd.s32 s4, s21;
	[sflag:s12] =	ssyncadd.s32 $0xFFFFFFB0  }
0x27: {  	[tilespmem:s13], [sflag:$0x1] =	stream.linear.gather [hbm4b:s21+s3], $0x2800, $0x38;
	[tilespmem:$0x76A0] =	vst v63  }
0x28: {  	_ =	swait.ge [sflag:s12], $0x2800  }
.Ltmp2:
0x29: {  	[sflag:s12] =	ssyncset.done $0x0;
	(pc) =	sbr.rel @p2 .LBB2_5-.Ltmp2, $4  }
0x2a: {  	[sflag:s12] =	ssyncadd.s32 $0xFFFFD800  }
0x2b: {  	[spmem:s2] =	stream.indirect.scatter.add.f32 [tilespmem:s13], [sflag:$0x1], $0x80, s3, s14, $0xb8;
	[tilespmem:$0x76A0] =	vst v63  }
0x2c: {  	s20 =	sadd.s32 $0xA00, s20;
	_ =	swait.ge [sflag:s12], $0x2800  }
0x2d: {  	s21 =	sshrl.u32 s20, $0x3;
	[sflag:s12] =	ssyncset.done $0x0  }
.LBB2_6:
0x2e: {  	s19 =	sadd.s32 s1, s21;
	[sflag:s12] =	ssyncadd.s32 @p1 $0xFFFFD800  }
0x2f: {  	[tilespmem:s3], [sflag:$0x1] =	stream.linear.gather [hbm4b:s19+s3], $0x50, $0x38;
	[tilespmem:$0x76A0] =	vst v63  }
0x30: {  	s18 =	sadd.s32 @p1 $0x50000, s18;
	s19 =	smov.u32 s10  }
0x31: {  	_ =	swait.ge [sflag:s12], $0x50;
	s19 =	smov.u32 @p1 s18  }
0x32: {  	[sflag:s12] =	ssyncset.done $0x0;
	s18 =	sshrl.u32 s19, $0x3  }
0x33: {  	[sflag:s12] =	ssyncadd.s32 $0xFFFFFFB0;
	s18 =	sadd.s32 s4, s18  }
0x34: {  	[tilespmem:s13], [sflag:$0x1] =	stream.linear.gather [hbm4b:s18+s3], $0x2800, $0x38;
	[tilespmem:$0x76A0] =	vst v63  }
0x35: {  	_ =	swait.ge [sflag:s12], $0x2800  }
0x36: {  	[sflag:s12] =	ssyncset.done $0x0  }
0x37: {  	[sflag:s12] =	ssyncadd.s32 $0xFFFFD800  }
0x38: {  	[spmem:s2] =	stream.indirect.scatter.add.f32 [tilespmem:s13], [sflag:$0x1], $0x80, s3, s14, $0xb8;
	[tilespmem:$0x76A0] =	vst v63  }
0x39: {  	_ =	swait.ge [sflag:s12], $0x2800  }
0x3a: {  	[sflag:s12] =	ssyncset.done $0x0  }
0x3b: {  	s15 =	sadd.s32 $0x1, s15;
	[sflag:s12] =	ssyncadd.s32 $0xFFFFD800  }
0x3c: {  	p1 =	sne.s32 s15, s7;
	[bflag:$0x0] =	sbarrier.arrive $0xFFFF  }
0x3d: {  	[hbm:s6], [sflag:s17] =	dma.local @!p0 [spmem:s11], $0x9C40  }
.Ltmp3:
0x3e: {  	_ = 	snop;
	(pc) =	sbr.rel @p1 .LBB2_1-.Ltmp3, $4  }
.Ltmp4:
0x3f: {  	_ = 	snop;
	(pc) =	sbr.rel @!p1 .LBB2_7-.Ltmp4, $4  }
0x40: {  	_ =	swait.ge @!p0 [sflag:s16], $0x9C40  }
0x41: {  	[sflag:s16] =	ssyncset.done @!p0 $0x0  }
0x42: {  	[sflag:s16] =	ssyncadd.s32 @!p0 $0xFFFF63C0  }
0x43: {  	_ = 	snop  }
.LBB2_2:
.Ltmp5:
0x44: {  	(pc) =	sbr.rel .LBB2_6-.Ltmp5, $2  }
0x45: {  	_ =	sdelay $0x2  }
0x46: {  	s18 =	smov.u32 s10  }
.LBB2_4:
.Ltmp6:
0x47: {  	(pc) =	sbr.rel .LBB2_6-.Ltmp6, $2  }
0x48: {  	_ =	sdelay $0x2  }
0x49: {  	s18 =	smov.u32 s10  }
.LBB2_7:
0x4a: {  	_ =	sfence.sel $0x180000  }
0x4b: {  	[bflag:$0x0] =	sbarrier.arrive $0xFFFF  }
0x4c: {  	_ =	strace $0x90000056  }
0x4d: {  	s0 =	sadd.s32 @!p0 $0x100000, s0;
	[bflag:$0x2] =	sbarrier.arrive $0xFFFF  }
0x4e: {  	[sflag:s0] =	ssyncadd.tile.s32 @!p0 $0x1;
	_ =	shalt  }
.Lfunc_end2:
_tile_overlayer_lowered:
.L_overlay_start_2:
0x4f: {  	(tag) =	ssettag $0x2  }
0x50: {  	s0 =	rddreg [dreg:$0x0];
	s2 =	stileid.u32  }
0x51: {  	s1 =	rddreg [dreg:$0x1];
	p0 =	sne.s32 s2, $0x0  }
0x52: {  	s3 =	rddreg [dreg:$0x2];
	[bflag:$0x3] =	sbarrier.arrive $0xFFFF;
	s2 =	simm.s32 @!p0 $0x1C01  }
0x53: {  	[timem:s3], [sflag:s2] =	dma.local @!p0 [hbm:s0], s1  }
0x54: {  	s0 =	simm.s32 @!p0 $0x1  }
0x55: {  	_ =	swait.ge @!p0 [sflag:s0], s1  }
0x56: {  	s1 =	ssub.s32 @!p0 $0x0, s1;
	[sflag:s0] =	ssyncset.done @!p0 $0x0  }
0x57: {  	[sflag:s0] =	ssyncadd.s32 @!p0 s1  }
0x58: {  	[bflag:$0x3] =	sbarrier.arrive $0xFFFF  }
0x59: {  	_ =	shalt  }

</sc_bundles>
